<compile_context>
chip_gen: v7x
topology: tpu7x:2x2x1
jax: 0.10.2.dev20260603
libtpu: 0.0.44.dev20260713+nightly
codegen_flags: <defaults>
</compile_context>

<pallas_src>
import functools

import jax
import jax.numpy as jnp
from jax import lax
from jax.experimental import pallas as pl
from jax.experimental.pallas import tpu as pltpu
from jax.experimental.pallas import tpu_sc as plsc

NC, NS = 2, 16
NW = NC * NS
BATCH = 128
CR = 16
CHUNK = CR * BATCH
CRA = 8
CHUNKA = CRA * BATCH

_SC_PARAMS = pltpu.CompilerParams(use_tc_tiling_on_sc=False)
_GD = lax.GatherDimensionNumbers(
    offset_dims=(), collapsed_slice_dims=(0,), start_index_map=(0,))


def _splat(v, i):
    idx = lax.iota(jnp.int32, 16) * 0 + i
    return lax.gather(v, idx[:, None], _GD, (1,),
                      mode=lax.GatherScatterMode.PROMISE_IN_BOUNDS)


def _sc_deg(col2, ew2, zeros_d, n_pad, rows_per_worker):
    nchunks = rows_per_worker // CR
    rpt = n_pad // NS
    mesh = plsc.VectorSubcoreMesh(core_axis_name="c", subcore_axis_name="s")

    @functools.partial(
        pl.kernel,
        out_type=[jax.ShapeDtypeStruct((n_pad,), jnp.float32)] * 2,
        mesh=mesh,
        scratch_types=[
            pltpu.VMEM((CR, BATCH), jnp.int32),
            pltpu.VMEM((CR, BATCH), jnp.float32),
            pltpu.VMEM_SHARED((n_pad,), jnp.float32),
            pltpu.SemaphoreType.DMA,
            pltpu.SemaphoreType.DMA,
        ],
        compiler_params=_SC_PARAMS,
    )
    def deg_kernel(col_h, ew_h, zd_h, out0, out1, colv, eww, acc,
                   ldsem, scsem):
        c = lax.axis_index("c")
        s = lax.axis_index("s")
        wid = c * NS + s
        base = wid * rows_per_worker

        pltpu.sync_copy(zd_h, acc.at[pl.ds(s * rpt, rpt)])
        plsc.subcore_barrier()

        def chunk_body(ch, _):
            r0 = base + ch * CR
            lds = []
            for j in range(CR):
                lds.append(pltpu.async_copy(
                    col_h.at[pl.ds((r0 + j) * BATCH, BATCH)], colv.at[j], ldsem))
                lds.append(pltpu.async_copy(
                    ew_h.at[pl.ds((r0 + j) * BATCH, BATCH)], eww.at[j], ldsem))
            for d in lds:
                d.wait()
            descs = []
            for j in range(CR):
                descs.append(pltpu.async_copy(
                    eww.at[j], acc.at[colv.at[j]], scsem, add=True))
            for d in descs:
                d.wait()
            return _

        lax.fori_loop(0, nchunks, chunk_body, None)
        plsc.subcore_barrier()

        @pl.when(c == 0)
        def _():
            pltpu.sync_copy(acc.at[pl.ds(s * rpt, rpt)],
                            out0.at[pl.ds(s * rpt, rpt)])

        @pl.when(c == 1)
        def _():
            pltpu.sync_copy(acc.at[pl.ds(s * rpt, rpt)],
                            out1.at[pl.ds(s * rpt, rpt)])

    return deg_kernel(col2, ew2, zeros_d)


def _sc_agg(row2, col2, ew2, xt, zeros_a, n_pad, rows_per_worker):
    nchunks = rows_per_worker // CRA
    rpt = n_pad // NS
    mesh = plsc.VectorSubcoreMesh(core_axis_name="c", subcore_axis_name="s")

    @functools.partial(
        pl.kernel,
        out_type=[jax.ShapeDtypeStruct((n_pad, 16), jnp.float32)] * 2,
        mesh=mesh,
        scratch_types=[
            pltpu.VMEM((CRA, BATCH), jnp.int32),
            pltpu.VMEM((CRA, BATCH), jnp.int32),
            pltpu.VMEM((CRA, BATCH), jnp.float32),
            pltpu.VMEM((CHUNKA, 16), jnp.float32),
            pltpu.VMEM_SHARED((n_pad, 16), jnp.float32),
            pltpu.SemaphoreType.DMA,
            pltpu.SemaphoreType.DMA,
            pltpu.SemaphoreType.DMA,
        ],
        compiler_params=_SC_PARAMS,
    )
    def agg_kernel(row_h, col_h, ew_h, xt_h, za_h, out0, out1,
                   rowv, colv, eww, rows, acc, ldsem, gsem, scsem):
        c = lax.axis_index("c")
        s = lax.axis_index("s")
        wid = c * NS + s
        base = wid * rows_per_worker

        pltpu.sync_copy(za_h, acc.at[pl.ds(s * rpt, rpt)])
        plsc.subcore_barrier()

        def chunk_body(ch, _):
            r0 = base + ch * CRA
            lds = []
            for j in range(CRA):
                lds.append(pltpu.async_copy(
                    row_h.at[pl.ds((r0 + j) * BATCH, BATCH)], rowv.at[j], ldsem))
                lds.append(pltpu.async_copy(
                    col_h.at[pl.ds((r0 + j) * BATCH, BATCH)], colv.at[j], ldsem))
                lds.append(pltpu.async_copy(
                    ew_h.at[pl.ds((r0 + j) * BATCH, BATCH)], eww.at[j], ldsem))
            for d in lds:
                d.wait()

            gds = []
            for j in range(CRA):
                gds.append(pltpu.async_copy(
                    xt_h.at[rowv.at[j]],
                    rows.at[pl.ds(j * BATCH, BATCH)], gsem))
            for d in gds:
                d.wait()

            @plsc.parallel_loop(0, CHUNKA // 16)
            def scale(g):
                r = g // 8
                o = (g % 8) * 16
                ew16 = eww[r, pl.ds(o, 16)]
                e0 = g * 16
                for i in range(16):
                    e = e0 + i
                    sc = _splat(ew16, i)
                    rows[e, pl.ds(0, 16)] = rows[e, pl.ds(0, 16)] * sc

            sds = []
            for j in range(CRA):
                sds.append(pltpu.async_copy(
                    rows.at[pl.ds(j * BATCH, BATCH)],
                    acc.at[colv.at[j]], scsem, add=True))
            for d in sds:
                d.wait()
            return _

        lax.fori_loop(0, nchunks, chunk_body, None)
        plsc.subcore_barrier()

        @pl.when(c == 0)
        def _():
            pltpu.sync_copy(acc.at[pl.ds(s * rpt, rpt)],
                            out0.at[pl.ds(s * rpt, rpt)])

        @pl.when(c == 1)
        def _():
            pltpu.sync_copy(acc.at[pl.ds(s * rpt, rpt)],
                            out1.at[pl.ds(s * rpt, rpt)])

    return agg_kernel(row2, col2, ew2, xt, zeros_a)


def _tc_xs(x, d0, d1, bn):
    n, lg = x.shape

    def body(x_r, d0_r, d1_r, xt_r):
        deg = d0_r[...] + d1_r[...] + 1.0
        dinv = jnp.transpose(lax.rsqrt(deg))
        xs = x_r[...] * dinv
        xt_r[...] = jnp.concatenate([xs, xs], axis=1)

    return pl.pallas_call(
        body,
        grid=(n // bn,),
        in_specs=[
            pl.BlockSpec((bn, lg), lambda i: (i, 0)),
            pl.BlockSpec((1, bn), lambda i: (0, i)),
            pl.BlockSpec((1, bn), lambda i: (0, i)),
        ],
        out_specs=pl.BlockSpec((bn, 2 * lg), lambda i: (i, 0)),
        out_shape=jax.ShapeDtypeStruct((n, 2 * lg), jnp.float32),
    )(x, d0, d1)


def _tc_gates(x, h, d0, d1, a0, a1, Az, Ar, Ah, Bz, Br, Bh, cz, cr, ch,
              linW, linb, bn):
    n, lg = x.shape
    f = h.shape[1]

    def body(x_r, h_r, d0_r, d1_r, a0_r, a1_r, az_r, ar_r, ah_r,
             bz_r, br_r, bh_r, cz_r, cr_r, ch_r, lw_r, lb_r, y_r, hn_r):
        deg = d0_r[...] + d1_r[...] + 1.0
        dinv = jnp.transpose(lax.rsqrt(deg))
        xb = x_r[...]
        asum = a0_r[...][:, :lg] + a1_r[...][:, :lg]
        agg = dinv * asum + (dinv * dinv) * xb
        hb = h_r[...]
        dot = functools.partial(jnp.dot, preferred_element_type=jnp.float32)
        z = jax.nn.sigmoid(dot(agg, az_r[...]) + dot(hb, bz_r[...]) + cz_r[...])
        r = jax.nn.sigmoid(dot(agg, ar_r[...]) + dot(hb, br_r[...]) + cr_r[...])
        ht = jnp.tanh(dot(agg, ah_r[...]) + dot(hb * r, bh_r[...]) + ch_r[...])
        hn = z * hb + (1.0 - z) * ht
        hn_r[...] = hn
        y_r[...] = dot(jax.nn.relu(hn), lw_r[...]) + lb_r[...]

    full = lambda i: (0, 0)
    blk = lambda i: (i, 0)
    return pl.pallas_call(
        body,
        grid=(n // bn,),
        in_specs=[
            pl.BlockSpec((bn, lg), blk),
            pl.BlockSpec((bn, f), blk),
            pl.BlockSpec((1, bn), lambda i: (0, i)),
            pl.BlockSpec((1, bn), lambda i: (0, i)),
            pl.BlockSpec((bn, 2 * lg), blk),
            pl.BlockSpec((bn, 2 * lg), blk),
            pl.BlockSpec((lg, f), full),
            pl.BlockSpec((lg, f), full),
            pl.BlockSpec((lg, f), full),
            pl.BlockSpec((f, f), full),
            pl.BlockSpec((f, f), full),
            pl.BlockSpec((f, f), full),
            pl.BlockSpec((1, f), full),
            pl.BlockSpec((1, f), full),
            pl.BlockSpec((1, f), full),
            pl.BlockSpec((f, 1), full),
            pl.BlockSpec((1, 1), full),
        ],
        out_specs=[
            pl.BlockSpec((bn, 1), blk),
            pl.BlockSpec((bn, f), blk),
        ],
        out_shape=[
            jax.ShapeDtypeStruct((n, 1), jnp.float32),
            jax.ShapeDtypeStruct((n, f), jnp.float32),
        ],
    )(x, h, d0, d1, a0, a1, Az, Ar, Ah, Bz, Br, Bh, cz, cr, ch, linW, linb)


def kernel(x, edge_index, edge_weight, prev_hidden_state,
           Wz, bz, Wr, br, Wh, bh,
           Lz_W, Lz_b, Lr_W, Lr_b, Lh_W, Lh_b,
           lin_W, lin_b):
    n, lg = x.shape
    f = Wz.shape[1]
    e = edge_weight.shape[0]

    per_round = NW * CHUNK
    nchunks = -(-e // per_round)
    e_pad = nchunks * per_round
    npad = e_pad - e
    row = edge_index[0]
    col = edge_index[1]
    if npad:
        padi = (jnp.arange(npad, dtype=jnp.int32) * 9973) % n
        row = jnp.concatenate([row, padi])
        col = jnp.concatenate([col, padi])
        ew = jnp.concatenate([edge_weight, jnp.zeros((npad,), jnp.float32)])
    else:
        ew = edge_weight
    er = e_pad // BATCH
    rows_per_worker = er // NW

    n_pad = -(-n // 128) * 128
    rpt = n_pad // NS
    zeros_d = jnp.zeros((rpt,), jnp.float32)
    zeros_a = jnp.zeros((rpt, 16), jnp.float32)

    d0, d1 = _sc_deg(col, ew, zeros_d, n_pad, rows_per_worker)
    d0c = d0.reshape(1, n_pad)
    d1c = d1.reshape(1, n_pad)
    x_pad = jnp.pad(x, ((0, n_pad - n), (0, 0)))
    h_pad = jnp.pad(prev_hidden_state, ((0, n_pad - n), (0, 0)))
    xt = _tc_xs(x_pad, d0c, d1c, bn=2176)
    a0, a1 = _sc_agg(row, col, ew, xt, zeros_a, n_pad, rows_per_worker)

    Az = Wz @ Lz_W[:f]
    Ar = Wr @ Lr_W[:f]
    Ah = Wh @ Lh_W[:f]
    Bz, Br, Bh = Lz_W[f:], Lr_W[f:], Lh_W[f:]
    cz = (bz @ Lz_W[:f] + Lz_b).reshape(1, f)
    cr = (br @ Lr_W[:f] + Lr_b).reshape(1, f)
    ch = (bh @ Lh_W[:f] + Lh_b).reshape(1, f)
    lb = lin_b.reshape(1, 1)

    y, hn = _tc_gates(x_pad, h_pad, d0c, d1c, a0, a1,
                      Az, Ar, Ah, Bz, Br, Bh, cz, cr, ch, lin_W, lb, bn=2176)
    return (y[:n], hn[:n])

# --- scband reference (transcript-rebuilt; emitter-appended) ---
"""Pipeline reference for scband-tgcn-recurrent-gcn-16192026706539 (READ-ONLY COPY).

The authoritative reference and input builder live on the scoring server;
editing this copy changes nothing except your own understanding.
"""

import jax, jax.numpy as jnp
import numpy as np

N = 100000
E = 1600000
LAGS = 8
FILTERS = 32


def _glorot(key, shape):
    fan_in = shape[0]
    return jax.random.normal(key, shape, dtype=jnp.float32) * (1.0 / np.sqrt(fan_in))


def setup_inputs(seed: int = 0) -> dict:
    key = jax.random.key(seed)
    ks = jax.random.split(key, 24)
    inp = {}
    inp["x"] = jax.random.normal(ks[0], (N, LAGS), dtype=jnp.float32)
    inp["edge_index"] = jax.random.randint(ks[1], (2, E), 0, N, dtype=jnp.int32)
    inp["edge_weight"] = jax.random.uniform(ks[2], (E,), dtype=jnp.float32)
    inp["prev_hidden_state"] = jnp.zeros((N, FILTERS), dtype=jnp.float32)
    # GCNConv weights for z, r, h gates: W [LAGS, FILTERS], bias [FILTERS]
    inp["Wz"] = _glorot(ks[3], (LAGS, FILTERS)); inp["bz"] = jnp.zeros((FILTERS,), jnp.float32)
    inp["Wr"] = _glorot(ks[4], (LAGS, FILTERS)); inp["br"] = jnp.zeros((FILTERS,), jnp.float32)
    inp["Wh"] = _glorot(ks[5], (LAGS, FILTERS)); inp["bh"] = jnp.zeros((FILTERS,), jnp.float32)
    # gate linears: in=2*FILTERS, out=FILTERS (stored as [in, out])
    inp["Lz_W"] = _glorot(ks[6], (2 * FILTERS, FILTERS)); inp["Lz_b"] = jnp.zeros((FILTERS,), jnp.float32)
    inp["Lr_W"] = _glorot(ks[7], (2 * FILTERS, FILTERS)); inp["Lr_b"] = jnp.zeros((FILTERS,), jnp.float32)
    inp["Lh_W"] = _glorot(ks[8], (2 * FILTERS, FILTERS)); inp["Lh_b"] = jnp.zeros((FILTERS,), jnp.float32)
    # final readout linear FILTERS -> 1
    inp["lin_W"] = _glorot(ks[9], (FILTERS, 1)); inp["lin_b"] = jnp.zeros((1,), jnp.float32)
    return inp


def _gcn_conv(x, row, col, ew, W, b):
    # PyG GCNConv with add_self_loops=True, improved=False
    num_nodes = x.shape[0]
    loop = jnp.arange(num_nodes, dtype=row.dtype)
    row2 = jnp.concatenate([row, loop])
    col2 = jnp.concatenate([col, loop])
    ew2 = jnp.concatenate([ew, jnp.ones((num_nodes,), dtype=ew.dtype)])
    deg = jnp.zeros((num_nodes,), dtype=ew.dtype).at[col2].add(ew2)
    dinv = jnp.where(deg > 0, jax.lax.rsqrt(jnp.maximum(deg, 1e-30)), 0.0)
    norm = dinv[row2] * ew2 * dinv[col2]
    xw = x @ W
    msg = xw[row2] * norm[:, None]
    out = jnp.zeros((num_nodes, W.shape[1]), dtype=xw.dtype).at[col2].add(msg)
    return out + b


def reference(x, edge_index, edge_weight, prev_hidden_state,
              Wz, bz, Wr, br, Wh, bh,
              Lz_W, Lz_b, Lr_W, Lr_b, Lh_W, Lh_b,
              lin_W, lin_b):
    row = edge_index[0]
    col = edge_index[1]
    H = prev_hidden_state
    # update gate
    Z = jnp.concatenate([_gcn_conv(x, row, col, edge_weight, Wz, bz), H], axis=1)
    Z = jax.nn.sigmoid(Z @ Lz_W + Lz_b)
    # reset gate
    R = jnp.concatenate([_gcn_conv(x, row, col, edge_weight, Wr, br), H], axis=1)
    R = jax.nn.sigmoid(R @ Lr_W + Lr_b)
    # candidate state
    Ht = jnp.concatenate([_gcn_conv(x, row, col, edge_weight, Wh, bh), H * R], axis=1)
    Ht = jnp.tanh(Ht @ Lh_W + Lh_b)
    H_new = Z * H + (1.0 - Z) * Ht
    y = jax.nn.relu(H_new) @ lin_W + lin_b
    return (y, H_new)

if __name__ == "__main__":
    import jax
    _d = setup_inputs()
    print(jax.jit(kernel)(*tuple(_d.values())))

</pallas_src>

<mosaic_0001>
#map = affine_map<(d0, d1) -> (0)>
module attributes {stable_mosaic.version = 14 : i64} {
  func.func @deg_kernel(%arg0: i32, %arg1: i32, %arg2: memref<1638400xi32, #tpu.memory_space<hbm>>, %arg3: memref<1638400xf32, #tpu.memory_space<hbm>>, %arg4: memref<6256xf32, #tpu.memory_space<hbm>>, %arg5: memref<100096xf32, #tpu.memory_space<hbm>>, %arg6: memref<100096xf32, #tpu.memory_space<hbm>>, %arg7: memref<16x128xi32, #tpu.memory_space<vmem>>, %arg8: memref<16x128xf32, #tpu.memory_space<vmem>>, %arg9: memref<100096xf32, #tpu.memory_space<vmem_shared>>, %arg10: memref<!tpu.dma_semaphore, #tpu.memory_space<semaphore_mem>>, %arg11: memref<!tpu.dma_semaphore, #tpu.memory_space<semaphore_mem>>) attributes {dimension_semantics = [#tpu.dimension_semantics<core_parallel>, #tpu.dimension_semantics<subcore_parallel>], iteration_bounds = array<i64: 2, 16>, scalar_prefetch = 0 : i64, scratch_operands = 5 : i64, tpu.core_type = #tpu.core_type<sc_vector_subcore>, window_params = [{transform_indices = #map}, {transform_indices = #map}, {transform_indices = #map}, {transform_indices = #map}, {transform_indices = #map}]} {
    %mul3A = arith.constant 16 : i32
    %mul3A_0 = arith.muli %arg0, %mul3A : i32
    %add3A = arith.addi %mul3A_0, %arg1 : i32
    %mul3A_1 = arith.constant 400 : i32
    %mul3A_2 = arith.muli %add3A, %mul3A_1 : i32
    %mul3A_3 = arith.constant 6256 : i32
    %mul3A_4 = arith.muli %arg1, %mul3A_3 : i32
    "tpu.region"() ({
      %run_scoped3A = tpu.sem_alloc : memref<!tpu.dma_semaphore, #tpu.memory_space<semaphore_mem>>
      %dma_start3A = tpu.memref_slice %arg9[%mul3A_4] : memref<100096xf32, #tpu.memory_space<vmem_shared>> -> memref<6256xf32, #tpu.memory_space<vmem_shared>>
      tpu.enqueue_dma source(%arg4 : memref<6256xf32, #tpu.memory_space<hbm>>) target(%dma_start3A : memref<6256xf32, #tpu.memory_space<vmem_shared>>) target_semaphore(%run_scoped3A : memref<!tpu.dma_semaphore, #tpu.memory_space<semaphore_mem>>)
      %dma_wait3A = tpu.memref_slice %arg9[%mul3A_4] : memref<100096xf32, #tpu.memory_space<vmem_shared>> -> memref<6256xf32, #tpu.memory_space<vmem_shared>>
      tpu.wait_dma2 semaphore(%run_scoped3A : memref<!tpu.dma_semaphore, #tpu.memory_space<semaphore_mem>>) src(%arg4 : memref<6256xf32, #tpu.memory_space<hbm>>) dst(%dma_wait3A : memref<6256xf32, #tpu.memory_space<vmem_shared>>)
      tpu.yield
    }) : () -> ()
    %barrier3A = arith.constant 0 : index
    tpu.barrier barrier_id(%barrier3A)
    %scan3A = arith.constant 0 : i32
    %scan3A_5 = arith.constant 25 : i32
    %scan3A_6 = arith.addi %scan3A, %scan3A_5 : i32
    %scan3A_7 = arith.constant 1 : i32
    scf.for %scan3A_17 = %scan3A to %scan3A_6 step %scan3A_7  : i32 {
      %mul3A_18 = arith.constant 16 : i32
      %mul3A_19 = arith.muli %scan3A_17, %mul3A_18 : i32
      %add3A_20 = arith.addi %mul3A_2, %mul3A_19 : i32
      %add3A_21 = arith.constant 0 : i32
      %add3A_22 = arith.addi %add3A_20, %add3A_21 : i32
      %mul3A_23 = arith.constant 128 : i32
      %mul3A_24 = arith.muli %add3A_22, %mul3A_23 : i32
      %dma_start3A = arith.constant 0 : i32
      %dma_start3A_25 = arith.constant 0 : i32
      %dma_start3A_26 = tpu.memref_slice %arg7[%dma_start3A, %dma_start3A_25] : memref<16x128xi32, #tpu.memory_space<vmem>> -> memref<1x128xi32, #tpu.memory_space<vmem>>
      %dma_start3A_27 = tpu.memref_squeeze %dma_start3A_26 : memref<1x128xi32, #tpu.memory_space<vmem>> -> memref<128xi32, #tpu.memory_space<vmem>>
      %dma_start3A_28 = tpu.memref_slice %arg2[%mul3A_24] : memref<1638400xi32, #tpu.memory_space<hbm>> -> memref<128xi32, #tpu.memory_space<hbm>>
      %dma_start3A_29 = arith.constant 0 : i32
      %dma_start3A_30 = tpu.memref_slice %arg7[%dma_start3A, %dma_start3A_29] : memref<16x128xi32, #tpu.memory_space<vmem>> -> memref<1x128xi32, #tpu.memory_space<vmem>>
      %dma_start3A_31 = tpu.memref_squeeze %dma_start3A_30 : memref<1x128xi32, #tpu.memory_space<vmem>> -> memref<128xi32, #tpu.memory_space<vmem>>
      %dma_start3A_32 = tpu.memref_slice %arg2[%mul3A_24] : memref<1638400xi32, #tpu.memory_space<hbm>> -> memref<128xi32, #tpu.memory_space<hbm>>
      tpu.enqueue_dma source(%dma_start3A_32 : memref<128xi32, #tpu.memory_space<hbm>>) target(%dma_start3A_31 : memref<128xi32, #tpu.memory_space<vmem>>) target_semaphore(%arg10 : memref<!tpu.dma_semaphore, #tpu.memory_space<semaphore_mem>>)
      %add3A_33 = arith.constant 0 : i32
      %add3A_34 = arith.addi %add3A_20, %add3A_33 : i32
      %mul3A_35 = arith.constant 128 : i32
      %mul3A_36 = arith.muli %add3A_34, %mul3A_35 : i32
      %dma_start3A_37 = arith.constant 0 : i32
      %dma_start3A_38 = arith.constant 0 : i32
      %dma_start3A_39 = tpu.memref_slice %arg8[%dma_start3A_37, %dma_start3A_38] : memref<16x128xf32, #tpu.memory_space<vmem>> -> memref<1x128xf32, #tpu.memory_space<vmem>>
      %dma_start3A_40 = tpu.memref_squeeze %dma_start3A_39 : memref<1x128xf32, #tpu.memory_space<vmem>> -> memref<128xf32, #tpu.memory_space<vmem>>
      %dma_start3A_41 = tpu.memref_slice %arg3[%mul3A_36] : memref<1638400xf32, #tpu.memory_space<hbm>> -> memref<128xf32, #tpu.memory_space<hbm>>
      %dma_start3A_42 = arith.constant 0 : i32
      %dma_start3A_43 = tpu.memref_slice %arg8[%dma_start3A_37, %dma_start3A_42] : memref<16x128xf32, #tpu.memory_space<vmem>> -> memref<1x128xf32, #tpu.memory_space<vmem>>
      %dma_start3A_44 = tpu.memref_squeeze %dma_start3A_43 : memref<1x128xf32, #tpu.memory_space<vmem>> -> memref<128xf32, #tpu.memory_space<vmem>>
      %dma_start3A_45 = tpu.memref_slice %arg3[%mul3A_36] : memref<1638400xf32, #tpu.memory_space<hbm>> -> memref<128xf32, #tpu.memory_space<hbm>>
      tpu.enqueue_dma source(%dma_start3A_45 : memref<128xf32, #tpu.memory_space<hbm>>) target(%dma_start3A_44 : memref<128xf32, #tpu.memory_space<vmem>>) target_semaphore(%arg10 : memref<!tpu.dma_semaphore, #tpu.memory_space<semaphore_mem>>)
      %add3A_46 = arith.constant 1 : i32
      %add3A_47 = arith.addi %add3A_20, %add3A_46 : i32
      %mul3A_48 = arith.constant 128 : i32
      %mul3A_49 = arith.muli %add3A_47, %mul3A_48 : i32
      %dma_start3A_50 = arith.constant 1 : i32
      %dma_start3A_51 = arith.constant 0 : i32
      %dma_start3A_52 = tpu.memref_slice %arg7[%dma_start3A_50, %dma_start3A_51] : memref<16x128xi32, #tpu.memory_space<vmem>> -> memref<1x128xi32, #tpu.memory_space<vmem>>
      %dma_start3A_53 = tpu.memref_squeeze %dma_start3A_52 : memref<1x128xi32, #tpu.memory_space<vmem>> -> memref<128xi32, #tpu.memory_space<vmem>>
      %dma_start3A_54 = tpu.memref_slice %arg2[%mul3A_49] : memref<1638400xi32, #tpu.memory_space<hbm>> -> memref<128xi32, #tpu.memory_space<hbm>>
      %dma_start3A_55 = arith.constant 0 : i32
      %dma_start3A_56 = tpu.memref_slice %arg7[%dma_start3A_50, %dma_start3A_55] : memref<16x128xi32, #tpu.memory_space<vmem>> -> memref<1x128xi32, #tpu.memory_space<vmem>>
      %dma_start3A_57 = tpu.memref_squeeze %dma_start3A_56 : memref<1x128xi32, #tpu.memory_space<vmem>> -> memref<128xi32, #tpu.memory_space<vmem>>
      %dma_start3A_58 = tpu.memref_slice %arg2[%mul3A_49] : memref<1638400xi32, #tpu.memory_space<hbm>> -> memref<128xi32, #tpu.memory_space<hbm>>
      tpu.enqueue_dma source(%dma_start3A_58 : memref<128xi32, #tpu.memory_space<hbm>>) target(%dma_start3A_57 : memref<128xi32, #tpu.memory_space<vmem>>) target_semaphore(%arg10 : memref<!tpu.dma_semaphore, #tpu.memory_space<semaphore_mem>>)
      %add3A_59 = arith.constant 1 : i32
      %add3A_60 = arith.addi %add3A_20, %add3A_59 : i32
      %mul3A_61 = arith.constant 128 : i32
      %mul3A_62 = arith.muli %add3A_60, %mul3A_61 : i32
      %dma_start3A_63 = arith.constant 1 : i32
      %dma_start3A_64 = arith.constant 0 : i32
      %dma_start3A_65 = tpu.memref_slice %arg8[%dma_start3A_63, %dma_start3A_64] : memref<16x128xf32, #tpu.memory_space<vmem>> -> memref<1x128xf32, #tpu.memory_space<vmem>>
      %dma_start3A_66 = tpu.memref_squeeze %dma_start3A_65 : memref<1x128xf32, #tpu.memory_space<vmem>> -> memref<128xf32, #tpu.memory_space<vmem>>
      %dma_start3A_67 = tpu.memref_slice %arg3[%mul3A_62] : memref<1638400xf32, #tpu.memory_space<hbm>> -> memref<128xf32, #tpu.memory_space<hbm>>
      %dma_start3A_68 = arith.constant 0 : i32
      %dma_start3A_69 = tpu.memref_slice %arg8[%dma_start3A_63, %dma_start3A_68] : memref<16x128xf32, #tpu.memory_space<vmem>> -> memref<1x128xf32, #tpu.memory_space<vmem>>
      %dma_start3A_70 = tpu.memref_squeeze %dma_start3A_69 : memref<1x128xf32, #tpu.memory_space<vmem>> -> memref<128xf32, #tpu.memory_space<vmem>>
      %dma_start3A_71 = tpu.memref_slice %arg3[%mul3A_62] : memref<1638400xf32, #tpu.memory_space<hbm>> -> memref<128xf32, #tpu.memory_space<hbm>>
      tpu.enqueue_dma source(%dma_start3A_71 : memref<128xf32, #tpu.memory_space<hbm>>) target(%dma_start3A_70 : memref<128xf32, #tpu.memory_space<vmem>>) target_semaphore(%arg10 : memref<!tpu.dma_semaphore, #tpu.memory_space<semaphore_mem>>)
      %add3A_72 = arith.constant 2 : i32
      %add3A_73 = arith.addi %add3A_20, %add3A_72 : i32
      %mul3A_74 = arith.constant 128 : i32
      %mul3A_75 = arith.muli %add3A_73, %mul3A_74 : i32
      %dma_start3A_76 = arith.constant 2 : i32
      %dma_start3A_77 = arith.constant 0 : i32
      %dma_start3A_78 = tpu.memref_slice %arg7[%dma_start3A_76, %dma_start3A_77] : memref<16x128xi32, #tpu.memory_space<vmem>> -> memref<1x128xi32, #tpu.memory_space<vmem>>
      %dma_start3A_79 = tpu.memref_squeeze %dma_start3A_78 : memref<1x128xi32, #tpu.memory_space<vmem>> -> memref<128xi32, #tpu.memory_space<vmem>>
      %dma_start3A_80 = tpu.memref_slice %arg2[%mul3A_75] : memref<1638400xi32, #tpu.memory_space<hbm>> -> memref<128xi32, #tpu.memory_space<hbm>>
      %dma_start3A_81 = arith.constant 0 : i32
      %dma_start3A_82 = tpu.memref_slice %arg7[%dma_start3A_76, %dma_start3A_81] : memref<16x128xi32, #tpu.memory_space<vmem>> -> memref<1x128xi32, #tpu.memory_space<vmem>>
      %dma_start3A_83 = tpu.memref_squeeze %dma_start3A_82 : memref<1x128xi32, #tpu.memory_space<vmem>> -> memref<128xi32, #tpu.memory_space<vmem>>
      %dma_start3A_84 = tpu.memref_slice %arg2[%mul3A_75] : memref<1638400xi32, #tpu.memory_space<hbm>> -> memref<128xi32, #tpu.memory_space<hbm>>
      tpu.enqueue_dma source(%dma_start3A_84 : memref<128xi32, #tpu.memory_space<hbm>>) target(%dma_start3A_83 : memref<128xi32, #tpu.memory_space<vmem>>) target_semaphore(%arg10 : memref<!tpu.dma_semaphore, #tpu.memory_space<semaphore_mem>>)
      %add3A_85 = arith.constant 2 : i32
      %add3A_86 = arith.addi %add3A_20, %add3A_85 : i32
      %mul3A_87 = arith.constant 128 : i32
      %mul3A_88 = arith.muli %add3A_86, %mul3A_87 : i32
      %dma_start3A_89 = arith.constant 2 : i32
      %dma_start3A_90 = arith.constant 0 : i32
      %dma_start3A_91 = tpu.memref_slice %arg8[%dma_start3A_89, %dma_start3A_90] : memref<16x128xf32, #tpu.memory_space<vmem>> -> memref<1x128xf32, #tpu.memory_space<vmem>>
      %dma_start3A_92 = tpu.memref_squeeze %dma_start3A_91 : memref<1x128xf32, #tpu.memory_space<vmem>> -> memref<128xf32, #tpu.memory_space<vmem>>
      %dma_start3A_93 = tpu.memref_slice %arg3[%mul3A_88] : memref<1638400xf32, #tpu.memory_space<hbm>> -> memref<128xf32, #tpu.memory_space<hbm>>
      %dma_start3A_94 = arith.constant 0 : i32
      %dma_start3A_95 = tpu.memref_slice %arg8[%dma_start3A_89, %dma_start3A_94] : memref<16x128xf32, #tpu.memory_space<vmem>> -> memref<1x128xf32, #tpu.memory_space<vmem>>
      %dma_start3A_96 = tpu.memref_squeeze %dma_start3A_95 : memref<1x128xf32, #tpu.memory_space<vmem>> -> memref<128xf32, #tpu.memory_space<vmem>>
      %dma_start3A_97 = tpu.memref_slice %arg3[%mul3A_88] : memref<1638400xf32, #tpu.memory_space<hbm>> -> memref<128xf32, #tpu.memory_space<hbm>>
      tpu.enqueue_dma source(%dma_start3A_97 : memref<128xf32, #tpu.memory_space<hbm>>) target(%dma_start3A_96 : memref<128xf32, #tpu.memory_space<vmem>>) target_semaphore(%arg10 : memref<!tpu.dma_semaphore, #tpu.memory_space<semaphore_mem>>)
      %add3A_98 = arith.constant 3 : i32
      %add3A_99 = arith.addi %add3A_20, %add3A_98 : i32
      %mul3A_100 = arith.constant 128 : i32
      %mul3A_101 = arith.muli %add3A_99, %mul3A_100 : i32
      %dma_start3A_102 = arith.constant 3 : i32
      %dma_start3A_103 = arith.constant 0 : i32
      %dma_start3A_104 = tpu.memref_slice %arg7[%dma_start3A_102, %dma_start3A_103] : memref<16x128xi32, #tpu.memory_space<vmem>> -> memref<1x128xi32, #tpu.memory_space<vmem>>
      %dma_start3A_105 = tpu.memref_squeeze %dma_start3A_104 : memref<1x128xi32, #tpu.memory_space<vmem>> -> memref<128xi32, #tpu.memory_space<vmem>>
      %dma_start3A_106 = tpu.memref_slice %arg2[%mul3A_101] : memref<1638400xi32, #tpu.memory_space<hbm>> -> memref<128xi32, #tpu.memory_space<hbm>>
      %dma_start3A_107 = arith.constant 0 : i32
      %dma_start3A_108 = tpu.memref_slice %arg7[%dma_start3A_102, %dma_start3A_107] : memref<16x128xi32, #tpu.memory_space<vmem>> -> memref<1x128xi32, #tpu.memory_space<vmem>>
      %dma_start3A_109 = tpu.memref_squeeze %dma_start3A_108 : memref<1x128xi32, #tpu.memory_space<vmem>> -> memref<128xi32, #tpu.memory_space<vmem>>
      %dma_start3A_110 = tpu.memref_slice %arg2[%mul3A_101] : memref<1638400xi32, #tpu.memory_space<hbm>> -> memref<128xi32, #tpu.memory_space<hbm>>
      tpu.enqueue_dma source(%dma_start3A_110 : memref<128xi32, #tpu.memory_space<hbm>>) target(%dma_start3A_109 : memref<128xi32, #tpu.memory_space<vmem>>) target_semaphore(%arg10 : memref<!tpu.dma_semaphore, #tpu.memory_space<semaphore_mem>>)
      %add3A_111 = arith.constant 3 : i32
      %add3A_112 = arith.addi %add3A_20, %add3A_111 : i32
      %mul3A_113 = arith.constant 128 : i32
      %mul3A_114 = arith.muli %add3A_112, %mul3A_113 : i32
      %dma_start3A_115 = arith.constant 3 : i32
      %dma_start3A_116 = arith.constant 0 : i32
      %dma_start3A_117 = tpu.memref_slice %arg8[%dma_start3A_115, %dma_start3A_116] : memref<16x128xf32, #tpu.memory_space<vmem>> -> memref<1x128xf32, #tpu.memory_space<vmem>>
      %dma_start3A_118 = tpu.memref_squeeze %dma_start3A_117 : memref<1x128xf32, #tpu.memory_space<vmem>> -> memref<128xf32, #tpu.memory_space<vmem>>
      %dma_start3A_119 = tpu.memref_slice %arg3[%mul3A_114] : memref<1638400xf32, #tpu.memory_space<hbm>> -> memref<128xf32, #tpu.memory_space<hbm>>
      %dma_start3A_120 = arith.constant 0 : i32
      %dma_start3A_121 = tpu.memref_slice %arg8[%dma_start3A_115, %dma_start3A_120] : memref<16x128xf32, #tpu.memory_space<vmem>> -> memref<1x128xf32, #tpu.memory_space<vmem>>
      %dma_start3A_122 = tpu.memref_squeeze %dma_start3A_121 : memref<1x128xf32, #tpu.memory_space<vmem>> -> memref<128xf32, #tpu.memory_space<vmem>>
      %dma_start3A_123 = tpu.memref_slice %arg3[%mul3A_114] : memref<1638400xf32, #tpu.memory_space<hbm>> -> memref<128xf32, #tpu.memory_space<hbm>>
      tpu.enqueue_dma source(%dma_start3A_123 : memref<128xf32, #tpu.memory_space<hbm>>) target(%dma_start3A_122 : memref<128xf32, #tpu.memory_space<vmem>>) target_semaphore(%arg10 : memref<!tpu.dma_semaphore, #tpu.memory_space<semaphore_mem>>)
      %add3A_124 = arith.constant 4 : i32
      %add3A_125 = arith.addi %add3A_20, %add3A_124 : i32
      %mul3A_126 = arith.constant 128 : i32
      %mul3A_127 = arith.muli %add3A_125, %mul3A_126 : i32
      %dma_start3A_128 = arith.constant 4 : i32
      %dma_start3A_129 = arith.constant 0 : i32
      %dma_start3A_130 = tpu.memref_slice %arg7[%dma_start3A_128, %dma_start3A_129] : memref<16x128xi32, #tpu.memory_space<vmem>> -> memref<1x128xi32, #tpu.memory_space<vmem>>
      %dma_start3A_131 = tpu.memref_squeeze %dma_start3A_130 : memref<1x128xi32, #tpu.memory_space<vmem>> -> memref<128xi32, #tpu.memory_space<vmem>>
      %dma_start3A_132 = tpu.memref_slice %arg2[%mul3A_127] : memref<1638400xi32, #tpu.memory_space<hbm>> -> memref<128xi32, #tpu.memory_space<hbm>>
      %dma_start3A_133 = arith.constant 0 : i32
      %dma_start3A_134 = tpu.memref_slice %arg7[%dma_start3A_128, %dma_start3A_133] : memref<16x128xi32, #tpu.memory_space<vmem>> -> memref<1x128xi32, #tpu.memory_space<vmem>>
      %dma_start3A_135 = tpu.memref_squeeze %dma_start3A_134 : memref<1x128xi32, #tpu.memory_space<vmem>> -> memref<128xi32, #tpu.memory_space<vmem>>
      %dma_start3A_136 = tpu.memref_slice %arg2[%mul3A_127] : memref<1638400xi32, #tpu.memory_space<hbm>> -> memref<128xi32, #tpu.memory_space<hbm>>
      tpu.enqueue_dma source(%dma_start3A_136 : memref<128xi32, #tpu.memory_space<hbm>>) target(%dma_start3A_135 : memref<128xi32, #tpu.memory_space<vmem>>) target_semaphore(%arg10 : memref<!tpu.dma_semaphore, #tpu.memory_space<semaphore_mem>>)
      %add3A_137 = arith.constant 4 : i32
      %add3A_138 = arith.addi %add3A_20, %add3A_137 : i32
      %mul3A_139 = arith.constant 128 : i32
      %mul3A_140 = arith.muli %add3A_138, %mul3A_139 : i32
      %dma_start3A_141 = arith.constant 4 : i32
      %dma_start3A_142 = arith.constant 0 : i32
      %dma_start3A_143 = tpu.memref_slice %arg8[%dma_start3A_141, %dma_start3A_142] : memref<16x128xf32, #tpu.memory_space<vmem>> -> memref<1x128xf32, #tpu.memory_space<vmem>>
      %dma_start3A_144 = tpu.memref_squeeze %dma_start3A_143 : memref<1x128xf32, #tpu.memory_space<vmem>> -> memref<128xf32, #tpu.memory_space<vmem>>
      %dma_start3A_145 = tpu.memref_slice %arg3[%mul3A_140] : memref<1638400xf32, #tpu.memory_space<hbm>> -> memref<128xf32, #tpu.memory_space<hbm>>
      %dma_start3A_146 = arith.constant 0 : i32
      %dma_start3A_147 = tpu.memref_slice %arg8[%dma_start3A_141, %dma_start3A_146] : memref<16x128xf32, #tpu.memory_space<vmem>> -> memref<1x128xf32, #tpu.memory_space<vmem>>
      %dma_start3A_148 = tpu.memref_squeeze %dma_start3A_147 : memref<1x128xf32, #tpu.memory_space<vmem>> -> memref<128xf32, #tpu.memory_space<vmem>>
      %dma_start3A_149 = tpu.memref_slice %arg3[%mul3A_140] : memref<1638400xf32, #tpu.memory_space<hbm>> -> memref<128xf32, #tpu.memory_space<hbm>>
      tpu.enqueue_dma source(%dma_start3A_149 : memref<128xf32, #tpu.memory_space<hbm>>) target(%dma_start3A_148 : memref<128xf32, #tpu.memory_space<vmem>>) target_semaphore(%arg10 : memref<!tpu.dma_semaphore, #tpu.memory_space<semaphore_mem>>)
      %add3A_150 = arith.constant 5 : i32
      %add3A_151 = arith.addi %add3A_20, %add3A_150 : i32
      %mul3A_152 = arith.constant 128 : i32
      %mul3A_153 = arith.muli %add3A_151, %mul3A_152 : i32
      %dma_start3A_154 = arith.constant 5 : i32
      %dma_start3A_155 = arith.constant 0 : i32
      %dma_start3A_156 = tpu.memref_slice %arg7[%dma_start3A_154, %dma_start3A_155] : memref<16x128xi32, #tpu.memory_space<vmem>> -> memref<1x128xi32, #tpu.memory_space<vmem>>
      %dma_start3A_157 = tpu.memref_squeeze %dma_start3A_156 : memref<1x128xi32, #tpu.memory_space<vmem>> -> memref<128xi32, #tpu.memory_space<vmem>>
      %dma_start3A_158 = tpu.memref_slice %arg2[%mul3A_153] : memref<1638400xi32, #tpu.memory_space<hbm>> -> memref<128xi32, #tpu.memory_space<hbm>>
      %dma_start3A_159 = arith.constant 0 : i32
      %dma_start3A_160 = tpu.memref_slice %arg7[%dma_start3A_154, %dma_start3A_159] : memref<16x128xi32, #tpu.memory_space<vmem>> -> memref<1x128xi32, #tpu.memory_space<vmem>>
      %dma_start3A_161 = tpu.memref_squeeze %dma_start3A_160 : memref<1x128xi32, #tpu.memory_space<vmem>> -> memref<128xi32, #tpu.memory_space<vmem>>
      %dma_start3A_162 = tpu.memref_slice %arg2[%mul3A_153] : memref<1638400xi32, #tpu.memory_space<hbm>> -> memref<128xi32, #tpu.memory_space<hbm>>
      tpu.enqueue_dma source(%dma_start3A_162 : memref<128xi32, #tpu.memory_space<hbm>>) target(%dma_start3A_161 : memref<128xi32, #tpu.memory_space<vmem>>) target_semaphore(%arg10 : memref<!tpu.dma_semaphore, #tpu.memory_space<semaphore_mem>>)
      %add3A_163 = arith.constant 5 : i32
      %add3A_164 = arith.addi %add3A_20, %add3A_163 : i32
      %mul3A_165 = arith.constant 128 : i32
      %mul3A_166 = arith.muli %add3A_164, %mul3A_165 : i32
      %dma_start3A_167 = arith.constant 5 : i32
      %dma_start3A_168 = arith.constant 0 : i32
      %dma_start3A_169 = tpu.memref_slice %arg8[%dma_start3A_167, %dma_start3A_168] : memref<16x128xf32, #tpu.memory_space<vmem>> -> memref<1x128xf32, #tpu.memory_space<vmem>>
      %dma_start3A_170 = tpu.memref_squeeze %dma_start3A_169 : memref<1x128xf32, #tpu.memory_space<vmem>> -> memref<128xf32, #tpu.memory_space<vmem>>
      %dma_start3A_171 = tpu.memref_slice %arg3[%mul3A_166] : memref<1638400xf32, #tpu.memory_space<hbm>> -> memref<128xf32, #tpu.memory_space<hbm>>
      %dma_start3A_172 = arith.constant 0 : i32
      %dma_start3A_173 = tpu.memref_slice %arg8[%dma_start3A_167, %dma_start3A_172] : memref<16x128xf32, #tpu.memory_space<vmem>> -> memref<1x128xf32, #tpu.memory_space<vmem>>
      %dma_start3A_174 = tpu.memref_squeeze %dma_start3A_173 : memref<1x128xf32, #tpu.memory_space<vmem>> -> memref<128xf32, #tpu.memory_space<vmem>>
      %dma_start3A_175 = tpu.memref_slice %arg3[%mul3A_166] : memref<1638400xf32, #tpu.memory_space<hbm>> -> memref<128xf32, #tpu.memory_space<hbm>>
      tpu.enqueue_dma source(%dma_start3A_175 : memref<128xf32, #tpu.memory_space<hbm>>) target(%dma_start3A_174 : memref<128xf32, #tpu.memory_space<vmem>>) target_semaphore(%arg10 : memref<!tpu.dma_semaphore, #tpu.memory_space<semaphore_mem>>)
      %add3A_176 = arith.constant 6 : i32
      %add3A_177 = arith.addi %add3A_20, %add3A_176 : i32
      %mul3A_178 = arith.constant 128 : i32
      %mul3A_179 = arith.muli %add3A_177, %mul3A_178 : i32
      %dma_start3A_180 = arith.constant 6 : i32
      %dma_start3A_181 = arith.constant 0 : i32
      %dma_start3A_182 = tpu.memref_slice %arg7[%dma_start3A_180, %dma_start3A_181] : memref<16x128xi32, #tpu.memory_space<vmem>> -> memref<1x128xi32, #tpu.memory_space<vmem>>
      %dma_start3A_183 = tpu.memref_squeeze %dma_start3A_182 : memref<1x128xi32, #tpu.memory_space<vmem>> -> memref<128xi32, #tpu.memory_space<vmem>>
      %dma_start3A_184 = tpu.memref_slice %arg2[%mul3A_179] : memref<1638400xi32, #tpu.memory_space<hbm>> -> memref<128xi32, #tpu.memory_space<hbm>>
      %dma_start3A_185 = arith.constant 0 : i32
      %dma_start3A_186 = tpu.memref_slice %arg7[%dma_start3A_180, %dma_start3A_185] : memref<16x128xi32, #tpu.memory_space<vmem>> -> memref<1x128xi32, #tpu.memory_space<vmem>>
      %dma_start3A_187 = tpu.memref_squeeze %dma_start3A_186 : memref<1x128xi32, #tpu.memory_space<vmem>> -> memref<128xi32, #tpu.memory_space<vmem>>
      %dma_start3A_188 = tpu.memref_slice %arg2[%mul3A_179] : memref<1638400xi32, #tpu.memory_space<hbm>> -> memref<128xi32, #tpu.memory_space<hbm>>
      tpu.enqueue_dma source(%dma_start3A_188 : memref<128xi32, #tpu.memory_space<hbm>>) target(%dma_start3A_187 : memref<128xi32, #tpu.memory_space<vmem>>) target_semaphore(%arg10 : memref<!tpu.dma_semaphore, #tpu.memory_space<semaphore_mem>>)
      %add3A_189 = arith.constant 6 : i32
      %add3A_190 = arith.addi %add3A_20, %add3A_189 : i32
      %mul3A_191 = arith.constant 128 : i32
      %mul3A_192 = arith.muli %add3A_190, %mul3A_191 : i32
      %dma_start3A_193 = arith.constant 6 : i32
      %dma_start3A_194 = arith.constant 0 : i32
      %dma_start3A_195 = tpu.memref_slice %arg8[%dma_start3A_193, %dma_start3A_194] : memref<16x128xf32, #tpu.memory_space<vmem>> -> memref<1x128xf32, #tpu.memory_space<vmem>>
      %dma_start3A_196 = tpu.memref_squeeze %dma_start3A_195 : memref<1x128xf32, #tpu.memory_space<vmem>> -> memref<128xf32, #tpu.memory_space<vmem>>
      %dma_start3A_197 = tpu.memref_slice %arg3[%mul3A_192] : memref<1638400xf32, #tpu.memory_space<hbm>> -> memref<128xf32, #tpu.memory_space<hbm>>
      %dma_start3A_198 = arith.constant 0 : i32
      %dma_start3A_199 = tpu.memref_slice %arg8[%dma_start3A_193, %dma_start3A_198] : memref<16x128xf32, #tpu.memory_space<vmem>> -> memref<1x128xf32, #tpu.memory_space<vmem>>
      %dma_start3A_200 = tpu.memref_squeeze %dma_start3A_199 : memref<1x128xf32, #tpu.memory_space<vmem>> -> memref<128xf32, #tpu.memory_space<vmem>>
      %dma_start3A_201 = tpu.memref_slice %arg3[%mul3A_192] : memref<1638400xf32, #tpu.memory_space<hbm>> -> memref<128xf32, #tpu.memory_space<hbm>>
      tpu.enqueue_dma source(%dma_start3A_201 : memref<128xf32, #tpu.memory_space<hbm>>) target(%dma_start3A_200 : memref<128xf32, #tpu.memory_space<vmem>>) target_semaphore(%arg10 : memref<!tpu.dma_semaphore, #tpu.memory_space<semaphore_mem>>)
      %add3A_202 = arith.constant 7 : i32
      %add3A_203 = arith.addi %add3A_20, %add3A_202 : i32
      %mul3A_204 = arith.constant 128 : i32
      %mul3A_205 = arith.muli %add3A_203, %mul3A_204 : i32
      %dma_start3A_206 = arith.constant 7 : i32
      %dma_start3A_207 = arith.constant 0 : i32
      %dma_start3A_208 = tpu.memref_slice %arg7[%dma_start3A_206, %dma_start3A_207] : memref<16x128xi32, #tpu.memory_space<vmem>> -> memref<1x128xi32, #tpu.memory_space<vmem>>
      %dma_start3A_209 = tpu.memref_squeeze %dma_start3A_208 : memref<1x128xi32, #tpu.memory_space<vmem>> -> memref<128xi32, #tpu.memory_space<vmem>>
      %dma_start3A_210 = tpu.memref_slice %arg2[%mul3A_205] : memref<1638400xi32, #tpu.memory_space<hbm>> -> memref<128xi32, #tpu.memory_space<hbm>>
      %dma_start3A_211 = arith.constant 0 : i32
      %dma_start3A_212 = tpu.memref_slice %arg7[%dma_start3A_206, %dma_start3A_211] : memref<16x128xi32, #tpu.memory_space<vmem>> -> memref<1x128xi32, #tpu.memory_space<vmem>>
      %dma_start3A_213 = tpu.memref_squeeze %dma_start3A_212 : memref<1x128xi32, #tpu.memory_space<vmem>> -> memref<128xi32, #tpu.memory_space<vmem>>
      %dma_start3A_214 = tpu.memref_slice %arg2[%mul3A_205] : memref<1638400xi32, #tpu.memory_space<hbm>> -> memref<128xi32, #tpu.memory_space<hbm>>
      tpu.enqueue_dma source(%dma_start3A_214 : memref<128xi32, #tpu.memory_space<hbm>>) target(%dma_start3A_213 : memref<128xi32, #tpu.memory_space<vmem>>) target_semaphore(%arg10 : memref<!tpu.dma_semaphore, #tpu.memory_space<semaphore_mem>>)
      %add3A_215 = arith.constant 7 : i32
      %add3A_216 = arith.addi %add3A_20, %add3A_215 : i32
      %mul3A_217 = arith.constant 128 : i32
      %mul3A_218 = arith.muli %add3A_216, %mul3A_217 : i32
      %dma_start3A_219 = arith.constant 7 : i32
      %dma_start3A_220 = arith.constant 0 : i32
      %dma_start3A_221 = tpu.memref_slice %arg8[%dma_start3A_219, %dma_start3A_220] : memref<16x128xf32, #tpu.memory_space<vmem>> -> memref<1x128xf32, #tpu.memory_space<vmem>>
      %dma_start3A_222 = tpu.memref_squeeze %dma_start3A_221 : memref<1x128xf32, #tpu.memory_space<vmem>> -> memref<128xf32, #tpu.memory_space<vmem>>
      %dma_start3A_223 = tpu.memref_slice %arg3[%mul3A_218] : memref<1638400xf32, #tpu.memory_space<hbm>> -> memref<128xf32, #tpu.memory_space<hbm>>
      %dma_start3A_224 = arith.constant 0 : i32
      %dma_start3A_225 = tpu.memref_slice %arg8[%dma_start3A_219, %dma_start3A_224] : memref<16x128xf32, #tpu.memory_space<vmem>> -> memref<1x128xf32, #tpu.memory_space<vmem>>
      %dma_start3A_226 = tpu.memref_squeeze %dma_start3A_225 : memref<1x128xf32, #tpu.memory_space<vmem>> -> memref<128xf32, #tpu.memory_space<vmem>>
      %dma_start3A_227 = tpu.memref_slice %arg3[%mul3A_218] : memref<1638400xf32, #tpu.memory_space<hbm>> -> memref<128xf32, #tpu.memory_space<hbm>>
      tpu.enqueue_dma source(%dma_start3A_227 : memref<128xf32, #tpu.memory_space<hbm>>) target(%dma_start3A_226 : memref<128xf32, #tpu.memory_space<vmem>>) target_semaphore(%arg10 : memref<!tpu.dma_semaphore, #tpu.memory_space<semaphore_mem>>)
      %add3A_228 = arith.constant 8 : i32
      %add3A_229 = arith.addi %add3A_20, %add3A_228 : i32
      %mul3A_230 = arith.constant 128 : i32
      %mul3A_231 = arith.muli %add3A_229, %mul3A_230 : i32
      %dma_start3A_232 = arith.constant 8 : i32
      %dma_start3A_233 = arith.constant 0 : i32
      %dma_start3A_234 = tpu.memref_slice %arg7[%dma_start3A_232, %dma_start3A_233] : memref<16x128xi32, #tpu.memory_space<vmem>> -> memref<1x128xi32, #tpu.memory_space<vmem>>
      %dma_start3A_235 = tpu.memref_squeeze %dma_start3A_234 : memref<1x128xi32, #tpu.memory_space<vmem>> -> memref<128xi32, #tpu.memory_space<vmem>>
      %dma_start3A_236 = tpu.memref_slice %arg2[%mul3A_231] : memref<1638400xi32, #tpu.memory_space<hbm>> -> memref<128xi32, #tpu.memory_space<hbm>>
      %dma_start3A_237 = arith.constant 0 : i32
      %dma_start3A_238 = tpu.memref_slice %arg7[%dma_start3A_232, %dma_start3A_237] : memref<16x128xi32, #tpu.memory_space<vmem>> -> memref<1x128xi32, #tpu.memory_space<vmem>>
      %dma_start3A_239 = tpu.memref_squeeze %dma_start3A_238 : memref<1x128xi32, #tpu.memory_space<vmem>> -> memref<128xi32, #tpu.memory_space<vmem>>
      %dma_start3A_240 = tpu.memref_slice %arg2[%mul3A_231] : memref<1638400xi32, #tpu.memory_space<hbm>> -> memref<128xi32, #tpu.memory_space<hbm>>
      tpu.enqueue_dma source(%dma_start3A_240 : memref<128xi32, #tpu.memory_space<hbm>>) target(%dma_start3A_239 : memref<128xi32, #tpu.memory_space<vmem>>) target_semaphore(%arg10 : memref<!tpu.dma_semaphore, #tpu.memory_space<semaphore_mem>>)
      %add3A_241 = arith.constant 8 : i32
      %add3A_242 = arith.addi %add3A_20, %add3A_241 : i32
      %mul3A_243 = arith.constant 128 : i32
      %mul3A_244 = arith.muli %add3A_242, %mul3A_243 : i32
      %dma_start3A_245 = arith.constant 8 : i32
      %dma_start3A_246 = arith.constant 0 : i32
      %dma_start3A_247 = tpu.memref_slice %arg8[%dma_start3A_245, %dma_start3A_246] : memref<16x128xf32, #tpu.memory_space<vmem>> -> memref<1x128xf32, #tpu.memory_space<vmem>>
      %dma_start3A_248 = tpu.memref_squeeze %dma_start3A_247 : memref<1x128xf32, #tpu.memory_space<vmem>> -> memref<128xf32, #tpu.memory_space<vmem>>
      %dma_start3A_249 = tpu.memref_slice %arg3[%mul3A_244] : memref<1638400xf32, #tpu.memory_space<hbm>> -> memref<128xf32, #tpu.memory_space<hbm>>
      %dma_start3A_250 = arith.constant 0 : i32
      %dma_start3A_251 = tpu.memref_slice %arg8[%dma_start3A_245, %dma_start3A_250] : memref<16x128xf32, #tpu.memory_space<vmem>> -> memref<1x128xf32, #tpu.memory_space<vmem>>
      %dma_start3A_252 = tpu.memref_squeeze %dma_start3A_251 : memref<1x128xf32, #tpu.memory_space<vmem>> -> memref<128xf32, #tpu.memory_space<vmem>>
      %dma_start3A_253 = tpu.memref_slice %arg3[%mul3A_244] : memref<1638400xf32, #tpu.memory_space<hbm>> -> memref<128xf32, #tpu.memory_space<hbm>>
      tpu.enqueue_dma source(%dma_start3A_253 : memref<128xf32, #tpu.memory_space<hbm>>) target(%dma_start3A_252 : memref<128xf32, #tpu.memory_space<vmem>>) target_semaphore(%arg10 : memref<!tpu.dma_semaphore, #tpu.memory_space<semaphore_mem>>)
      %add3A_254 = arith.constant 9 : i32
      %add3A_255 = arith.addi %add3A_20, %add3A_254 : i32
      %mul3A_256 = arith.constant 128 : i32
      %mul3A_257 = arith.muli %add3A_255, %mul3A_256 : i32
      %dma_start3A_258 = arith.constant 9 : i32
      %dma_start3A_259 = arith.constant 0 : i32
      %dma_start3A_260 = tpu.memref_slice %arg7[%dma_start3A_258, %dma_start3A_259] : memref<16x128xi32, #tpu.memory_space<vmem>> -> memref<1x128xi32, #tpu.memory_space<vmem>>
      %dma_start3A_261 = tpu.memref_squeeze %dma_start3A_260 : memref<1x128xi32, #tpu.memory_space<vmem>> -> memref<128xi32, #tpu.memory_space<vmem>>
      %dma_start3A_262 = tpu.memref_slice %arg2[%mul3A_257] : memref<1638400xi32, #tpu.memory_space<hbm>> -> memref<128xi32, #tpu.memory_space<hbm>>
      %dma_start3A_263 = arith.constant 0 : i32
      %dma_start3A_264 = tpu.memref_slice %arg7[%dma_start3A_258, %dma_start3A_263] : memref<16x128xi32, #tpu.memory_space<vmem>> -> memref<1x128xi32, #tpu.memory_space<vmem>>
      %dma_start3A_265 = tpu.memref_squeeze %dma_start3A_264 : memref<1x128xi32, #tpu.memory_space<vmem>> -> memref<128xi32, #tpu.memory_space<vmem>>
      %dma_start3A_266 = tpu.memref_slice %arg2[%mul3A_257] : memref<1638400xi32, #tpu.memory_space<hbm>> -> memref<128xi32, #tpu.memory_space<hbm>>
      tpu.enqueue_dma source(%dma_start3A_266 : memref<128xi32, #tpu.memory_space<hbm>>) target(%dma_start3A_265 : memref<128xi32, #tpu.memory_space<vmem>>) target_semaphore(%arg10 : memref<!tpu.dma_semaphore, #tpu.memory_space<semaphore_mem>>)
      %add3A_267 = arith.constant 9 : i32
      %add3A_268 = arith.addi %add3A_20, %add3A_267 : i32
      %mul3A_269 = arith.constant 128 : i32
      %mul3A_270 = arith.muli %add3A_268, %mul3A_269 : i32
      %dma_start3A_271 = arith.constant 9 : i32
      %dma_start3A_272 = arith.constant 0 : i32
      %dma_start3A_273 = tpu.memref_slice %arg8[%dma_start3A_271, %dma_start3A_272] : memref<16x128xf32, #tpu.memory_space<vmem>> -> memref<1x128xf32, #tpu.memory_space<vmem>>
      %dma_start3A_274 = tpu.memref_squeeze %dma_start3A_273 : memref<1x128xf32, #tpu.memory_space<vmem>> -> memref<128xf32, #tpu.memory_space<vmem>>
      %dma_start3A_275 = tpu.memref_slice %arg3[%mul3A_270] : memref<1638400xf32, #tpu.memory_space<hbm>> -> memref<128xf32, #tpu.memory_space<hbm>>
      %dma_start3A_276 = arith.constant 0 : i32
      %dma_start3A_277 = tpu.memref_slice %arg8[%dma_start3A_271, %dma_start3A_276] : memref<16x128xf32, #tpu.memory_space<vmem>> -> memref<1x128xf32, #tpu.memory_space<vmem>>
      %dma_start3A_278 = tpu.memref_squeeze %dma_start3A_277 : memref<1x128xf32, #tpu.memory_space<vmem>> -> memref<128xf32, #tpu.memory_space<vmem>>
      %dma_start3A_279 = tpu.memref_slice %arg3[%mul3A_270] : memref<1638400xf32, #tpu.memory_space<hbm>> -> memref<128xf32, #tpu.memory_space<hbm>>
      tpu.enqueue_dma source(%dma_start3A_279 : memref<128xf32, #tpu.memory_space<hbm>>) target(%dma_start3A_278 : memref<128xf32, #tpu.memory_space<vmem>>) target_semaphore(%arg10 : memref<!tpu.dma_semaphore, #tpu.memory_space<semaphore_mem>>)
      %add3A_280 = arith.constant 10 : i32
      %add3A_281 = arith.addi %add3A_20, %add3A_280 : i32
      %mul3A_282 = arith.constant 128 : i32
      %mul3A_283 = arith.muli %add3A_281, %mul3A_282 : i32
      %dma_start3A_284 = arith.constant 10 : i32
      %dma_start3A_285 = arith.constant 0 : i32
      %dma_start3A_286 = tpu.memref_slice %arg7[%dma_start3A_284, %dma_start3A_285] : memref<16x128xi32, #tpu.memory_space<vmem>> -> memref<1x128xi32, #tpu.memory_space<vmem>>
      %dma_start3A_287 = tpu.memref_squeeze %dma_start3A_286 : memref<1x128xi32, #tpu.memory_space<vmem>> -> memref<128xi32, #tpu.memory_space<vmem>>
      %dma_start3A_288 = tpu.memref_slice %arg2[%mul3A_283] : memref<1638400xi32, #tpu.memory_space<hbm>> -> memref<128xi32, #tpu.memory_space<hbm>>
      %dma_start3A_289 = arith.constant 0 : i32
      %dma_start3A_290 = tpu.memref_slice %arg7[%dma_start3A_284, %dma_start3A_289] : memref<16x128xi32, #tpu.memory_space<vmem>> -> memref<1x128xi32, #tpu.memory_space<vmem>>
      %dma_start3A_291 = tpu.memref_squeeze %dma_start3A_290 : memref<1x128xi32, #tpu.memory_space<vmem>> -> memref<128xi32, #tpu.memory_space<vmem>>
      %dma_start3A_292 = tpu.memref_slice %arg2[%mul3A_283] : memref<1638400xi32, #tpu.memory_space<hbm>> -> memref<128xi32, #tpu.memory_space<hbm>>
      tpu.enqueue_dma source(%dma_start3A_292 : memref<128xi32, #tpu.memory_space<hbm>>) target(%dma_start3A_291 : memref<128xi32, #tpu.memory_space<vmem>>) target_semaphore(%arg10 : memref<!tpu.dma_semaphore, #tpu.memory_space<semaphore_mem>>)
      %add3A_293 = arith.constant 10 : i32
      %add3A_294 = arith.addi %add3A_20, %add3A_293 : i32
      %mul3A_295 = arith.constant 128 : i32
      %mul3A_296 = arith.muli %add3A_294, %mul3A_295 : i32
      %dma_start3A_297 = arith.constant 10 : i32
      %dma_start3A_298 = arith.constant 0 : i32
      %dma_start3A_299 = tpu.memref_slice %arg8[%dma_start3A_297, %dma_start3A_298] : memref<16x128xf32, #tpu.memory_space<vmem>> -> memref<1x128xf32, #tpu.memory_space<vmem>>
      %dma_start3A_300 = tpu.memref_squeeze %dma_start3A_299 : memref<1x128xf32, #tpu.memory_space<vmem>> -> memref<128xf32, #tpu.memory_space<vmem>>
      %dma_start3A_301 = tpu.memref_slice %arg3[%mul3A_296] : memref<1638400xf32, #tpu.memory_space<hbm>> -> memref<128xf32, #tpu.memory_space<hbm>>
      %dma_start3A_302 = arith.constant 0 : i32
      %dma_start3A_303 = tpu.memref_slice %arg8[%dma_start3A_297, %dma_start3A_302] : memref<16x128xf32, #tpu.memory_space<vmem>> -> memref<1x128xf32, #tpu.memory_space<vmem>>
      %dma_start3A_304 = tpu.memref_squeeze %dma_start3A_303 : memref<1x128xf32, #tpu.memory_space<vmem>> -> memref<128xf32, #tpu.memory_space<vmem>>
      %dma_start3A_305 = tpu.memref_slice %arg3[%mul3A_296] : memref<1638400xf32, #tpu.memory_space<hbm>> -> memref<128xf32, #tpu.memory_space<hbm>>
      tpu.enqueue_dma source(%dma_start3A_305 : memref<128xf32, #tpu.memory_space<hbm>>) target(%dma_start3A_304 : memref<128xf32, #tpu.memory_space<vmem>>) target_semaphore(%arg10 : memref<!tpu.dma_semaphore, #tpu.memory_space<semaphore_mem>>)
      %add3A_306 = arith.constant 11 : i32
      %add3A_307 = arith.addi %add3A_20, %add3A_306 : i32
      %mul3A_308 = arith.constant 128 : i32
      %mul3A_309 = arith.muli %add3A_307, %mul3A_308 : i32
      %dma_start3A_310 = arith.constant 11 : i32
      %dma_start3A_311 = arith.constant 0 : i32
      %dma_start3A_312 = tpu.memref_slice %arg7[%dma_start3A_310, %dma_start3A_311] : memref<16x128xi32, #tpu.memory_space<vmem>> -> memref<1x128xi32, #tpu.memory_space<vmem>>
      %dma_start3A_313 = tpu.memref_squeeze %dma_start3A_312 : memref<1x128xi32, #tpu.memory_space<vmem>> -> memref<128xi32, #tpu.memory_space<vmem>>
      %dma_start3A_314 = tpu.memref_slice %arg2[%mul3A_309] : memref<1638400xi32, #tpu.memory_space<hbm>> -> memref<128xi32, #tpu.memory_space<hbm>>
      %dma_start3A_315 = arith.constant 0 : i32
      %dma_start3A_316 = tpu.memref_slice %arg7[%dma_start3A_310, %dma_start3A_315] : memref<16x128xi32, #tpu.memory_space<vmem>> -> memref<1x128xi32, #tpu.memory_space<vmem>>
      %dma_start3A_317 = tpu.memref_squeeze %dma_start3A_316 : memref<1x128xi32, #tpu.memory_space<vmem>> -> memref<128xi32, #tpu.memory_space<vmem>>
      %dma_start3A_318 = tpu.memref_slice %arg2[%mul3A_309] : memref<1638400xi32, #tpu.memory_space<hbm>> -> memref<128xi32, #tpu.memory_space<hbm>>
      tpu.enqueue_dma source(%dma_start3A_318 : memref<128xi32, #tpu.memory_space<hbm>>) target(%dma_start3A_317 : memref<128xi32, #tpu.memory_space<vmem>>) target_semaphore(%arg10 : memref<!tpu.dma_semaphore, #tpu.memory_space<semaphore_mem>>)
      %add3A_319 = arith.constant 11 : i32
      %add3A_320 = arith.addi %add3A_20, %add3A_319 : i32
      %mul3A_321 = arith.constant 128 : i32
      %mul3A_322 = arith.muli %add3A_320, %mul3A_321 : i32
      %dma_start3A_323 = arith.constant 11 : i32
      %dma_start3A_324 = arith.constant 0 : i32
      %dma_start3A_325 = tpu.memref_slice %arg8[%dma_start3A_323, %dma_start3A_324] : memref<16x128xf32, #tpu.memory_space<vmem>> -> memref<1x128xf32, #tpu.memory_space<vmem>>
      %dma_start3A_326 = tpu.memref_squeeze %dma_start3A_325 : memref<1x128xf32, #tpu.memory_space<vmem>> -> memref<128xf32, #tpu.memory_space<vmem>>
      %dma_start3A_327 = tpu.memref_slice %arg3[%mul3A_322] : memref<1638400xf32, #tpu.memory_space<hbm>> -> memref<128xf32, #tpu.memory_space<hbm>>
      %dma_start3A_328 = arith.constant 0 : i32
      %dma_start3A_329 = tpu.memref_slice %arg8[%dma_start3A_323, %dma_start3A_328] : memref<16x128xf32, #tpu.memory_space<vmem>> -> memref<1x128xf32, #tpu.memory_space<vmem>>
      %dma_start3A_330 = tpu.memref_squeeze %dma_start3A_329 : memref<1x128xf32, #tpu.memory_space<vmem>> -> memref<128xf32, #tpu.memory_space<vmem>>
      %dma_start3A_331 = tpu.memref_slice %arg3[%mul3A_322] : memref<1638400xf32, #tpu.memory_space<hbm>> -> memref<128xf32, #tpu.memory_space<hbm>>
      tpu.enqueue_dma source(%dma_start3A_331 : memref<128xf32, #tpu.memory_space<hbm>>) target(%dma_start3A_330 : memref<128xf32, #tpu.memory_space<vmem>>) target_semaphore(%arg10 : memref<!tpu.dma_semaphore, #tpu.memory_space<semaphore_mem>>)
      %add3A_332 = arith.constant 12 : i32
      %add3A_333 = arith.addi %add3A_20, %add3A_332 : i32
      %mul3A_334 = arith.constant 128 : i32
      %mul3A_335 = arith.muli %add3A_333, %mul3A_334 : i32
      %dma_start3A_336 = arith.constant 12 : i32
      %dma_start3A_337 = arith.constant 0 : i32
      %dma_start3A_338 = tpu.memref_slice %arg7[%dma_start3A_336, %dma_start3A_337] : memref<16x128xi32, #tpu.memory_space<vmem>> -> memref<1x128xi32, #tpu.memory_space<vmem>>
      %dma_start3A_339 = tpu.memref_squeeze %dma_start3A_338 : memref<1x128xi32, #tpu.memory_space<vmem>> -> memref<128xi32, #tpu.memory_space<vmem>>
      %dma_start3A_340 = tpu.memref_slice %arg2[%mul3A_335] : memref<1638400xi32, #tpu.memory_space<hbm>> -> memref<128xi32, #tpu.memory_space<hbm>>
      %dma_start3A_341 = arith.constant 0 : i32
      %dma_start3A_342 = tpu.memref_slice %arg7[%dma_start3A_336, %dma_start3A_341] : memref<16x128xi32, #tpu.memory_space<vmem>> -> memref<1x128xi32, #tpu.memory_space<vmem>>
      %dma_start3A_343 = tpu.memref_squeeze %dma_start3A_342 : memref<1x128xi32, #tpu.memory_space<vmem>> -> memref<128xi32, #tpu.memory_space<vmem>>
      %dma_start3A_344 = tpu.memref_slice %arg2[%mul3A_335] : memref<1638400xi32, #tpu.memory_space<hbm>> -> memref<128xi32, #tpu.memory_space<hbm>>
      tpu.enqueue_dma source(%dma_start3A_344 : memref<128xi32, #tpu.memory_space<hbm>>) target(%dma_start3A_343 : memref<128xi32, #tpu.memory_space<vmem>>) target_semaphore(%arg10 : memref<!tpu.dma_semaphore, #tpu.memory_space<semaphore_mem>>)
      %add3A_345 = arith.constant 12 : i32
      %add3A_346 = arith.addi %add3A_20, %add3A_345 : i32
      %mul3A_347 = arith.constant 128 : i32
      %mul3A_348 = arith.muli %add3A_346, %mul3A_347 : i32
      %dma_start3A_349 = arith.constant 12 : i32
      %dma_start3A_350 = arith.constant 0 : i32
      %dma_start3A_351 = tpu.memref_slice %arg8[%dma_start3A_349, %dma_start3A_350] : memref<16x128xf32, #tpu.memory_space<vmem>> -> memref<1x128xf32, #tpu.memory_space<vmem>>
      %dma_start3A_352 = tpu.memref_squeeze %dma_start3A_351 : memref<1x128xf32, #tpu.memory_space<vmem>> -> memref<128xf32, #tpu.memory_space<vmem>>
      %dma_start3A_353 = tpu.memref_slice %arg3[%mul3A_348] : memref<1638400xf32, #tpu.memory_space<hbm>> -> memref<128xf32, #tpu.memory_space<hbm>>
      %dma_start3A_354 = arith.constant 0 : i32
      %dma_start3A_355 = tpu.memref_slice %arg8[%dma_start3A_349, %dma_start3A_354] : memref<16x128xf32, #tpu.memory_space<vmem>> -> memref<1x128xf32, #tpu.memory_space<vmem>>
      %dma_start3A_356 = tpu.memref_squeeze %dma_start3A_355 : memref<1x128xf32, #tpu.memory_space<vmem>> -> memref<128xf32, #tpu.memory_space<vmem>>
      %dma_start3A_357 = tpu.memref_slice %arg3[%mul3A_348] : memref<1638400xf32, #tpu.memory_space<hbm>> -> memref<128xf32, #tpu.memory_space<hbm>>
      tpu.enqueue_dma source(%dma_start3A_357 : memref<128xf32, #tpu.memory_space<hbm>>) target(%dma_start3A_356 : memref<128xf32, #tpu.memory_space<vmem>>) target_semaphore(%arg10 : memref<!tpu.dma_semaphore, #tpu.memory_space<semaphore_mem>>)
      %add3A_358 = arith.constant 13 : i32
      %add3A_359 = arith.addi %add3A_20, %add3A_358 : i32
      %mul3A_360 = arith.constant 128 : i32
      %mul3A_361 = arith.muli %add3A_359, %mul3A_360 : i32
      %dma_start3A_362 = arith.constant 13 : i32
      %dma_start3A_363 = arith.constant 0 : i32
      %dma_start3A_364 = tpu.memref_slice %arg7[%dma_start3A_362, %dma_start3A_363] : memref<16x128xi32, #tpu.memory_space<vmem>> -> memref<1x128xi32, #tpu.memory_space<vmem>>
      %dma_start3A_365 = tpu.memref_squeeze %dma_start3A_364 : memref<1x128xi32, #tpu.memory_space<vmem>> -> memref<128xi32, #tpu.memory_space<vmem>>
      %dma_start3A_366 = tpu.memref_slice %arg2[%mul3A_361] : memref<1638400xi32, #tpu.memory_space<hbm>> -> memref<128xi32, #tpu.memory_space<hbm>>
      %dma_start3A_367 = arith.constant 0 : i32
      %dma_start3A_368 = tpu.memref_slice %arg7[%dma_start3A_362, %dma_start3A_367] : memref<16x128xi32, #tpu.memory_space<vmem>> -> memref<1x128xi32, #tpu.memory_space<vmem>>
      %dma_start3A_369 = tpu.memref_squeeze %dma_start3A_368 : memref<1x128xi32, #tpu.memory_space<vmem>> -> memref<128xi32, #tpu.memory_space<vmem>>
      %dma_start3A_370 = tpu.memref_slice %arg2[%mul3A_361] : memref<1638400xi32, #tpu.memory_space<hbm>> -> memref<128xi32, #tpu.memory_space<hbm>>
      tpu.enqueue_dma source(%dma_start3A_370 : memref<128xi32, #tpu.memory_space<hbm>>) target(%dma_start3A_369 : memref<128xi32, #tpu.memory_space<vmem>>) target_semaphore(%arg10 : memref<!tpu.dma_semaphore, #tpu.memory_space<semaphore_mem>>)
      %add3A_371 = arith.constant 13 : i32
      %add3A_372 = arith.addi %add3A_20, %add3A_371 : i32
      %mul3A_373 = arith.constant 128 : i32
      %mul3A_374 = arith.muli %add3A_372, %mul3A_373 : i32
      %dma_start3A_375 = arith.constant 13 : i32
      %dma_start3A_376 = arith.constant 0 : i32
      %dma_start3A_377 = tpu.memref_slice %arg8[%dma_start3A_375, %dma_start3A_376] : memref<16x128xf32, #tpu.memory_space<vmem>> -> memref<1x128xf32, #tpu.memory_space<vmem>>
      %dma_start3A_378 = tpu.memref_squeeze %dma_start3A_377 : memref<1x128xf32, #tpu.memory_space<vmem>> -> memref<128xf32, #tpu.memory_space<vmem>>
      %dma_start3A_379 = tpu.memref_slice %arg3[%mul3A_374] : memref<1638400xf32, #tpu.memory_space<hbm>> -> memref<128xf32, #tpu.memory_space<hbm>>
      %dma_start3A_380 = arith.constant 0 : i32
      %dma_start3A_381 = tpu.memref_slice %arg8[%dma_start3A_375, %dma_start3A_380] : memref<16x128xf32, #tpu.memory_space<vmem>> -> memref<1x128xf32, #tpu.memory_space<vmem>>
      %dma_start3A_382 = tpu.memref_squeeze %dma_start3A_381 : memref<1x128xf32, #tpu.memory_space<vmem>> -> memref<128xf32, #tpu.memory_space<vmem>>
      %dma_start3A_383 = tpu.memref_slice %arg3[%mul3A_374] : memref<1638400xf32, #tpu.memory_space<hbm>> -> memref<128xf32, #tpu.memory_space<hbm>>
      tpu.enqueue_dma source(%dma_start3A_383 : memref<128xf32, #tpu.memory_space<hbm>>) target(%dma_start3A_382 : memref<128xf32, #tpu.memory_space<vmem>>) target_semaphore(%arg10 : memref<!tpu.dma_semaphore, #tpu.memory_space<semaphore_mem>>)
      %add3A_384 = arith.constant 14 : i32
      %add3A_385 = arith.addi %add3A_20, %add3A_384 : i32
      %mul3A_386 = arith.constant 128 : i32
      %mul3A_387 = arith.muli %add3A_385, %mul3A_386 : i32
      %dma_start3A_388 = arith.constant 14 : i32
      %dma_start3A_389 = arith.constant 0 : i32
      %dma_start3A_390 = tpu.memref_slice %arg7[%dma_start3A_388, %dma_start3A_389] : memref<16x128xi32, #tpu.memory_space<vmem>> -> memref<1x128xi32, #tpu.memory_space<vmem>>
      %dma_start3A_391 = tpu.memref_squeeze %dma_start3A_390 : memref<1x128xi32, #tpu.memory_space<vmem>> -> memref<128xi32, #tpu.memory_space<vmem>>
      %dma_start3A_392 = tpu.memref_slice %arg2[%mul3A_387] : memref<1638400xi32, #tpu.memory_space<hbm>> -> memref<128xi32, #tpu.memory_space<hbm>>
      %dma_start3A_393 = arith.constant 0 : i32
      %dma_start3A_394 = tpu.memref_slice %arg7[%dma_start3A_388, %dma_start3A_393] : memref<16x128xi32, #tpu.memory_space<vmem>> -> memref<1x128xi32, #tpu.memory_space<vmem>>
      %dma_start3A_395 = tpu.memref_squeeze %dma_start3A_394 : memref<1x128xi32, #tpu.memory_space<vmem>> -> memref<128xi32, #tpu.memory_space<vmem>>
      %dma_start3A_396 = tpu.memref_slice %arg2[%mul3A_387] : memref<1638400xi32, #tpu.memory_space<hbm>> -> memref<128xi32, #tpu.memory_space<hbm>>
      tpu.enqueue_dma source(%dma_start3A_396 : memref<128xi32, #tpu.memory_space<hbm>>) target(%dma_start3A_395 : memref<128xi32, #tpu.memory_space<vmem>>) target_semaphore(%arg10 : memref<!tpu.dma_semaphore, #tpu.memory_space<semaphore_mem>>)
      %add3A_397 = arith.constant 14 : i32
      %add3A_398 = arith.addi %add3A_20, %add3A_397 : i32
      %mul3A_399 = arith.constant 128 : i32
      %mul3A_400 = arith.muli %add3A_398, %mul3A_399 : i32
      %dma_start3A_401 = arith.constant 14 : i32
      %dma_start3A_402 = arith.constant 0 : i32
      %dma_start3A_403 = tpu.memref_slice %arg8[%dma_start3A_401, %dma_start3A_402] : memref<16x128xf32, #tpu.memory_space<vmem>> -> memref<1x128xf32, #tpu.memory_space<vmem>>
      %dma_start3A_404 = tpu.memref_squeeze %dma_start3A_403 : memref<1x128xf32, #tpu.memory_space<vmem>> -> memref<128xf32, #tpu.memory_space<vmem>>
      %dma_start3A_405 = tpu.memref_slice %arg3[%mul3A_400] : memref<1638400xf32, #tpu.memory_space<hbm>> -> memref<128xf32, #tpu.memory_space<hbm>>
      %dma_start3A_406 = arith.constant 0 : i32
      %dma_start3A_407 = tpu.memref_slice %arg8[%dma_start3A_401, %dma_start3A_406] : memref<16x128xf32, #tpu.memory_space<vmem>> -> memref<1x128xf32, #tpu.memory_space<vmem>>
      %dma_start3A_408 = tpu.memref_squeeze %dma_start3A_407 : memref<1x128xf32, #tpu.memory_space<vmem>> -> memref<128xf32, #tpu.memory_space<vmem>>
      %dma_start3A_409 = tpu.memref_slice %arg3[%mul3A_400] : memref<1638400xf32, #tpu.memory_space<hbm>> -> memref<128xf32, #tpu.memory_space<hbm>>
      tpu.enqueue_dma source(%dma_start3A_409 : memref<128xf32, #tpu.memory_space<hbm>>) target(%dma_start3A_408 : memref<128xf32, #tpu.memory_space<vmem>>) target_semaphore(%arg10 : memref<!tpu.dma_semaphore, #tpu.memory_space<semaphore_mem>>)
      %add3A_410 = arith.constant 15 : i32
      %add3A_411 = arith.addi %add3A_20, %add3A_410 : i32
      %mul3A_412 = arith.constant 128 : i32
      %mul3A_413 = arith.muli %add3A_411, %mul3A_412 : i32
      %dma_start3A_414 = arith.constant 15 : i32
      %dma_start3A_415 = arith.constant 0 : i32
      %dma_start3A_416 = tpu.memref_slice %arg7[%dma_start3A_414, %dma_start3A_415] : memref<16x128xi32, #tpu.memory_space<vmem>> -> memref<1x128xi32, #tpu.memory_space<vmem>>
      %dma_start3A_417 = tpu.memref_squeeze %dma_start3A_416 : memref<1x128xi32, #tpu.memory_space<vmem>> -> memref<128xi32, #tpu.memory_space<vmem>>
      %dma_start3A_418 = tpu.memref_slice %arg2[%mul3A_413] : memref<1638400xi32, #tpu.memory_space<hbm>> -> memref<128xi32, #tpu.memory_space<hbm>>
      %dma_start3A_419 = arith.constant 0 : i32
      %dma_start3A_420 = tpu.memref_slice %arg7[%dma_start3A_414, %dma_start3A_419] : memref<16x128xi32, #tpu.memory_space<vmem>> -> memref<1x128xi32, #tpu.memory_space<vmem>>
      %dma_start3A_421 = tpu.memref_squeeze %dma_start3A_420 : memref<1x128xi32, #tpu.memory_space<vmem>> -> memref<128xi32, #tpu.memory_space<vmem>>
      %dma_start3A_422 = tpu.memref_slice %arg2[%mul3A_413] : memref<1638400xi32, #tpu.memory_space<hbm>> -> memref<128xi32, #tpu.memory_space<hbm>>
      tpu.enqueue_dma source(%dma_start3A_422 : memref<128xi32, #tpu.memory_space<hbm>>) target(%dma_start3A_421 : memref<128xi32, #tpu.memory_space<vmem>>) target_semaphore(%arg10 : memref<!tpu.dma_semaphore, #tpu.memory_space<semaphore_mem>>)
      %add3A_423 = arith.constant 15 : i32
      %add3A_424 = arith.addi %add3A_20, %add3A_423 : i32
      %mul3A_425 = arith.constant 128 : i32
      %mul3A_426 = arith.muli %add3A_424, %mul3A_425 : i32
      %dma_start3A_427 = arith.constant 15 : i32
      %dma_start3A_428 = arith.constant 0 : i32
      %dma_start3A_429 = tpu.memref_slice %arg8[%dma_start3A_427, %dma_start3A_428] : memref<16x128xf32, #tpu.memory_space<vmem>> -> memref<1x128xf32, #tpu.memory_space<vmem>>
      %dma_start3A_430 = tpu.memref_squeeze %dma_start3A_429 : memref<1x128xf32, #tpu.memory_space<vmem>> -> memref<128xf32, #tpu.memory_space<vmem>>
      %dma_start3A_431 = tpu.memref_slice %arg3[%mul3A_426] : memref<1638400xf32, #tpu.memory_space<hbm>> -> memref<128xf32, #tpu.memory_space<hbm>>
      %dma_start3A_432 = arith.constant 0 : i32
      %dma_start3A_433 = tpu.memref_slice %arg8[%dma_start3A_427, %dma_start3A_432] : memref<16x128xf32, #tpu.memory_space<vmem>> -> memref<1x128xf32, #tpu.memory_space<vmem>>
      %dma_start3A_434 = tpu.memref_squeeze %dma_start3A_433 : memref<1x128xf32, #tpu.memory_space<vmem>> -> memref<128xf32, #tpu.memory_space<vmem>>
      %dma_start3A_435 = tpu.memref_slice %arg3[%mul3A_426] : memref<1638400xf32, #tpu.memory_space<hbm>> -> memref<128xf32, #tpu.memory_space<hbm>>
      tpu.enqueue_dma source(%dma_start3A_435 : memref<128xf32, #tpu.memory_space<hbm>>) target(%dma_start3A_434 : memref<128xf32, #tpu.memory_space<vmem>>) target_semaphore(%arg10 : memref<!tpu.dma_semaphore, #tpu.memory_space<semaphore_mem>>)
      %dma_wait3A = arith.constant 0 : i32
      %dma_wait3A_436 = arith.constant 0 : i32
      %dma_wait3A_437 = tpu.memref_slice %arg7[%dma_wait3A, %dma_wait3A_436] : memref<16x128xi32, #tpu.memory_space<vmem>> -> memref<1x128xi32, #tpu.memory_space<vmem>>
      %dma_wait3A_438 = tpu.memref_squeeze %dma_wait3A_437 : memref<1x128xi32, #tpu.memory_space<vmem>> -> memref<128xi32, #tpu.memory_space<vmem>>
      %dma_wait3A_439 = tpu.memref_slice %arg2[%mul3A_24] : memref<1638400xi32, #tpu.memory_space<hbm>> -> memref<128xi32, #tpu.memory_space<hbm>>
      %dma_wait3A_440 = arith.constant 0 : i32
      %dma_wait3A_441 = tpu.memref_slice %arg7[%dma_wait3A, %dma_wait3A_440] : memref<16x128xi32, #tpu.memory_space<vmem>> -> memref<1x128xi32, #tpu.memory_space<vmem>>
      %dma_wait3A_442 = tpu.memref_squeeze %dma_wait3A_441 : memref<1x128xi32, #tpu.memory_space<vmem>> -> memref<128xi32, #tpu.memory_space<vmem>>
      %dma_wait3A_443 = tpu.memref_slice %arg2[%mul3A_24] : memref<1638400xi32, #tpu.memory_space<hbm>> -> memref<128xi32, #tpu.memory_space<hbm>>
      tpu.wait_dma2 semaphore(%arg10 : memref<!tpu.dma_semaphore, #tpu.memory_space<semaphore_mem>>) src(%dma_wait3A_443 : memref<128xi32, #tpu.memory_space<hbm>>) dst(%dma_wait3A_442 : memref<128xi32, #tpu.memory_space<vmem>>)
      %dma_wait3A_444 = arith.constant 0 : i32
      %dma_wait3A_445 = arith.constant 0 : i32
      %dma_wait3A_446 = tpu.memref_slice %arg8[%dma_wait3A_444, %dma_wait3A_445] : memref<16x128xf32, #tpu.memory_space<vmem>> -> memref<1x128xf32, #tpu.memory_space<vmem>>
      %dma_wait3A_447 = tpu.memref_squeeze %dma_wait3A_446 : memref<1x128xf32, #tpu.memory_space<vmem>> -> memref<128xf32, #tpu.memory_space<vmem>>
      %dma_wait3A_448 = tpu.memref_slice %arg3[%mul3A_36] : memref<1638400xf32, #tpu.memory_space<hbm>> -> memref<128xf32, #tpu.memory_space<hbm>>
      %dma_wait3A_449 = arith.constant 0 : i32
      %dma_wait3A_450 = tpu.memref_slice %arg8[%dma_wait3A_444, %dma_wait3A_449] : memref<16x128xf32, #tpu.memory_space<vmem>> -> memref<1x128xf32, #tpu.memory_space<vmem>>
      %dma_wait3A_451 = tpu.memref_squeeze %dma_wait3A_450 : memref<1x128xf32, #tpu.memory_space<vmem>> -> memref<128xf32, #tpu.memory_space<vmem>>
      %dma_wait3A_452 = tpu.memref_slice %arg3[%mul3A_36] : memref<1638400xf32, #tpu.memory_space<hbm>> -> memref<128xf32, #tpu.memory_space<hbm>>
      tpu.wait_dma2 semaphore(%arg10 : memref<!tpu.dma_semaphore, #tpu.memory_space<semaphore_mem>>) src(%dma_wait3A_452 : memref<128xf32, #tpu.memory_space<hbm>>) dst(%dma_wait3A_451 : memref<128xf32, #tpu.memory_space<vmem>>)
      %dma_wait3A_453 = arith.constant 1 : i32
      %dma_wait3A_454 = arith.constant 0 : i32
      %dma_wait3A_455 = tpu.memref_slice %arg7[%dma_wait3A_453, %dma_wait3A_454] : memref<16x128xi32, #tpu.memory_space<vmem>> -> memref<1x128xi32, #tpu.memory_space<vmem>>
      %dma_wait3A_456 = tpu.memref_squeeze %dma_wait3A_455 : memref<1x128xi32, #tpu.memory_space<vmem>> -> memref<128xi32, #tpu.memory_space<vmem>>
      %dma_wait3A_457 = tpu.memref_slice %arg2[%mul3A_49] : memref<1638400xi32, #tpu.memory_space<hbm>> -> memref<128xi32, #tpu.memory_space<hbm>>
      %dma_wait3A_458 = arith.constant 0 : i32
      %dma_wait3A_459 = tpu.memref_slice %arg7[%dma_wait3A_453, %dma_wait3A_458] : memref<16x128xi32, #tpu.memory_space<vmem>> -> memref<1x128xi32, #tpu.memory_space<vmem>>
      %dma_wait3A_460 = tpu.memref_squeeze %dma_wait3A_459 : memref<1x128xi32, #tpu.memory_space<vmem>> -> memref<128xi32, #tpu.memory_space<vmem>>
      %dma_wait3A_461 = tpu.memref_slice %arg2[%mul3A_49] : memref<1638400xi32, #tpu.memory_space<hbm>> -> memref<128xi32, #tpu.memory_space<hbm>>
      tpu.wait_dma2 semaphore(%arg10 : memref<!tpu.dma_semaphore, #tpu.memory_space<semaphore_mem>>) src(%dma_wait3A_461 : memref<128xi32, #tpu.memory_space<hbm>>) dst(%dma_wait3A_460 : memref<128xi32, #tpu.memory_space<vmem>>)
      %dma_wait3A_462 = arith.constant 1 : i32
      %dma_wait3A_463 = arith.constant 0 : i32
      %dma_wait3A_464 = tpu.memref_slice %arg8[%dma_wait3A_462, %dma_wait3A_463] : memref<16x128xf32, #tpu.memory_space<vmem>> -> memref<1x128xf32, #tpu.memory_space<vmem>>
      %dma_wait3A_465 = tpu.memref_squeeze %dma_wait3A_464 : memref<1x128xf32, #tpu.memory_space<vmem>> -> memref<128xf32, #tpu.memory_space<vmem>>
      %dma_wait3A_466 = tpu.memref_slice %arg3[%mul3A_62] : memref<1638400xf32, #tpu.memory_space<hbm>> -> memref<128xf32, #tpu.memory_space<hbm>>
      %dma_wait3A_467 = arith.constant 0 : i32
      %dma_wait3A_468 = tpu.memref_slice %arg8[%dma_wait3A_462, %dma_wait3A_467] : memref<16x128xf32, #tpu.memory_space<vmem>> -> memref<1x128xf32, #tpu.memory_space<vmem>>
      %dma_wait3A_469 = tpu.memref_squeeze %dma_wait3A_468 : memref<1x128xf32, #tpu.memory_space<vmem>> -> memref<128xf32, #tpu.memory_space<vmem>>
      %dma_wait3A_470 = tpu.memref_slice %arg3[%mul3A_62] : memref<1638400xf32, #tpu.memory_space<hbm>> -> memref<128xf32, #tpu.memory_space<hbm>>
      tpu.wait_dma2 semaphore(%arg10 : memref<!tpu.dma_semaphore, #tpu.memory_space<semaphore_mem>>) src(%dma_wait3A_470 : memref<128xf32, #tpu.memory_space<hbm>>) dst(%dma_wait3A_469 : memref<128xf32, #tpu.memory_space<vmem>>)
      %dma_wait3A_471 = arith.constant 2 : i32
      %dma_wait3A_472 = arith.constant 0 : i32
      %dma_wait3A_473 = tpu.memref_slice %arg7[%dma_wait3A_471, %dma_wait3A_472] : memref<16x128xi32, #tpu.memory_space<vmem>> -> memref<1x128xi32, #tpu.memory_space<vmem>>
      %dma_wait3A_474 = tpu.memref_squeeze %dma_wait3A_473 : memref<1x128xi32, #tpu.memory_space<vmem>> -> memref<128xi32, #tpu.memory_space<vmem>>
      %dma_wait3A_475 = tpu.memref_slice %arg2[%mul3A_75] : memref<1638400xi32, #tpu.memory_space<hbm>> -> memref<128xi32, #tpu.memory_space<hbm>>
      %dma_wait3A_476 = arith.constant 0 : i32
      %dma_wait3A_477 = tpu.memref_slice %arg7[%dma_wait3A_471, %dma_wait3A_476] : memref<16x128xi32, #tpu.memory_space<vmem>> -> memref<1x128xi32, #tpu.memory_space<vmem>>
      %dma_wait3A_478 = tpu.memref_squeeze %dma_wait3A_477 : memref<1x128xi32, #tpu.memory_space<vmem>> -> memref<128xi32, #tpu.memory_space<vmem>>
      %dma_wait3A_479 = tpu.memref_slice %arg2[%mul3A_75] : memref<1638400xi32, #tpu.memory_space<hbm>> -> memref<128xi32, #tpu.memory_space<hbm>>
      tpu.wait_dma2 semaphore(%arg10 : memref<!tpu.dma_semaphore, #tpu.memory_space<semaphore_mem>>) src(%dma_wait3A_479 : memref<128xi32, #tpu.memory_space<hbm>>) dst(%dma_wait3A_478 : memref<128xi32, #tpu.memory_space<vmem>>)
      %dma_wait3A_480 = arith.constant 2 : i32
      %dma_wait3A_481 = arith.constant 0 : i32
      %dma_wait3A_482 = tpu.memref_slice %arg8[%dma_wait3A_480, %dma_wait3A_481] : memref<16x128xf32, #tpu.memory_space<vmem>> -> memref<1x128xf32, #tpu.memory_space<vmem>>
      %dma_wait3A_483 = tpu.memref_squeeze %dma_wait3A_482 : memref<1x128xf32, #tpu.memory_space<vmem>> -> memref<128xf32, #tpu.memory_space<vmem>>
      %dma_wait3A_484 = tpu.memref_slice %arg3[%mul3A_88] : memref<1638400xf32, #tpu.memory_space<hbm>> -> memref<128xf32, #tpu.memory_space<hbm>>
      %dma_wait3A_485 = arith.constant 0 : i32
      %dma_wait3A_486 = tpu.memref_slice %arg8[%dma_wait3A_480, %dma_wait3A_485] : memref<16x128xf32, #tpu.memory_space<vmem>> -> memref<1x128xf32, #tpu.memory_space<vmem>>
      %dma_wait3A_487 = tpu.memref_squeeze %dma_wait3A_486 : memref<1x128xf32, #tpu.memory_space<vmem>> -> memref<128xf32, #tpu.memory_space<vmem>>
      %dma_wait3A_488 = tpu.memref_slice %arg3[%mul3A_88] : memref<1638400xf32, #tpu.memory_space<hbm>> -> memref<128xf32, #tpu.memory_space<hbm>>
      tpu.wait_dma2 semaphore(%arg10 : memref<!tpu.dma_semaphore, #tpu.memory_space<semaphore_mem>>) src(%dma_wait3A_488 : memref<128xf32, #tpu.memory_space<hbm>>) dst(%dma_wait3A_487 : memref<128xf32, #tpu.memory_space<vmem>>)
      %dma_wait3A_489 = arith.constant 3 : i32
      %dma_wait3A_490 = arith.constant 0 : i32
      %dma_wait3A_491 = tpu.memref_slice %arg7[%dma_wait3A_489, %dma_wait3A_490] : memref<16x128xi32, #tpu.memory_space<vmem>> -> memref<1x128xi32, #tpu.memory_space<vmem>>
      %dma_wait3A_492 = tpu.memref_squeeze %dma_wait3A_491 : memref<1x128xi32, #tpu.memory_space<vmem>> -> memref<128xi32, #tpu.memory_space<vmem>>
      %dma_wait3A_493 = tpu.memref_slice %arg2[%mul3A_101] : memref<1638400xi32, #tpu.memory_space<hbm>> -> memref<128xi32, #tpu.memory_space<hbm>>
      %dma_wait3A_494 = arith.constant 0 : i32
      %dma_wait3A_495 = tpu.memref_slice %arg7[%dma_wait3A_489, %dma_wait3A_494] : memref<16x128xi32, #tpu.memory_space<vmem>> -> memref<1x128xi32, #tpu.memory_space<vmem>>
      %dma_wait3A_496 = tpu.memref_squeeze %dma_wait3A_495 : memref<1x128xi32, #tpu.memory_space<vmem>> -> memref<128xi32, #tpu.memory_space<vmem>>
      %dma_wait3A_497 = tpu.memref_slice %arg2[%mul3A_101] : memref<1638400xi32, #tpu.memory_space<hbm>> -> memref<128xi32, #tpu.memory_space<hbm>>
      tpu.wait_dma2 semaphore(%arg10 : memref<!tpu.dma_semaphore, #tpu.memory_space<semaphore_mem>>) src(%dma_wait3A_497 : memref<128xi32, #tpu.memory_space<hbm>>) dst(%dma_wait3A_496 : memref<128xi32, #tpu.memory_space<vmem>>)
      %dma_wait3A_498 = arith.constant 3 : i32
      %dma_wait3A_499 = arith.constant 0 : i32
      %dma_wait3A_500 = tpu.memref_slice %arg8[%dma_wait3A_498, %dma_wait3A_499] : memref<16x128xf32, #tpu.memory_space<vmem>> -> memref<1x128xf32, #tpu.memory_space<vmem>>
      %dma_wait3A_501 = tpu.memref_squeeze %dma_wait3A_500 : memref<1x128xf32, #tpu.memory_space<vmem>> -> memref<128xf32, #tpu.memory_space<vmem>>
      %dma_wait3A_502 = tpu.memref_slice %arg3[%mul3A_114] : memref<1638400xf32, #tpu.memory_space<hbm>> -> memref<128xf32, #tpu.memory_space<hbm>>
      %dma_wait3A_503 = arith.constant 0 : i32
      %dma_wait3A_504 = tpu.memref_slice %arg8[%dma_wait3A_498, %dma_wait3A_503] : memref<16x128xf32, #tpu.memory_space<vmem>> -> memref<1x128xf32, #tpu.memory_space<vmem>>
      %dma_wait3A_505 = tpu.memref_squeeze %dma_wait3A_504 : memref<1x128xf32, #tpu.memory_space<vmem>> -> memref<128xf32, #tpu.memory_space<vmem>>
      %dma_wait3A_506 = tpu.memref_slice %arg3[%mul3A_114] : memref<1638400xf32, #tpu.memory_space<hbm>> -> memref<128xf32, #tpu.memory_space<hbm>>
      tpu.wait_dma2 semaphore(%arg10 : memref<!tpu.dma_semaphore, #tpu.memory_space<semaphore_mem>>) src(%dma_wait3A_506 : memref<128xf32, #tpu.memory_space<hbm>>) dst(%dma_wait3A_505 : memref<128xf32, #tpu.memory_space<vmem>>)
      %dma_wait3A_507 = arith.constant 4 : i32
      %dma_wait3A_508 = arith.constant 0 : i32
      %dma_wait3A_509 = tpu.memref_slice %arg7[%dma_wait3A_507, %dma_wait3A_508] : memref<16x128xi32, #tpu.memory_space<vmem>> -> memref<1x128xi32, #tpu.memory_space<vmem>>
      %dma_wait3A_510 = tpu.memref_squeeze %dma_wait3A_509 : memref<1x128xi32, #tpu.memory_space<vmem>> -> memref<128xi32, #tpu.memory_space<vmem>>
      %dma_wait3A_511 = tpu.memref_slice %arg2[%mul3A_127] : memref<1638400xi32, #tpu.memory_space<hbm>> -> memref<128xi32, #tpu.memory_space<hbm>>
      %dma_wait3A_512 = arith.constant 0 : i32
      %dma_wait3A_513 = tpu.memref_slice %arg7[%dma_wait3A_507, %dma_wait3A_512] : memref<16x128xi32, #tpu.memory_space<vmem>> -> memref<1x128xi32, #tpu.memory_space<vmem>>
      %dma_wait3A_514 = tpu.memref_squeeze %dma_wait3A_513 : memref<1x128xi32, #tpu.memory_space<vmem>> -> memref<128xi32, #tpu.memory_space<vmem>>
      %dma_wait3A_515 = tpu.memref_slice %arg2[%mul3A_127] : memref<1638400xi32, #tpu.memory_space<hbm>> -> memref<128xi32, #tpu.memory_space<hbm>>
      tpu.wait_dma2 semaphore(%arg10 : memref<!tpu.dma_semaphore, #tpu.memory_space<semaphore_mem>>) src(%dma_wait3A_515 : memref<128xi32, #tpu.memory_space<hbm>>) dst(%dma_wait3A_514 : memref<128xi32, #tpu.memory_space<vmem>>)
      %dma_wait3A_516 = arith.constant 4 : i32
      %dma_wait3A_517 = arith.constant 0 : i32
      %dma_wait3A_518 = tpu.memref_slice %arg8[%dma_wait3A_516, %dma_wait3A_517] : memref<16x128xf32, #tpu.memory_space<vmem>> -> memref<1x128xf32, #tpu.memory_space<vmem>>
      %dma_wait3A_519 = tpu.memref_squeeze %dma_wait3A_518 : memref<1x128xf32, #tpu.memory_space<vmem>> -> memref<128xf32, #tpu.memory_space<vmem>>
      %dma_wait3A_520 = tpu.memref_slice %arg3[%mul3A_140] : memref<1638400xf32, #tpu.memory_space<hbm>> -> memref<128xf32, #tpu.memory_space<hbm>>
      %dma_wait3A_521 = arith.constant 0 : i32
      %dma_wait3A_522 = tpu.memref_slice %arg8[%dma_wait3A_516, %dma_wait3A_521] : memref<16x128xf32, #tpu.memory_space<vmem>> -> memref<1x128xf32, #tpu.memory_space<vmem>>
      %dma_wait3A_523 = tpu.memref_squeeze %dma_wait3A_522 : memref<1x128xf32, #tpu.memory_space<vmem>> -> memref<128xf32, #tpu.memory_space<vmem>>
      %dma_wait3A_524 = tpu.memref_slice %arg3[%mul3A_140] : memref<1638400xf32, #tpu.memory_space<hbm>> -> memref<128xf32, #tpu.memory_space<hbm>>
      tpu.wait_dma2 semaphore(%arg10 : memref<!tpu.dma_semaphore, #tpu.memory_space<semaphore_mem>>) src(%dma_wait3A_524 : memref<128xf32, #tpu.memory_space<hbm>>) dst(%dma_wait3A_523 : memref<128xf32, #tpu.memory_space<vmem>>)
      %dma_wait3A_525 = arith.constant 5 : i32
      %dma_wait3A_526 = arith.constant 0 : i32
      %dma_wait3A_527 = tpu.memref_slice %arg7[%dma_wait3A_525, %dma_wait3A_526] : memref<16x128xi32, #tpu.memory_space<vmem>> -> memref<1x128xi32, #tpu.memory_space<vmem>>
      %dma_wait3A_528 = tpu.memref_squeeze %dma_wait3A_527 : memref<1x128xi32, #tpu.memory_space<vmem>> -> memref<128xi32, #tpu.memory_space<vmem>>
      %dma_wait3A_529 = tpu.memref_slice %arg2[%mul3A_153] : memref<1638400xi32, #tpu.memory_space<hbm>> -> memref<128xi32, #tpu.memory_space<hbm>>
      %dma_wait3A_530 = arith.constant 0 : i32
      %dma_wait3A_531 = tpu.memref_slice %arg7[%dma_wait3A_525, %dma_wait3A_530] : memref<16x128xi32, #tpu.memory_space<vmem>> -> memref<1x128xi32, #tpu.memory_space<vmem>>
      %dma_wait3A_532 = tpu.memref_squeeze %dma_wait3A_531 : memref<1x128xi32, #tpu.memory_space<vmem>> -> memref<128xi32, #tpu.memory_space<vmem>>
      %dma_wait3A_533 = tpu.memref_slice %arg2[%mul3A_153] : memref<1638400xi32, #tpu.memory_space<hbm>> -> memref<128xi32, #tpu.memory_space<hbm>>
      tpu.wait_dma2 semaphore(%arg10 : memref<!tpu.dma_semaphore, #tpu.memory_space<semaphore_mem>>) src(%dma_wait3A_533 : memref<128xi32, #tpu.memory_space<hbm>>) dst(%dma_wait3A_532 : memref<128xi32, #tpu.memory_space<vmem>>)
      %dma_wait3A_534 = arith.constant 5 : i32
      %dma_wait3A_535 = arith.constant 0 : i32
      %dma_wait3A_536 = tpu.memref_slice %arg8[%dma_wait3A_534, %dma_wait3A_535] : memref<16x128xf32, #tpu.memory_space<vmem>> -> memref<1x128xf32, #tpu.memory_space<vmem>>
      %dma_wait3A_537 = tpu.memref_squeeze %dma_wait3A_536 : memref<1x128xf32, #tpu.memory_space<vmem>> -> memref<128xf32, #tpu.memory_space<vmem>>
      %dma_wait3A_538 = tpu.memref_slice %arg3[%mul3A_166] : memref<1638400xf32, #tpu.memory_space<hbm>> -> memref<128xf32, #tpu.memory_space<hbm>>
      %dma_wait3A_539 = arith.constant 0 : i32
      %dma_wait3A_540 = tpu.memref_slice %arg8[%dma_wait3A_534, %dma_wait3A_539] : memref<16x128xf32, #tpu.memory_space<vmem>> -> memref<1x128xf32, #tpu.memory_space<vmem>>
      %dma_wait3A_541 = tpu.memref_squeeze %dma_wait3A_540 : memref<1x128xf32, #tpu.memory_space<vmem>> -> memref<128xf32, #tpu.memory_space<vmem>>
      %dma_wait3A_542 = tpu.memref_slice %arg3[%mul3A_166] : memref<1638400xf32, #tpu.memory_space<hbm>> -> memref<128xf32, #tpu.memory_space<hbm>>
      tpu.wait_dma2 semaphore(%arg10 : memref<!tpu.dma_semaphore, #tpu.memory_space<semaphore_mem>>) src(%dma_wait3A_542 : memref<128xf32, #tpu.memory_space<hbm>>) dst(%dma_wait3A_541 : memref<128xf32, #tpu.memory_space<vmem>>)
      %dma_wait3A_543 = arith.constant 6 : i32
      %dma_wait3A_544 = arith.constant 0 : i32
      %dma_wait3A_545 = tpu.memref_slice %arg7[%dma_wait3A_543, %dma_wait3A_544] : memref<16x128xi32, #tpu.memory_space<vmem>> -> memref<1x128xi32, #tpu.memory_space<vmem>>
      %dma_wait3A_546 = tpu.memref_squeeze %dma_wait3A_545 : memref<1x128xi32, #tpu.memory_space<vmem>> -> memref<128xi32, #tpu.memory_space<vmem>>
      %dma_wait3A_547 = tpu.memref_slice %arg2[%mul3A_179] : memref<1638400xi32, #tpu.memory_space<hbm>> -> memref<128xi32, #tpu.memory_space<hbm>>
      %dma_wait3A_548 = arith.constant 0 : i32
      %dma_wait3A_549 = tpu.memref_slice %arg7[%dma_wait3A_543, %dma_wait3A_548] : memref<16x128xi32, #tpu.memory_space<vmem>> -> memref<1x128xi32, #tpu.memory_space<vmem>>
      %dma_wait3A_550 = tpu.memref_squeeze %dma_wait3A_549 : memref<1x128xi32, #tpu.memory_space<vmem>> -> memref<128xi32, #tpu.memory_space<vmem>>
      %dma_wait3A_551 = tpu.memref_slice %arg2[%mul3A_179] : memref<1638400xi32, #tpu.memory_space<hbm>> -> memref<128xi32, #tpu.memory_space<hbm>>
      tpu.wait_dma2 semaphore(%arg10 : memref<!tpu.dma_semaphore, #tpu.memory_space<semaphore_mem>>) src(%dma_wait3A_551 : memref<128xi32, #tpu.memory_space<hbm>>) dst(%dma_wait3A_550 : memref<128xi32, #tpu.memory_space<vmem>>)
      %dma_wait3A_552 = arith.constant 6 : i32
      %dma_wait3A_553 = arith.constant 0 : i32
      %dma_wait3A_554 = tpu.memref_slice %arg8[%dma_wait3A_552, %dma_wait3A_553] : memref<16x128xf32, #tpu.memory_space<vmem>> -> memref<1x128xf32, #tpu.memory_space<vmem>>
      %dma_wait3A_555 = tpu.memref_squeeze %dma_wait3A_554 : memref<1x128xf32, #tpu.memory_space<vmem>> -> memref<128xf32, #tpu.memory_space<vmem>>
      %dma_wait3A_556 = tpu.memref_slice %arg3[%mul3A_192] : memref<1638400xf32, #tpu.memory_space<hbm>> -> memref<128xf32, #tpu.memory_space<hbm>>
      %dma_wait3A_557 = arith.constant 0 : i32
      %dma_wait3A_558 = tpu.memref_slice %arg8[%dma_wait3A_552, %dma_wait3A_557] : memref<16x128xf32, #tpu.memory_space<vmem>> -> memref<1x128xf32, #tpu.memory_space<vmem>>
      %dma_wait3A_559 = tpu.memref_squeeze %dma_wait3A_558 : memref<1x128xf32, #tpu.memory_space<vmem>> -> memref<128xf32, #tpu.memory_space<vmem>>
      %dma_wait3A_560 = tpu.memref_slice %arg3[%mul3A_192] : memref<1638400xf32, #tpu.memory_space<hbm>> -> memref<128xf32, #tpu.memory_space<hbm>>
      tpu.wait_dma2 semaphore(%arg10 : memref<!tpu.dma_semaphore, #tpu.memory_space<semaphore_mem>>) src(%dma_wait3A_560 : memref<128xf32, #tpu.memory_space<hbm>>) dst(%dma_wait3A_559 : memref<128xf32, #tpu.memory_space<vmem>>)
      %dma_wait3A_561 = arith.constant 7 : i32
      %dma_wait3A_562 = arith.constant 0 : i32
      %dma_wait3A_563 = tpu.memref_slice %arg7[%dma_wait3A_561, %dma_wait3A_562] : memref<16x128xi32, #tpu.memory_space<vmem>> -> memref<1x128xi32, #tpu.memory_space<vmem>>
      %dma_wait3A_564 = tpu.memref_squeeze %dma_wait3A_563 : memref<1x128xi32, #tpu.memory_space<vmem>> -> memref<128xi32, #tpu.memory_space<vmem>>
      %dma_wait3A_565 = tpu.memref_slice %arg2[%mul3A_205] : memref<1638400xi32, #tpu.memory_space<hbm>> -> memref<128xi32, #tpu.memory_space<hbm>>
      %dma_wait3A_566 = arith.constant 0 : i32
      %dma_wait3A_567 = tpu.memref_slice %arg7[%dma_wait3A_561, %dma_wait3A_566] : memref<16x128xi32, #tpu.memory_space<vmem>> -> memref<1x128xi32, #tpu.memory_space<vmem>>
      %dma_wait3A_568 = tpu.memref_squeeze %dma_wait3A_567 : memref<1x128xi32, #tpu.memory_space<vmem>> -> memref<128xi32, #tpu.memory_space<vmem>>
      %dma_wait3A_569 = tpu.memref_slice %arg2[%mul3A_205] : memref<1638400xi32, #tpu.memory_space<hbm>> -> memref<128xi32, #tpu.memory_space<hbm>>
      tpu.wait_dma2 semaphore(%arg10 : memref<!tpu.dma_semaphore, #tpu.memory_space<semaphore_mem>>) src(%dma_wait3A_569 : memref<128xi32, #tpu.memory_space<hbm>>) dst(%dma_wait3A_568 : memref<128xi32, #tpu.memory_space<vmem>>)
      %dma_wait3A_570 = arith.constant 7 : i32
      %dma_wait3A_571 = arith.constant 0 : i32
      %dma_wait3A_572 = tpu.memref_slice %arg8[%dma_wait3A_570, %dma_wait3A_571] : memref<16x128xf32, #tpu.memory_space<vmem>> -> memref<1x128xf32, #tpu.memory_space<vmem>>
      %dma_wait3A_573 = tpu.memref_squeeze %dma_wait3A_572 : memref<1x128xf32, #tpu.memory_space<vmem>> -> memref<128xf32, #tpu.memory_space<vmem>>
      %dma_wait3A_574 = tpu.memref_slice %arg3[%mul3A_218] : memref<1638400xf32, #tpu.memory_space<hbm>> -> memref<128xf32, #tpu.memory_space<hbm>>
      %dma_wait3A_575 = arith.constant 0 : i32
      %dma_wait3A_576 = tpu.memref_slice %arg8[%dma_wait3A_570, %dma_wait3A_575] : memref<16x128xf32, #tpu.memory_space<vmem>> -> memref<1x128xf32, #tpu.memory_space<vmem>>
      %dma_wait3A_577 = tpu.memref_squeeze %dma_wait3A_576 : memref<1x128xf32, #tpu.memory_space<vmem>> -> memref<128xf32, #tpu.memory_space<vmem>>
      %dma_wait3A_578 = tpu.memref_slice %arg3[%mul3A_218] : memref<1638400xf32, #tpu.memory_space<hbm>> -> memref<128xf32, #tpu.memory_space<hbm>>
      tpu.wait_dma2 semaphore(%arg10 : memref<!tpu.dma_semaphore, #tpu.memory_space<semaphore_mem>>) src(%dma_wait3A_578 : memref<128xf32, #tpu.memory_space<hbm>>) dst(%dma_wait3A_577 : memref<128xf32, #tpu.memory_space<vmem>>)
      %dma_wait3A_579 = arith.constant 8 : i32
      %dma_wait3A_580 = arith.constant 0 : i32
      %dma_wait3A_581 = tpu.memref_slice %arg7[%dma_wait3A_579, %dma_wait3A_580] : memref<16x128xi32, #tpu.memory_space<vmem>> -> memref<1x128xi32, #tpu.memory_space<vmem>>
      %dma_wait3A_582 = tpu.memref_squeeze %dma_wait3A_581 : memref<1x128xi32, #tpu.memory_space<vmem>> -> memref<128xi32, #tpu.memory_space<vmem>>
      %dma_wait3A_583 = tpu.memref_slice %arg2[%mul3A_231] : memref<1638400xi32, #tpu.memory_space<hbm>> -> memref<128xi32, #tpu.memory_space<hbm>>
      %dma_wait3A_584 = arith.constant 0 : i32
      %dma_wait3A_585 = tpu.memref_slice %arg7[%dma_wait3A_579, %dma_wait3A_584] : memref<16x128xi32, #tpu.memory_space<vmem>> -> memref<1x128xi32, #tpu.memory_space<vmem>>
      %dma_wait3A_586 = tpu.memref_squeeze %dma_wait3A_585 : memref<1x128xi32, #tpu.memory_space<vmem>> -> memref<128xi32, #tpu.memory_space<vmem>>
      %dma_wait3A_587 = tpu.memref_slice %arg2[%mul3A_231] : memref<1638400xi32, #tpu.memory_space<hbm>> -> memref<128xi32, #tpu.memory_space<hbm>>
      tpu.wait_dma2 semaphore(%arg10 : memref<!tpu.dma_semaphore, #tpu.memory_space<semaphore_mem>>) src(%dma_wait3A_587 : memref<128xi32, #tpu.memory_space<hbm>>) dst(%dma_wait3A_586 : memref<128xi32, #tpu.memory_space<vmem>>)
      %dma_wait3A_588 = arith.constant 8 : i32
      %dma_wait3A_589 = arith.constant 0 : i32
      %dma_wait3A_590 = tpu.memref_slice %arg8[%dma_wait3A_588, %dma_wait3A_589] : memref<16x128xf32, #tpu.memory_space<vmem>> -> memref<1x128xf32, #tpu.memory_space<vmem>>
      %dma_wait3A_591 = tpu.memref_squeeze %dma_wait3A_590 : memref<1x128xf32, #tpu.memory_space<vmem>> -> memref<128xf32, #tpu.memory_space<vmem>>
      %dma_wait3A_592 = tpu.memref_slice %arg3[%mul3A_244] : memref<1638400xf32, #tpu.memory_space<hbm>> -> memref<128xf32, #tpu.memory_space<hbm>>
      %dma_wait3A_593 = arith.constant 0 : i32
      %dma_wait3A_594 = tpu.memref_slice %arg8[%dma_wait3A_588, %dma_wait3A_593] : memref<16x128xf32, #tpu.memory_space<vmem>> -> memref<1x128xf32, #tpu.memory_space<vmem>>
      %dma_wait3A_595 = tpu.memref_squeeze %dma_wait3A_594 : memref<1x128xf32, #tpu.memory_space<vmem>> -> memref<128xf32, #tpu.memory_space<vmem>>
      %dma_wait3A_596 = tpu.memref_slice %arg3[%mul3A_244] : memref<1638400xf32, #tpu.memory_space<hbm>> -> memref<128xf32, #tpu.memory_space<hbm>>
      tpu.wait_dma2 semaphore(%arg10 : memref<!tpu.dma_semaphore, #tpu.memory_space<semaphore_mem>>) src(%dma_wait3A_596 : memref<128xf32, #tpu.memory_space<hbm>>) dst(%dma_wait3A_595 : memref<128xf32, #tpu.memory_space<vmem>>)
      %dma_wait3A_597 = arith.constant 9 : i32
      %dma_wait3A_598 = arith.constant 0 : i32
      %dma_wait3A_599 = tpu.memref_slice %arg7[%dma_wait3A_597, %dma_wait3A_598] : memref<16x128xi32, #tpu.memory_space<vmem>> -> memref<1x128xi32, #tpu.memory_space<vmem>>
      %dma_wait3A_600 = tpu.memref_squeeze %dma_wait3A_599 : memref<1x128xi32, #tpu.memory_space<vmem>> -> memref<128xi32, #tpu.memory_space<vmem>>
      %dma_wait3A_601 = tpu.memref_slice %arg2[%mul3A_257] : memref<1638400xi32, #tpu.memory_space<hbm>> -> memref<128xi32, #tpu.memory_space<hbm>>
      %dma_wait3A_602 = arith.constant 0 : i32
      %dma_wait3A_603 = tpu.memref_slice %arg7[%dma_wait3A_597, %dma_wait3A_602] : memref<16x128xi32, #tpu.memory_space<vmem>> -> memref<1x128xi32, #tpu.memory_space<vmem>>
      %dma_wait3A_604 = tpu.memref_squeeze %dma_wait3A_603 : memref<1x128xi32, #tpu.memory_space<vmem>> -> memref<128xi32, #tpu.memory_space<vmem>>
      %dma_wait3A_605 = tpu.memref_slice %arg2[%mul3A_257] : memref<1638400xi32, #tpu.memory_space<hbm>> -> memref<128xi32, #tpu.memory_space<hbm>>
      tpu.wait_dma2 semaphore(%arg10 : memref<!tpu.dma_semaphore, #tpu.memory_space<semaphore_mem>>) src(%dma_wait3A_605 : memref<128xi32, #tpu.memory_space<hbm>>) dst(%dma_wait3A_604 : memref<128xi32, #tpu.memory_space<vmem>>)
      %dma_wait3A_606 = arith.constant 9 : i32
      %dma_wait3A_607 = arith.constant 0 : i32
      %dma_wait3A_608 = tpu.memref_slice %arg8[%dma_wait3A_606, %dma_wait3A_607] : memref<16x128xf32, #tpu.memory_space<vmem>> -> memref<1x128xf32, #tpu.memory_space<vmem>>
      %dma_wait3A_609 = tpu.memref_squeeze %dma_wait3A_608 : memref<1x128xf32, #tpu.memory_space<vmem>> -> memref<128xf32, #tpu.memory_space<vmem>>
      %dma_wait3A_610 = tpu.memref_slice %arg3[%mul3A_270] : memref<1638400xf32, #tpu.memory_space<hbm>> -> memref<128xf32, #tpu.memory_space<hbm>>
      %dma_wait3A_611 = arith.constant 0 : i32
      %dma_wait3A_612 = tpu.memref_slice %arg8[%dma_wait3A_606, %dma_wait3A_611] : memref<16x128xf32, #tpu.memory_space<vmem>> -> memref<1x128xf32, #tpu.memory_space<vmem>>
      %dma_wait3A_613 = tpu.memref_squeeze %dma_wait3A_612 : memref<1x128xf32, #tpu.memory_space<vmem>> -> memref<128xf32, #tpu.memory_space<vmem>>
      %dma_wait3A_614 = tpu.memref_slice %arg3[%mul3A_270] : memref<1638400xf32, #tpu.memory_space<hbm>> -> memref<128xf32, #tpu.memory_space<hbm>>
      tpu.wait_dma2 semaphore(%arg10 : memref<!tpu.dma_semaphore, #tpu.memory_space<semaphore_mem>>) src(%dma_wait3A_614 : memref<128xf32, #tpu.memory_space<hbm>>) dst(%dma_wait3A_613 : memref<128xf32, #tpu.memory_space<vmem>>)
      %dma_wait3A_615 = arith.constant 10 : i32
      %dma_wait3A_616 = arith.constant 0 : i32
      %dma_wait3A_617 = tpu.memref_slice %arg7[%dma_wait3A_615, %dma_wait3A_616] : memref<16x128xi32, #tpu.memory_space<vmem>> -> memref<1x128xi32, #tpu.memory_space<vmem>>
      %dma_wait3A_618 = tpu.memref_squeeze %dma_wait3A_617 : memref<1x128xi32, #tpu.memory_space<vmem>> -> memref<128xi32, #tpu.memory_space<vmem>>
      %dma_wait3A_619 = tpu.memref_slice %arg2[%mul3A_283] : memref<1638400xi32, #tpu.memory_space<hbm>> -> memref<128xi32, #tpu.memory_space<hbm>>
      %dma_wait3A_620 = arith.constant 0 : i32
      %dma_wait3A_621 = tpu.memref_slice %arg7[%dma_wait3A_615, %dma_wait3A_620] : memref<16x128xi32, #tpu.memory_space<vmem>> -> memref<1x128xi32, #tpu.memory_space<vmem>>
      %dma_wait3A_622 = tpu.memref_squeeze %dma_wait3A_621 : memref<1x128xi32, #tpu.memory_space<vmem>> -> memref<128xi32, #tpu.memory_space<vmem>>
      %dma_wait3A_623 = tpu.memref_slice %arg2[%mul3A_283] : memref<1638400xi32, #tpu.memory_space<hbm>> -> memref<128xi32, #tpu.memory_space<hbm>>
      tpu.wait_dma2 semaphore(%arg10 : memref<!tpu.dma_semaphore, #tpu.memory_space<semaphore_mem>>) src(%dma_wait3A_623 : memref<128xi32, #tpu.memory_space<hbm>>) dst(%dma_wait3A_622 : memref<128xi32, #tpu.memory_space<vmem>>)
      %dma_wait3A_624 = arith.constant 10 : i32
      %dma_wait3A_625 = arith.constant 0 : i32
      %dma_wait3A_626 = tpu.memref_slice %arg8[%dma_wait3A_624, %dma_wait3A_625] : memref<16x128xf32, #tpu.memory_space<vmem>> -> memref<1x128xf32, #tpu.memory_space<vmem>>
      %dma_wait3A_627 = tpu.memref_squeeze %dma_wait3A_626 : memref<1x128xf32, #tpu.memory_space<vmem>> -> memref<128xf32, #tpu.memory_space<vmem>>
      %dma_wait3A_628 = tpu.memref_slice %arg3[%mul3A_296] : memref<1638400xf32, #tpu.memory_space<hbm>> -> memref<128xf32, #tpu.memory_space<hbm>>
      %dma_wait3A_629 = arith.constant 0 : i32
      %dma_wait3A_630 = tpu.memref_slice %arg8[%dma_wait3A_624, %dma_wait3A_629] : memref<16x128xf32, #tpu.memory_space<vmem>> -> memref<1x128xf32, #tpu.memory_space<vmem>>
      %dma_wait3A_631 = tpu.memref_squeeze %dma_wait3A_630 : memref<1x128xf32, #tpu.memory_space<vmem>> -> memref<128xf32, #tpu.memory_space<vmem>>
      %dma_wait3A_632 = tpu.memref_slice %arg3[%mul3A_296] : memref<1638400xf32, #tpu.memory_space<hbm>> -> memref<128xf32, #tpu.memory_space<hbm>>
      tpu.wait_dma2 semaphore(%arg10 : memref<!tpu.dma_semaphore, #tpu.memory_space<semaphore_mem>>) src(%dma_wait3A_632 : memref<128xf32, #tpu.memory_space<hbm>>) dst(%dma_wait3A_631 : memref<128xf32, #tpu.memory_space<vmem>>)
      %dma_wait3A_633 = arith.constant 11 : i32
      %dma_wait3A_634 = arith.constant 0 : i32
      %dma_wait3A_635 = tpu.memref_slice %arg7[%dma_wait3A_633, %dma_wait3A_634] : memref<16x128xi32, #tpu.memory_space<vmem>> -> memref<1x128xi32, #tpu.memory_space<vmem>>
      %dma_wait3A_636 = tpu.memref_squeeze %dma_wait3A_635 : memref<1x128xi32, #tpu.memory_space<vmem>> -> memref<128xi32, #tpu.memory_space<vmem>>
      %dma_wait3A_637 = tpu.memref_slice %arg2[%mul3A_309] : memref<1638400xi32, #tpu.memory_space<hbm>> -> memref<128xi32, #tpu.memory_space<hbm>>
      %dma_wait3A_638 = arith.constant 0 : i32
      %dma_wait3A_639 = tpu.memref_slice %arg7[%dma_wait3A_633, %dma_wait3A_638] : memref<16x128xi32, #tpu.memory_space<vmem>> -> memref<1x128xi32, #tpu.memory_space<vmem>>
      %dma_wait3A_640 = tpu.memref_squeeze %dma_wait3A_639 : memref<1x128xi32, #tpu.memory_space<vmem>> -> memref<128xi32, #tpu.memory_space<vmem>>
      %dma_wait3A_641 = tpu.memref_slice %arg2[%mul3A_309] : memref<1638400xi32, #tpu.memory_space<hbm>> -> memref<128xi32, #tpu.memory_space<hbm>>
      tpu.wait_dma2 semaphore(%arg10 : memref<!tpu.dma_semaphore, #tpu.memory_space<semaphore_mem>>) src(%dma_wait3A_641 : memref<128xi32, #tpu.memory_space<hbm>>) dst(%dma_wait3A_640 : memref<128xi32, #tpu.memory_space<vmem>>)
      %dma_wait3A_642 = arith.constant 11 : i32
      %dma_wait3A_643 = arith.constant 0 : i32
      %dma_wait3A_644 = tpu.memref_slice %arg8[%dma_wait3A_642, %dma_wait3A_643] : memref<16x128xf32, #tpu.memory_space<vmem>> -> memref<1x128xf32, #tpu.memory_space<vmem>>
      %dma_wait3A_645 = tpu.memref_squeeze %dma_wait3A_644 : memref<1x128xf32, #tpu.memory_space<vmem>> -> memref<128xf32, #tpu.memory_space<vmem>>
      %dma_wait3A_646 = tpu.memref_slice %arg3[%mul3A_322] : memref<1638400xf32, #tpu.memory_space<hbm>> -> memref<128xf32, #tpu.memory_space<hbm>>
      %dma_wait3A_647 = arith.constant 0 : i32
      %dma_wait3A_648 = tpu.memref_slice %arg8[%dma_wait3A_642, %dma_wait3A_647] : memref<16x128xf32, #tpu.memory_space<vmem>> -> memref<1x128xf32, #tpu.memory_space<vmem>>
      %dma_wait3A_649 = tpu.memref_squeeze %dma_wait3A_648 : memref<1x128xf32, #tpu.memory_space<vmem>> -> memref<128xf32, #tpu.memory_space<vmem>>
      %dma_wait3A_650 = tpu.memref_slice %arg3[%mul3A_322] : memref<1638400xf32, #tpu.memory_space<hbm>> -> memref<128xf32, #tpu.memory_space<hbm>>
      tpu.wait_dma2 semaphore(%arg10 : memref<!tpu.dma_semaphore, #tpu.memory_space<semaphore_mem>>) src(%dma_wait3A_650 : memref<128xf32, #tpu.memory_space<hbm>>) dst(%dma_wait3A_649 : memref<128xf32, #tpu.memory_space<vmem>>)
      %dma_wait3A_651 = arith.constant 12 : i32
      %dma_wait3A_652 = arith.constant 0 : i32
      %dma_wait3A_653 = tpu.memref_slice %arg7[%dma_wait3A_651, %dma_wait3A_652] : memref<16x128xi32, #tpu.memory_space<vmem>> -> memref<1x128xi32, #tpu.memory_space<vmem>>
      %dma_wait3A_654 = tpu.memref_squeeze %dma_wait3A_653 : memref<1x128xi32, #tpu.memory_space<vmem>> -> memref<128xi32, #tpu.memory_space<vmem>>
      %dma_wait3A_655 = tpu.memref_slice %arg2[%mul3A_335] : memref<1638400xi32, #tpu.memory_space<hbm>> -> memref<128xi32, #tpu.memory_space<hbm>>
      %dma_wait3A_656 = arith.constant 0 : i32
      %dma_wait3A_657 = tpu.memref_slice %arg7[%dma_wait3A_651, %dma_wait3A_656] : memref<16x128xi32, #tpu.memory_space<vmem>> -> memref<1x128xi32, #tpu.memory_space<vmem>>
      %dma_wait3A_658 = tpu.memref_squeeze %dma_wait3A_657 : memref<1x128xi32, #tpu.memory_space<vmem>> -> memref<128xi32, #tpu.memory_space<vmem>>
      %dma_wait3A_659 = tpu.memref_slice %arg2[%mul3A_335] : memref<1638400xi32, #tpu.memory_space<hbm>> -> memref<128xi32, #tpu.memory_space<hbm>>
      tpu.wait_dma2 semaphore(%arg10 : memref<!tpu.dma_semaphore, #tpu.memory_space<semaphore_mem>>) src(%dma_wait3A_659 : memref<128xi32, #tpu.memory_space<hbm>>) dst(%dma_wait3A_658 : memref<128xi32, #tpu.memory_space<vmem>>)
      %dma_wait3A_660 = arith.constant 12 : i32
      %dma_wait3A_661 = arith.constant 0 : i32
      %dma_wait3A_662 = tpu.memref_slice %arg8[%dma_wait3A_660, %dma_wait3A_661] : memref<16x128xf32, #tpu.memory_space<vmem>> -> memref<1x128xf32, #tpu.memory_space<vmem>>
      %dma_wait3A_663 = tpu.memref_squeeze %dma_wait3A_662 : memref<1x128xf32, #tpu.memory_space<vmem>> -> memref<128xf32, #tpu.memory_space<vmem>>
      %dma_wait3A_664 = tpu.memref_slice %arg3[%mul3A_348] : memref<1638400xf32, #tpu.memory_space<hbm>> -> memref<128xf32, #tpu.memory_space<hbm>>
      %dma_wait3A_665 = arith.constant 0 : i32
      %dma_wait3A_666 = tpu.memref_slice %arg8[%dma_wait3A_660, %dma_wait3A_665] : memref<16x128xf32, #tpu.memory_space<vmem>> -> memref<1x128xf32, #tpu.memory_space<vmem>>
      %dma_wait3A_667 = tpu.memref_squeeze %dma_wait3A_666 : memref<1x128xf32, #tpu.memory_space<vmem>> -> memref<128xf32, #tpu.memory_space<vmem>>
      %dma_wait3A_668 = tpu.memref_slice %arg3[%mul3A_348] : memref<1638400xf32, #tpu.memory_space<hbm>> -> memref<128xf32, #tpu.memory_space<hbm>>
      tpu.wait_dma2 semaphore(%arg10 : memref<!tpu.dma_semaphore, #tpu.memory_space<semaphore_mem>>) src(%dma_wait3A_668 : memref<128xf32, #tpu.memory_space<hbm>>) dst(%dma_wait3A_667 : memref<128xf32, #tpu.memory_space<vmem>>)
      %dma_wait3A_669 = arith.constant 13 : i32
      %dma_wait3A_670 = arith.constant 0 : i32
      %dma_wait3A_671 = tpu.memref_slice %arg7[%dma_wait3A_669, %dma_wait3A_670] : memref<16x128xi32, #tpu.memory_space<vmem>> -> memref<1x128xi32, #tpu.memory_space<vmem>>
      %dma_wait3A_672 = tpu.memref_squeeze %dma_wait3A_671 : memref<1x128xi32, #tpu.memory_space<vmem>> -> memref<128xi32, #tpu.memory_space<vmem>>
      %dma_wait3A_673 = tpu.memref_slice %arg2[%mul3A_361] : memref<1638400xi32, #tpu.memory_space<hbm>> -> memref<128xi32, #tpu.memory_space<hbm>>
      %dma_wait3A_674 = arith.constant 0 : i32
      %dma_wait3A_675 = tpu.memref_slice %arg7[%dma_wait3A_669, %dma_wait3A_674] : memref<16x128xi32, #tpu.memory_space<vmem>> -> memref<1x128xi32, #tpu.memory_space<vmem>>
      %dma_wait3A_676 = tpu.memref_squeeze %dma_wait3A_675 : memref<1x128xi32, #tpu.memory_space<vmem>> -> memref<128xi32, #tpu.memory_space<vmem>>
      %dma_wait3A_677 = tpu.memref_slice %arg2[%mul3A_361] : memref<1638400xi32, #tpu.memory_space<hbm>> -> memref<128xi32, #tpu.memory_space<hbm>>
      tpu.wait_dma2 semaphore(%arg10 : memref<!tpu.dma_semaphore, #tpu.memory_space<semaphore_mem>>) src(%dma_wait3A_677 : memref<128xi32, #tpu.memory_space<hbm>>) dst(%dma_wait3A_676 : memref<128xi32, #tpu.memory_space<vmem>>)
      %dma_wait3A_678 = arith.constant 13 : i32
      %dma_wait3A_679 = arith.constant 0 : i32
      %dma_wait3A_680 = tpu.memref_slice %arg8[%dma_wait3A_678, %dma_wait3A_679] : memref<16x128xf32, #tpu.memory_space<vmem>> -> memref<1x128xf32, #tpu.memory_space<vmem>>
      %dma_wait3A_681 = tpu.memref_squeeze %dma_wait3A_680 : memref<1x128xf32, #tpu.memory_space<vmem>> -> memref<128xf32, #tpu.memory_space<vmem>>
      %dma_wait3A_682 = tpu.memref_slice %arg3[%mul3A_374] : memref<1638400xf32, #tpu.memory_space<hbm>> -> memref<128xf32, #tpu.memory_space<hbm>>
      %dma_wait3A_683 = arith.constant 0 : i32
      %dma_wait3A_684 = tpu.memref_slice %arg8[%dma_wait3A_678, %dma_wait3A_683] : memref<16x128xf32, #tpu.memory_space<vmem>> -> memref<1x128xf32, #tpu.memory_space<vmem>>
      %dma_wait3A_685 = tpu.memref_squeeze %dma_wait3A_684 : memref<1x128xf32, #tpu.memory_space<vmem>> -> memref<128xf32, #tpu.memory_space<vmem>>
      %dma_wait3A_686 = tpu.memref_slice %arg3[%mul3A_374] : memref<1638400xf32, #tpu.memory_space<hbm>> -> memref<128xf32, #tpu.memory_space<hbm>>
      tpu.wait_dma2 semaphore(%arg10 : memref<!tpu.dma_semaphore, #tpu.memory_space<semaphore_mem>>) src(%dma_wait3A_686 : memref<128xf32, #tpu.memory_space<hbm>>) dst(%dma_wait3A_685 : memref<128xf32, #tpu.memory_space<vmem>>)
      %dma_wait3A_687 = arith.constant 14 : i32
      %dma_wait3A_688 = arith.constant 0 : i32
      %dma_wait3A_689 = tpu.memref_slice %arg7[%dma_wait3A_687, %dma_wait3A_688] : memref<16x128xi32, #tpu.memory_space<vmem>> -> memref<1x128xi32, #tpu.memory_space<vmem>>
      %dma_wait3A_690 = tpu.memref_squeeze %dma_wait3A_689 : memref<1x128xi32, #tpu.memory_space<vmem>> -> memref<128xi32, #tpu.memory_space<vmem>>
      %dma_wait3A_691 = tpu.memref_slice %arg2[%mul3A_387] : memref<1638400xi32, #tpu.memory_space<hbm>> -> memref<128xi32, #tpu.memory_space<hbm>>
      %dma_wait3A_692 = arith.constant 0 : i32
      %dma_wait3A_693 = tpu.memref_slice %arg7[%dma_wait3A_687, %dma_wait3A_692] : memref<16x128xi32, #tpu.memory_space<vmem>> -> memref<1x128xi32, #tpu.memory_space<vmem>>
      %dma_wait3A_694 = tpu.memref_squeeze %dma_wait3A_693 : memref<1x128xi32, #tpu.memory_space<vmem>> -> memref<128xi32, #tpu.memory_space<vmem>>
      %dma_wait3A_695 = tpu.memref_slice %arg2[%mul3A_387] : memref<1638400xi32, #tpu.memory_space<hbm>> -> memref<128xi32, #tpu.memory_space<hbm>>
      tpu.wait_dma2 semaphore(%arg10 : memref<!tpu.dma_semaphore, #tpu.memory_space<semaphore_mem>>) src(%dma_wait3A_695 : memref<128xi32, #tpu.memory_space<hbm>>) dst(%dma_wait3A_694 : memref<128xi32, #tpu.memory_space<vmem>>)
      %dma_wait3A_696 = arith.constant 14 : i32
      %dma_wait3A_697 = arith.constant 0 : i32
      %dma_wait3A_698 = tpu.memref_slice %arg8[%dma_wait3A_696, %dma_wait3A_697] : memref<16x128xf32, #tpu.memory_space<vmem>> -> memref<1x128xf32, #tpu.memory_space<vmem>>
      %dma_wait3A_699 = tpu.memref_squeeze %dma_wait3A_698 : memref<1x128xf32, #tpu.memory_space<vmem>> -> memref<128xf32, #tpu.memory_space<vmem>>
      %dma_wait3A_700 = tpu.memref_slice %arg3[%mul3A_400] : memref<1638400xf32, #tpu.memory_space<hbm>> -> memref<128xf32, #tpu.memory_space<hbm>>
      %dma_wait3A_701 = arith.constant 0 : i32
      %dma_wait3A_702 = tpu.memref_slice %arg8[%dma_wait3A_696, %dma_wait3A_701] : memref<16x128xf32, #tpu.memory_space<vmem>> -> memref<1x128xf32, #tpu.memory_space<vmem>>
      %dma_wait3A_703 = tpu.memref_squeeze %dma_wait3A_702 : memref<1x128xf32, #tpu.memory_space<vmem>> -> memref<128xf32, #tpu.memory_space<vmem>>
      %dma_wait3A_704 = tpu.memref_slice %arg3[%mul3A_400] : memref<1638400xf32, #tpu.memory_space<hbm>> -> memref<128xf32, #tpu.memory_space<hbm>>
      tpu.wait_dma2 semaphore(%arg10 : memref<!tpu.dma_semaphore, #tpu.memory_space<semaphore_mem>>) src(%dma_wait3A_704 : memref<128xf32, #tpu.memory_space<hbm>>) dst(%dma_wait3A_703 : memref<128xf32, #tpu.memory_space<vmem>>)
      %dma_wait3A_705 = arith.constant 15 : i32
      %dma_wait3A_706 = arith.constant 0 : i32
      %dma_wait3A_707 = tpu.memref_slice %arg7[%dma_wait3A_705, %dma_wait3A_706] : memref<16x128xi32, #tpu.memory_space<vmem>> -> memref<1x128xi32, #tpu.memory_space<vmem>>
      %dma_wait3A_708 = tpu.memref_squeeze %dma_wait3A_707 : memref<1x128xi32, #tpu.memory_space<vmem>> -> memref<128xi32, #tpu.memory_space<vmem>>
      %dma_wait3A_709 = tpu.memref_slice %arg2[%mul3A_413] : memref<1638400xi32, #tpu.memory_space<hbm>> -> memref<128xi32, #tpu.memory_space<hbm>>
      %dma_wait3A_710 = arith.constant 0 : i32
      %dma_wait3A_711 = tpu.memref_slice %arg7[%dma_wait3A_705, %dma_wait3A_710] : memref<16x128xi32, #tpu.memory_space<vmem>> -> memref<1x128xi32, #tpu.memory_space<vmem>>
      %dma_wait3A_712 = tpu.memref_squeeze %dma_wait3A_711 : memref<1x128xi32, #tpu.memory_space<vmem>> -> memref<128xi32, #tpu.memory_space<vmem>>
      %dma_wait3A_713 = tpu.memref_slice %arg2[%mul3A_413] : memref<1638400xi32, #tpu.memory_space<hbm>> -> memref<128xi32, #tpu.memory_space<hbm>>
      tpu.wait_dma2 semaphore(%arg10 : memref<!tpu.dma_semaphore, #tpu.memory_space<semaphore_mem>>) src(%dma_wait3A_713 : memref<128xi32, #tpu.memory_space<hbm>>) dst(%dma_wait3A_712 : memref<128xi32, #tpu.memory_space<vmem>>)
      %dma_wait3A_714 = arith.constant 15 : i32
      %dma_wait3A_715 = arith.constant 0 : i32
      %dma_wait3A_716 = tpu.memref_slice %arg8[%dma_wait3A_714, %dma_wait3A_715] : memref<16x128xf32, #tpu.memory_space<vmem>> -> memref<1x128xf32, #tpu.memory_space<vmem>>
      %dma_wait3A_717 = tpu.memref_squeeze %dma_wait3A_716 : memref<1x128xf32, #tpu.memory_space<vmem>> -> memref<128xf32, #tpu.memory_space<vmem>>
      %dma_wait3A_718 = tpu.memref_slice %arg3[%mul3A_426] : memref<1638400xf32, #tpu.memory_space<hbm>> -> memref<128xf32, #tpu.memory_space<hbm>>
      %dma_wait3A_719 = arith.constant 0 : i32
      %dma_wait3A_720 = tpu.memref_slice %arg8[%dma_wait3A_714, %dma_wait3A_719] : memref<16x128xf32, #tpu.memory_space<vmem>> -> memref<1x128xf32, #tpu.memory_space<vmem>>
      %dma_wait3A_721 = tpu.memref_squeeze %dma_wait3A_720 : memref<1x128xf32, #tpu.memory_space<vmem>> -> memref<128xf32, #tpu.memory_space<vmem>>
      %dma_wait3A_722 = tpu.memref_slice %arg3[%mul3A_426] : memref<1638400xf32, #tpu.memory_space<hbm>> -> memref<128xf32, #tpu.memory_space<hbm>>
      tpu.wait_dma2 semaphore(%arg10 : memref<!tpu.dma_semaphore, #tpu.memory_space<semaphore_mem>>) src(%dma_wait3A_722 : memref<128xf32, #tpu.memory_space<hbm>>) dst(%dma_wait3A_721 : memref<128xf32, #tpu.memory_space<vmem>>)
      %dma_start3A_723 = arith.constant 0 : i32
      %dma_start3A_724 = arith.constant 0 : i32
      %dma_start3A_725 = arith.constant 0 : i32
      %dma_start3A_726 = tpu.memref_slice %arg8[%dma_start3A_723, %dma_start3A_725] : memref<16x128xf32, #tpu.memory_space<vmem>> -> memref<1x128xf32, #tpu.memory_space<vmem>>
      %dma_start3A_727 = tpu.memref_squeeze %dma_start3A_726 : memref<1x128xf32, #tpu.memory_space<vmem>> -> memref<128xf32, #tpu.memory_space<vmem>>
      %dma_start3A_728 = arith.constant 0 : i32
      %dma_start3A_729 = tpu.memref_slice %arg7[%dma_start3A_724, %dma_start3A_728] : memref<16x128xi32, #tpu.memory_space<vmem>> -> memref<1x128xi32, #tpu.memory_space<vmem>>
      %dma_start3A_730 = tpu.memref_squeeze %dma_start3A_729 : memref<1x128xi32, #tpu.memory_space<vmem>> -> memref<128xi32, #tpu.memory_space<vmem>>
      %dma_start3A_731 = arith.constant 0 : i32
      %dma_start3A_732 = tpu.memref_slice %arg9[%dma_start3A_731] : memref<100096xf32, #tpu.memory_space<vmem_shared>> -> memref<100096xf32, #tpu.memory_space<vmem_shared>>
      tpu.enqueue_indirect_dma source(%dma_start3A_727 : memref<128xf32, #tpu.memory_space<vmem>>) target(%dma_start3A_732 : memref<100096xf32, #tpu.memory_space<vmem_shared>>) offsets(%dma_start3A_730 : memref<128xi32, #tpu.memory_space<vmem>>) semaphore(%arg11 : memref<!tpu.dma_semaphore, #tpu.memory_space<semaphore_mem>>) {add = true}
      %dma_start3A_733 = arith.constant 1 : i32
      %dma_start3A_734 = arith.constant 1 : i32
      %dma_start3A_735 = arith.constant 0 : i32
      %dma_start3A_736 = tpu.memref_slice %arg8[%dma_start3A_733, %dma_start3A_735] : memref<16x128xf32, #tpu.memory_space<vmem>> -> memref<1x128xf32, #tpu.memory_space<vmem>>
      %dma_start3A_737 = tpu.memref_squeeze %dma_start3A_736 : memref<1x128xf32, #tpu.memory_space<vmem>> -> memref<128xf32, #tpu.memory_space<vmem>>
      %dma_start3A_738 = arith.constant 0 : i32
      %dma_start3A_739 = tpu.memref_slice %arg7[%dma_start3A_734, %dma_start3A_738] : memref<16x128xi32, #tpu.memory_space<vmem>> -> memref<1x128xi32, #tpu.memory_space<vmem>>
      %dma_start3A_740 = tpu.memref_squeeze %dma_start3A_739 : memref<1x128xi32, #tpu.memory_space<vmem>> -> memref<128xi32, #tpu.memory_space<vmem>>
      %dma_start3A_741 = arith.constant 0 : i32
      %dma_start3A_742 = tpu.memref_slice %arg9[%dma_start3A_741] : memref<100096xf32, #tpu.memory_space<vmem_shared>> -> memref<100096xf32, #tpu.memory_space<vmem_shared>>
      tpu.enqueue_indirect_dma source(%dma_start3A_737 : memref<128xf32, #tpu.memory_space<vmem>>) target(%dma_start3A_742 : memref<100096xf32, #tpu.memory_space<vmem_shared>>) offsets(%dma_start3A_740 : memref<128xi32, #tpu.memory_space<vmem>>) semaphore(%arg11 : memref<!tpu.dma_semaphore, #tpu.memory_space<semaphore_mem>>) {add = true}
      %dma_start3A_743 = arith.constant 2 : i32
      %dma_start3A_744 = arith.constant 2 : i32
      %dma_start3A_745 = arith.constant 0 : i32
      %dma_start3A_746 = tpu.memref_slice %arg8[%dma_start3A_743, %dma_start3A_745] : memref<16x128xf32, #tpu.memory_space<vmem>> -> memref<1x128xf32, #tpu.memory_space<vmem>>
      %dma_start3A_747 = tpu.memref_squeeze %dma_start3A_746 : memref<1x128xf32, #tpu.memory_space<vmem>> -> memref<128xf32, #tpu.memory_space<vmem>>
      %dma_start3A_748 = arith.constant 0 : i32
      %dma_start3A_749 = tpu.memref_slice %arg7[%dma_start3A_744, %dma_start3A_748] : memref<16x128xi32, #tpu.memory_space<vmem>> -> memref<1x128xi32, #tpu.memory_space<vmem>>
      %dma_start3A_750 = tpu.memref_squeeze %dma_start3A_749 : memref<1x128xi32, #tpu.memory_space<vmem>> -> memref<128xi32, #tpu.memory_space<vmem>>
      %dma_start3A_751 = arith.constant 0 : i32
      %dma_start3A_752 = tpu.memref_slice %arg9[%dma_start3A_751] : memref<100096xf32, #tpu.memory_space<vmem_shared>> -> memref<100096xf32, #tpu.memory_space<vmem_shared>>
      tpu.enqueue_indirect_dma source(%dma_start3A_747 : memref<128xf32, #tpu.memory_space<vmem>>) target(%dma_start3A_752 : memref<100096xf32, #tpu.memory_space<vmem_shared>>) offsets(%dma_start3A_750 : memref<128xi32, #tpu.memory_space<vmem>>) semaphore(%arg11 : memref<!tpu.dma_semaphore, #tpu.memory_space<semaphore_mem>>) {add = true}
      %dma_start3A_753 = arith.constant 3 : i32
      %dma_start3A_754 = arith.constant 3 : i32
      %dma_start3A_755 = arith.constant 0 : i32
      %dma_start3A_756 = tpu.memref_slice %arg8[%dma_start3A_753, %dma_start3A_755] : memref<16x128xf32, #tpu.memory_space<vmem>> -> memref<1x128xf32, #tpu.memory_space<vmem>>
      %dma_start3A_757 = tpu.memref_squeeze %dma_start3A_756 : memref<1x128xf32, #tpu.memory_space<vmem>> -> memref<128xf32, #tpu.memory_space<vmem>>
      %dma_start3A_758 = arith.constant 0 : i32
      %dma_start3A_759 = tpu.memref_slice %arg7[%dma_start3A_754, %dma_start3A_758] : memref<16x128xi32, #tpu.memory_space<vmem>> -> memref<1x128xi32, #tpu.memory_space<vmem>>
      %dma_start3A_760 = tpu.memref_squeeze %dma_start3A_759 : memref<1x128xi32, #tpu.memory_space<vmem>> -> memref<128xi32, #tpu.memory_space<vmem>>
      %dma_start3A_761 = arith.constant 0 : i32
      %dma_start3A_762 = tpu.memref_slice %arg9[%dma_start3A_761] : memref<100096xf32, #tpu.memory_space<vmem_shared>> -> memref<100096xf32, #tpu.memory_space<vmem_shared>>
      tpu.enqueue_indirect_dma source(%dma_start3A_757 : memref<128xf32, #tpu.memory_space<vmem>>) target(%dma_start3A_762 : memref<100096xf32, #tpu.memory_space<vmem_shared>>) offsets(%dma_start3A_760 : memref<128xi32, #tpu.memory_space<vmem>>) semaphore(%arg11 : memref<!tpu.dma_semaphore, #tpu.memory_space<semaphore_mem>>) {add = true}
      %dma_start3A_763 = arith.constant 4 : i32
      %dma_start3A_764 = arith.constant 4 : i32
      %dma_start3A_765 = arith.constant 0 : i32
      %dma_start3A_766 = tpu.memref_slice %arg8[%dma_start3A_763, %dma_start3A_765] : memref<16x128xf32, #tpu.memory_space<vmem>> -> memref<1x128xf32, #tpu.memory_space<vmem>>
      %dma_start3A_767 = tpu.memref_squeeze %dma_start3A_766 : memref<1x128xf32, #tpu.memory_space<vmem>> -> memref<128xf32, #tpu.memory_space<vmem>>
      %dma_start3A_768 = arith.constant 0 : i32
      %dma_start3A_769 = tpu.memref_slice %arg7[%dma_start3A_764, %dma_start3A_768] : memref<16x128xi32, #tpu.memory_space<vmem>> -> memref<1x128xi32, #tpu.memory_space<vmem>>
      %dma_start3A_770 = tpu.memref_squeeze %dma_start3A_769 : memref<1x128xi32, #tpu.memory_space<vmem>> -> memref<128xi32, #tpu.memory_space<vmem>>
      %dma_start3A_771 = arith.constant 0 : i32
      %dma_start3A_772 = tpu.memref_slice %arg9[%dma_start3A_771] : memref<100096xf32, #tpu.memory_space<vmem_shared>> -> memref<100096xf32, #tpu.memory_space<vmem_shared>>
      tpu.enqueue_indirect_dma source(%dma_start3A_767 : memref<128xf32, #tpu.memory_space<vmem>>) target(%dma_start3A_772 : memref<100096xf32, #tpu.memory_space<vmem_shared>>) offsets(%dma_start3A_770 : memref<128xi32, #tpu.memory_space<vmem>>) semaphore(%arg11 : memref<!tpu.dma_semaphore, #tpu.memory_space<semaphore_mem>>) {add = true}
      %dma_start3A_773 = arith.constant 5 : i32
      %dma_start3A_774 = arith.constant 5 : i32
      %dma_start3A_775 = arith.constant 0 : i32
      %dma_start3A_776 = tpu.memref_slice %arg8[%dma_start3A_773, %dma_start3A_775] : memref<16x128xf32, #tpu.memory_space<vmem>> -> memref<1x128xf32, #tpu.memory_space<vmem>>
      %dma_start3A_777 = tpu.memref_squeeze %dma_start3A_776 : memref<1x128xf32, #tpu.memory_space<vmem>> -> memref<128xf32, #tpu.memory_space<vmem>>
      %dma_start3A_778 = arith.constant 0 : i32
      %dma_start3A_779 = tpu.memref_slice %arg7[%dma_start3A_774, %dma_start3A_778] : memref<16x128xi32, #tpu.memory_space<vmem>> -> memref<1x128xi32, #tpu.memory_space<vmem>>
      %dma_start3A_780 = tpu.memref_squeeze %dma_start3A_779 : memref<1x128xi32, #tpu.memory_space<vmem>> -> memref<128xi32, #tpu.memory_space<vmem>>
      %dma_start3A_781 = arith.constant 0 : i32
      %dma_start3A_782 = tpu.memref_slice %arg9[%dma_start3A_781] : memref<100096xf32, #tpu.memory_space<vmem_shared>> -> memref<100096xf32, #tpu.memory_space<vmem_shared>>
      tpu.enqueue_indirect_dma source(%dma_start3A_777 : memref<128xf32, #tpu.memory_space<vmem>>) target(%dma_start3A_782 : memref<100096xf32, #tpu.memory_space<vmem_shared>>) offsets(%dma_start3A_780 : memref<128xi32, #tpu.memory_space<vmem>>) semaphore(%arg11 : memref<!tpu.dma_semaphore, #tpu.memory_space<semaphore_mem>>) {add = true}
      %dma_start3A_783 = arith.constant 6 : i32
      %dma_start3A_784 = arith.constant 6 : i32
      %dma_start3A_785 = arith.constant 0 : i32
      %dma_start3A_786 = tpu.memref_slice %arg8[%dma_start3A_783, %dma_start3A_785] : memref<16x128xf32, #tpu.memory_space<vmem>> -> memref<1x128xf32, #tpu.memory_space<vmem>>
      %dma_start3A_787 = tpu.memref_squeeze %dma_start3A_786 : memref<1x128xf32, #tpu.memory_space<vmem>> -> memref<128xf32, #tpu.memory_space<vmem>>
      %dma_start3A_788 = arith.constant 0 : i32
      %dma_start3A_789 = tpu.memref_slice %arg7[%dma_start3A_784, %dma_start3A_788] : memref<16x128xi32, #tpu.memory_space<vmem>> -> memref<1x128xi32, #tpu.memory_space<vmem>>
      %dma_start3A_790 = tpu.memref_squeeze %dma_start3A_789 : memref<1x128xi32, #tpu.memory_space<vmem>> -> memref<128xi32, #tpu.memory_space<vmem>>
      %dma_start3A_791 = arith.constant 0 : i32
      %dma_start3A_792 = tpu.memref_slice %arg9[%dma_start3A_791] : memref<100096xf32, #tpu.memory_space<vmem_shared>> -> memref<100096xf32, #tpu.memory_space<vmem_shared>>
      tpu.enqueue_indirect_dma source(%dma_start3A_787 : memref<128xf32, #tpu.memory_space<vmem>>) target(%dma_start3A_792 : memref<100096xf32, #tpu.memory_space<vmem_shared>>) offsets(%dma_start3A_790 : memref<128xi32, #tpu.memory_space<vmem>>) semaphore(%arg11 : memref<!tpu.dma_semaphore, #tpu.memory_space<semaphore_mem>>) {add = true}
      %dma_start3A_793 = arith.constant 7 : i32
      %dma_start3A_794 = arith.constant 7 : i32
      %dma_start3A_795 = arith.constant 0 : i32
      %dma_start3A_796 = tpu.memref_slice %arg8[%dma_start3A_793, %dma_start3A_795] : memref<16x128xf32, #tpu.memory_space<vmem>> -> memref<1x128xf32, #tpu.memory_space<vmem>>
      %dma_start3A_797 = tpu.memref_squeeze %dma_start3A_796 : memref<1x128xf32, #tpu.memory_space<vmem>> -> memref<128xf32, #tpu.memory_space<vmem>>
      %dma_start3A_798 = arith.constant 0 : i32
      %dma_start3A_799 = tpu.memref_slice %arg7[%dma_start3A_794, %dma_start3A_798] : memref<16x128xi32, #tpu.memory_space<vmem>> -> memref<1x128xi32, #tpu.memory_space<vmem>>
      %dma_start3A_800 = tpu.memref_squeeze %dma_start3A_799 : memref<1x128xi32, #tpu.memory_space<vmem>> -> memref<128xi32, #tpu.memory_space<vmem>>
      %dma_start3A_801 = arith.constant 0 : i32
      %dma_start3A_802 = tpu.memref_slice %arg9[%dma_start3A_801] : memref<100096xf32, #tpu.memory_space<vmem_shared>> -> memref<100096xf32, #tpu.memory_space<vmem_shared>>
      tpu.enqueue_indirect_dma source(%dma_start3A_797 : memref<128xf32, #tpu.memory_space<vmem>>) target(%dma_start3A_802 : memref<100096xf32, #tpu.memory_space<vmem_shared>>) offsets(%dma_start3A_800 : memref<128xi32, #tpu.memory_space<vmem>>) semaphore(%arg11 : memref<!tpu.dma_semaphore, #tpu.memory_space<semaphore_mem>>) {add = true}
      %dma_start3A_803 = arith.constant 8 : i32
      %dma_start3A_804 = arith.constant 8 : i32
      %dma_start3A_805 = arith.constant 0 : i32
      %dma_start3A_806 = tpu.memref_slice %arg8[%dma_start3A_803, %dma_start3A_805] : memref<16x128xf32, #tpu.memory_space<vmem>> -> memref<1x128xf32, #tpu.memory_space<vmem>>
      %dma_start3A_807 = tpu.memref_squeeze %dma_start3A_806 : memref<1x128xf32, #tpu.memory_space<vmem>> -> memref<128xf32, #tpu.memory_space<vmem>>
      %dma_start3A_808 = arith.constant 0 : i32
      %dma_start3A_809 = tpu.memref_slice %arg7[%dma_start3A_804, %dma_start3A_808] : memref<16x128xi32, #tpu.memory_space<vmem>> -> memref<1x128xi32, #tpu.memory_space<vmem>>
      %dma_start3A_810 = tpu.memref_squeeze %dma_start3A_809 : memref<1x128xi32, #tpu.memory_space<vmem>> -> memref<128xi32, #tpu.memory_space<vmem>>
      %dma_start3A_811 = arith.constant 0 : i32
      %dma_start3A_812 = tpu.memref_slice %arg9[%dma_start3A_811] : memref<100096xf32, #tpu.memory_space<vmem_shared>> -> memref<100096xf32, #tpu.memory_space<vmem_shared>>
      tpu.enqueue_indirect_dma source(%dma_start3A_807 : memref<128xf32, #tpu.memory_space<vmem>>) target(%dma_start3A_812 : memref<100096xf32, #tpu.memory_space<vmem_shared>>) offsets(%dma_start3A_810 : memref<128xi32, #tpu.memory_space<vmem>>) semaphore(%arg11 : memref<!tpu.dma_semaphore, #tpu.memory_space<semaphore_mem>>) {add = true}
      %dma_start3A_813 = arith.constant 9 : i32
      %dma_start3A_814 = arith.constant 9 : i32
      %dma_start3A_815 = arith.constant 0 : i32
      %dma_start3A_816 = tpu.memref_slice %arg8[%dma_start3A_813, %dma_start3A_815] : memref<16x128xf32, #tpu.memory_space<vmem>> -> memref<1x128xf32, #tpu.memory_space<vmem>>
      %dma_start3A_817 = tpu.memref_squeeze %dma_start3A_816 : memref<1x128xf32, #tpu.memory_space<vmem>> -> memref<128xf32, #tpu.memory_space<vmem>>
      %dma_start3A_818 = arith.constant 0 : i32
      %dma_start3A_819 = tpu.memref_slice %arg7[%dma_start3A_814, %dma_start3A_818] : memref<16x128xi32, #tpu.memory_space<vmem>> -> memref<1x128xi32, #tpu.memory_space<vmem>>
      %dma_start3A_820 = tpu.memref_squeeze %dma_start3A_819 : memref<1x128xi32, #tpu.memory_space<vmem>> -> memref<128xi32, #tpu.memory_space<vmem>>
      %dma_start3A_821 = arith.constant 0 : i32
      %dma_start3A_822 = tpu.memref_slice %arg9[%dma_start3A_821] : memref<100096xf32, #tpu.memory_space<vmem_shared>> -> memref<100096xf32, #tpu.memory_space<vmem_shared>>
      tpu.enqueue_indirect_dma source(%dma_start3A_817 : memref<128xf32, #tpu.memory_space<vmem>>) target(%dma_start3A_822 : memref<100096xf32, #tpu.memory_space<vmem_shared>>) offsets(%dma_start3A_820 : memref<128xi32, #tpu.memory_space<vmem>>) semaphore(%arg11 : memref<!tpu.dma_semaphore, #tpu.memory_space<semaphore_mem>>) {add = true}
      %dma_start3A_823 = arith.constant 10 : i32
      %dma_start3A_824 = arith.constant 10 : i32
      %dma_start3A_825 = arith.constant 0 : i32
      %dma_start3A_826 = tpu.memref_slice %arg8[%dma_start3A_823, %dma_start3A_825] : memref<16x128xf32, #tpu.memory_space<vmem>> -> memref<1x128xf32, #tpu.memory_space<vmem>>
      %dma_start3A_827 = tpu.memref_squeeze %dma_start3A_826 : memref<1x128xf32, #tpu.memory_space<vmem>> -> memref<128xf32, #tpu.memory_space<vmem>>
      %dma_start3A_828 = arith.constant 0 : i32
      %dma_start3A_829 = tpu.memref_slice %arg7[%dma_start3A_824, %dma_start3A_828] : memref<16x128xi32, #tpu.memory_space<vmem>> -> memref<1x128xi32, #tpu.memory_space<vmem>>
      %dma_start3A_830 = tpu.memref_squeeze %dma_start3A_829 : memref<1x128xi32, #tpu.memory_space<vmem>> -> memref<128xi32, #tpu.memory_space<vmem>>
      %dma_start3A_831 = arith.constant 0 : i32
      %dma_start3A_832 = tpu.memref_slice %arg9[%dma_start3A_831] : memref<100096xf32, #tpu.memory_space<vmem_shared>> -> memref<100096xf32, #tpu.memory_space<vmem_shared>>
      tpu.enqueue_indirect_dma source(%dma_start3A_827 : memref<128xf32, #tpu.memory_space<vmem>>) target(%dma_start3A_832 : memref<100096xf32, #tpu.memory_space<vmem_shared>>) offsets(%dma_start3A_830 : memref<128xi32, #tpu.memory_space<vmem>>) semaphore(%arg11 : memref<!tpu.dma_semaphore, #tpu.memory_space<semaphore_mem>>) {add = true}
      %dma_start3A_833 = arith.constant 11 : i32
      %dma_start3A_834 = arith.constant 11 : i32
      %dma_start3A_835 = arith.constant 0 : i32
      %dma_start3A_836 = tpu.memref_slice %arg8[%dma_start3A_833, %dma_start3A_835] : memref<16x128xf32, #tpu.memory_space<vmem>> -> memref<1x128xf32, #tpu.memory_space<vmem>>
      %dma_start3A_837 = tpu.memref_squeeze %dma_start3A_836 : memref<1x128xf32, #tpu.memory_space<vmem>> -> memref<128xf32, #tpu.memory_space<vmem>>
      %dma_start3A_838 = arith.constant 0 : i32
      %dma_start3A_839 = tpu.memref_slice %arg7[%dma_start3A_834, %dma_start3A_838] : memref<16x128xi32, #tpu.memory_space<vmem>> -> memref<1x128xi32, #tpu.memory_space<vmem>>
      %dma_start3A_840 = tpu.memref_squeeze %dma_start3A_839 : memref<1x128xi32, #tpu.memory_space<vmem>> -> memref<128xi32, #tpu.memory_space<vmem>>
      %dma_start3A_841 = arith.constant 0 : i32
      %dma_start3A_842 = tpu.memref_slice %arg9[%dma_start3A_841] : memref<100096xf32, #tpu.memory_space<vmem_shared>> -> memref<100096xf32, #tpu.memory_space<vmem_shared>>
      tpu.enqueue_indirect_dma source(%dma_start3A_837 : memref<128xf32, #tpu.memory_space<vmem>>) target(%dma_start3A_842 : memref<100096xf32, #tpu.memory_space<vmem_shared>>) offsets(%dma_start3A_840 : memref<128xi32, #tpu.memory_space<vmem>>) semaphore(%arg11 : memref<!tpu.dma_semaphore, #tpu.memory_space<semaphore_mem>>) {add = true}
      %dma_start3A_843 = arith.constant 12 : i32
      %dma_start3A_844 = arith.constant 12 : i32
      %dma_start3A_845 = arith.constant 0 : i32
      %dma_start3A_846 = tpu.memref_slice %arg8[%dma_start3A_843, %dma_start3A_845] : memref<16x128xf32, #tpu.memory_space<vmem>> -> memref<1x128xf32, #tpu.memory_space<vmem>>
      %dma_start3A_847 = tpu.memref_squeeze %dma_start3A_846 : memref<1x128xf32, #tpu.memory_space<vmem>> -> memref<128xf32, #tpu.memory_space<vmem>>
      %dma_start3A_848 = arith.constant 0 : i32
      %dma_start3A_849 = tpu.memref_slice %arg7[%dma_start3A_844, %dma_start3A_848] : memref<16x128xi32, #tpu.memory_space<vmem>> -> memref<1x128xi32, #tpu.memory_space<vmem>>
      %dma_start3A_850 = tpu.memref_squeeze %dma_start3A_849 : memref<1x128xi32, #tpu.memory_space<vmem>> -> memref<128xi32, #tpu.memory_space<vmem>>
      %dma_start3A_851 = arith.constant 0 : i32
      %dma_start3A_852 = tpu.memref_slice %arg9[%dma_start3A_851] : memref<100096xf32, #tpu.memory_space<vmem_shared>> -> memref<100096xf32, #tpu.memory_space<vmem_shared>>
      tpu.enqueue_indirect_dma source(%dma_start3A_847 : memref<128xf32, #tpu.memory_space<vmem>>) target(%dma_start3A_852 : memref<100096xf32, #tpu.memory_space<vmem_shared>>) offsets(%dma_start3A_850 : memref<128xi32, #tpu.memory_space<vmem>>) semaphore(%arg11 : memref<!tpu.dma_semaphore, #tpu.memory_space<semaphore_mem>>) {add = true}
      %dma_start3A_853 = arith.constant 13 : i32
      %dma_start3A_854 = arith.constant 13 : i32
      %dma_start3A_855 = arith.constant 0 : i32
      %dma_start3A_856 = tpu.memref_slice %arg8[%dma_start3A_853, %dma_start3A_855] : memref<16x128xf32, #tpu.memory_space<vmem>> -> memref<1x128xf32, #tpu.memory_space<vmem>>
      %dma_start3A_857 = tpu.memref_squeeze %dma_start3A_856 : memref<1x128xf32, #tpu.memory_space<vmem>> -> memref<128xf32, #tpu.memory_space<vmem>>
      %dma_start3A_858 = arith.constant 0 : i32
      %dma_start3A_859 = tpu.memref_slice %arg7[%dma_start3A_854, %dma_start3A_858] : memref<16x128xi32, #tpu.memory_space<vmem>> -> memref<1x128xi32, #tpu.memory_space<vmem>>
      %dma_start3A_860 = tpu.memref_squeeze %dma_start3A_859 : memref<1x128xi32, #tpu.memory_space<vmem>> -> memref<128xi32, #tpu.memory_space<vmem>>
      %dma_start3A_861 = arith.constant 0 : i32
      %dma_start3A_862 = tpu.memref_slice %arg9[%dma_start3A_861] : memref<100096xf32, #tpu.memory_space<vmem_shared>> -> memref<100096xf32, #tpu.memory_space<vmem_shared>>
      tpu.enqueue_indirect_dma source(%dma_start3A_857 : memref<128xf32, #tpu.memory_space<vmem>>) target(%dma_start3A_862 : memref<100096xf32, #tpu.memory_space<vmem_shared>>) offsets(%dma_start3A_860 : memref<128xi32, #tpu.memory_space<vmem>>) semaphore(%arg11 : memref<!tpu.dma_semaphore, #tpu.memory_space<semaphore_mem>>) {add = true}
      %dma_start3A_863 = arith.constant 14 : i32
      %dma_start3A_864 = arith.constant 14 : i32
      %dma_start3A_865 = arith.constant 0 : i32
      %dma_start3A_866 = tpu.memref_slice %arg8[%dma_start3A_863, %dma_start3A_865] : memref<16x128xf32, #tpu.memory_space<vmem>> -> memref<1x128xf32, #tpu.memory_space<vmem>>
      %dma_start3A_867 = tpu.memref_squeeze %dma_start3A_866 : memref<1x128xf32, #tpu.memory_space<vmem>> -> memref<128xf32, #tpu.memory_space<vmem>>
      %dma_start3A_868 = arith.constant 0 : i32
      %dma_start3A_869 = tpu.memref_slice %arg7[%dma_start3A_864, %dma_start3A_868] : memref<16x128xi32, #tpu.memory_space<vmem>> -> memref<1x128xi32, #tpu.memory_space<vmem>>
      %dma_start3A_870 = tpu.memref_squeeze %dma_start3A_869 : memref<1x128xi32, #tpu.memory_space<vmem>> -> memref<128xi32, #tpu.memory_space<vmem>>
      %dma_start3A_871 = arith.constant 0 : i32
      %dma_start3A_872 = tpu.memref_slice %arg9[%dma_start3A_871] : memref<100096xf32, #tpu.memory_space<vmem_shared>> -> memref<100096xf32, #tpu.memory_space<vmem_shared>>
      tpu.enqueue_indirect_dma source(%dma_start3A_867 : memref<128xf32, #tpu.memory_space<vmem>>) target(%dma_start3A_872 : memref<100096xf32, #tpu.memory_space<vmem_shared>>) offsets(%dma_start3A_870 : memref<128xi32, #tpu.memory_space<vmem>>) semaphore(%arg11 : memref<!tpu.dma_semaphore, #tpu.memory_space<semaphore_mem>>) {add = true}
      %dma_start3A_873 = arith.constant 15 : i32
      %dma_start3A_874 = arith.constant 15 : i32
      %dma_start3A_875 = arith.constant 0 : i32
      %dma_start3A_876 = tpu.memref_slice %arg8[%dma_start3A_873, %dma_start3A_875] : memref<16x128xf32, #tpu.memory_space<vmem>> -> memref<1x128xf32, #tpu.memory_space<vmem>>
      %dma_start3A_877 = tpu.memref_squeeze %dma_start3A_876 : memref<1x128xf32, #tpu.memory_space<vmem>> -> memref<128xf32, #tpu.memory_space<vmem>>
      %dma_start3A_878 = arith.constant 0 : i32
      %dma_start3A_879 = tpu.memref_slice %arg7[%dma_start3A_874, %dma_start3A_878] : memref<16x128xi32, #tpu.memory_space<vmem>> -> memref<1x128xi32, #tpu.memory_space<vmem>>
      %dma_start3A_880 = tpu.memref_squeeze %dma_start3A_879 : memref<1x128xi32, #tpu.memory_space<vmem>> -> memref<128xi32, #tpu.memory_space<vmem>>
      %dma_start3A_881 = arith.constant 0 : i32
      %dma_start3A_882 = tpu.memref_slice %arg9[%dma_start3A_881] : memref<100096xf32, #tpu.memory_space<vmem_shared>> -> memref<100096xf32, #tpu.memory_space<vmem_shared>>
      tpu.enqueue_indirect_dma source(%dma_start3A_877 : memref<128xf32, #tpu.memory_space<vmem>>) target(%dma_start3A_882 : memref<100096xf32, #tpu.memory_space<vmem_shared>>) offsets(%dma_start3A_880 : memref<128xi32, #tpu.memory_space<vmem>>) semaphore(%arg11 : memref<!tpu.dma_semaphore, #tpu.memory_space<semaphore_mem>>) {add = true}
      %dma_wait3A_883 = arith.constant 0 : i32
      %dma_wait3A_884 = arith.constant 0 : i32
      %dma_wait3A_885 = arith.constant 0 : i32
      %dma_wait3A_886 = tpu.memref_slice %arg8[%dma_wait3A_883, %dma_wait3A_885] : memref<16x128xf32, #tpu.memory_space<vmem>> -> memref<1x128xf32, #tpu.memory_space<vmem>>
      %dma_wait3A_887 = tpu.memref_squeeze %dma_wait3A_886 : memref<1x128xf32, #tpu.memory_space<vmem>> -> memref<128xf32, #tpu.memory_space<vmem>>
      %dma_wait3A_888 = arith.constant 0 : i32
      %dma_wait3A_889 = tpu.memref_slice %arg7[%dma_wait3A_884, %dma_wait3A_888] : memref<16x128xi32, #tpu.memory_space<vmem>> -> memref<1x128xi32, #tpu.memory_space<vmem>>
      %dma_wait3A_890 = tpu.memref_squeeze %dma_wait3A_889 : memref<1x128xi32, #tpu.memory_space<vmem>> -> memref<128xi32, #tpu.memory_space<vmem>>
      %dma_wait3A_891 = arith.constant 0 : i32
      %dma_wait3A_892 = tpu.memref_slice %arg9[%dma_wait3A_891] : memref<100096xf32, #tpu.memory_space<vmem_shared>> -> memref<100096xf32, #tpu.memory_space<vmem_shared>>
      tpu.wait_indirect_dma semaphore(%arg11 : memref<!tpu.dma_semaphore, #tpu.memory_space<semaphore_mem>>) src(%dma_wait3A_887 : memref<128xf32, #tpu.memory_space<vmem>>) dst(%dma_wait3A_892 : memref<100096xf32, #tpu.memory_space<vmem_shared>>)
      %dma_wait3A_893 = arith.constant 1 : i32
      %dma_wait3A_894 = arith.constant 1 : i32
      %dma_wait3A_895 = arith.constant 0 : i32
      %dma_wait3A_896 = tpu.memref_slice %arg8[%dma_wait3A_893, %dma_wait3A_895] : memref<16x128xf32, #tpu.memory_space<vmem>> -> memref<1x128xf32, #tpu.memory_space<vmem>>
      %dma_wait3A_897 = tpu.memref_squeeze %dma_wait3A_896 : memref<1x128xf32, #tpu.memory_space<vmem>> -> memref<128xf32, #tpu.memory_space<vmem>>
      %dma_wait3A_898 = arith.constant 0 : i32
      %dma_wait3A_899 = tpu.memref_slice %arg7[%dma_wait3A_894, %dma_wait3A_898] : memref<16x128xi32, #tpu.memory_space<vmem>> -> memref<1x128xi32, #tpu.memory_space<vmem>>
      %dma_wait3A_900 = tpu.memref_squeeze %dma_wait3A_899 : memref<1x128xi32, #tpu.memory_space<vmem>> -> memref<128xi32, #tpu.memory_space<vmem>>
      %dma_wait3A_901 = arith.constant 0 : i32
      %dma_wait3A_902 = tpu.memref_slice %arg9[%dma_wait3A_901] : memref<100096xf32, #tpu.memory_space<vmem_shared>> -> memref<100096xf32, #tpu.memory_space<vmem_shared>>
      tpu.wait_indirect_dma semaphore(%arg11 : memref<!tpu.dma_semaphore, #tpu.memory_space<semaphore_mem>>) src(%dma_wait3A_897 : memref<128xf32, #tpu.memory_space<vmem>>) dst(%dma_wait3A_902 : memref<100096xf32, #tpu.memory_space<vmem_shared>>)
      %dma_wait3A_903 = arith.constant 2 : i32
      %dma_wait3A_904 = arith.constant 2 : i32
      %dma_wait3A_905 = arith.constant 0 : i32
      %dma_wait3A_906 = tpu.memref_slice %arg8[%dma_wait3A_903, %dma_wait3A_905] : memref<16x128xf32, #tpu.memory_space<vmem>> -> memref<1x128xf32, #tpu.memory_space<vmem>>
      %dma_wait3A_907 = tpu.memref_squeeze %dma_wait3A_906 : memref<1x128xf32, #tpu.memory_space<vmem>> -> memref<128xf32, #tpu.memory_space<vmem>>
      %dma_wait3A_908 = arith.constant 0 : i32
      %dma_wait3A_909 = tpu.memref_slice %arg7[%dma_wait3A_904, %dma_wait3A_908] : memref<16x128xi32, #tpu.memory_space<vmem>> -> memref<1x128xi32, #tpu.memory_space<vmem>>
      %dma_wait3A_910 = tpu.memref_squeeze %dma_wait3A_909 : memref<1x128xi32, #tpu.memory_space<vmem>> -> memref<128xi32, #tpu.memory_space<vmem>>
      %dma_wait3A_911 = arith.constant 0 : i32
      %dma_wait3A_912 = tpu.memref_slice %arg9[%dma_wait3A_911] : memref<100096xf32, #tpu.memory_space<vmem_shared>> -> memref<100096xf32, #tpu.memory_space<vmem_shared>>
      tpu.wait_indirect_dma semaphore(%arg11 : memref<!tpu.dma_semaphore, #tpu.memory_space<semaphore_mem>>) src(%dma_wait3A_907 : memref<128xf32, #tpu.memory_space<vmem>>) dst(%dma_wait3A_912 : memref<100096xf32, #tpu.memory_space<vmem_shared>>)
      %dma_wait3A_913 = arith.constant 3 : i32
      %dma_wait3A_914 = arith.constant 3 : i32
      %dma_wait3A_915 = arith.constant 0 : i32
      %dma_wait3A_916 = tpu.memref_slice %arg8[%dma_wait3A_913, %dma_wait3A_915] : memref<16x128xf32, #tpu.memory_space<vmem>> -> memref<1x128xf32, #tpu.memory_space<vmem>>
      %dma_wait3A_917 = tpu.memref_squeeze %dma_wait3A_916 : memref<1x128xf32, #tpu.memory_space<vmem>> -> memref<128xf32, #tpu.memory_space<vmem>>
      %dma_wait3A_918 = arith.constant 0 : i32
      %dma_wait3A_919 = tpu.memref_slice %arg7[%dma_wait3A_914, %dma_wait3A_918] : memref<16x128xi32, #tpu.memory_space<vmem>> -> memref<1x128xi32, #tpu.memory_space<vmem>>
      %dma_wait3A_920 = tpu.memref_squeeze %dma_wait3A_919 : memref<1x128xi32, #tpu.memory_space<vmem>> -> memref<128xi32, #tpu.memory_space<vmem>>
      %dma_wait3A_921 = arith.constant 0 : i32
      %dma_wait3A_922 = tpu.memref_slice %arg9[%dma_wait3A_921] : memref<100096xf32, #tpu.memory_space<vmem_shared>> -> memref<100096xf32, #tpu.memory_space<vmem_shared>>
      tpu.wait_indirect_dma semaphore(%arg11 : memref<!tpu.dma_semaphore, #tpu.memory_space<semaphore_mem>>) src(%dma_wait3A_917 : memref<128xf32, #tpu.memory_space<vmem>>) dst(%dma_wait3A_922 : memref<100096xf32, #tpu.memory_space<vmem_shared>>)
      %dma_wait3A_923 = arith.constant 4 : i32
      %dma_wait3A_924 = arith.constant 4 : i32
      %dma_wait3A_925 = arith.constant 0 : i32
      %dma_wait3A_926 = tpu.memref_slice %arg8[%dma_wait3A_923, %dma_wait3A_925] : memref<16x128xf32, #tpu.memory_space<vmem>> -> memref<1x128xf32, #tpu.memory_space<vmem>>
      %dma_wait3A_927 = tpu.memref_squeeze %dma_wait3A_926 : memref<1x128xf32, #tpu.memory_space<vmem>> -> memref<128xf32, #tpu.memory_space<vmem>>
      %dma_wait3A_928 = arith.constant 0 : i32
      %dma_wait3A_929 = tpu.memref_slice %arg7[%dma_wait3A_924, %dma_wait3A_928] : memref<16x128xi32, #tpu.memory_space<vmem>> -> memref<1x128xi32, #tpu.memory_space<vmem>>
      %dma_wait3A_930 = tpu.memref_squeeze %dma_wait3A_929 : memref<1x128xi32, #tpu.memory_space<vmem>> -> memref<128xi32, #tpu.memory_space<vmem>>
      %dma_wait3A_931 = arith.constant 0 : i32
      %dma_wait3A_932 = tpu.memref_slice %arg9[%dma_wait3A_931] : memref<100096xf32, #tpu.memory_space<vmem_shared>> -> memref<100096xf32, #tpu.memory_space<vmem_shared>>
      tpu.wait_indirect_dma semaphore(%arg11 : memref<!tpu.dma_semaphore, #tpu.memory_space<semaphore_mem>>) src(%dma_wait3A_927 : memref<128xf32, #tpu.memory_space<vmem>>) dst(%dma_wait3A_932 : memref<100096xf32, #tpu.memory_space<vmem_shared>>)
      %dma_wait3A_933 = arith.constant 5 : i32
      %dma_wait3A_934 = arith.constant 5 : i32
      %dma_wait3A_935 = arith.constant 0 : i32
      %dma_wait3A_936 = tpu.memref_slice %arg8[%dma_wait3A_933, %dma_wait3A_935] : memref<16x128xf32, #tpu.memory_space<vmem>> -> memref<1x128xf32, #tpu.memory_space<vmem>>
      %dma_wait3A_937 = tpu.memref_squeeze %dma_wait3A_936 : memref<1x128xf32, #tpu.memory_space<vmem>> -> memref<128xf32, #tpu.memory_space<vmem>>
      %dma_wait3A_938 = arith.constant 0 : i32
      %dma_wait3A_939 = tpu.memref_slice %arg7[%dma_wait3A_934, %dma_wait3A_938] : memref<16x128xi32, #tpu.memory_space<vmem>> -> memref<1x128xi32, #tpu.memory_space<vmem>>
      %dma_wait3A_940 = tpu.memref_squeeze %dma_wait3A_939 : memref<1x128xi32, #tpu.memory_space<vmem>> -> memref<128xi32, #tpu.memory_space<vmem>>
      %dma_wait3A_941 = arith.constant 0 : i32
      %dma_wait3A_942 = tpu.memref_slice %arg9[%dma_wait3A_941] : memref<100096xf32, #tpu.memory_space<vmem_shared>> -> memref<100096xf32, #tpu.memory_space<vmem_shared>>
      tpu.wait_indirect_dma semaphore(%arg11 : memref<!tpu.dma_semaphore, #tpu.memory_space<semaphore_mem>>) src(%dma_wait3A_937 : memref<128xf32, #tpu.memory_space<vmem>>) dst(%dma_wait3A_942 : memref<100096xf32, #tpu.memory_space<vmem_shared>>)
      %dma_wait3A_943 = arith.constant 6 : i32
      %dma_wait3A_944 = arith.constant 6 : i32
      %dma_wait3A_945 = arith.constant 0 : i32
      %dma_wait3A_946 = tpu.memref_slice %arg8[%dma_wait3A_943, %dma_wait3A_945] : memref<16x128xf32, #tpu.memory_space<vmem>> -> memref<1x128xf32, #tpu.memory_space<vmem>>
      %dma_wait3A_947 = tpu.memref_squeeze %dma_wait3A_946 : memref<1x128xf32, #tpu.memory_space<vmem>> -> memref<128xf32, #tpu.memory_space<vmem>>
      %dma_wait3A_948 = arith.constant 0 : i32
      %dma_wait3A_949 = tpu.memref_slice %arg7[%dma_wait3A_944, %dma_wait3A_948] : memref<16x128xi32, #tpu.memory_space<vmem>> -> memref<1x128xi32, #tpu.memory_space<vmem>>
      %dma_wait3A_950 = tpu.memref_squeeze %dma_wait3A_949 : memref<1x128xi32, #tpu.memory_space<vmem>> -> memref<128xi32, #tpu.memory_space<vmem>>
      %dma_wait3A_951 = arith.constant 0 : i32
      %dma_wait3A_952 = tpu.memref_slice %arg9[%dma_wait3A_951] : memref<100096xf32, #tpu.memory_space<vmem_shared>> -> memref<100096xf32, #tpu.memory_space<vmem_shared>>
      tpu.wait_indirect_dma semaphore(%arg11 : memref<!tpu.dma_semaphore, #tpu.memory_space<semaphore_mem>>) src(%dma_wait3A_947 : memref<128xf32, #tpu.memory_space<vmem>>) dst(%dma_wait3A_952 : memref<100096xf32, #tpu.memory_space<vmem_shared>>)
      %dma_wait3A_953 = arith.constant 7 : i32
      %dma_wait3A_954 = arith.constant 7 : i32
      %dma_wait3A_955 = arith.constant 0 : i32
      %dma_wait3A_956 = tpu.memref_slice %arg8[%dma_wait3A_953, %dma_wait3A_955] : memref<16x128xf32, #tpu.memory_space<vmem>> -> memref<1x128xf32, #tpu.memory_space<vmem>>
      %dma_wait3A_957 = tpu.memref_squeeze %dma_wait3A_956 : memref<1x128xf32, #tpu.memory_space<vmem>> -> memref<128xf32, #tpu.memory_space<vmem>>
      %dma_wait3A_958 = arith.constant 0 : i32
      %dma_wait3A_959 = tpu.memref_slice %arg7[%dma_wait3A_954, %dma_wait3A_958] : memref<16x128xi32, #tpu.memory_space<vmem>> -> memref<1x128xi32, #tpu.memory_space<vmem>>
      %dma_wait3A_960 = tpu.memref_squeeze %dma_wait3A_959 : memref<1x128xi32, #tpu.memory_space<vmem>> -> memref<128xi32, #tpu.memory_space<vmem>>
      %dma_wait3A_961 = arith.constant 0 : i32
      %dma_wait3A_962 = tpu.memref_slice %arg9[%dma_wait3A_961] : memref<100096xf32, #tpu.memory_space<vmem_shared>> -> memref<100096xf32, #tpu.memory_space<vmem_shared>>
      tpu.wait_indirect_dma semaphore(%arg11 : memref<!tpu.dma_semaphore, #tpu.memory_space<semaphore_mem>>) src(%dma_wait3A_957 : memref<128xf32, #tpu.memory_space<vmem>>) dst(%dma_wait3A_962 : memref<100096xf32, #tpu.memory_space<vmem_shared>>)
      %dma_wait3A_963 = arith.constant 8 : i32
      %dma_wait3A_964 = arith.constant 8 : i32
      %dma_wait3A_965 = arith.constant 0 : i32
      %dma_wait3A_966 = tpu.memref_slice %arg8[%dma_wait3A_963, %dma_wait3A_965] : memref<16x128xf32, #tpu.memory_space<vmem>> -> memref<1x128xf32, #tpu.memory_space<vmem>>
      %dma_wait3A_967 = tpu.memref_squeeze %dma_wait3A_966 : memref<1x128xf32, #tpu.memory_space<vmem>> -> memref<128xf32, #tpu.memory_space<vmem>>
      %dma_wait3A_968 = arith.constant 0 : i32
      %dma_wait3A_969 = tpu.memref_slice %arg7[%dma_wait3A_964, %dma_wait3A_968] : memref<16x128xi32, #tpu.memory_space<vmem>> -> memref<1x128xi32, #tpu.memory_space<vmem>>
      %dma_wait3A_970 = tpu.memref_squeeze %dma_wait3A_969 : memref<1x128xi32, #tpu.memory_space<vmem>> -> memref<128xi32, #tpu.memory_space<vmem>>
      %dma_wait3A_971 = arith.constant 0 : i32
      %dma_wait3A_972 = tpu.memref_slice %arg9[%dma_wait3A_971] : memref<100096xf32, #tpu.memory_space<vmem_shared>> -> memref<100096xf32, #tpu.memory_space<vmem_shared>>
      tpu.wait_indirect_dma semaphore(%arg11 : memref<!tpu.dma_semaphore, #tpu.memory_space<semaphore_mem>>) src(%dma_wait3A_967 : memref<128xf32, #tpu.memory_space<vmem>>) dst(%dma_wait3A_972 : memref<100096xf32, #tpu.memory_space<vmem_shared>>)
      %dma_wait3A_973 = arith.constant 9 : i32
      %dma_wait3A_974 = arith.constant 9 : i32
      %dma_wait3A_975 = arith.constant 0 : i32
      %dma_wait3A_976 = tpu.memref_slice %arg8[%dma_wait3A_973, %dma_wait3A_975] : memref<16x128xf32, #tpu.memory_space<vmem>> -> memref<1x128xf32, #tpu.memory_space<vmem>>
      %dma_wait3A_977 = tpu.memref_squeeze %dma_wait3A_976 : memref<1x128xf32, #tpu.memory_space<vmem>> -> memref<128xf32, #tpu.memory_space<vmem>>
      %dma_wait3A_978 = arith.constant 0 : i32
      %dma_wait3A_979 = tpu.memref_slice %arg7[%dma_wait3A_974, %dma_wait3A_978] : memref<16x128xi32, #tpu.memory_space<vmem>> -> memref<1x128xi32, #tpu.memory_space<vmem>>
      %dma_wait3A_980 = tpu.memref_squeeze %dma_wait3A_979 : memref<1x128xi32, #tpu.memory_space<vmem>> -> memref<128xi32, #tpu.memory_space<vmem>>
      %dma_wait3A_981 = arith.constant 0 : i32
      %dma_wait3A_982 = tpu.memref_slice %arg9[%dma_wait3A_981] : memref<100096xf32, #tpu.memory_space<vmem_shared>> -> memref<100096xf32, #tpu.memory_space<vmem_shared>>
      tpu.wait_indirect_dma semaphore(%arg11 : memref<!tpu.dma_semaphore, #tpu.memory_space<semaphore_mem>>) src(%dma_wait3A_977 : memref<128xf32, #tpu.memory_space<vmem>>) dst(%dma_wait3A_982 : memref<100096xf32, #tpu.memory_space<vmem_shared>>)
      %dma_wait3A_983 = arith.constant 10 : i32
      %dma_wait3A_984 = arith.constant 10 : i32
      %dma_wait3A_985 = arith.constant 0 : i32
      %dma_wait3A_986 = tpu.memref_slice %arg8[%dma_wait3A_983, %dma_wait3A_985] : memref<16x128xf32, #tpu.memory_space<vmem>> -> memref<1x128xf32, #tpu.memory_space<vmem>>
      %dma_wait3A_987 = tpu.memref_squeeze %dma_wait3A_986 : memref<1x128xf32, #tpu.memory_space<vmem>> -> memref<128xf32, #tpu.memory_space<vmem>>
      %dma_wait3A_988 = arith.constant 0 : i32
      %dma_wait3A_989 = tpu.memref_slice %arg7[%dma_wait3A_984, %dma_wait3A_988] : memref<16x128xi32, #tpu.memory_space<vmem>> -> memref<1x128xi32, #tpu.memory_space<vmem>>
      %dma_wait3A_990 = tpu.memref_squeeze %dma_wait3A_989 : memref<1x128xi32, #tpu.memory_space<vmem>> -> memref<128xi32, #tpu.memory_space<vmem>>
      %dma_wait3A_991 = arith.constant 0 : i32
      %dma_wait3A_992 = tpu.memref_slice %arg9[%dma_wait3A_991] : memref<100096xf32, #tpu.memory_space<vmem_shared>> -> memref<100096xf32, #tpu.memory_space<vmem_shared>>
      tpu.wait_indirect_dma semaphore(%arg11 : memref<!tpu.dma_semaphore, #tpu.memory_space<semaphore_mem>>) src(%dma_wait3A_987 : memref<128xf32, #tpu.memory_space<vmem>>) dst(%dma_wait3A_992 : memref<100096xf32, #tpu.memory_space<vmem_shared>>)
      %dma_wait3A_993 = arith.constant 11 : i32
      %dma_wait3A_994 = arith.constant 11 : i32
      %dma_wait3A_995 = arith.constant 0 : i32
      %dma_wait3A_996 = tpu.memref_slice %arg8[%dma_wait3A_993, %dma_wait3A_995] : memref<16x128xf32, #tpu.memory_space<vmem>> -> memref<1x128xf32, #tpu.memory_space<vmem>>
      %dma_wait3A_997 = tpu.memref_squeeze %dma_wait3A_996 : memref<1x128xf32, #tpu.memory_space<vmem>> -> memref<128xf32, #tpu.memory_space<vmem>>
      %dma_wait3A_998 = arith.constant 0 : i32
      %dma_wait3A_999 = tpu.memref_slice %arg7[%dma_wait3A_994, %dma_wait3A_998] : memref<16x128xi32, #tpu.memory_space<vmem>> -> memref<1x128xi32, #tpu.memory_space<vmem>>
      %dma_wait3A_1000 = tpu.memref_squeeze %dma_wait3A_999 : memref<1x128xi32, #tpu.memory_space<vmem>> -> memref<128xi32, #tpu.memory_space<vmem>>
      %dma_wait3A_1001 = arith.constant 0 : i32
      %dma_wait3A_1002 = tpu.memref_slice %arg9[%dma_wait3A_1001] : memref<100096xf32, #tpu.memory_space<vmem_shared>> -> memref<100096xf32, #tpu.memory_space<vmem_shared>>
      tpu.wait_indirect_dma semaphore(%arg11 : memref<!tpu.dma_semaphore, #tpu.memory_space<semaphore_mem>>) src(%dma_wait3A_997 : memref<128xf32, #tpu.memory_space<vmem>>) dst(%dma_wait3A_1002 : memref<100096xf32, #tpu.memory_space<vmem_shared>>)
      %dma_wait3A_1003 = arith.constant 12 : i32
      %dma_wait3A_1004 = arith.constant 12 : i32
      %dma_wait3A_1005 = arith.constant 0 : i32
      %dma_wait3A_1006 = tpu.memref_slice %arg8[%dma_wait3A_1003, %dma_wait3A_1005] : memref<16x128xf32, #tpu.memory_space<vmem>> -> memref<1x128xf32, #tpu.memory_space<vmem>>
      %dma_wait3A_1007 = tpu.memref_squeeze %dma_wait3A_1006 : memref<1x128xf32, #tpu.memory_space<vmem>> -> memref<128xf32, #tpu.memory_space<vmem>>
      %dma_wait3A_1008 = arith.constant 0 : i32
      %dma_wait3A_1009 = tpu.memref_slice %arg7[%dma_wait3A_1004, %dma_wait3A_1008] : memref<16x128xi32, #tpu.memory_space<vmem>> -> memref<1x128xi32, #tpu.memory_space<vmem>>
      %dma_wait3A_1010 = tpu.memref_squeeze %dma_wait3A_1009 : memref<1x128xi32, #tpu.memory_space<vmem>> -> memref<128xi32, #tpu.memory_space<vmem>>
      %dma_wait3A_1011 = arith.constant 0 : i32
      %dma_wait3A_1012 = tpu.memref_slice %arg9[%dma_wait3A_1011] : memref<100096xf32, #tpu.memory_space<vmem_shared>> -> memref<100096xf32, #tpu.memory_space<vmem_shared>>
      tpu.wait_indirect_dma semaphore(%arg11 : memref<!tpu.dma_semaphore, #tpu.memory_space<semaphore_mem>>) src(%dma_wait3A_1007 : memref<128xf32, #tpu.memory_space<vmem>>) dst(%dma_wait3A_1012 : memref<100096xf32, #tpu.memory_space<vmem_shared>>)
      %dma_wait3A_1013 = arith.constant 13 : i32
      %dma_wait3A_1014 = arith.constant 13 : i32
      %dma_wait3A_1015 = arith.constant 0 : i32
      %dma_wait3A_1016 = tpu.memref_slice %arg8[%dma_wait3A_1013, %dma_wait3A_1015] : memref<16x128xf32, #tpu.memory_space<vmem>> -> memref<1x128xf32, #tpu.memory_space<vmem>>
      %dma_wait3A_1017 = tpu.memref_squeeze %dma_wait3A_1016 : memref<1x128xf32, #tpu.memory_space<vmem>> -> memref<128xf32, #tpu.memory_space<vmem>>
      %dma_wait3A_1018 = arith.constant 0 : i32
      %dma_wait3A_1019 = tpu.memref_slice %arg7[%dma_wait3A_1014, %dma_wait3A_1018] : memref<16x128xi32, #tpu.memory_space<vmem>> -> memref<1x128xi32, #tpu.memory_space<vmem>>
      %dma_wait3A_1020 = tpu.memref_squeeze %dma_wait3A_1019 : memref<1x128xi32, #tpu.memory_space<vmem>> -> memref<128xi32, #tpu.memory_space<vmem>>
      %dma_wait3A_1021 = arith.constant 0 : i32
      %dma_wait3A_1022 = tpu.memref_slice %arg9[%dma_wait3A_1021] : memref<100096xf32, #tpu.memory_space<vmem_shared>> -> memref<100096xf32, #tpu.memory_space<vmem_shared>>
      tpu.wait_indirect_dma semaphore(%arg11 : memref<!tpu.dma_semaphore, #tpu.memory_space<semaphore_mem>>) src(%dma_wait3A_1017 : memref<128xf32, #tpu.memory_space<vmem>>) dst(%dma_wait3A_1022 : memref<100096xf32, #tpu.memory_space<vmem_shared>>)
      %dma_wait3A_1023 = arith.constant 14 : i32
      %dma_wait3A_1024 = arith.constant 14 : i32
      %dma_wait3A_1025 = arith.constant 0 : i32
      %dma_wait3A_1026 = tpu.memref_slice %arg8[%dma_wait3A_1023, %dma_wait3A_1025] : memref<16x128xf32, #tpu.memory_space<vmem>> -> memref<1x128xf32, #tpu.memory_space<vmem>>
      %dma_wait3A_1027 = tpu.memref_squeeze %dma_wait3A_1026 : memref<1x128xf32, #tpu.memory_space<vmem>> -> memref<128xf32, #tpu.memory_space<vmem>>
      %dma_wait3A_1028 = arith.constant 0 : i32
      %dma_wait3A_1029 = tpu.memref_slice %arg7[%dma_wait3A_1024, %dma_wait3A_1028] : memref<16x128xi32, #tpu.memory_space<vmem>> -> memref<1x128xi32, #tpu.memory_space<vmem>>
      %dma_wait3A_1030 = tpu.memref_squeeze %dma_wait3A_1029 : memref<1x128xi32, #tpu.memory_space<vmem>> -> memref<128xi32, #tpu.memory_space<vmem>>
      %dma_wait3A_1031 = arith.constant 0 : i32
      %dma_wait3A_1032 = tpu.memref_slice %arg9[%dma_wait3A_1031] : memref<100096xf32, #tpu.memory_space<vmem_shared>> -> memref<100096xf32, #tpu.memory_space<vmem_shared>>
      tpu.wait_indirect_dma semaphore(%arg11 : memref<!tpu.dma_semaphore, #tpu.memory_space<semaphore_mem>>) src(%dma_wait3A_1027 : memref<128xf32, #tpu.memory_space<vmem>>) dst(%dma_wait3A_1032 : memref<100096xf32, #tpu.memory_space<vmem_shared>>)
      %dma_wait3A_1033 = arith.constant 15 : i32
      %dma_wait3A_1034 = arith.constant 15 : i32
      %dma_wait3A_1035 = arith.constant 0 : i32
      %dma_wait3A_1036 = tpu.memref_slice %arg8[%dma_wait3A_1033, %dma_wait3A_1035] : memref<16x128xf32, #tpu.memory_space<vmem>> -> memref<1x128xf32, #tpu.memory_space<vmem>>
      %dma_wait3A_1037 = tpu.memref_squeeze %dma_wait3A_1036 : memref<1x128xf32, #tpu.memory_space<vmem>> -> memref<128xf32, #tpu.memory_space<vmem>>
      %dma_wait3A_1038 = arith.constant 0 : i32
      %dma_wait3A_1039 = tpu.memref_slice %arg7[%dma_wait3A_1034, %dma_wait3A_1038] : memref<16x128xi32, #tpu.memory_space<vmem>> -> memref<1x128xi32, #tpu.memory_space<vmem>>
      %dma_wait3A_1040 = tpu.memref_squeeze %dma_wait3A_1039 : memref<1x128xi32, #tpu.memory_space<vmem>> -> memref<128xi32, #tpu.memory_space<vmem>>
      %dma_wait3A_1041 = arith.constant 0 : i32
      %dma_wait3A_1042 = tpu.memref_slice %arg9[%dma_wait3A_1041] : memref<100096xf32, #tpu.memory_space<vmem_shared>> -> memref<100096xf32, #tpu.memory_space<vmem_shared>>
      tpu.wait_indirect_dma semaphore(%arg11 : memref<!tpu.dma_semaphore, #tpu.memory_space<semaphore_mem>>) src(%dma_wait3A_1037 : memref<128xf32, #tpu.memory_space<vmem>>) dst(%dma_wait3A_1042 : memref<100096xf32, #tpu.memory_space<vmem_shared>>)
    }
    %scan3A_8 = arith.constant 25 : i32
    %barrier3A_9 = arith.constant 0 : index
    tpu.barrier barrier_id(%barrier3A_9)
    %eq3A = arith.constant 0 : i32
    %eq3A_10 = arith.cmpi eq, %arg0, %eq3A : i32
    %convert_element_type3A = arith.extui %eq3A_10 : i1 to i32
    %cond3A = arith.constant 0 : i32
    %cond3A_11 = arith.cmpi ne, %convert_element_type3A, %cond3A : i32
    scf.if %cond3A_11 {
      %mul3A_17 = arith.constant 6256 : i32
      %mul3A_18 = arith.muli %arg1, %mul3A_17 : i32
      %mul3A_19 = arith.constant 6256 : i32
      %mul3A_20 = arith.muli %arg1, %mul3A_19 : i32
      "tpu.region"() ({
        %run_scoped3A = tpu.sem_alloc : memref<!tpu.dma_semaphore, #tpu.memory_space<semaphore_mem>>
        %dma_start3A = tpu.memref_slice %arg5[%mul3A_20] : memref<100096xf32, #tpu.memory_space<hbm>> -> memref<6256xf32, #tpu.memory_space<hbm>>
        %dma_start3A_21 = tpu.memref_slice %arg9[%mul3A_18] : memref<100096xf32, #tpu.memory_space<vmem_shared>> -> memref<6256xf32, #tpu.memory_space<vmem_shared>>
        tpu.enqueue_dma source(%dma_start3A_21 : memref<6256xf32, #tpu.memory_space<vmem_shared>>) target(%dma_start3A : memref<6256xf32, #tpu.memory_space<hbm>>) target_semaphore(%run_scoped3A : memref<!tpu.dma_semaphore, #tpu.memory_space<semaphore_mem>>)
        %dma_wait3A = tpu.memref_slice %arg5[%mul3A_20] : memref<100096xf32, #tpu.memory_space<hbm>> -> memref<6256xf32, #tpu.memory_space<hbm>>
        %dma_wait3A_22 = tpu.memref_slice %arg9[%mul3A_18] : memref<100096xf32, #tpu.memory_space<vmem_shared>> -> memref<6256xf32, #tpu.memory_space<vmem_shared>>
        tpu.wait_dma2 semaphore(%run_scoped3A : memref<!tpu.dma_semaphore, #tpu.memory_space<semaphore_mem>>) src(%dma_wait3A_22 : memref<6256xf32, #tpu.memory_space<vmem_shared>>) dst(%dma_wait3A : memref<6256xf32, #tpu.memory_space<hbm>>)
        tpu.yield
      }) : () -> ()
    } else {
    }
    %eq3A_12 = arith.constant 1 : i32
    %eq3A_13 = arith.cmpi eq, %arg0, %eq3A_12 : i32
    %convert_element_type3A_14 = arith.extui %eq3A_13 : i1 to i32
    %cond3A_15 = arith.constant 0 : i32
    %cond3A_16 = arith.cmpi ne, %convert_element_type3A_14, %cond3A_15 : i32
    scf.if %cond3A_16 {
      %mul3A_17 = arith.constant 6256 : i32
      %mul3A_18 = arith.muli %arg1, %mul3A_17 : i32
      %mul3A_19 = arith.constant 6256 : i32
      %mul3A_20 = arith.muli %arg1, %mul3A_19 : i32
      "tpu.region"() ({
        %run_scoped3A = tpu.sem_alloc : memref<!tpu.dma_semaphore, #tpu.memory_space<semaphore_mem>>
        %dma_start3A = tpu.memref_slice %arg6[%mul3A_20] : memref<100096xf32, #tpu.memory_space<hbm>> -> memref<6256xf32, #tpu.memory_space<hbm>>
        %dma_start3A_21 = tpu.memref_slice %arg9[%mul3A_18] : memref<100096xf32, #tpu.memory_space<vmem_shared>> -> memref<6256xf32, #tpu.memory_space<vmem_shared>>
        tpu.enqueue_dma source(%dma_start3A_21 : memref<6256xf32, #tpu.memory_space<vmem_shared>>) target(%dma_start3A : memref<6256xf32, #tpu.memory_space<hbm>>) target_semaphore(%run_scoped3A : memref<!tpu.dma_semaphore, #tpu.memory_space<semaphore_mem>>)
        %dma_wait3A = tpu.memref_slice %arg6[%mul3A_20] : memref<100096xf32, #tpu.memory_space<hbm>> -> memref<6256xf32, #tpu.memory_space<hbm>>
        %dma_wait3A_22 = tpu.memref_slice %arg9[%mul3A_18] : memref<100096xf32, #tpu.memory_space<vmem_shared>> -> memref<6256xf32, #tpu.memory_space<vmem_shared>>
        tpu.wait_dma2 semaphore(%run_scoped3A : memref<!tpu.dma_semaphore, #tpu.memory_space<semaphore_mem>>) src(%dma_wait3A_22 : memref<6256xf32, #tpu.memory_space<vmem_shared>>) dst(%dma_wait3A : memref<6256xf32, #tpu.memory_space<hbm>>)
        tpu.yield
      }) : () -> ()
    } else {
    }
    return
  }
}

#map = affine_map<(d0, d1) -> (0)>
#map1 = affine_map<(d0, d1) -> (0, 0)>
module attributes {stable_mosaic.version = 14 : i64} {
  func.func @agg_kernel(%arg0: i32, %arg1: i32, %arg2: memref<1638400xi32, #tpu.memory_space<hbm>>, %arg3: memref<1638400xi32, #tpu.memory_space<hbm>>, %arg4: memref<1638400xf32, #tpu.memory_space<hbm>>, %arg5: memref<100096x16xf32, #tpu.memory_space<hbm>>, %arg6: memref<6256x16xf32, #tpu.memory_space<hbm>>, %arg7: memref<100096x16xf32, #tpu.memory_space<hbm>>, %arg8: memref<100096x16xf32, #tpu.memory_space<hbm>>, %arg9: memref<8x128xi32, #tpu.memory_space<vmem>>, %arg10: memref<8x128xi32, #tpu.memory_space<vmem>>, %arg11: memref<8x128xf32, #tpu.memory_space<vmem>>, %arg12: memref<1024x16xf32, #tpu.memory_space<vmem>>, %arg13: memref<100096x16xf32, #tpu.memory_space<vmem_shared>>, %arg14: memref<!tpu.dma_semaphore, #tpu.memory_space<semaphore_mem>>, %arg15: memref<!tpu.dma_semaphore, #tpu.memory_space<semaphore_mem>>, %arg16: memref<!tpu.dma_semaphore, #tpu.memory_space<semaphore_mem>>) attributes {dimension_semantics = [#tpu.dimension_semantics<core_parallel>, #tpu.dimension_semantics<subcore_parallel>], iteration_bounds = array<i64: 2, 16>, scalar_prefetch = 0 : i64, scratch_operands = 8 : i64, tpu.core_type = #tpu.core_type<sc_vector_subcore>, window_params = [{transform_indices = #map}, {transform_indices = #map}, {transform_indices = #map}, {transform_indices = #map1}, {transform_indices = #map1}, {transform_indices = #map1}, {transform_indices = #map1}]} {
    %mul3A = arith.constant 16 : i32
    %mul3A_0 = arith.muli %arg0, %mul3A : i32
    %add3A = arith.addi %mul3A_0, %arg1 : i32
    %mul3A_1 = arith.constant 400 : i32
    %mul3A_2 = arith.muli %add3A, %mul3A_1 : i32
    %mul3A_3 = arith.constant 6256 : i32
    %mul3A_4 = arith.muli %arg1, %mul3A_3 : i32
    "tpu.region"() ({
      %run_scoped3A = tpu.sem_alloc : memref<!tpu.dma_semaphore, #tpu.memory_space<semaphore_mem>>
      %dma_start3A = arith.constant 0 : i32
      %dma_start3A_17 = tpu.memref_slice %arg13[%mul3A_4, %dma_start3A] : memref<100096x16xf32, #tpu.memory_space<vmem_shared>> -> memref<6256x16xf32, #tpu.memory_space<vmem_shared>>
      tpu.enqueue_dma source(%arg6 : memref<6256x16xf32, #tpu.memory_space<hbm>>) target(%dma_start3A_17 : memref<6256x16xf32, #tpu.memory_space<vmem_shared>>) target_semaphore(%run_scoped3A : memref<!tpu.dma_semaphore, #tpu.memory_space<semaphore_mem>>)
      %dma_wait3A = arith.constant 0 : i32
      %dma_wait3A_18 = tpu.memref_slice %arg13[%mul3A_4, %dma_wait3A] : memref<100096x16xf32, #tpu.memory_space<vmem_shared>> -> memref<6256x16xf32, #tpu.memory_space<vmem_shared>>
      tpu.wait_dma2 semaphore(%run_scoped3A : memref<!tpu.dma_semaphore, #tpu.memory_space<semaphore_mem>>) src(%arg6 : memref<6256x16xf32, #tpu.memory_space<hbm>>) dst(%dma_wait3A_18 : memref<6256x16xf32, #tpu.memory_space<vmem_shared>>)
      tpu.yield
    }) : () -> ()
    %barrier3A = arith.constant 0 : index
    tpu.barrier barrier_id(%barrier3A)
    %scan3A = arith.constant 0 : i32
    %scan3A_5 = arith.constant 50 : i32
    %scan3A_6 = arith.addi %scan3A, %scan3A_5 : i32
    %scan3A_7 = arith.constant 1 : i32
    scf.for %scan3A_17 = %scan3A to %scan3A_6 step %scan3A_7  : i32 {
      %mul3A_18 = arith.constant 8 : i32
      %mul3A_19 = arith.muli %scan3A_17, %mul3A_18 : i32
      %add3A_20 = arith.addi %mul3A_2, %mul3A_19 : i32
      %add3A_21 = arith.constant 0 : i32
      %add3A_22 = arith.addi %add3A_20, %add3A_21 : i32
      %mul3A_23 = arith.constant 128 : i32
      %mul3A_24 = arith.muli %add3A_22, %mul3A_23 : i32
      %dma_start3A = arith.constant 0 : i32
      %dma_start3A_25 = arith.constant 0 : i32
      %dma_start3A_26 = tpu.memref_slice %arg9[%dma_start3A, %dma_start3A_25] : memref<8x128xi32, #tpu.memory_space<vmem>> -> memref<1x128xi32, #tpu.memory_space<vmem>>
      %dma_start3A_27 = tpu.memref_squeeze %dma_start3A_26 : memref<1x128xi32, #tpu.memory_space<vmem>> -> memref<128xi32, #tpu.memory_space<vmem>>
      %dma_start3A_28 = tpu.memref_slice %arg2[%mul3A_24] : memref<1638400xi32, #tpu.memory_space<hbm>> -> memref<128xi32, #tpu.memory_space<hbm>>
      %dma_start3A_29 = arith.constant 0 : i32
      %dma_start3A_30 = tpu.memref_slice %arg9[%dma_start3A, %dma_start3A_29] : memref<8x128xi32, #tpu.memory_space<vmem>> -> memref<1x128xi32, #tpu.memory_space<vmem>>
      %dma_start3A_31 = tpu.memref_squeeze %dma_start3A_30 : memref<1x128xi32, #tpu.memory_space<vmem>> -> memref<128xi32, #tpu.memory_space<vmem>>
      %dma_start3A_32 = tpu.memref_slice %arg2[%mul3A_24] : memref<1638400xi32, #tpu.memory_space<hbm>> -> memref<128xi32, #tpu.memory_space<hbm>>
      tpu.enqueue_dma source(%dma_start3A_32 : memref<128xi32, #tpu.memory_space<hbm>>) target(%dma_start3A_31 : memref<128xi32, #tpu.memory_space<vmem>>) target_semaphore(%arg14 : memref<!tpu.dma_semaphore, #tpu.memory_space<semaphore_mem>>)
      %add3A_33 = arith.constant 0 : i32
      %add3A_34 = arith.addi %add3A_20, %add3A_33 : i32
      %mul3A_35 = arith.constant 128 : i32
      %mul3A_36 = arith.muli %add3A_34, %mul3A_35 : i32
      %dma_start3A_37 = arith.constant 0 : i32
      %dma_start3A_38 = arith.constant 0 : i32
      %dma_start3A_39 = tpu.memref_slice %arg10[%dma_start3A_37, %dma_start3A_38] : memref<8x128xi32, #tpu.memory_space<vmem>> -> memref<1x128xi32, #tpu.memory_space<vmem>>
      %dma_start3A_40 = tpu.memref_squeeze %dma_start3A_39 : memref<1x128xi32, #tpu.memory_space<vmem>> -> memref<128xi32, #tpu.memory_space<vmem>>
      %dma_start3A_41 = tpu.memref_slice %arg3[%mul3A_36] : memref<1638400xi32, #tpu.memory_space<hbm>> -> memref<128xi32, #tpu.memory_space<hbm>>
      %dma_start3A_42 = arith.constant 0 : i32
      %dma_start3A_43 = tpu.memref_slice %arg10[%dma_start3A_37, %dma_start3A_42] : memref<8x128xi32, #tpu.memory_space<vmem>> -> memref<1x128xi32, #tpu.memory_space<vmem>>
      %dma_start3A_44 = tpu.memref_squeeze %dma_start3A_43 : memref<1x128xi32, #tpu.memory_space<vmem>> -> memref<128xi32, #tpu.memory_space<vmem>>
      %dma_start3A_45 = tpu.memref_slice %arg3[%mul3A_36] : memref<1638400xi32, #tpu.memory_space<hbm>> -> memref<128xi32, #tpu.memory_space<hbm>>
      tpu.enqueue_dma source(%dma_start3A_45 : memref<128xi32, #tpu.memory_space<hbm>>) target(%dma_start3A_44 : memref<128xi32, #tpu.memory_space<vmem>>) target_semaphore(%arg14 : memref<!tpu.dma_semaphore, #tpu.memory_space<semaphore_mem>>)
      %add3A_46 = arith.constant 0 : i32
      %add3A_47 = arith.addi %add3A_20, %add3A_46 : i32
      %mul3A_48 = arith.constant 128 : i32
      %mul3A_49 = arith.muli %add3A_47, %mul3A_48 : i32
      %dma_start3A_50 = arith.constant 0 : i32
      %dma_start3A_51 = arith.constant 0 : i32
      %dma_start3A_52 = tpu.memref_slice %arg11[%dma_start3A_50, %dma_start3A_51] : memref<8x128xf32, #tpu.memory_space<vmem>> -> memref<1x128xf32, #tpu.memory_space<vmem>>
      %dma_start3A_53 = tpu.memref_squeeze %dma_start3A_52 : memref<1x128xf32, #tpu.memory_space<vmem>> -> memref<128xf32, #tpu.memory_space<vmem>>
      %dma_start3A_54 = tpu.memref_slice %arg4[%mul3A_49] : memref<1638400xf32, #tpu.memory_space<hbm>> -> memref<128xf32, #tpu.memory_space<hbm>>
      %dma_start3A_55 = arith.constant 0 : i32
      %dma_start3A_56 = tpu.memref_slice %arg11[%dma_start3A_50, %dma_start3A_55] : memref<8x128xf32, #tpu.memory_space<vmem>> -> memref<1x128xf32, #tpu.memory_space<vmem>>
      %dma_start3A_57 = tpu.memref_squeeze %dma_start3A_56 : memref<1x128xf32, #tpu.memory_space<vmem>> -> memref<128xf32, #tpu.memory_space<vmem>>
      %dma_start3A_58 = tpu.memref_slice %arg4[%mul3A_49] : memref<1638400xf32, #tpu.memory_space<hbm>> -> memref<128xf32, #tpu.memory_space<hbm>>
      tpu.enqueue_dma source(%dma_start3A_58 : memref<128xf32, #tpu.memory_space<hbm>>) target(%dma_start3A_57 : memref<128xf32, #tpu.memory_space<vmem>>) target_semaphore(%arg14 : memref<!tpu.dma_semaphore, #tpu.memory_space<semaphore_mem>>)
      %add3A_59 = arith.constant 1 : i32
      %add3A_60 = arith.addi %add3A_20, %add3A_59 : i32
      %mul3A_61 = arith.constant 128 : i32
      %mul3A_62 = arith.muli %add3A_60, %mul3A_61 : i32
      %dma_start3A_63 = arith.constant 1 : i32
      %dma_start3A_64 = arith.constant 0 : i32
      %dma_start3A_65 = tpu.memref_slice %arg9[%dma_start3A_63, %dma_start3A_64] : memref<8x128xi32, #tpu.memory_space<vmem>> -> memref<1x128xi32, #tpu.memory_space<vmem>>
      %dma_start3A_66 = tpu.memref_squeeze %dma_start3A_65 : memref<1x128xi32, #tpu.memory_space<vmem>> -> memref<128xi32, #tpu.memory_space<vmem>>
      %dma_start3A_67 = tpu.memref_slice %arg2[%mul3A_62] : memref<1638400xi32, #tpu.memory_space<hbm>> -> memref<128xi32, #tpu.memory_space<hbm>>
      %dma_start3A_68 = arith.constant 0 : i32
      %dma_start3A_69 = tpu.memref_slice %arg9[%dma_start3A_63, %dma_start3A_68] : memref<8x128xi32, #tpu.memory_space<vmem>> -> memref<1x128xi32, #tpu.memory_space<vmem>>
      %dma_start3A_70 = tpu.memref_squeeze %dma_start3A_69 : memref<1x128xi32, #tpu.memory_space<vmem>> -> memref<128xi32, #tpu.memory_space<vmem>>
      %dma_start3A_71 = tpu.memref_slice %arg2[%mul3A_62] : memref<1638400xi32, #tpu.memory_space<hbm>> -> memref<128xi32, #tpu.memory_space<hbm>>
      tpu.enqueue_dma source(%dma_start3A_71 : memref<128xi32, #tpu.memory_space<hbm>>) target(%dma_start3A_70 : memref<128xi32, #tpu.memory_space<vmem>>) target_semaphore(%arg14 : memref<!tpu.dma_semaphore, #tpu.memory_space<semaphore_mem>>)
      %add3A_72 = arith.constant 1 : i32
      %add3A_73 = arith.addi %add3A_20, %add3A_72 : i32
      %mul3A_74 = arith.constant 128 : i32
      %mul3A_75 = arith.muli %add3A_73, %mul3A_74 : i32
      %dma_start3A_76 = arith.constant 1 : i32
      %dma_start3A_77 = arith.constant 0 : i32
      %dma_start3A_78 = tpu.memref_slice %arg10[%dma_start3A_76, %dma_start3A_77] : memref<8x128xi32, #tpu.memory_space<vmem>> -> memref<1x128xi32, #tpu.memory_space<vmem>>
      %dma_start3A_79 = tpu.memref_squeeze %dma_start3A_78 : memref<1x128xi32, #tpu.memory_space<vmem>> -> memref<128xi32, #tpu.memory_space<vmem>>
      %dma_start3A_80 = tpu.memref_slice %arg3[%mul3A_75] : memref<1638400xi32, #tpu.memory_space<hbm>> -> memref<128xi32, #tpu.memory_space<hbm>>
      %dma_start3A_81 = arith.constant 0 : i32
      %dma_start3A_82 = tpu.memref_slice %arg10[%dma_start3A_76, %dma_start3A_81] : memref<8x128xi32, #tpu.memory_space<vmem>> -> memref<1x128xi32, #tpu.memory_space<vmem>>
      %dma_start3A_83 = tpu.memref_squeeze %dma_start3A_82 : memref<1x128xi32, #tpu.memory_space<vmem>> -> memref<128xi32, #tpu.memory_space<vmem>>
      %dma_start3A_84 = tpu.memref_slice %arg3[%mul3A_75] : memref<1638400xi32, #tpu.memory_space<hbm>> -> memref<128xi32, #tpu.memory_space<hbm>>
      tpu.enqueue_dma source(%dma_start3A_84 : memref<128xi32, #tpu.memory_space<hbm>>) target(%dma_start3A_83 : memref<128xi32, #tpu.memory_space<vmem>>) target_semaphore(%arg14 : memref<!tpu.dma_semaphore, #tpu.memory_space<semaphore_mem>>)
      %add3A_85 = arith.constant 1 : i32
      %add3A_86 = arith.addi %add3A_20, %add3A_85 : i32
      %mul3A_87 = arith.constant 128 : i32
      %mul3A_88 = arith.muli %add3A_86, %mul3A_87 : i32
      %dma_start3A_89 = arith.constant 1 : i32
      %dma_start3A_90 = arith.constant 0 : i32
      %dma_start3A_91 = tpu.memref_slice %arg11[%dma_start3A_89, %dma_start3A_90] : memref<8x128xf32, #tpu.memory_space<vmem>> -> memref<1x128xf32, #tpu.memory_space<vmem>>
      %dma_start3A_92 = tpu.memref_squeeze %dma_start3A_91 : memref<1x128xf32, #tpu.memory_space<vmem>> -> memref<128xf32, #tpu.memory_space<vmem>>
      %dma_start3A_93 = tpu.memref_slice %arg4[%mul3A_88] : memref<1638400xf32, #tpu.memory_space<hbm>> -> memref<128xf32, #tpu.memory_space<hbm>>
      %dma_start3A_94 = arith.constant 0 : i32
      %dma_start3A_95 = tpu.memref_slice %arg11[%dma_start3A_89, %dma_start3A_94] : memref<8x128xf32, #tpu.memory_space<vmem>> -> memref<1x128xf32, #tpu.memory_space<vmem>>
      %dma_start3A_96 = tpu.memref_squeeze %dma_start3A_95 : memref<1x128xf32, #tpu.memory_space<vmem>> -> memref<128xf32, #tpu.memory_space<vmem>>
      %dma_start3A_97 = tpu.memref_slice %arg4[%mul3A_88] : memref<1638400xf32, #tpu.memory_space<hbm>> -> memref<128xf32, #tpu.memory_space<hbm>>
      tpu.enqueue_dma source(%dma_start3A_97 : memref<128xf32, #tpu.memory_space<hbm>>) target(%dma_start3A_96 : memref<128xf32, #tpu.memory_space<vmem>>) target_semaphore(%arg14 : memref<!tpu.dma_semaphore, #tpu.memory_space<semaphore_mem>>)
      %add3A_98 = arith.constant 2 : i32
      %add3A_99 = arith.addi %add3A_20, %add3A_98 : i32
      %mul3A_100 = arith.constant 128 : i32
      %mul3A_101 = arith.muli %add3A_99, %mul3A_100 : i32
      %dma_start3A_102 = arith.constant 2 : i32
      %dma_start3A_103 = arith.constant 0 : i32
      %dma_start3A_104 = tpu.memref_slice %arg9[%dma_start3A_102, %dma_start3A_103] : memref<8x128xi32, #tpu.memory_space<vmem>> -> memref<1x128xi32, #tpu.memory_space<vmem>>
      %dma_start3A_105 = tpu.memref_squeeze %dma_start3A_104 : memref<1x128xi32, #tpu.memory_space<vmem>> -> memref<128xi32, #tpu.memory_space<vmem>>
      %dma_start3A_106 = tpu.memref_slice %arg2[%mul3A_101] : memref<1638400xi32, #tpu.memory_space<hbm>> -> memref<128xi32, #tpu.memory_space<hbm>>
      %dma_start3A_107 = arith.constant 0 : i32
      %dma_start3A_108 = tpu.memref_slice %arg9[%dma_start3A_102, %dma_start3A_107] : memref<8x128xi32, #tpu.memory_space<vmem>> -> memref<1x128xi32, #tpu.memory_space<vmem>>
      %dma_start3A_109 = tpu.memref_squeeze %dma_start3A_108 : memref<1x128xi32, #tpu.memory_space<vmem>> -> memref<128xi32, #tpu.memory_space<vmem>>
      %dma_start3A_110 = tpu.memref_slice %arg2[%mul3A_101] : memref<1638400xi32, #tpu.memory_space<hbm>> -> memref<128xi32, #tpu.memory_space<hbm>>
      tpu.enqueue_dma source(%dma_start3A_110 : memref<128xi32, #tpu.memory_space<hbm>>) target(%dma_start3A_109 : memref<128xi32, #tpu.memory_space<vmem>>) target_semaphore(%arg14 : memref<!tpu.dma_semaphore, #tpu.memory_space<semaphore_mem>>)
      %add3A_111 = arith.constant 2 : i32
      %add3A_112 = arith.addi %add3A_20, %add3A_111 : i32
      %mul3A_113 = arith.constant 128 : i32
      %mul3A_114 = arith.muli %add3A_112, %mul3A_113 : i32
      %dma_start3A_115 = arith.constant 2 : i32
      %dma_start3A_116 = arith.constant 0 : i32
      %dma_start3A_117 = tpu.memref_slice %arg10[%dma_start3A_115, %dma_start3A_116] : memref<8x128xi32, #tpu.memory_space<vmem>> -> memref<1x128xi32, #tpu.memory_space<vmem>>
      %dma_start3A_118 = tpu.memref_squeeze %dma_start3A_117 : memref<1x128xi32, #tpu.memory_space<vmem>> -> memref<128xi32, #tpu.memory_space<vmem>>
      %dma_start3A_119 = tpu.memref_slice %arg3[%mul3A_114] : memref<1638400xi32, #tpu.memory_space<hbm>> -> memref<128xi32, #tpu.memory_space<hbm>>
      %dma_start3A_120 = arith.constant 0 : i32
      %dma_start3A_121 = tpu.memref_slice %arg10[%dma_start3A_115, %dma_start3A_120] : memref<8x128xi32, #tpu.memory_space<vmem>> -> memref<1x128xi32, #tpu.memory_space<vmem>>
      %dma_start3A_122 = tpu.memref_squeeze %dma_start3A_121 : memref<1x128xi32, #tpu.memory_space<vmem>> -> memref<128xi32, #tpu.memory_space<vmem>>
      %dma_start3A_123 = tpu.memref_slice %arg3[%mul3A_114] : memref<1638400xi32, #tpu.memory_space<hbm>> -> memref<128xi32, #tpu.memory_space<hbm>>
      tpu.enqueue_dma source(%dma_start3A_123 : memref<128xi32, #tpu.memory_space<hbm>>) target(%dma_start3A_122 : memref<128xi32, #tpu.memory_space<vmem>>) target_semaphore(%arg14 : memref<!tpu.dma_semaphore, #tpu.memory_space<semaphore_mem>>)
      %add3A_124 = arith.constant 2 : i32
      %add3A_125 = arith.addi %add3A_20, %add3A_124 : i32
      %mul3A_126 = arith.constant 128 : i32
      %mul3A_127 = arith.muli %add3A_125, %mul3A_126 : i32
      %dma_start3A_128 = arith.constant 2 : i32
      %dma_start3A_129 = arith.constant 0 : i32
      %dma_start3A_130 = tpu.memref_slice %arg11[%dma_start3A_128, %dma_start3A_129] : memref<8x128xf32, #tpu.memory_space<vmem>> -> memref<1x128xf32, #tpu.memory_space<vmem>>
      %dma_start3A_131 = tpu.memref_squeeze %dma_start3A_130 : memref<1x128xf32, #tpu.memory_space<vmem>> -> memref<128xf32, #tpu.memory_space<vmem>>
      %dma_start3A_132 = tpu.memref_slice %arg4[%mul3A_127] : memref<1638400xf32, #tpu.memory_space<hbm>> -> memref<128xf32, #tpu.memory_space<hbm>>
      %dma_start3A_133 = arith.constant 0 : i32
      %dma_start3A_134 = tpu.memref_slice %arg11[%dma_start3A_128, %dma_start3A_133] : memref<8x128xf32, #tpu.memory_space<vmem>> -> memref<1x128xf32, #tpu.memory_space<vmem>>
      %dma_start3A_135 = tpu.memref_squeeze %dma_start3A_134 : memref<1x128xf32, #tpu.memory_space<vmem>> -> memref<128xf32, #tpu.memory_space<vmem>>
      %dma_start3A_136 = tpu.memref_slice %arg4[%mul3A_127] : memref<1638400xf32, #tpu.memory_space<hbm>> -> memref<128xf32, #tpu.memory_space<hbm>>
      tpu.enqueue_dma source(%dma_start3A_136 : memref<128xf32, #tpu.memory_space<hbm>>) target(%dma_start3A_135 : memref<128xf32, #tpu.memory_space<vmem>>) target_semaphore(%arg14 : memref<!tpu.dma_semaphore, #tpu.memory_space<semaphore_mem>>)
      %add3A_137 = arith.constant 3 : i32
      %add3A_138 = arith.addi %add3A_20, %add3A_137 : i32
      %mul3A_139 = arith.constant 128 : i32
      %mul3A_140 = arith.muli %add3A_138, %mul3A_139 : i32
      %dma_start3A_141 = arith.constant 3 : i32
      %dma_start3A_142 = arith.constant 0 : i32
      %dma_start3A_143 = tpu.memref_slice %arg9[%dma_start3A_141, %dma_start3A_142] : memref<8x128xi32, #tpu.memory_space<vmem>> -> memref<1x128xi32, #tpu.memory_space<vmem>>
      %dma_start3A_144 = tpu.memref_squeeze %dma_start3A_143 : memref<1x128xi32, #tpu.memory_space<vmem>> -> memref<128xi32, #tpu.memory_space<vmem>>
      %dma_start3A_145 = tpu.memref_slice %arg2[%mul3A_140] : memref<1638400xi32, #tpu.memory_space<hbm>> -> memref<128xi32, #tpu.memory_space<hbm>>
      %dma_start3A_146 = arith.constant 0 : i32
      %dma_start3A_147 = tpu.memref_slice %arg9[%dma_start3A_141, %dma_start3A_146] : memref<8x128xi32, #tpu.memory_space<vmem>> -> memref<1x128xi32, #tpu.memory_space<vmem>>
      %dma_start3A_148 = tpu.memref_squeeze %dma_start3A_147 : memref<1x128xi32, #tpu.memory_space<vmem>> -> memref<128xi32, #tpu.memory_space<vmem>>
      %dma_start3A_149 = tpu.memref_slice %arg2[%mul3A_140] : memref<1638400xi32, #tpu.memory_space<hbm>> -> memref<128xi32, #tpu.memory_space<hbm>>
      tpu.enqueue_dma source(%dma_start3A_149 : memref<128xi32, #tpu.memory_space<hbm>>) target(%dma_start3A_148 : memref<128xi32, #tpu.memory_space<vmem>>) target_semaphore(%arg14 : memref<!tpu.dma_semaphore, #tpu.memory_space<semaphore_mem>>)
      %add3A_150 = arith.constant 3 : i32
      %add3A_151 = arith.addi %add3A_20, %add3A_150 : i32
      %mul3A_152 = arith.constant 128 : i32
      %mul3A_153 = arith.muli %add3A_151, %mul3A_152 : i32
      %dma_start3A_154 = arith.constant 3 : i32
      %dma_start3A_155 = arith.constant 0 : i32
      %dma_start3A_156 = tpu.memref_slice %arg10[%dma_start3A_154, %dma_start3A_155] : memref<8x128xi32, #tpu.memory_space<vmem>> -> memref<1x128xi32, #tpu.memory_space<vmem>>
      %dma_start3A_157 = tpu.memref_squeeze %dma_start3A_156 : memref<1x128xi32, #tpu.memory_space<vmem>> -> memref<128xi32, #tpu.memory_space<vmem>>
      %dma_start3A_158 = tpu.memref_slice %arg3[%mul3A_153] : memref<1638400xi32, #tpu.memory_space<hbm>> -> memref<128xi32, #tpu.memory_space<hbm>>
      %dma_start3A_159 = arith.constant 0 : i32
      %dma_start3A_160 = tpu.memref_slice %arg10[%dma_start3A_154, %dma_start3A_159] : memref<8x128xi32, #tpu.memory_space<vmem>> -> memref<1x128xi32, #tpu.memory_space<vmem>>
      %dma_start3A_161 = tpu.memref_squeeze %dma_start3A_160 : memref<1x128xi32, #tpu.memory_space<vmem>> -> memref<128xi32, #tpu.memory_space<vmem>>
      %dma_start3A_162 = tpu.memref_slice %arg3[%mul3A_153] : memref<1638400xi32, #tpu.memory_space<hbm>> -> memref<128xi32, #tpu.memory_space<hbm>>
      tpu.enqueue_dma source(%dma_start3A_162 : memref<128xi32, #tpu.memory_space<hbm>>) target(%dma_start3A_161 : memref<128xi32, #tpu.memory_space<vmem>>) target_semaphore(%arg14 : memref<!tpu.dma_semaphore, #tpu.memory_space<semaphore_mem>>)
      %add3A_163 = arith.constant 3 : i32
      %add3A_164 = arith.addi %add3A_20, %add3A_163 : i32
      %mul3A_165 = arith.constant 128 : i32
      %mul3A_166 = arith.muli %add3A_164, %mul3A_165 : i32
      %dma_start3A_167 = arith.constant 3 : i32
      %dma_start3A_168 = arith.constant 0 : i32
      %dma_start3A_169 = tpu.memref_slice %arg11[%dma_start3A_167, %dma_start3A_168] : memref<8x128xf32, #tpu.memory_space<vmem>> -> memref<1x128xf32, #tpu.memory_space<vmem>>
      %dma_start3A_170 = tpu.memref_squeeze %dma_start3A_169 : memref<1x128xf32, #tpu.memory_space<vmem>> -> memref<128xf32, #tpu.memory_space<vmem>>
      %dma_start3A_171 = tpu.memref_slice %arg4[%mul3A_166] : memref<1638400xf32, #tpu.memory_space<hbm>> -> memref<128xf32, #tpu.memory_space<hbm>>
      %dma_start3A_172 = arith.constant 0 : i32
      %dma_start3A_173 = tpu.memref_slice %arg11[%dma_start3A_167, %dma_start3A_172] : memref<8x128xf32, #tpu.memory_space<vmem>> -> memref<1x128xf32, #tpu.memory_space<vmem>>
      %dma_start3A_174 = tpu.memref_squeeze %dma_start3A_173 : memref<1x128xf32, #tpu.memory_space<vmem>> -> memref<128xf32, #tpu.memory_space<vmem>>
      %dma_start3A_175 = tpu.memref_slice %arg4[%mul3A_166] : memref<1638400xf32, #tpu.memory_space<hbm>> -> memref<128xf32, #tpu.memory_space<hbm>>
      tpu.enqueue_dma source(%dma_start3A_175 : memref<128xf32, #tpu.memory_space<hbm>>) target(%dma_start3A_174 : memref<128xf32, #tpu.memory_space<vmem>>) target_semaphore(%arg14 : memref<!tpu.dma_semaphore, #tpu.memory_space<semaphore_mem>>)
      %add3A_176 = arith.constant 4 : i32
      %add3A_177 = arith.addi %add3A_20, %add3A_176 : i32
      %mul3A_178 = arith.constant 128 : i32
      %mul3A_179 = arith.muli %add3A_177, %mul3A_178 : i32
      %dma_start3A_180 = arith.constant 4 : i32
      %dma_start3A_181 = arith.constant 0 : i32
      %dma_start3A_182 = tpu.memref_slice %arg9[%dma_start3A_180, %dma_start3A_181] : memref<8x128xi32, #tpu.memory_space<vmem>> -> memref<1x128xi32, #tpu.memory_space<vmem>>
      %dma_start3A_183 = tpu.memref_squeeze %dma_start3A_182 : memref<1x128xi32, #tpu.memory_space<vmem>> -> memref<128xi32, #tpu.memory_space<vmem>>
      %dma_start3A_184 = tpu.memref_slice %arg2[%mul3A_179] : memref<1638400xi32, #tpu.memory_space<hbm>> -> memref<128xi32, #tpu.memory_space<hbm>>
      %dma_start3A_185 = arith.constant 0 : i32
      %dma_start3A_186 = tpu.memref_slice %arg9[%dma_start3A_180, %dma_start3A_185] : memref<8x128xi32, #tpu.memory_space<vmem>> -> memref<1x128xi32, #tpu.memory_space<vmem>>
      %dma_start3A_187 = tpu.memref_squeeze %dma_start3A_186 : memref<1x128xi32, #tpu.memory_space<vmem>> -> memref<128xi32, #tpu.memory_space<vmem>>
      %dma_start3A_188 = tpu.memref_slice %arg2[%mul3A_179] : memref<1638400xi32, #tpu.memory_space<hbm>> -> memref<128xi32, #tpu.memory_space<hbm>>
      tpu.enqueue_dma source(%dma_start3A_188 : memref<128xi32, #tpu.memory_space<hbm>>) target(%dma_start3A_187 : memref<128xi32, #tpu.memory_space<vmem>>) target_semaphore(%arg14 : memref<!tpu.dma_semaphore, #tpu.memory_space<semaphore_mem>>)
      %add3A_189 = arith.constant 4 : i32
      %add3A_190 = arith.addi %add3A_20, %add3A_189 : i32
      %mul3A_191 = arith.constant 128 : i32
      %mul3A_192 = arith.muli %add3A_190, %mul3A_191 : i32
      %dma_start3A_193 = arith.constant 4 : i32
      %dma_start3A_194 = arith.constant 0 : i32
      %dma_start3A_195 = tpu.memref_slice %arg10[%dma_start3A_193, %dma_start3A_194] : memref<8x128xi32, #tpu.memory_space<vmem>> -> memref<1x128xi32, #tpu.memory_space<vmem>>
      %dma_start3A_196 = tpu.memref_squeeze %dma_start3A_195 : memref<1x128xi32, #tpu.memory_space<vmem>> -> memref<128xi32, #tpu.memory_space<vmem>>
      %dma_start3A_197 = tpu.memref_slice %arg3[%mul3A_192] : memref<1638400xi32, #tpu.memory_space<hbm>> -> memref<128xi32, #tpu.memory_space<hbm>>
      %dma_start3A_198 = arith.constant 0 : i32
      %dma_start3A_199 = tpu.memref_slice %arg10[%dma_start3A_193, %dma_start3A_198] : memref<8x128xi32, #tpu.memory_space<vmem>> -> memref<1x128xi32, #tpu.memory_space<vmem>>
      %dma_start3A_200 = tpu.memref_squeeze %dma_start3A_199 : memref<1x128xi32, #tpu.memory_space<vmem>> -> memref<128xi32, #tpu.memory_space<vmem>>
      %dma_start3A_201 = tpu.memref_slice %arg3[%mul3A_192] : memref<1638400xi32, #tpu.memory_space<hbm>> -> memref<128xi32, #tpu.memory_space<hbm>>
      tpu.enqueue_dma source(%dma_start3A_201 : memref<128xi32, #tpu.memory_space<hbm>>) target(%dma_start3A_200 : memref<128xi32, #tpu.memory_space<vmem>>) target_semaphore(%arg14 : memref<!tpu.dma_semaphore, #tpu.memory_space<semaphore_mem>>)
      %add3A_202 = arith.constant 4 : i32
      %add3A_203 = arith.addi %add3A_20, %add3A_202 : i32
      %mul3A_204 = arith.constant 128 : i32
      %mul3A_205 = arith.muli %add3A_203, %mul3A_204 : i32
      %dma_start3A_206 = arith.constant 4 : i32
      %dma_start3A_207 = arith.constant 0 : i32
      %dma_start3A_208 = tpu.memref_slice %arg11[%dma_start3A_206, %dma_start3A_207] : memref<8x128xf32, #tpu.memory_space<vmem>> -> memref<1x128xf32, #tpu.memory_space<vmem>>
      %dma_start3A_209 = tpu.memref_squeeze %dma_start3A_208 : memref<1x128xf32, #tpu.memory_space<vmem>> -> memref<128xf32, #tpu.memory_space<vmem>>
      %dma_start3A_210 = tpu.memref_slice %arg4[%mul3A_205] : memref<1638400xf32, #tpu.memory_space<hbm>> -> memref<128xf32, #tpu.memory_space<hbm>>
      %dma_start3A_211 = arith.constant 0 : i32
      %dma_start3A_212 = tpu.memref_slice %arg11[%dma_start3A_206, %dma_start3A_211] : memref<8x128xf32, #tpu.memory_space<vmem>> -> memref<1x128xf32, #tpu.memory_space<vmem>>
      %dma_start3A_213 = tpu.memref_squeeze %dma_start3A_212 : memref<1x128xf32, #tpu.memory_space<vmem>> -> memref<128xf32, #tpu.memory_space<vmem>>
      %dma_start3A_214 = tpu.memref_slice %arg4[%mul3A_205] : memref<1638400xf32, #tpu.memory_space<hbm>> -> memref<128xf32, #tpu.memory_space<hbm>>
      tpu.enqueue_dma source(%dma_start3A_214 : memref<128xf32, #tpu.memory_space<hbm>>) target(%dma_start3A_213 : memref<128xf32, #tpu.memory_space<vmem>>) target_semaphore(%arg14 : memref<!tpu.dma_semaphore, #tpu.memory_space<semaphore_mem>>)
      %add3A_215 = arith.constant 5 : i32
      %add3A_216 = arith.addi %add3A_20, %add3A_215 : i32
      %mul3A_217 = arith.constant 128 : i32
      %mul3A_218 = arith.muli %add3A_216, %mul3A_217 : i32
      %dma_start3A_219 = arith.constant 5 : i32
      %dma_start3A_220 = arith.constant 0 : i32
      %dma_start3A_221 = tpu.memref_slice %arg9[%dma_start3A_219, %dma_start3A_220] : memref<8x128xi32, #tpu.memory_space<vmem>> -> memref<1x128xi32, #tpu.memory_space<vmem>>
      %dma_start3A_222 = tpu.memref_squeeze %dma_start3A_221 : memref<1x128xi32, #tpu.memory_space<vmem>> -> memref<128xi32, #tpu.memory_space<vmem>>
      %dma_start3A_223 = tpu.memref_slice %arg2[%mul3A_218] : memref<1638400xi32, #tpu.memory_space<hbm>> -> memref<128xi32, #tpu.memory_space<hbm>>
      %dma_start3A_224 = arith.constant 0 : i32
      %dma_start3A_225 = tpu.memref_slice %arg9[%dma_start3A_219, %dma_start3A_224] : memref<8x128xi32, #tpu.memory_space<vmem>> -> memref<1x128xi32, #tpu.memory_space<vmem>>
      %dma_start3A_226 = tpu.memref_squeeze %dma_start3A_225 : memref<1x128xi32, #tpu.memory_space<vmem>> -> memref<128xi32, #tpu.memory_space<vmem>>
      %dma_start3A_227 = tpu.memref_slice %arg2[%mul3A_218] : memref<1638400xi32, #tpu.memory_space<hbm>> -> memref<128xi32, #tpu.memory_space<hbm>>
      tpu.enqueue_dma source(%dma_start3A_227 : memref<128xi32, #tpu.memory_space<hbm>>) target(%dma_start3A_226 : memref<128xi32, #tpu.memory_space<vmem>>) target_semaphore(%arg14 : memref<!tpu.dma_semaphore, #tpu.memory_space<semaphore_mem>>)
      %add3A_228 = arith.constant 5 : i32
      %add3A_229 = arith.addi %add3A_20, %add3A_228 : i32
      %mul3A_230 = arith.constant 128 : i32
      %mul3A_231 = arith.muli %add3A_229, %mul3A_230 : i32
      %dma_start3A_232 = arith.constant 5 : i32
      %dma_start3A_233 = arith.constant 0 : i32
      %dma_start3A_234 = tpu.memref_slice %arg10[%dma_start3A_232, %dma_start3A_233] : memref<8x128xi32, #tpu.memory_space<vmem>> -> memref<1x128xi32, #tpu.memory_space<vmem>>
      %dma_start3A_235 = tpu.memref_squeeze %dma_start3A_234 : memref<1x128xi32, #tpu.memory_space<vmem>> -> memref<128xi32, #tpu.memory_space<vmem>>
      %dma_start3A_236 = tpu.memref_slice %arg3[%mul3A_231] : memref<1638400xi32, #tpu.memory_space<hbm>> -> memref<128xi32, #tpu.memory_space<hbm>>
      %dma_start3A_237 = arith.constant 0 : i32
      %dma_start3A_238 = tpu.memref_slice %arg10[%dma_start3A_232, %dma_start3A_237] : memref<8x128xi32, #tpu.memory_space<vmem>> -> memref<1x128xi32, #tpu.memory_space<vmem>>
      %dma_start3A_239 = tpu.memref_squeeze %dma_start3A_238 : memref<1x128xi32, #tpu.memory_space<vmem>> -> memref<128xi32, #tpu.memory_space<vmem>>
      %dma_start3A_240 = tpu.memref_slice %arg3[%mul3A_231] : memref<1638400xi32, #tpu.memory_space<hbm>> -> memref<128xi32, #tpu.memory_space<hbm>>
      tpu.enqueue_dma source(%dma_start3A_240 : memref<128xi32, #tpu.memory_space<hbm>>) target(%dma_start3A_239 : memref<128xi32, #tpu.memory_space<vmem>>) target_semaphore(%arg14 : memref<!tpu.dma_semaphore, #tpu.memory_space<semaphore_mem>>)
      %add3A_241 = arith.constant 5 : i32
      %add3A_242 = arith.addi %add3A_20, %add3A_241 : i32
      %mul3A_243 = arith.constant 128 : i32
      %mul3A_244 = arith.muli %add3A_242, %mul3A_243 : i32
      %dma_start3A_245 = arith.constant 5 : i32
      %dma_start3A_246 = arith.constant 0 : i32
      %dma_start3A_247 = tpu.memref_slice %arg11[%dma_start3A_245, %dma_start3A_246] : memref<8x128xf32, #tpu.memory_space<vmem>> -> memref<1x128xf32, #tpu.memory_space<vmem>>
      %dma_start3A_248 = tpu.memref_squeeze %dma_start3A_247 : memref<1x128xf32, #tpu.memory_space<vmem>> -> memref<128xf32, #tpu.memory_space<vmem>>
      %dma_start3A_249 = tpu.memref_slice %arg4[%mul3A_244] : memref<1638400xf32, #tpu.memory_space<hbm>> -> memref<128xf32, #tpu.memory_space<hbm>>
      %dma_start3A_250 = arith.constant 0 : i32
      %dma_start3A_251 = tpu.memref_slice %arg11[%dma_start3A_245, %dma_start3A_250] : memref<8x128xf32, #tpu.memory_space<vmem>> -> memref<1x128xf32, #tpu.memory_space<vmem>>
      %dma_start3A_252 = tpu.memref_squeeze %dma_start3A_251 : memref<1x128xf32, #tpu.memory_space<vmem>> -> memref<128xf32, #tpu.memory_space<vmem>>
      %dma_start3A_253 = tpu.memref_slice %arg4[%mul3A_244] : memref<1638400xf32, #tpu.memory_space<hbm>> -> memref<128xf32, #tpu.memory_space<hbm>>
      tpu.enqueue_dma source(%dma_start3A_253 : memref<128xf32, #tpu.memory_space<hbm>>) target(%dma_start3A_252 : memref<128xf32, #tpu.memory_space<vmem>>) target_semaphore(%arg14 : memref<!tpu.dma_semaphore, #tpu.memory_space<semaphore_mem>>)
      %add3A_254 = arith.constant 6 : i32
      %add3A_255 = arith.addi %add3A_20, %add3A_254 : i32
      %mul3A_256 = arith.constant 128 : i32
      %mul3A_257 = arith.muli %add3A_255, %mul3A_256 : i32
      %dma_start3A_258 = arith.constant 6 : i32
      %dma_start3A_259 = arith.constant 0 : i32
      %dma_start3A_260 = tpu.memref_slice %arg9[%dma_start3A_258, %dma_start3A_259] : memref<8x128xi32, #tpu.memory_space<vmem>> -> memref<1x128xi32, #tpu.memory_space<vmem>>
      %dma_start3A_261 = tpu.memref_squeeze %dma_start3A_260 : memref<1x128xi32, #tpu.memory_space<vmem>> -> memref<128xi32, #tpu.memory_space<vmem>>
      %dma_start3A_262 = tpu.memref_slice %arg2[%mul3A_257] : memref<1638400xi32, #tpu.memory_space<hbm>> -> memref<128xi32, #tpu.memory_space<hbm>>
      %dma_start3A_263 = arith.constant 0 : i32
      %dma_start3A_264 = tpu.memref_slice %arg9[%dma_start3A_258, %dma_start3A_263] : memref<8x128xi32, #tpu.memory_space<vmem>> -> memref<1x128xi32, #tpu.memory_space<vmem>>
      %dma_start3A_265 = tpu.memref_squeeze %dma_start3A_264 : memref<1x128xi32, #tpu.memory_space<vmem>> -> memref<128xi32, #tpu.memory_space<vmem>>
      %dma_start3A_266 = tpu.memref_slice %arg2[%mul3A_257] : memref<1638400xi32, #tpu.memory_space<hbm>> -> memref<128xi32, #tpu.memory_space<hbm>>
      tpu.enqueue_dma source(%dma_start3A_266 : memref<128xi32, #tpu.memory_space<hbm>>) target(%dma_start3A_265 : memref<128xi32, #tpu.memory_space<vmem>>) target_semaphore(%arg14 : memref<!tpu.dma_semaphore, #tpu.memory_space<semaphore_mem>>)
      %add3A_267 = arith.constant 6 : i32
      %add3A_268 = arith.addi %add3A_20, %add3A_267 : i32
      %mul3A_269 = arith.constant 128 : i32
      %mul3A_270 = arith.muli %add3A_268, %mul3A_269 : i32
      %dma_start3A_271 = arith.constant 6 : i32
      %dma_start3A_272 = arith.constant 0 : i32
      %dma_start3A_273 = tpu.memref_slice %arg10[%dma_start3A_271, %dma_start3A_272] : memref<8x128xi32, #tpu.memory_space<vmem>> -> memref<1x128xi32, #tpu.memory_space<vmem>>
      %dma_start3A_274 = tpu.memref_squeeze %dma_start3A_273 : memref<1x128xi32, #tpu.memory_space<vmem>> -> memref<128xi32, #tpu.memory_space<vmem>>
      %dma_start3A_275 = tpu.memref_slice %arg3[%mul3A_270] : memref<1638400xi32, #tpu.memory_space<hbm>> -> memref<128xi32, #tpu.memory_space<hbm>>
      %dma_start3A_276 = arith.constant 0 : i32
      %dma_start3A_277 = tpu.memref_slice %arg10[%dma_start3A_271, %dma_start3A_276] : memref<8x128xi32, #tpu.memory_space<vmem>> -> memref<1x128xi32, #tpu.memory_space<vmem>>
      %dma_start3A_278 = tpu.memref_squeeze %dma_start3A_277 : memref<1x128xi32, #tpu.memory_space<vmem>> -> memref<128xi32, #tpu.memory_space<vmem>>
      %dma_start3A_279 = tpu.memref_slice %arg3[%mul3A_270] : memref<1638400xi32, #tpu.memory_space<hbm>> -> memref<128xi32, #tpu.memory_space<hbm>>
      tpu.enqueue_dma source(%dma_start3A_279 : memref<128xi32, #tpu.memory_space<hbm>>) target(%dma_start3A_278 : memref<128xi32, #tpu.memory_space<vmem>>) target_semaphore(%arg14 : memref<!tpu.dma_semaphore, #tpu.memory_space<semaphore_mem>>)
      %add3A_280 = arith.constant 6 : i32
      %add3A_281 = arith.addi %add3A_20, %add3A_280 : i32
      %mul3A_282 = arith.constant 128 : i32
      %mul3A_283 = arith.muli %add3A_281, %mul3A_282 : i32
      %dma_start3A_284 = arith.constant 6 : i32
      %dma_start3A_285 = arith.constant 0 : i32
      %dma_start3A_286 = tpu.memref_slice %arg11[%dma_start3A_284, %dma_start3A_285] : memref<8x128xf32, #tpu.memory_space<vmem>> -> memref<1x128xf32, #tpu.memory_space<vmem>>
      %dma_start3A_287 = tpu.memref_squeeze %dma_start3A_286 : memref<1x128xf32, #tpu.memory_space<vmem>> -> memref<128xf32, #tpu.memory_space<vmem>>
      %dma_start3A_288 = tpu.memref_slice %arg4[%mul3A_283] : memref<1638400xf32, #tpu.memory_space<hbm>> -> memref<128xf32, #tpu.memory_space<hbm>>
      %dma_start3A_289 = arith.constant 0 : i32
      %dma_start3A_290 = tpu.memref_slice %arg11[%dma_start3A_284, %dma_start3A_289] : memref<8x128xf32, #tpu.memory_space<vmem>> -> memref<1x128xf32, #tpu.memory_space<vmem>>
      %dma_start3A_291 = tpu.memref_squeeze %dma_start3A_290 : memref<1x128xf32, #tpu.memory_space<vmem>> -> memref<128xf32, #tpu.memory_space<vmem>>
      %dma_start3A_292 = tpu.memref_slice %arg4[%mul3A_283] : memref<1638400xf32, #tpu.memory_space<hbm>> -> memref<128xf32, #tpu.memory_space<hbm>>
      tpu.enqueue_dma source(%dma_start3A_292 : memref<128xf32, #tpu.memory_space<hbm>>) target(%dma_start3A_291 : memref<128xf32, #tpu.memory_space<vmem>>) target_semaphore(%arg14 : memref<!tpu.dma_semaphore, #tpu.memory_space<semaphore_mem>>)
      %add3A_293 = arith.constant 7 : i32
      %add3A_294 = arith.addi %add3A_20, %add3A_293 : i32
      %mul3A_295 = arith.constant 128 : i32
      %mul3A_296 = arith.muli %add3A_294, %mul3A_295 : i32
      %dma_start3A_297 = arith.constant 7 : i32
      %dma_start3A_298 = arith.constant 0 : i32
      %dma_start3A_299 = tpu.memref_slice %arg9[%dma_start3A_297, %dma_start3A_298] : memref<8x128xi32, #tpu.memory_space<vmem>> -> memref<1x128xi32, #tpu.memory_space<vmem>>
      %dma_start3A_300 = tpu.memref_squeeze %dma_start3A_299 : memref<1x128xi32, #tpu.memory_space<vmem>> -> memref<128xi32, #tpu.memory_space<vmem>>
      %dma_start3A_301 = tpu.memref_slice %arg2[%mul3A_296] : memref<1638400xi32, #tpu.memory_space<hbm>> -> memref<128xi32, #tpu.memory_space<hbm>>
      %dma_start3A_302 = arith.constant 0 : i32
      %dma_start3A_303 = tpu.memref_slice %arg9[%dma_start3A_297, %dma_start3A_302] : memref<8x128xi32, #tpu.memory_space<vmem>> -> memref<1x128xi32, #tpu.memory_space<vmem>>
      %dma_start3A_304 = tpu.memref_squeeze %dma_start3A_303 : memref<1x128xi32, #tpu.memory_space<vmem>> -> memref<128xi32, #tpu.memory_space<vmem>>
      %dma_start3A_305 = tpu.memref_slice %arg2[%mul3A_296] : memref<1638400xi32, #tpu.memory_space<hbm>> -> memref<128xi32, #tpu.memory_space<hbm>>
      tpu.enqueue_dma source(%dma_start3A_305 : memref<128xi32, #tpu.memory_space<hbm>>) target(%dma_start3A_304 : memref<128xi32, #tpu.memory_space<vmem>>) target_semaphore(%arg14 : memref<!tpu.dma_semaphore, #tpu.memory_space<semaphore_mem>>)
      %add3A_306 = arith.constant 7 : i32
      %add3A_307 = arith.addi %add3A_20, %add3A_306 : i32
      %mul3A_308 = arith.constant 128 : i32
      %mul3A_309 = arith.muli %add3A_307, %mul3A_308 : i32
      %dma_start3A_310 = arith.constant 7 : i32
      %dma_start3A_311 = arith.constant 0 : i32
      %dma_start3A_312 = tpu.memref_slice %arg10[%dma_start3A_310, %dma_start3A_311] : memref<8x128xi32, #tpu.memory_space<vmem>> -> memref<1x128xi32, #tpu.memory_space<vmem>>
      %dma_start3A_313 = tpu.memref_squeeze %dma_start3A_312 : memref<1x128xi32, #tpu.memory_space<vmem>> -> memref<128xi32, #tpu.memory_space<vmem>>
      %dma_start3A_314 = tpu.memref_slice %arg3[%mul3A_309] : memref<1638400xi32, #tpu.memory_space<hbm>> -> memref<128xi32, #tpu.memory_space<hbm>>
      %dma_start3A_315 = arith.constant 0 : i32
      %dma_start3A_316 = tpu.memref_slice %arg10[%dma_start3A_310, %dma_start3A_315] : memref<8x128xi32, #tpu.memory_space<vmem>> -> memref<1x128xi32, #tpu.memory_space<vmem>>
      %dma_start3A_317 = tpu.memref_squeeze %dma_start3A_316 : memref<1x128xi32, #tpu.memory_space<vmem>> -> memref<128xi32, #tpu.memory_space<vmem>>
      %dma_start3A_318 = tpu.memref_slice %arg3[%mul3A_309] : memref<1638400xi32, #tpu.memory_space<hbm>> -> memref<128xi32, #tpu.memory_space<hbm>>
      tpu.enqueue_dma source(%dma_start3A_318 : memref<128xi32, #tpu.memory_space<hbm>>) target(%dma_start3A_317 : memref<128xi32, #tpu.memory_space<vmem>>) target_semaphore(%arg14 : memref<!tpu.dma_semaphore, #tpu.memory_space<semaphore_mem>>)
      %add3A_319 = arith.constant 7 : i32
      %add3A_320 = arith.addi %add3A_20, %add3A_319 : i32
      %mul3A_321 = arith.constant 128 : i32
      %mul3A_322 = arith.muli %add3A_320, %mul3A_321 : i32
      %dma_start3A_323 = arith.constant 7 : i32
      %dma_start3A_324 = arith.constant 0 : i32
      %dma_start3A_325 = tpu.memref_slice %arg11[%dma_start3A_323, %dma_start3A_324] : memref<8x128xf32, #tpu.memory_space<vmem>> -> memref<1x128xf32, #tpu.memory_space<vmem>>
      %dma_start3A_326 = tpu.memref_squeeze %dma_start3A_325 : memref<1x128xf32, #tpu.memory_space<vmem>> -> memref<128xf32, #tpu.memory_space<vmem>>
      %dma_start3A_327 = tpu.memref_slice %arg4[%mul3A_322] : memref<1638400xf32, #tpu.memory_space<hbm>> -> memref<128xf32, #tpu.memory_space<hbm>>
      %dma_start3A_328 = arith.constant 0 : i32
      %dma_start3A_329 = tpu.memref_slice %arg11[%dma_start3A_323, %dma_start3A_328] : memref<8x128xf32, #tpu.memory_space<vmem>> -> memref<1x128xf32, #tpu.memory_space<vmem>>
      %dma_start3A_330 = tpu.memref_squeeze %dma_start3A_329 : memref<1x128xf32, #tpu.memory_space<vmem>> -> memref<128xf32, #tpu.memory_space<vmem>>
      %dma_start3A_331 = tpu.memref_slice %arg4[%mul3A_322] : memref<1638400xf32, #tpu.memory_space<hbm>> -> memref<128xf32, #tpu.memory_space<hbm>>
      tpu.enqueue_dma source(%dma_start3A_331 : memref<128xf32, #tpu.memory_space<hbm>>) target(%dma_start3A_330 : memref<128xf32, #tpu.memory_space<vmem>>) target_semaphore(%arg14 : memref<!tpu.dma_semaphore, #tpu.memory_space<semaphore_mem>>)
      %dma_wait3A = arith.constant 0 : i32
      %dma_wait3A_332 = arith.constant 0 : i32
      %dma_wait3A_333 = tpu.memref_slice %arg9[%dma_wait3A, %dma_wait3A_332] : memref<8x128xi32, #tpu.memory_space<vmem>> -> memref<1x128xi32, #tpu.memory_space<vmem>>
      %dma_wait3A_334 = tpu.memref_squeeze %dma_wait3A_333 : memref<1x128xi32, #tpu.memory_space<vmem>> -> memref<128xi32, #tpu.memory_space<vmem>>
      %dma_wait3A_335 = tpu.memref_slice %arg2[%mul3A_24] : memref<1638400xi32, #tpu.memory_space<hbm>> -> memref<128xi32, #tpu.memory_space<hbm>>
      %dma_wait3A_336 = arith.constant 0 : i32
      %dma_wait3A_337 = tpu.memref_slice %arg9[%dma_wait3A, %dma_wait3A_336] : memref<8x128xi32, #tpu.memory_space<vmem>> -> memref<1x128xi32, #tpu.memory_space<vmem>>
      %dma_wait3A_338 = tpu.memref_squeeze %dma_wait3A_337 : memref<1x128xi32, #tpu.memory_space<vmem>> -> memref<128xi32, #tpu.memory_space<vmem>>
      %dma_wait3A_339 = tpu.memref_slice %arg2[%mul3A_24] : memref<1638400xi32, #tpu.memory_space<hbm>> -> memref<128xi32, #tpu.memory_space<hbm>>
      tpu.wait_dma2 semaphore(%arg14 : memref<!tpu.dma_semaphore, #tpu.memory_space<semaphore_mem>>) src(%dma_wait3A_339 : memref<128xi32, #tpu.memory_space<hbm>>) dst(%dma_wait3A_338 : memref<128xi32, #tpu.memory_space<vmem>>)
      %dma_wait3A_340 = arith.constant 0 : i32
      %dma_wait3A_341 = arith.constant 0 : i32
      %dma_wait3A_342 = tpu.memref_slice %arg10[%dma_wait3A_340, %dma_wait3A_341] : memref<8x128xi32, #tpu.memory_space<vmem>> -> memref<1x128xi32, #tpu.memory_space<vmem>>
      %dma_wait3A_343 = tpu.memref_squeeze %dma_wait3A_342 : memref<1x128xi32, #tpu.memory_space<vmem>> -> memref<128xi32, #tpu.memory_space<vmem>>
      %dma_wait3A_344 = tpu.memref_slice %arg3[%mul3A_36] : memref<1638400xi32, #tpu.memory_space<hbm>> -> memref<128xi32, #tpu.memory_space<hbm>>
      %dma_wait3A_345 = arith.constant 0 : i32
      %dma_wait3A_346 = tpu.memref_slice %arg10[%dma_wait3A_340, %dma_wait3A_345] : memref<8x128xi32, #tpu.memory_space<vmem>> -> memref<1x128xi32, #tpu.memory_space<vmem>>
      %dma_wait3A_347 = tpu.memref_squeeze %dma_wait3A_346 : memref<1x128xi32, #tpu.memory_space<vmem>> -> memref<128xi32, #tpu.memory_space<vmem>>
      %dma_wait3A_348 = tpu.memref_slice %arg3[%mul3A_36] : memref<1638400xi32, #tpu.memory_space<hbm>> -> memref<128xi32, #tpu.memory_space<hbm>>
      tpu.wait_dma2 semaphore(%arg14 : memref<!tpu.dma_semaphore, #tpu.memory_space<semaphore_mem>>) src(%dma_wait3A_348 : memref<128xi32, #tpu.memory_space<hbm>>) dst(%dma_wait3A_347 : memref<128xi32, #tpu.memory_space<vmem>>)
      %dma_wait3A_349 = arith.constant 0 : i32
      %dma_wait3A_350 = arith.constant 0 : i32
      %dma_wait3A_351 = tpu.memref_slice %arg11[%dma_wait3A_349, %dma_wait3A_350] : memref<8x128xf32, #tpu.memory_space<vmem>> -> memref<1x128xf32, #tpu.memory_space<vmem>>
      %dma_wait3A_352 = tpu.memref_squeeze %dma_wait3A_351 : memref<1x128xf32, #tpu.memory_space<vmem>> -> memref<128xf32, #tpu.memory_space<vmem>>
      %dma_wait3A_353 = tpu.memref_slice %arg4[%mul3A_49] : memref<1638400xf32, #tpu.memory_space<hbm>> -> memref<128xf32, #tpu.memory_space<hbm>>
      %dma_wait3A_354 = arith.constant 0 : i32
      %dma_wait3A_355 = tpu.memref_slice %arg11[%dma_wait3A_349, %dma_wait3A_354] : memref<8x128xf32, #tpu.memory_space<vmem>> -> memref<1x128xf32, #tpu.memory_space<vmem>>
      %dma_wait3A_356 = tpu.memref_squeeze %dma_wait3A_355 : memref<1x128xf32, #tpu.memory_space<vmem>> -> memref<128xf32, #tpu.memory_space<vmem>>
      %dma_wait3A_357 = tpu.memref_slice %arg4[%mul3A_49] : memref<1638400xf32, #tpu.memory_space<hbm>> -> memref<128xf32, #tpu.memory_space<hbm>>
      tpu.wait_dma2 semaphore(%arg14 : memref<!tpu.dma_semaphore, #tpu.memory_space<semaphore_mem>>) src(%dma_wait3A_357 : memref<128xf32, #tpu.memory_space<hbm>>) dst(%dma_wait3A_356 : memref<128xf32, #tpu.memory_space<vmem>>)
      %dma_wait3A_358 = arith.constant 1 : i32
      %dma_wait3A_359 = arith.constant 0 : i32
      %dma_wait3A_360 = tpu.memref_slice %arg9[%dma_wait3A_358, %dma_wait3A_359] : memref<8x128xi32, #tpu.memory_space<vmem>> -> memref<1x128xi32, #tpu.memory_space<vmem>>
      %dma_wait3A_361 = tpu.memref_squeeze %dma_wait3A_360 : memref<1x128xi32, #tpu.memory_space<vmem>> -> memref<128xi32, #tpu.memory_space<vmem>>
      %dma_wait3A_362 = tpu.memref_slice %arg2[%mul3A_62] : memref<1638400xi32, #tpu.memory_space<hbm>> -> memref<128xi32, #tpu.memory_space<hbm>>
      %dma_wait3A_363 = arith.constant 0 : i32
      %dma_wait3A_364 = tpu.memref_slice %arg9[%dma_wait3A_358, %dma_wait3A_363] : memref<8x128xi32, #tpu.memory_space<vmem>> -> memref<1x128xi32, #tpu.memory_space<vmem>>
      %dma_wait3A_365 = tpu.memref_squeeze %dma_wait3A_364 : memref<1x128xi32, #tpu.memory_space<vmem>> -> memref<128xi32, #tpu.memory_space<vmem>>
      %dma_wait3A_366 = tpu.memref_slice %arg2[%mul3A_62] : memref<1638400xi32, #tpu.memory_space<hbm>> -> memref<128xi32, #tpu.memory_space<hbm>>
      tpu.wait_dma2 semaphore(%arg14 : memref<!tpu.dma_semaphore, #tpu.memory_space<semaphore_mem>>) src(%dma_wait3A_366 : memref<128xi32, #tpu.memory_space<hbm>>) dst(%dma_wait3A_365 : memref<128xi32, #tpu.memory_space<vmem>>)
      %dma_wait3A_367 = arith.constant 1 : i32
      %dma_wait3A_368 = arith.constant 0 : i32
      %dma_wait3A_369 = tpu.memref_slice %arg10[%dma_wait3A_367, %dma_wait3A_368] : memref<8x128xi32, #tpu.memory_space<vmem>> -> memref<1x128xi32, #tpu.memory_space<vmem>>
      %dma_wait3A_370 = tpu.memref_squeeze %dma_wait3A_369 : memref<1x128xi32, #tpu.memory_space<vmem>> -> memref<128xi32, #tpu.memory_space<vmem>>
      %dma_wait3A_371 = tpu.memref_slice %arg3[%mul3A_75] : memref<1638400xi32, #tpu.memory_space<hbm>> -> memref<128xi32, #tpu.memory_space<hbm>>
      %dma_wait3A_372 = arith.constant 0 : i32
      %dma_wait3A_373 = tpu.memref_slice %arg10[%dma_wait3A_367, %dma_wait3A_372] : memref<8x128xi32, #tpu.memory_space<vmem>> -> memref<1x128xi32, #tpu.memory_space<vmem>>
      %dma_wait3A_374 = tpu.memref_squeeze %dma_wait3A_373 : memref<1x128xi32, #tpu.memory_space<vmem>> -> memref<128xi32, #tpu.memory_space<vmem>>
      %dma_wait3A_375 = tpu.memref_slice %arg3[%mul3A_75] : memref<1638400xi32, #tpu.memory_space<hbm>> -> memref<128xi32, #tpu.memory_space<hbm>>
      tpu.wait_dma2 semaphore(%arg14 : memref<!tpu.dma_semaphore, #tpu.memory_space<semaphore_mem>>) src(%dma_wait3A_375 : memref<128xi32, #tpu.memory_space<hbm>>) dst(%dma_wait3A_374 : memref<128xi32, #tpu.memory_space<vmem>>)
      %dma_wait3A_376 = arith.constant 1 : i32
      %dma_wait3A_377 = arith.constant 0 : i32
      %dma_wait3A_378 = tpu.memref_slice %arg11[%dma_wait3A_376, %dma_wait3A_377] : memref<8x128xf32, #tpu.memory_space<vmem>> -> memref<1x128xf32, #tpu.memory_space<vmem>>
      %dma_wait3A_379 = tpu.memref_squeeze %dma_wait3A_378 : memref<1x128xf32, #tpu.memory_space<vmem>> -> memref<128xf32, #tpu.memory_space<vmem>>
      %dma_wait3A_380 = tpu.memref_slice %arg4[%mul3A_88] : memref<1638400xf32, #tpu.memory_space<hbm>> -> memref<128xf32, #tpu.memory_space<hbm>>
      %dma_wait3A_381 = arith.constant 0 : i32
      %dma_wait3A_382 = tpu.memref_slice %arg11[%dma_wait3A_376, %dma_wait3A_381] : memref<8x128xf32, #tpu.memory_space<vmem>> -> memref<1x128xf32, #tpu.memory_space<vmem>>
      %dma_wait3A_383 = tpu.memref_squeeze %dma_wait3A_382 : memref<1x128xf32, #tpu.memory_space<vmem>> -> memref<128xf32, #tpu.memory_space<vmem>>
      %dma_wait3A_384 = tpu.memref_slice %arg4[%mul3A_88] : memref<1638400xf32, #tpu.memory_space<hbm>> -> memref<128xf32, #tpu.memory_space<hbm>>
      tpu.wait_dma2 semaphore(%arg14 : memref<!tpu.dma_semaphore, #tpu.memory_space<semaphore_mem>>) src(%dma_wait3A_384 : memref<128xf32, #tpu.memory_space<hbm>>) dst(%dma_wait3A_383 : memref<128xf32, #tpu.memory_space<vmem>>)
      %dma_wait3A_385 = arith.constant 2 : i32
      %dma_wait3A_386 = arith.constant 0 : i32
      %dma_wait3A_387 = tpu.memref_slice %arg9[%dma_wait3A_385, %dma_wait3A_386] : memref<8x128xi32, #tpu.memory_space<vmem>> -> memref<1x128xi32, #tpu.memory_space<vmem>>
      %dma_wait3A_388 = tpu.memref_squeeze %dma_wait3A_387 : memref<1x128xi32, #tpu.memory_space<vmem>> -> memref<128xi32, #tpu.memory_space<vmem>>
      %dma_wait3A_389 = tpu.memref_slice %arg2[%mul3A_101] : memref<1638400xi32, #tpu.memory_space<hbm>> -> memref<128xi32, #tpu.memory_space<hbm>>
      %dma_wait3A_390 = arith.constant 0 : i32
      %dma_wait3A_391 = tpu.memref_slice %arg9[%dma_wait3A_385, %dma_wait3A_390] : memref<8x128xi32, #tpu.memory_space<vmem>> -> memref<1x128xi32, #tpu.memory_space<vmem>>
      %dma_wait3A_392 = tpu.memref_squeeze %dma_wait3A_391 : memref<1x128xi32, #tpu.memory_space<vmem>> -> memref<128xi32, #tpu.memory_space<vmem>>
      %dma_wait3A_393 = tpu.memref_slice %arg2[%mul3A_101] : memref<1638400xi32, #tpu.memory_space<hbm>> -> memref<128xi32, #tpu.memory_space<hbm>>
      tpu.wait_dma2 semaphore(%arg14 : memref<!tpu.dma_semaphore, #tpu.memory_space<semaphore_mem>>) src(%dma_wait3A_393 : memref<128xi32, #tpu.memory_space<hbm>>) dst(%dma_wait3A_392 : memref<128xi32, #tpu.memory_space<vmem>>)
      %dma_wait3A_394 = arith.constant 2 : i32
      %dma_wait3A_395 = arith.constant 0 : i32
      %dma_wait3A_396 = tpu.memref_slice %arg10[%dma_wait3A_394, %dma_wait3A_395] : memref<8x128xi32, #tpu.memory_space<vmem>> -> memref<1x128xi32, #tpu.memory_space<vmem>>
      %dma_wait3A_397 = tpu.memref_squeeze %dma_wait3A_396 : memref<1x128xi32, #tpu.memory_space<vmem>> -> memref<128xi32, #tpu.memory_space<vmem>>
      %dma_wait3A_398 = tpu.memref_slice %arg3[%mul3A_114] : memref<1638400xi32, #tpu.memory_space<hbm>> -> memref<128xi32, #tpu.memory_space<hbm>>
      %dma_wait3A_399 = arith.constant 0 : i32
      %dma_wait3A_400 = tpu.memref_slice %arg10[%dma_wait3A_394, %dma_wait3A_399] : memref<8x128xi32, #tpu.memory_space<vmem>> -> memref<1x128xi32, #tpu.memory_space<vmem>>
      %dma_wait3A_401 = tpu.memref_squeeze %dma_wait3A_400 : memref<1x128xi32, #tpu.memory_space<vmem>> -> memref<128xi32, #tpu.memory_space<vmem>>
      %dma_wait3A_402 = tpu.memref_slice %arg3[%mul3A_114] : memref<1638400xi32, #tpu.memory_space<hbm>> -> memref<128xi32, #tpu.memory_space<hbm>>
      tpu.wait_dma2 semaphore(%arg14 : memref<!tpu.dma_semaphore, #tpu.memory_space<semaphore_mem>>) src(%dma_wait3A_402 : memref<128xi32, #tpu.memory_space<hbm>>) dst(%dma_wait3A_401 : memref<128xi32, #tpu.memory_space<vmem>>)
      %dma_wait3A_403 = arith.constant 2 : i32
      %dma_wait3A_404 = arith.constant 0 : i32
      %dma_wait3A_405 = tpu.memref_slice %arg11[%dma_wait3A_403, %dma_wait3A_404] : memref<8x128xf32, #tpu.memory_space<vmem>> -> memref<1x128xf32, #tpu.memory_space<vmem>>
      %dma_wait3A_406 = tpu.memref_squeeze %dma_wait3A_405 : memref<1x128xf32, #tpu.memory_space<vmem>> -> memref<128xf32, #tpu.memory_space<vmem>>
      %dma_wait3A_407 = tpu.memref_slice %arg4[%mul3A_127] : memref<1638400xf32, #tpu.memory_space<hbm>> -> memref<128xf32, #tpu.memory_space<hbm>>
      %dma_wait3A_408 = arith.constant 0 : i32
      %dma_wait3A_409 = tpu.memref_slice %arg11[%dma_wait3A_403, %dma_wait3A_408] : memref<8x128xf32, #tpu.memory_space<vmem>> -> memref<1x128xf32, #tpu.memory_space<vmem>>
      %dma_wait3A_410 = tpu.memref_squeeze %dma_wait3A_409 : memref<1x128xf32, #tpu.memory_space<vmem>> -> memref<128xf32, #tpu.memory_space<vmem>>
      %dma_wait3A_411 = tpu.memref_slice %arg4[%mul3A_127] : memref<1638400xf32, #tpu.memory_space<hbm>> -> memref<128xf32, #tpu.memory_space<hbm>>
      tpu.wait_dma2 semaphore(%arg14 : memref<!tpu.dma_semaphore, #tpu.memory_space<semaphore_mem>>) src(%dma_wait3A_411 : memref<128xf32, #tpu.memory_space<hbm>>) dst(%dma_wait3A_410 : memref<128xf32, #tpu.memory_space<vmem>>)
      %dma_wait3A_412 = arith.constant 3 : i32
      %dma_wait3A_413 = arith.constant 0 : i32
      %dma_wait3A_414 = tpu.memref_slice %arg9[%dma_wait3A_412, %dma_wait3A_413] : memref<8x128xi32, #tpu.memory_space<vmem>> -> memref<1x128xi32, #tpu.memory_space<vmem>>
      %dma_wait3A_415 = tpu.memref_squeeze %dma_wait3A_414 : memref<1x128xi32, #tpu.memory_space<vmem>> -> memref<128xi32, #tpu.memory_space<vmem>>
      %dma_wait3A_416 = tpu.memref_slice %arg2[%mul3A_140] : memref<1638400xi32, #tpu.memory_space<hbm>> -> memref<128xi32, #tpu.memory_space<hbm>>
      %dma_wait3A_417 = arith.constant 0 : i32
      %dma_wait3A_418 = tpu.memref_slice %arg9[%dma_wait3A_412, %dma_wait3A_417] : memref<8x128xi32, #tpu.memory_space<vmem>> -> memref<1x128xi32, #tpu.memory_space<vmem>>
      %dma_wait3A_419 = tpu.memref_squeeze %dma_wait3A_418 : memref<1x128xi32, #tpu.memory_space<vmem>> -> memref<128xi32, #tpu.memory_space<vmem>>
      %dma_wait3A_420 = tpu.memref_slice %arg2[%mul3A_140] : memref<1638400xi32, #tpu.memory_space<hbm>> -> memref<128xi32, #tpu.memory_space<hbm>>
      tpu.wait_dma2 semaphore(%arg14 : memref<!tpu.dma_semaphore, #tpu.memory_space<semaphore_mem>>) src(%dma_wait3A_420 : memref<128xi32, #tpu.memory_space<hbm>>) dst(%dma_wait3A_419 : memref<128xi32, #tpu.memory_space<vmem>>)
      %dma_wait3A_421 = arith.constant 3 : i32
      %dma_wait3A_422 = arith.constant 0 : i32
      %dma_wait3A_423 = tpu.memref_slice %arg10[%dma_wait3A_421, %dma_wait3A_422] : memref<8x128xi32, #tpu.memory_space<vmem>> -> memref<1x128xi32, #tpu.memory_space<vmem>>
      %dma_wait3A_424 = tpu.memref_squeeze %dma_wait3A_423 : memref<1x128xi32, #tpu.memory_space<vmem>> -> memref<128xi32, #tpu.memory_space<vmem>>
      %dma_wait3A_425 = tpu.memref_slice %arg3[%mul3A_153] : memref<1638400xi32, #tpu.memory_space<hbm>> -> memref<128xi32, #tpu.memory_space<hbm>>
      %dma_wait3A_426 = arith.constant 0 : i32
      %dma_wait3A_427 = tpu.memref_slice %arg10[%dma_wait3A_421, %dma_wait3A_426] : memref<8x128xi32, #tpu.memory_space<vmem>> -> memref<1x128xi32, #tpu.memory_space<vmem>>
      %dma_wait3A_428 = tpu.memref_squeeze %dma_wait3A_427 : memref<1x128xi32, #tpu.memory_space<vmem>> -> memref<128xi32, #tpu.memory_space<vmem>>
      %dma_wait3A_429 = tpu.memref_slice %arg3[%mul3A_153] : memref<1638400xi32, #tpu.memory_space<hbm>> -> memref<128xi32, #tpu.memory_space<hbm>>
      tpu.wait_dma2 semaphore(%arg14 : memref<!tpu.dma_semaphore, #tpu.memory_space<semaphore_mem>>) src(%dma_wait3A_429 : memref<128xi32, #tpu.memory_space<hbm>>) dst(%dma_wait3A_428 : memref<128xi32, #tpu.memory_space<vmem>>)
      %dma_wait3A_430 = arith.constant 3 : i32
      %dma_wait3A_431 = arith.constant 0 : i32
      %dma_wait3A_432 = tpu.memref_slice %arg11[%dma_wait3A_430, %dma_wait3A_431] : memref<8x128xf32, #tpu.memory_space<vmem>> -> memref<1x128xf32, #tpu.memory_space<vmem>>
      %dma_wait3A_433 = tpu.memref_squeeze %dma_wait3A_432 : memref<1x128xf32, #tpu.memory_space<vmem>> -> memref<128xf32, #tpu.memory_space<vmem>>
      %dma_wait3A_434 = tpu.memref_slice %arg4[%mul3A_166] : memref<1638400xf32, #tpu.memory_space<hbm>> -> memref<128xf32, #tpu.memory_space<hbm>>
      %dma_wait3A_435 = arith.constant 0 : i32
      %dma_wait3A_436 = tpu.memref_slice %arg11[%dma_wait3A_430, %dma_wait3A_435] : memref<8x128xf32, #tpu.memory_space<vmem>> -> memref<1x128xf32, #tpu.memory_space<vmem>>
      %dma_wait3A_437 = tpu.memref_squeeze %dma_wait3A_436 : memref<1x128xf32, #tpu.memory_space<vmem>> -> memref<128xf32, #tpu.memory_space<vmem>>
      %dma_wait3A_438 = tpu.memref_slice %arg4[%mul3A_166] : memref<1638400xf32, #tpu.memory_space<hbm>> -> memref<128xf32, #tpu.memory_space<hbm>>
      tpu.wait_dma2 semaphore(%arg14 : memref<!tpu.dma_semaphore, #tpu.memory_space<semaphore_mem>>) src(%dma_wait3A_438 : memref<128xf32, #tpu.memory_space<hbm>>) dst(%dma_wait3A_437 : memref<128xf32, #tpu.memory_space<vmem>>)
      %dma_wait3A_439 = arith.constant 4 : i32
      %dma_wait3A_440 = arith.constant 0 : i32
      %dma_wait3A_441 = tpu.memref_slice %arg9[%dma_wait3A_439, %dma_wait3A_440] : memref<8x128xi32, #tpu.memory_space<vmem>> -> memref<1x128xi32, #tpu.memory_space<vmem>>
      %dma_wait3A_442 = tpu.memref_squeeze %dma_wait3A_441 : memref<1x128xi32, #tpu.memory_space<vmem>> -> memref<128xi32, #tpu.memory_space<vmem>>
      %dma_wait3A_443 = tpu.memref_slice %arg2[%mul3A_179] : memref<1638400xi32, #tpu.memory_space<hbm>> -> memref<128xi32, #tpu.memory_space<hbm>>
      %dma_wait3A_444 = arith.constant 0 : i32
      %dma_wait3A_445 = tpu.memref_slice %arg9[%dma_wait3A_439, %dma_wait3A_444] : memref<8x128xi32, #tpu.memory_space<vmem>> -> memref<1x128xi32, #tpu.memory_space<vmem>>
      %dma_wait3A_446 = tpu.memref_squeeze %dma_wait3A_445 : memref<1x128xi32, #tpu.memory_space<vmem>> -> memref<128xi32, #tpu.memory_space<vmem>>
      %dma_wait3A_447 = tpu.memref_slice %arg2[%mul3A_179] : memref<1638400xi32, #tpu.memory_space<hbm>> -> memref<128xi32, #tpu.memory_space<hbm>>
      tpu.wait_dma2 semaphore(%arg14 : memref<!tpu.dma_semaphore, #tpu.memory_space<semaphore_mem>>) src(%dma_wait3A_447 : memref<128xi32, #tpu.memory_space<hbm>>) dst(%dma_wait3A_446 : memref<128xi32, #tpu.memory_space<vmem>>)
      %dma_wait3A_448 = arith.constant 4 : i32
      %dma_wait3A_449 = arith.constant 0 : i32
      %dma_wait3A_450 = tpu.memref_slice %arg10[%dma_wait3A_448, %dma_wait3A_449] : memref<8x128xi32, #tpu.memory_space<vmem>> -> memref<1x128xi32, #tpu.memory_space<vmem>>
      %dma_wait3A_451 = tpu.memref_squeeze %dma_wait3A_450 : memref<1x128xi32, #tpu.memory_space<vmem>> -> memref<128xi32, #tpu.memory_space<vmem>>
      %dma_wait3A_452 = tpu.memref_slice %arg3[%mul3A_192] : memref<1638400xi32, #tpu.memory_space<hbm>> -> memref<128xi32, #tpu.memory_space<hbm>>
      %dma_wait3A_453 = arith.constant 0 : i32
      %dma_wait3A_454 = tpu.memref_slice %arg10[%dma_wait3A_448, %dma_wait3A_453] : memref<8x128xi32, #tpu.memory_space<vmem>> -> memref<1x128xi32, #tpu.memory_space<vmem>>
      %dma_wait3A_455 = tpu.memref_squeeze %dma_wait3A_454 : memref<1x128xi32, #tpu.memory_space<vmem>> -> memref<128xi32, #tpu.memory_space<vmem>>
      %dma_wait3A_456 = tpu.memref_slice %arg3[%mul3A_192] : memref<1638400xi32, #tpu.memory_space<hbm>> -> memref<128xi32, #tpu.memory_space<hbm>>
      tpu.wait_dma2 semaphore(%arg14 : memref<!tpu.dma_semaphore, #tpu.memory_space<semaphore_mem>>) src(%dma_wait3A_456 : memref<128xi32, #tpu.memory_space<hbm>>) dst(%dma_wait3A_455 : memref<128xi32, #tpu.memory_space<vmem>>)
      %dma_wait3A_457 = arith.constant 4 : i32
      %dma_wait3A_458 = arith.constant 0 : i32
      %dma_wait3A_459 = tpu.memref_slice %arg11[%dma_wait3A_457, %dma_wait3A_458] : memref<8x128xf32, #tpu.memory_space<vmem>> -> memref<1x128xf32, #tpu.memory_space<vmem>>
      %dma_wait3A_460 = tpu.memref_squeeze %dma_wait3A_459 : memref<1x128xf32, #tpu.memory_space<vmem>> -> memref<128xf32, #tpu.memory_space<vmem>>
      %dma_wait3A_461 = tpu.memref_slice %arg4[%mul3A_205] : memref<1638400xf32, #tpu.memory_space<hbm>> -> memref<128xf32, #tpu.memory_space<hbm>>
      %dma_wait3A_462 = arith.constant 0 : i32
      %dma_wait3A_463 = tpu.memref_slice %arg11[%dma_wait3A_457, %dma_wait3A_462] : memref<8x128xf32, #tpu.memory_space<vmem>> -> memref<1x128xf32, #tpu.memory_space<vmem>>
      %dma_wait3A_464 = tpu.memref_squeeze %dma_wait3A_463 : memref<1x128xf32, #tpu.memory_space<vmem>> -> memref<128xf32, #tpu.memory_space<vmem>>
      %dma_wait3A_465 = tpu.memref_slice %arg4[%mul3A_205] : memref<1638400xf32, #tpu.memory_space<hbm>> -> memref<128xf32, #tpu.memory_space<hbm>>
      tpu.wait_dma2 semaphore(%arg14 : memref<!tpu.dma_semaphore, #tpu.memory_space<semaphore_mem>>) src(%dma_wait3A_465 : memref<128xf32, #tpu.memory_space<hbm>>) dst(%dma_wait3A_464 : memref<128xf32, #tpu.memory_space<vmem>>)
      %dma_wait3A_466 = arith.constant 5 : i32
      %dma_wait3A_467 = arith.constant 0 : i32
      %dma_wait3A_468 = tpu.memref_slice %arg9[%dma_wait3A_466, %dma_wait3A_467] : memref<8x128xi32, #tpu.memory_space<vmem>> -> memref<1x128xi32, #tpu.memory_space<vmem>>
      %dma_wait3A_469 = tpu.memref_squeeze %dma_wait3A_468 : memref<1x128xi32, #tpu.memory_space<vmem>> -> memref<128xi32, #tpu.memory_space<vmem>>
      %dma_wait3A_470 = tpu.memref_slice %arg2[%mul3A_218] : memref<1638400xi32, #tpu.memory_space<hbm>> -> memref<128xi32, #tpu.memory_space<hbm>>
      %dma_wait3A_471 = arith.constant 0 : i32
      %dma_wait3A_472 = tpu.memref_slice %arg9[%dma_wait3A_466, %dma_wait3A_471] : memref<8x128xi32, #tpu.memory_space<vmem>> -> memref<1x128xi32, #tpu.memory_space<vmem>>
      %dma_wait3A_473 = tpu.memref_squeeze %dma_wait3A_472 : memref<1x128xi32, #tpu.memory_space<vmem>> -> memref<128xi32, #tpu.memory_space<vmem>>
      %dma_wait3A_474 = tpu.memref_slice %arg2[%mul3A_218] : memref<1638400xi32, #tpu.memory_space<hbm>> -> memref<128xi32, #tpu.memory_space<hbm>>
      tpu.wait_dma2 semaphore(%arg14 : memref<!tpu.dma_semaphore, #tpu.memory_space<semaphore_mem>>) src(%dma_wait3A_474 : memref<128xi32, #tpu.memory_space<hbm>>) dst(%dma_wait3A_473 : memref<128xi32, #tpu.memory_space<vmem>>)
      %dma_wait3A_475 = arith.constant 5 : i32
      %dma_wait3A_476 = arith.constant 0 : i32
      %dma_wait3A_477 = tpu.memref_slice %arg10[%dma_wait3A_475, %dma_wait3A_476] : memref<8x128xi32, #tpu.memory_space<vmem>> -> memref<1x128xi32, #tpu.memory_space<vmem>>
      %dma_wait3A_478 = tpu.memref_squeeze %dma_wait3A_477 : memref<1x128xi32, #tpu.memory_space<vmem>> -> memref<128xi32, #tpu.memory_space<vmem>>
      %dma_wait3A_479 = tpu.memref_slice %arg3[%mul3A_231] : memref<1638400xi32, #tpu.memory_space<hbm>> -> memref<128xi32, #tpu.memory_space<hbm>>
      %dma_wait3A_480 = arith.constant 0 : i32
      %dma_wait3A_481 = tpu.memref_slice %arg10[%dma_wait3A_475, %dma_wait3A_480] : memref<8x128xi32, #tpu.memory_space<vmem>> -> memref<1x128xi32, #tpu.memory_space<vmem>>
      %dma_wait3A_482 = tpu.memref_squeeze %dma_wait3A_481 : memref<1x128xi32, #tpu.memory_space<vmem>> -> memref<128xi32, #tpu.memory_space<vmem>>
      %dma_wait3A_483 = tpu.memref_slice %arg3[%mul3A_231] : memref<1638400xi32, #tpu.memory_space<hbm>> -> memref<128xi32, #tpu.memory_space<hbm>>
      tpu.wait_dma2 semaphore(%arg14 : memref<!tpu.dma_semaphore, #tpu.memory_space<semaphore_mem>>) src(%dma_wait3A_483 : memref<128xi32, #tpu.memory_space<hbm>>) dst(%dma_wait3A_482 : memref<128xi32, #tpu.memory_space<vmem>>)
      %dma_wait3A_484 = arith.constant 5 : i32
      %dma_wait3A_485 = arith.constant 0 : i32
      %dma_wait3A_486 = tpu.memref_slice %arg11[%dma_wait3A_484, %dma_wait3A_485] : memref<8x128xf32, #tpu.memory_space<vmem>> -> memref<1x128xf32, #tpu.memory_space<vmem>>
      %dma_wait3A_487 = tpu.memref_squeeze %dma_wait3A_486 : memref<1x128xf32, #tpu.memory_space<vmem>> -> memref<128xf32, #tpu.memory_space<vmem>>
      %dma_wait3A_488 = tpu.memref_slice %arg4[%mul3A_244] : memref<1638400xf32, #tpu.memory_space<hbm>> -> memref<128xf32, #tpu.memory_space<hbm>>
      %dma_wait3A_489 = arith.constant 0 : i32
      %dma_wait3A_490 = tpu.memref_slice %arg11[%dma_wait3A_484, %dma_wait3A_489] : memref<8x128xf32, #tpu.memory_space<vmem>> -> memref<1x128xf32, #tpu.memory_space<vmem>>
      %dma_wait3A_491 = tpu.memref_squeeze %dma_wait3A_490 : memref<1x128xf32, #tpu.memory_space<vmem>> -> memref<128xf32, #tpu.memory_space<vmem>>
      %dma_wait3A_492 = tpu.memref_slice %arg4[%mul3A_244] : memref<1638400xf32, #tpu.memory_space<hbm>> -> memref<128xf32, #tpu.memory_space<hbm>>
      tpu.wait_dma2 semaphore(%arg14 : memref<!tpu.dma_semaphore, #tpu.memory_space<semaphore_mem>>) src(%dma_wait3A_492 : memref<128xf32, #tpu.memory_space<hbm>>) dst(%dma_wait3A_491 : memref<128xf32, #tpu.memory_space<vmem>>)
      %dma_wait3A_493 = arith.constant 6 : i32
      %dma_wait3A_494 = arith.constant 0 : i32
      %dma_wait3A_495 = tpu.memref_slice %arg9[%dma_wait3A_493, %dma_wait3A_494] : memref<8x128xi32, #tpu.memory_space<vmem>> -> memref<1x128xi32, #tpu.memory_space<vmem>>
      %dma_wait3A_496 = tpu.memref_squeeze %dma_wait3A_495 : memref<1x128xi32, #tpu.memory_space<vmem>> -> memref<128xi32, #tpu.memory_space<vmem>>
      %dma_wait3A_497 = tpu.memref_slice %arg2[%mul3A_257] : memref<1638400xi32, #tpu.memory_space<hbm>> -> memref<128xi32, #tpu.memory_space<hbm>>
      %dma_wait3A_498 = arith.constant 0 : i32
      %dma_wait3A_499 = tpu.memref_slice %arg9[%dma_wait3A_493, %dma_wait3A_498] : memref<8x128xi32, #tpu.memory_space<vmem>> -> memref<1x128xi32, #tpu.memory_space<vmem>>
      %dma_wait3A_500 = tpu.memref_squeeze %dma_wait3A_499 : memref<1x128xi32, #tpu.memory_space<vmem>> -> memref<128xi32, #tpu.memory_space<vmem>>
      %dma_wait3A_501 = tpu.memref_slice %arg2[%mul3A_257] : memref<1638400xi32, #tpu.memory_space<hbm>> -> memref<128xi32, #tpu.memory_space<hbm>>
      tpu.wait_dma2 semaphore(%arg14 : memref<!tpu.dma_semaphore, #tpu.memory_space<semaphore_mem>>) src(%dma_wait3A_501 : memref<128xi32, #tpu.memory_space<hbm>>) dst(%dma_wait3A_500 : memref<128xi32, #tpu.memory_space<vmem>>)
      %dma_wait3A_502 = arith.constant 6 : i32
      %dma_wait3A_503 = arith.constant 0 : i32
      %dma_wait3A_504 = tpu.memref_slice %arg10[%dma_wait3A_502, %dma_wait3A_503] : memref<8x128xi32, #tpu.memory_space<vmem>> -> memref<1x128xi32, #tpu.memory_space<vmem>>
      %dma_wait3A_505 = tpu.memref_squeeze %dma_wait3A_504 : memref<1x128xi32, #tpu.memory_space<vmem>> -> memref<128xi32, #tpu.memory_space<vmem>>
      %dma_wait3A_506 = tpu.memref_slice %arg3[%mul3A_270] : memref<1638400xi32, #tpu.memory_space<hbm>> -> memref<128xi32, #tpu.memory_space<hbm>>
      %dma_wait3A_507 = arith.constant 0 : i32
      %dma_wait3A_508 = tpu.memref_slice %arg10[%dma_wait3A_502, %dma_wait3A_507] : memref<8x128xi32, #tpu.memory_space<vmem>> -> memref<1x128xi32, #tpu.memory_space<vmem>>
      %dma_wait3A_509 = tpu.memref_squeeze %dma_wait3A_508 : memref<1x128xi32, #tpu.memory_space<vmem>> -> memref<128xi32, #tpu.memory_space<vmem>>
      %dma_wait3A_510 = tpu.memref_slice %arg3[%mul3A_270] : memref<1638400xi32, #tpu.memory_space<hbm>> -> memref<128xi32, #tpu.memory_space<hbm>>
      tpu.wait_dma2 semaphore(%arg14 : memref<!tpu.dma_semaphore, #tpu.memory_space<semaphore_mem>>) src(%dma_wait3A_510 : memref<128xi32, #tpu.memory_space<hbm>>) dst(%dma_wait3A_509 : memref<128xi32, #tpu.memory_space<vmem>>)
      %dma_wait3A_511 = arith.constant 6 : i32
      %dma_wait3A_512 = arith.constant 0 : i32
      %dma_wait3A_513 = tpu.memref_slice %arg11[%dma_wait3A_511, %dma_wait3A_512] : memref<8x128xf32, #tpu.memory_space<vmem>> -> memref<1x128xf32, #tpu.memory_space<vmem>>
      %dma_wait3A_514 = tpu.memref_squeeze %dma_wait3A_513 : memref<1x128xf32, #tpu.memory_space<vmem>> -> memref<128xf32, #tpu.memory_space<vmem>>
      %dma_wait3A_515 = tpu.memref_slice %arg4[%mul3A_283] : memref<1638400xf32, #tpu.memory_space<hbm>> -> memref<128xf32, #tpu.memory_space<hbm>>
      %dma_wait3A_516 = arith.constant 0 : i32
      %dma_wait3A_517 = tpu.memref_slice %arg11[%dma_wait3A_511, %dma_wait3A_516] : memref<8x128xf32, #tpu.memory_space<vmem>> -> memref<1x128xf32, #tpu.memory_space<vmem>>
      %dma_wait3A_518 = tpu.memref_squeeze %dma_wait3A_517 : memref<1x128xf32, #tpu.memory_space<vmem>> -> memref<128xf32, #tpu.memory_space<vmem>>
      %dma_wait3A_519 = tpu.memref_slice %arg4[%mul3A_283] : memref<1638400xf32, #tpu.memory_space<hbm>> -> memref<128xf32, #tpu.memory_space<hbm>>
      tpu.wait_dma2 semaphore(%arg14 : memref<!tpu.dma_semaphore, #tpu.memory_space<semaphore_mem>>) src(%dma_wait3A_519 : memref<128xf32, #tpu.memory_space<hbm>>) dst(%dma_wait3A_518 : memref<128xf32, #tpu.memory_space<vmem>>)
      %dma_wait3A_520 = arith.constant 7 : i32
      %dma_wait3A_521 = arith.constant 0 : i32
      %dma_wait3A_522 = tpu.memref_slice %arg9[%dma_wait3A_520, %dma_wait3A_521] : memref<8x128xi32, #tpu.memory_space<vmem>> -> memref<1x128xi32, #tpu.memory_space<vmem>>
      %dma_wait3A_523 = tpu.memref_squeeze %dma_wait3A_522 : memref<1x128xi32, #tpu.memory_space<vmem>> -> memref<128xi32, #tpu.memory_space<vmem>>
      %dma_wait3A_524 = tpu.memref_slice %arg2[%mul3A_296] : memref<1638400xi32, #tpu.memory_space<hbm>> -> memref<128xi32, #tpu.memory_space<hbm>>
      %dma_wait3A_525 = arith.constant 0 : i32
      %dma_wait3A_526 = tpu.memref_slice %arg9[%dma_wait3A_520, %dma_wait3A_525] : memref<8x128xi32, #tpu.memory_space<vmem>> -> memref<1x128xi32, #tpu.memory_space<vmem>>
      %dma_wait3A_527 = tpu.memref_squeeze %dma_wait3A_526 : memref<1x128xi32, #tpu.memory_space<vmem>> -> memref<128xi32, #tpu.memory_space<vmem>>
      %dma_wait3A_528 = tpu.memref_slice %arg2[%mul3A_296] : memref<1638400xi32, #tpu.memory_space<hbm>> -> memref<128xi32, #tpu.memory_space<hbm>>
      tpu.wait_dma2 semaphore(%arg14 : memref<!tpu.dma_semaphore, #tpu.memory_space<semaphore_mem>>) src(%dma_wait3A_528 : memref<128xi32, #tpu.memory_space<hbm>>) dst(%dma_wait3A_527 : memref<128xi32, #tpu.memory_space<vmem>>)
      %dma_wait3A_529 = arith.constant 7 : i32
      %dma_wait3A_530 = arith.constant 0 : i32
      %dma_wait3A_531 = tpu.memref_slice %arg10[%dma_wait3A_529, %dma_wait3A_530] : memref<8x128xi32, #tpu.memory_space<vmem>> -> memref<1x128xi32, #tpu.memory_space<vmem>>
      %dma_wait3A_532 = tpu.memref_squeeze %dma_wait3A_531 : memref<1x128xi32, #tpu.memory_space<vmem>> -> memref<128xi32, #tpu.memory_space<vmem>>
      %dma_wait3A_533 = tpu.memref_slice %arg3[%mul3A_309] : memref<1638400xi32, #tpu.memory_space<hbm>> -> memref<128xi32, #tpu.memory_space<hbm>>
      %dma_wait3A_534 = arith.constant 0 : i32
      %dma_wait3A_535 = tpu.memref_slice %arg10[%dma_wait3A_529, %dma_wait3A_534] : memref<8x128xi32, #tpu.memory_space<vmem>> -> memref<1x128xi32, #tpu.memory_space<vmem>>
      %dma_wait3A_536 = tpu.memref_squeeze %dma_wait3A_535 : memref<1x128xi32, #tpu.memory_space<vmem>> -> memref<128xi32, #tpu.memory_space<vmem>>
      %dma_wait3A_537 = tpu.memref_slice %arg3[%mul3A_309] : memref<1638400xi32, #tpu.memory_space<hbm>> -> memref<128xi32, #tpu.memory_space<hbm>>
      tpu.wait_dma2 semaphore(%arg14 : memref<!tpu.dma_semaphore, #tpu.memory_space<semaphore_mem>>) src(%dma_wait3A_537 : memref<128xi32, #tpu.memory_space<hbm>>) dst(%dma_wait3A_536 : memref<128xi32, #tpu.memory_space<vmem>>)
      %dma_wait3A_538 = arith.constant 7 : i32
      %dma_wait3A_539 = arith.constant 0 : i32
      %dma_wait3A_540 = tpu.memref_slice %arg11[%dma_wait3A_538, %dma_wait3A_539] : memref<8x128xf32, #tpu.memory_space<vmem>> -> memref<1x128xf32, #tpu.memory_space<vmem>>
      %dma_wait3A_541 = tpu.memref_squeeze %dma_wait3A_540 : memref<1x128xf32, #tpu.memory_space<vmem>> -> memref<128xf32, #tpu.memory_space<vmem>>
      %dma_wait3A_542 = tpu.memref_slice %arg4[%mul3A_322] : memref<1638400xf32, #tpu.memory_space<hbm>> -> memref<128xf32, #tpu.memory_space<hbm>>
      %dma_wait3A_543 = arith.constant 0 : i32
      %dma_wait3A_544 = tpu.memref_slice %arg11[%dma_wait3A_538, %dma_wait3A_543] : memref<8x128xf32, #tpu.memory_space<vmem>> -> memref<1x128xf32, #tpu.memory_space<vmem>>
      %dma_wait3A_545 = tpu.memref_squeeze %dma_wait3A_544 : memref<1x128xf32, #tpu.memory_space<vmem>> -> memref<128xf32, #tpu.memory_space<vmem>>
      %dma_wait3A_546 = tpu.memref_slice %arg4[%mul3A_322] : memref<1638400xf32, #tpu.memory_space<hbm>> -> memref<128xf32, #tpu.memory_space<hbm>>
      tpu.wait_dma2 semaphore(%arg14 : memref<!tpu.dma_semaphore, #tpu.memory_space<semaphore_mem>>) src(%dma_wait3A_546 : memref<128xf32, #tpu.memory_space<hbm>>) dst(%dma_wait3A_545 : memref<128xf32, #tpu.memory_space<vmem>>)
      %dma_start3A_547 = arith.constant 0 : i32
      %dma_start3A_548 = arith.constant 0 : i32
      %dma_start3A_549 = arith.constant 0 : i32
      %dma_start3A_550 = tpu.memref_slice %arg12[%dma_start3A_548, %dma_start3A_549] : memref<1024x16xf32, #tpu.memory_space<vmem>> -> memref<128x16xf32, #tpu.memory_space<vmem>>
      %dma_start3A_551 = arith.constant 0 : i32
      %dma_start3A_552 = tpu.memref_slice %arg9[%dma_start3A_547, %dma_start3A_551] : memref<8x128xi32, #tpu.memory_space<vmem>> -> memref<1x128xi32, #tpu.memory_space<vmem>>
      %dma_start3A_553 = tpu.memref_squeeze %dma_start3A_552 : memref<1x128xi32, #tpu.memory_space<vmem>> -> memref<128xi32, #tpu.memory_space<vmem>>
      %dma_start3A_554 = arith.constant 0 : i32
      %dma_start3A_555 = arith.constant 0 : i32
      %dma_start3A_556 = tpu.memref_slice %arg5[%dma_start3A_554, %dma_start3A_555] : memref<100096x16xf32, #tpu.memory_space<hbm>> -> memref<100096x16xf32, #tpu.memory_space<hbm>>
      tpu.enqueue_indirect_dma source(%dma_start3A_556 : memref<100096x16xf32, #tpu.memory_space<hbm>>) target(%dma_start3A_550 : memref<128x16xf32, #tpu.memory_space<vmem>>) offsets(%dma_start3A_553 : memref<128xi32, #tpu.memory_space<vmem>>) semaphore(%arg15 : memref<!tpu.dma_semaphore, #tpu.memory_space<semaphore_mem>>)
      %dma_start3A_557 = arith.constant 1 : i32
      %dma_start3A_558 = arith.constant 128 : i32
      %dma_start3A_559 = arith.constant 0 : i32
      %dma_start3A_560 = tpu.memref_slice %arg12[%dma_start3A_558, %dma_start3A_559] : memref<1024x16xf32, #tpu.memory_space<vmem>> -> memref<128x16xf32, #tpu.memory_space<vmem>>
      %dma_start3A_561 = arith.constant 0 : i32
      %dma_start3A_562 = tpu.memref_slice %arg9[%dma_start3A_557, %dma_start3A_561] : memref<8x128xi32, #tpu.memory_space<vmem>> -> memref<1x128xi32, #tpu.memory_space<vmem>>
      %dma_start3A_563 = tpu.memref_squeeze %dma_start3A_562 : memref<1x128xi32, #tpu.memory_space<vmem>> -> memref<128xi32, #tpu.memory_space<vmem>>
      %dma_start3A_564 = arith.constant 0 : i32
      %dma_start3A_565 = arith.constant 0 : i32
      %dma_start3A_566 = tpu.memref_slice %arg5[%dma_start3A_564, %dma_start3A_565] : memref<100096x16xf32, #tpu.memory_space<hbm>> -> memref<100096x16xf32, #tpu.memory_space<hbm>>
      tpu.enqueue_indirect_dma source(%dma_start3A_566 : memref<100096x16xf32, #tpu.memory_space<hbm>>) target(%dma_start3A_560 : memref<128x16xf32, #tpu.memory_space<vmem>>) offsets(%dma_start3A_563 : memref<128xi32, #tpu.memory_space<vmem>>) semaphore(%arg15 : memref<!tpu.dma_semaphore, #tpu.memory_space<semaphore_mem>>)
      %dma_start3A_567 = arith.constant 2 : i32
      %dma_start3A_568 = arith.constant 256 : i32
      %dma_start3A_569 = arith.constant 0 : i32
      %dma_start3A_570 = tpu.memref_slice %arg12[%dma_start3A_568, %dma_start3A_569] : memref<1024x16xf32, #tpu.memory_space<vmem>> -> memref<128x16xf32, #tpu.memory_space<vmem>>
      %dma_start3A_571 = arith.constant 0 : i32
      %dma_start3A_572 = tpu.memref_slice %arg9[%dma_start3A_567, %dma_start3A_571] : memref<8x128xi32, #tpu.memory_space<vmem>> -> memref<1x128xi32, #tpu.memory_space<vmem>>
      %dma_start3A_573 = tpu.memref_squeeze %dma_start3A_572 : memref<1x128xi32, #tpu.memory_space<vmem>> -> memref<128xi32, #tpu.memory_space<vmem>>
      %dma_start3A_574 = arith.constant 0 : i32
      %dma_start3A_575 = arith.constant 0 : i32
      %dma_start3A_576 = tpu.memref_slice %arg5[%dma_start3A_574, %dma_start3A_575] : memref<100096x16xf32, #tpu.memory_space<hbm>> -> memref<100096x16xf32, #tpu.memory_space<hbm>>
      tpu.enqueue_indirect_dma source(%dma_start3A_576 : memref<100096x16xf32, #tpu.memory_space<hbm>>) target(%dma_start3A_570 : memref<128x16xf32, #tpu.memory_space<vmem>>) offsets(%dma_start3A_573 : memref<128xi32, #tpu.memory_space<vmem>>) semaphore(%arg15 : memref<!tpu.dma_semaphore, #tpu.memory_space<semaphore_mem>>)
      %dma_start3A_577 = arith.constant 3 : i32
      %dma_start3A_578 = arith.constant 384 : i32
      %dma_start3A_579 = arith.constant 0 : i32
      %dma_start3A_580 = tpu.memref_slice %arg12[%dma_start3A_578, %dma_start3A_579] : memref<1024x16xf32, #tpu.memory_space<vmem>> -> memref<128x16xf32, #tpu.memory_space<vmem>>
      %dma_start3A_581 = arith.constant 0 : i32
      %dma_start3A_582 = tpu.memref_slice %arg9[%dma_start3A_577, %dma_start3A_581] : memref<8x128xi32, #tpu.memory_space<vmem>> -> memref<1x128xi32, #tpu.memory_space<vmem>>
      %dma_start3A_583 = tpu.memref_squeeze %dma_start3A_582 : memref<1x128xi32, #tpu.memory_space<vmem>> -> memref<128xi32, #tpu.memory_space<vmem>>
      %dma_start3A_584 = arith.constant 0 : i32
      %dma_start3A_585 = arith.constant 0 : i32
      %dma_start3A_586 = tpu.memref_slice %arg5[%dma_start3A_584, %dma_start3A_585] : memref<100096x16xf32, #tpu.memory_space<hbm>> -> memref<100096x16xf32, #tpu.memory_space<hbm>>
      tpu.enqueue_indirect_dma source(%dma_start3A_586 : memref<100096x16xf32, #tpu.memory_space<hbm>>) target(%dma_start3A_580 : memref<128x16xf32, #tpu.memory_space<vmem>>) offsets(%dma_start3A_583 : memref<128xi32, #tpu.memory_space<vmem>>) semaphore(%arg15 : memref<!tpu.dma_semaphore, #tpu.memory_space<semaphore_mem>>)
      %dma_start3A_587 = arith.constant 4 : i32
      %dma_start3A_588 = arith.constant 512 : i32
      %dma_start3A_589 = arith.constant 0 : i32
      %dma_start3A_590 = tpu.memref_slice %arg12[%dma_start3A_588, %dma_start3A_589] : memref<1024x16xf32, #tpu.memory_space<vmem>> -> memref<128x16xf32, #tpu.memory_space<vmem>>
      %dma_start3A_591 = arith.constant 0 : i32
      %dma_start3A_592 = tpu.memref_slice %arg9[%dma_start3A_587, %dma_start3A_591] : memref<8x128xi32, #tpu.memory_space<vmem>> -> memref<1x128xi32, #tpu.memory_space<vmem>>
      %dma_start3A_593 = tpu.memref_squeeze %dma_start3A_592 : memref<1x128xi32, #tpu.memory_space<vmem>> -> memref<128xi32, #tpu.memory_space<vmem>>
      %dma_start3A_594 = arith.constant 0 : i32
      %dma_start3A_595 = arith.constant 0 : i32
      %dma_start3A_596 = tpu.memref_slice %arg5[%dma_start3A_594, %dma_start3A_595] : memref<100096x16xf32, #tpu.memory_space<hbm>> -> memref<100096x16xf32, #tpu.memory_space<hbm>>
      tpu.enqueue_indirect_dma source(%dma_start3A_596 : memref<100096x16xf32, #tpu.memory_space<hbm>>) target(%dma_start3A_590 : memref<128x16xf32, #tpu.memory_space<vmem>>) offsets(%dma_start3A_593 : memref<128xi32, #tpu.memory_space<vmem>>) semaphore(%arg15 : memref<!tpu.dma_semaphore, #tpu.memory_space<semaphore_mem>>)
      %dma_start3A_597 = arith.constant 5 : i32
      %dma_start3A_598 = arith.constant 640 : i32
      %dma_start3A_599 = arith.constant 0 : i32
      %dma_start3A_600 = tpu.memref_slice %arg12[%dma_start3A_598, %dma_start3A_599] : memref<1024x16xf32, #tpu.memory_space<vmem>> -> memref<128x16xf32, #tpu.memory_space<vmem>>
      %dma_start3A_601 = arith.constant 0 : i32
      %dma_start3A_602 = tpu.memref_slice %arg9[%dma_start3A_597, %dma_start3A_601] : memref<8x128xi32, #tpu.memory_space<vmem>> -> memref<1x128xi32, #tpu.memory_space<vmem>>
      %dma_start3A_603 = tpu.memref_squeeze %dma_start3A_602 : memref<1x128xi32, #tpu.memory_space<vmem>> -> memref<128xi32, #tpu.memory_space<vmem>>
      %dma_start3A_604 = arith.constant 0 : i32
      %dma_start3A_605 = arith.constant 0 : i32
      %dma_start3A_606 = tpu.memref_slice %arg5[%dma_start3A_604, %dma_start3A_605] : memref<100096x16xf32, #tpu.memory_space<hbm>> -> memref<100096x16xf32, #tpu.memory_space<hbm>>
      tpu.enqueue_indirect_dma source(%dma_start3A_606 : memref<100096x16xf32, #tpu.memory_space<hbm>>) target(%dma_start3A_600 : memref<128x16xf32, #tpu.memory_space<vmem>>) offsets(%dma_start3A_603 : memref<128xi32, #tpu.memory_space<vmem>>) semaphore(%arg15 : memref<!tpu.dma_semaphore, #tpu.memory_space<semaphore_mem>>)
      %dma_start3A_607 = arith.constant 6 : i32
      %dma_start3A_608 = arith.constant 768 : i32
      %dma_start3A_609 = arith.constant 0 : i32
      %dma_start3A_610 = tpu.memref_slice %arg12[%dma_start3A_608, %dma_start3A_609] : memref<1024x16xf32, #tpu.memory_space<vmem>> -> memref<128x16xf32, #tpu.memory_space<vmem>>
      %dma_start3A_611 = arith.constant 0 : i32
      %dma_start3A_612 = tpu.memref_slice %arg9[%dma_start3A_607, %dma_start3A_611] : memref<8x128xi32, #tpu.memory_space<vmem>> -> memref<1x128xi32, #tpu.memory_space<vmem>>
      %dma_start3A_613 = tpu.memref_squeeze %dma_start3A_612 : memref<1x128xi32, #tpu.memory_space<vmem>> -> memref<128xi32, #tpu.memory_space<vmem>>
      %dma_start3A_614 = arith.constant 0 : i32
      %dma_start3A_615 = arith.constant 0 : i32
      %dma_start3A_616 = tpu.memref_slice %arg5[%dma_start3A_614, %dma_start3A_615] : memref<100096x16xf32, #tpu.memory_space<hbm>> -> memref<100096x16xf32, #tpu.memory_space<hbm>>
      tpu.enqueue_indirect_dma source(%dma_start3A_616 : memref<100096x16xf32, #tpu.memory_space<hbm>>) target(%dma_start3A_610 : memref<128x16xf32, #tpu.memory_space<vmem>>) offsets(%dma_start3A_613 : memref<128xi32, #tpu.memory_space<vmem>>) semaphore(%arg15 : memref<!tpu.dma_semaphore, #tpu.memory_space<semaphore_mem>>)
      %dma_start3A_617 = arith.constant 7 : i32
      %dma_start3A_618 = arith.constant 896 : i32
      %dma_start3A_619 = arith.constant 0 : i32
      %dma_start3A_620 = tpu.memref_slice %arg12[%dma_start3A_618, %dma_start3A_619] : memref<1024x16xf32, #tpu.memory_space<vmem>> -> memref<128x16xf32, #tpu.memory_space<vmem>>
      %dma_start3A_621 = arith.constant 0 : i32
      %dma_start3A_622 = tpu.memref_slice %arg9[%dma_start3A_617, %dma_start3A_621] : memref<8x128xi32, #tpu.memory_space<vmem>> -> memref<1x128xi32, #tpu.memory_space<vmem>>
      %dma_start3A_623 = tpu.memref_squeeze %dma_start3A_622 : memref<1x128xi32, #tpu.memory_space<vmem>> -> memref<128xi32, #tpu.memory_space<vmem>>
      %dma_start3A_624 = arith.constant 0 : i32
      %dma_start3A_625 = arith.constant 0 : i32
      %dma_start3A_626 = tpu.memref_slice %arg5[%dma_start3A_624, %dma_start3A_625] : memref<100096x16xf32, #tpu.memory_space<hbm>> -> memref<100096x16xf32, #tpu.memory_space<hbm>>
      tpu.enqueue_indirect_dma source(%dma_start3A_626 : memref<100096x16xf32, #tpu.memory_space<hbm>>) target(%dma_start3A_620 : memref<128x16xf32, #tpu.memory_space<vmem>>) offsets(%dma_start3A_623 : memref<128xi32, #tpu.memory_space<vmem>>) semaphore(%arg15 : memref<!tpu.dma_semaphore, #tpu.memory_space<semaphore_mem>>)
      %dma_wait3A_627 = arith.constant 0 : i32
      %dma_wait3A_628 = arith.constant 0 : i32
      %dma_wait3A_629 = arith.constant 0 : i32
      %dma_wait3A_630 = tpu.memref_slice %arg12[%dma_wait3A_628, %dma_wait3A_629] : memref<1024x16xf32, #tpu.memory_space<vmem>> -> memref<128x16xf32, #tpu.memory_space<vmem>>
      %dma_wait3A_631 = arith.constant 0 : i32
      %dma_wait3A_632 = tpu.memref_slice %arg9[%dma_wait3A_627, %dma_wait3A_631] : memref<8x128xi32, #tpu.memory_space<vmem>> -> memref<1x128xi32, #tpu.memory_space<vmem>>
      %dma_wait3A_633 = tpu.memref_squeeze %dma_wait3A_632 : memref<1x128xi32, #tpu.memory_space<vmem>> -> memref<128xi32, #tpu.memory_space<vmem>>
      %dma_wait3A_634 = arith.constant 0 : i32
      %dma_wait3A_635 = arith.constant 0 : i32
      %dma_wait3A_636 = tpu.memref_slice %arg5[%dma_wait3A_634, %dma_wait3A_635] : memref<100096x16xf32, #tpu.memory_space<hbm>> -> memref<100096x16xf32, #tpu.memory_space<hbm>>
      tpu.wait_indirect_dma semaphore(%arg15 : memref<!tpu.dma_semaphore, #tpu.memory_space<semaphore_mem>>) src(%dma_wait3A_636 : memref<100096x16xf32, #tpu.memory_space<hbm>>) dst(%dma_wait3A_630 : memref<128x16xf32, #tpu.memory_space<vmem>>)
      %dma_wait3A_637 = arith.constant 1 : i32
      %dma_wait3A_638 = arith.constant 128 : i32
      %dma_wait3A_639 = arith.constant 0 : i32
      %dma_wait3A_640 = tpu.memref_slice %arg12[%dma_wait3A_638, %dma_wait3A_639] : memref<1024x16xf32, #tpu.memory_space<vmem>> -> memref<128x16xf32, #tpu.memory_space<vmem>>
      %dma_wait3A_641 = arith.constant 0 : i32
      %dma_wait3A_642 = tpu.memref_slice %arg9[%dma_wait3A_637, %dma_wait3A_641] : memref<8x128xi32, #tpu.memory_space<vmem>> -> memref<1x128xi32, #tpu.memory_space<vmem>>
      %dma_wait3A_643 = tpu.memref_squeeze %dma_wait3A_642 : memref<1x128xi32, #tpu.memory_space<vmem>> -> memref<128xi32, #tpu.memory_space<vmem>>
      %dma_wait3A_644 = arith.constant 0 : i32
      %dma_wait3A_645 = arith.constant 0 : i32
      %dma_wait3A_646 = tpu.memref_slice %arg5[%dma_wait3A_644, %dma_wait3A_645] : memref<100096x16xf32, #tpu.memory_space<hbm>> -> memref<100096x16xf32, #tpu.memory_space<hbm>>
      tpu.wait_indirect_dma semaphore(%arg15 : memref<!tpu.dma_semaphore, #tpu.memory_space<semaphore_mem>>) src(%dma_wait3A_646 : memref<100096x16xf32, #tpu.memory_space<hbm>>) dst(%dma_wait3A_640 : memref<128x16xf32, #tpu.memory_space<vmem>>)
      %dma_wait3A_647 = arith.constant 2 : i32
      %dma_wait3A_648 = arith.constant 256 : i32
      %dma_wait3A_649 = arith.constant 0 : i32
      %dma_wait3A_650 = tpu.memref_slice %arg12[%dma_wait3A_648, %dma_wait3A_649] : memref<1024x16xf32, #tpu.memory_space<vmem>> -> memref<128x16xf32, #tpu.memory_space<vmem>>
      %dma_wait3A_651 = arith.constant 0 : i32
      %dma_wait3A_652 = tpu.memref_slice %arg9[%dma_wait3A_647, %dma_wait3A_651] : memref<8x128xi32, #tpu.memory_space<vmem>> -> memref<1x128xi32, #tpu.memory_space<vmem>>
      %dma_wait3A_653 = tpu.memref_squeeze %dma_wait3A_652 : memref<1x128xi32, #tpu.memory_space<vmem>> -> memref<128xi32, #tpu.memory_space<vmem>>
      %dma_wait3A_654 = arith.constant 0 : i32
      %dma_wait3A_655 = arith.constant 0 : i32
      %dma_wait3A_656 = tpu.memref_slice %arg5[%dma_wait3A_654, %dma_wait3A_655] : memref<100096x16xf32, #tpu.memory_space<hbm>> -> memref<100096x16xf32, #tpu.memory_space<hbm>>
      tpu.wait_indirect_dma semaphore(%arg15 : memref<!tpu.dma_semaphore, #tpu.memory_space<semaphore_mem>>) src(%dma_wait3A_656 : memref<100096x16xf32, #tpu.memory_space<hbm>>) dst(%dma_wait3A_650 : memref<128x16xf32, #tpu.memory_space<vmem>>)
      %dma_wait3A_657 = arith.constant 3 : i32
      %dma_wait3A_658 = arith.constant 384 : i32
      %dma_wait3A_659 = arith.constant 0 : i32
      %dma_wait3A_660 = tpu.memref_slice %arg12[%dma_wait3A_658, %dma_wait3A_659] : memref<1024x16xf32, #tpu.memory_space<vmem>> -> memref<128x16xf32, #tpu.memory_space<vmem>>
      %dma_wait3A_661 = arith.constant 0 : i32
      %dma_wait3A_662 = tpu.memref_slice %arg9[%dma_wait3A_657, %dma_wait3A_661] : memref<8x128xi32, #tpu.memory_space<vmem>> -> memref<1x128xi32, #tpu.memory_space<vmem>>
      %dma_wait3A_663 = tpu.memref_squeeze %dma_wait3A_662 : memref<1x128xi32, #tpu.memory_space<vmem>> -> memref<128xi32, #tpu.memory_space<vmem>>
      %dma_wait3A_664 = arith.constant 0 : i32
      %dma_wait3A_665 = arith.constant 0 : i32
      %dma_wait3A_666 = tpu.memref_slice %arg5[%dma_wait3A_664, %dma_wait3A_665] : memref<100096x16xf32, #tpu.memory_space<hbm>> -> memref<100096x16xf32, #tpu.memory_space<hbm>>
      tpu.wait_indirect_dma semaphore(%arg15 : memref<!tpu.dma_semaphore, #tpu.memory_space<semaphore_mem>>) src(%dma_wait3A_666 : memref<100096x16xf32, #tpu.memory_space<hbm>>) dst(%dma_wait3A_660 : memref<128x16xf32, #tpu.memory_space<vmem>>)
      %dma_wait3A_667 = arith.constant 4 : i32
      %dma_wait3A_668 = arith.constant 512 : i32
      %dma_wait3A_669 = arith.constant 0 : i32
      %dma_wait3A_670 = tpu.memref_slice %arg12[%dma_wait3A_668, %dma_wait3A_669] : memref<1024x16xf32, #tpu.memory_space<vmem>> -> memref<128x16xf32, #tpu.memory_space<vmem>>
      %dma_wait3A_671 = arith.constant 0 : i32
      %dma_wait3A_672 = tpu.memref_slice %arg9[%dma_wait3A_667, %dma_wait3A_671] : memref<8x128xi32, #tpu.memory_space<vmem>> -> memref<1x128xi32, #tpu.memory_space<vmem>>
      %dma_wait3A_673 = tpu.memref_squeeze %dma_wait3A_672 : memref<1x128xi32, #tpu.memory_space<vmem>> -> memref<128xi32, #tpu.memory_space<vmem>>
      %dma_wait3A_674 = arith.constant 0 : i32
      %dma_wait3A_675 = arith.constant 0 : i32
      %dma_wait3A_676 = tpu.memref_slice %arg5[%dma_wait3A_674, %dma_wait3A_675] : memref<100096x16xf32, #tpu.memory_space<hbm>> -> memref<100096x16xf32, #tpu.memory_space<hbm>>
      tpu.wait_indirect_dma semaphore(%arg15 : memref<!tpu.dma_semaphore, #tpu.memory_space<semaphore_mem>>) src(%dma_wait3A_676 : memref<100096x16xf32, #tpu.memory_space<hbm>>) dst(%dma_wait3A_670 : memref<128x16xf32, #tpu.memory_space<vmem>>)
      %dma_wait3A_677 = arith.constant 5 : i32
      %dma_wait3A_678 = arith.constant 640 : i32
      %dma_wait3A_679 = arith.constant 0 : i32
      %dma_wait3A_680 = tpu.memref_slice %arg12[%dma_wait3A_678, %dma_wait3A_679] : memref<1024x16xf32, #tpu.memory_space<vmem>> -> memref<128x16xf32, #tpu.memory_space<vmem>>
      %dma_wait3A_681 = arith.constant 0 : i32
      %dma_wait3A_682 = tpu.memref_slice %arg9[%dma_wait3A_677, %dma_wait3A_681] : memref<8x128xi32, #tpu.memory_space<vmem>> -> memref<1x128xi32, #tpu.memory_space<vmem>>
      %dma_wait3A_683 = tpu.memref_squeeze %dma_wait3A_682 : memref<1x128xi32, #tpu.memory_space<vmem>> -> memref<128xi32, #tpu.memory_space<vmem>>
      %dma_wait3A_684 = arith.constant 0 : i32
      %dma_wait3A_685 = arith.constant 0 : i32
      %dma_wait3A_686 = tpu.memref_slice %arg5[%dma_wait3A_684, %dma_wait3A_685] : memref<100096x16xf32, #tpu.memory_space<hbm>> -> memref<100096x16xf32, #tpu.memory_space<hbm>>
      tpu.wait_indirect_dma semaphore(%arg15 : memref<!tpu.dma_semaphore, #tpu.memory_space<semaphore_mem>>) src(%dma_wait3A_686 : memref<100096x16xf32, #tpu.memory_space<hbm>>) dst(%dma_wait3A_680 : memref<128x16xf32, #tpu.memory_space<vmem>>)
      %dma_wait3A_687 = arith.constant 6 : i32
      %dma_wait3A_688 = arith.constant 768 : i32
      %dma_wait3A_689 = arith.constant 0 : i32
      %dma_wait3A_690 = tpu.memref_slice %arg12[%dma_wait3A_688, %dma_wait3A_689] : memref<1024x16xf32, #tpu.memory_space<vmem>> -> memref<128x16xf32, #tpu.memory_space<vmem>>
      %dma_wait3A_691 = arith.constant 0 : i32
      %dma_wait3A_692 = tpu.memref_slice %arg9[%dma_wait3A_687, %dma_wait3A_691] : memref<8x128xi32, #tpu.memory_space<vmem>> -> memref<1x128xi32, #tpu.memory_space<vmem>>
      %dma_wait3A_693 = tpu.memref_squeeze %dma_wait3A_692 : memref<1x128xi32, #tpu.memory_space<vmem>> -> memref<128xi32, #tpu.memory_space<vmem>>
      %dma_wait3A_694 = arith.constant 0 : i32
      %dma_wait3A_695 = arith.constant 0 : i32
      %dma_wait3A_696 = tpu.memref_slice %arg5[%dma_wait3A_694, %dma_wait3A_695] : memref<100096x16xf32, #tpu.memory_space<hbm>> -> memref<100096x16xf32, #tpu.memory_space<hbm>>
      tpu.wait_indirect_dma semaphore(%arg15 : memref<!tpu.dma_semaphore, #tpu.memory_space<semaphore_mem>>) src(%dma_wait3A_696 : memref<100096x16xf32, #tpu.memory_space<hbm>>) dst(%dma_wait3A_690 : memref<128x16xf32, #tpu.memory_space<vmem>>)
      %dma_wait3A_697 = arith.constant 7 : i32
      %dma_wait3A_698 = arith.constant 896 : i32
      %dma_wait3A_699 = arith.constant 0 : i32
      %dma_wait3A_700 = tpu.memref_slice %arg12[%dma_wait3A_698, %dma_wait3A_699] : memref<1024x16xf32, #tpu.memory_space<vmem>> -> memref<128x16xf32, #tpu.memory_space<vmem>>
      %dma_wait3A_701 = arith.constant 0 : i32
      %dma_wait3A_702 = tpu.memref_slice %arg9[%dma_wait3A_697, %dma_wait3A_701] : memref<8x128xi32, #tpu.memory_space<vmem>> -> memref<1x128xi32, #tpu.memory_space<vmem>>
      %dma_wait3A_703 = tpu.memref_squeeze %dma_wait3A_702 : memref<1x128xi32, #tpu.memory_space<vmem>> -> memref<128xi32, #tpu.memory_space<vmem>>
      %dma_wait3A_704 = arith.constant 0 : i32
      %dma_wait3A_705 = arith.constant 0 : i32
      %dma_wait3A_706 = tpu.memref_slice %arg5[%dma_wait3A_704, %dma_wait3A_705] : memref<100096x16xf32, #tpu.memory_space<hbm>> -> memref<100096x16xf32, #tpu.memory_space<hbm>>
      tpu.wait_indirect_dma semaphore(%arg15 : memref<!tpu.dma_semaphore, #tpu.memory_space<semaphore_mem>>) src(%dma_wait3A_706 : memref<100096x16xf32, #tpu.memory_space<hbm>>) dst(%dma_wait3A_700 : memref<128x16xf32, #tpu.memory_space<vmem>>)
      %parallel_loop3A = arith.constant 0 : i32
      %parallel_loop3A_707 = arith.constant 64 : i32
      %parallel_loop3A_708 = arith.constant 1 : i32
      scf.for %parallel_loop3A_869 = %parallel_loop3A to %parallel_loop3A_707 step %parallel_loop3A_708  : i32 {
        %parallel_loop3A_870 = arith.constant 8 : i32
        %parallel_loop3A_871 = arith.divsi %parallel_loop3A_869, %parallel_loop3A_870 : i32
        %parallel_loop3A_872 = arith.constant 0 : i32
        %parallel_loop3A_873 = arith.cmpi sgt, %parallel_loop3A_869, %parallel_loop3A_872 : i32
        %parallel_loop3A_874 = arith.extui %parallel_loop3A_873 : i1 to i32
        %parallel_loop3A_875 = arith.constant 0 : i32
        %parallel_loop3A_876 = arith.cmpi slt, %parallel_loop3A_869, %parallel_loop3A_875 : i32
        %parallel_loop3A_877 = arith.extui %parallel_loop3A_876 : i1 to i32
        %parallel_loop3A_878 = arith.subi %parallel_loop3A_874, %parallel_loop3A_877 : i32
        %parallel_loop3A_879 = arith.constant 0 : i32
        %parallel_loop3A_880 = arith.cmpi sgt, %parallel_loop3A_870, %parallel_loop3A_879 : i32
        %parallel_loop3A_881 = arith.extui %parallel_loop3A_880 : i1 to i32
        %parallel_loop3A_882 = arith.constant 0 : i32
        %parallel_loop3A_883 = arith.cmpi slt, %parallel_loop3A_870, %parallel_loop3A_882 : i32
        %parallel_loop3A_884 = arith.extui %parallel_loop3A_883 : i1 to i32
        %parallel_loop3A_885 = arith.subi %parallel_loop3A_881, %parallel_loop3A_884 : i32
        %parallel_loop3A_886 = arith.cmpi ne, %parallel_loop3A_878, %parallel_loop3A_885 : i32
        %parallel_loop3A_887 = arith.remsi %parallel_loop3A_869, %parallel_loop3A_870 : i32
        %parallel_loop3A_888 = arith.constant 0 : i32
        %parallel_loop3A_889 = arith.cmpi ne, %parallel_loop3A_887, %parallel_loop3A_888 : i32
        %parallel_loop3A_890 = arith.andi %parallel_loop3A_886, %parallel_loop3A_889 : i1
        %parallel_loop3A_891 = arith.constant 1 : i32
        %parallel_loop3A_892 = arith.subi %parallel_loop3A_871, %parallel_loop3A_891 : i32
        %parallel_loop3A_893 = arith.select %parallel_loop3A_890, %parallel_loop3A_892, %parallel_loop3A_871 : i32
        %parallel_loop3A_894 = arith.constant 8 : i32
        %parallel_loop3A_895 = arith.constant 0 : i32
        %parallel_loop3A_896 = arith.cmpi eq, %parallel_loop3A_894, %parallel_loop3A_895 : i32
        %parallel_loop3A_897 = arith.constant 1 : i32
        %parallel_loop3A_898 = arith.select %parallel_loop3A_896, %parallel_loop3A_897, %parallel_loop3A_894 : i32
        %parallel_loop3A_899 = arith.remsi %parallel_loop3A_869, %parallel_loop3A_898 : i32
        %parallel_loop3A_900 = arith.constant 0 : i32
        %parallel_loop3A_901 = arith.cmpi ne, %parallel_loop3A_899, %parallel_loop3A_900 : i32
        %parallel_loop3A_902 = arith.constant 0 : i32
        %parallel_loop3A_903 = arith.cmpi slt, %parallel_loop3A_899, %parallel_loop3A_902 : i32
        %parallel_loop3A_904 = arith.constant 0 : i32
        %parallel_loop3A_905 = arith.cmpi slt, %parallel_loop3A_898, %parallel_loop3A_904 : i32
        %parallel_loop3A_906 = arith.xori %parallel_loop3A_903, %parallel_loop3A_905 : i1
        %parallel_loop3A_907 = arith.andi %parallel_loop3A_906, %parallel_loop3A_901 : i1
        %parallel_loop3A_908 = arith.addi %parallel_loop3A_899, %parallel_loop3A_898 : i32
        %parallel_loop3A_909 = arith.select %parallel_loop3A_907, %parallel_loop3A_908, %parallel_loop3A_899 : i32
        %parallel_loop3A_910 = arith.constant 16 : i32
        %parallel_loop3A_911 = arith.muli %parallel_loop3A_909, %parallel_loop3A_910 : i32
        %parallel_loop3A_912 = arith.index_cast %parallel_loop3A_893 : i32 to index
        %parallel_loop3A_913 = arith.index_cast %parallel_loop3A_911 : i32 to index
        %parallel_loop3A_914 = tpu.vector_load %arg11[%parallel_loop3A_912, %parallel_loop3A_913] {strides = array<i32>} : memref<8x128xf32, #tpu.memory_space<vmem>>, vector<1x16xf32>,
        %parallel_loop3A_915 = vector.shape_cast %parallel_loop3A_914 : vector<1x16xf32> to vector<16xf32>
        %parallel_loop3A_916 = arith.constant 16 : i32
        %parallel_loop3A_917 = arith.muli %parallel_loop3A_869, %parallel_loop3A_916 : i32
        %parallel_loop3A_918 = arith.constant 0 : i32
        %parallel_loop3A_919 = arith.addi %parallel_loop3A_917, %parallel_loop3A_918 : i32
        %parallel_loop3A_920 = tpu.iota {dimensions = array<i32: 0>} : vector<16xi32>
        %parallel_loop3A_921 = arith.constant 0 : i32
        %parallel_loop3A_922 = vector.broadcast %parallel_loop3A_921 : i32 to vector<16xi32>
        %parallel_loop3A_923 = arith.muli %parallel_loop3A_920, %parallel_loop3A_922 : vector<16xi32>
        %parallel_loop3A_924 = arith.constant 0 : i32
        %parallel_loop3A_925 = vector.broadcast %parallel_loop3A_924 : i32 to vector<16xi32>
        %parallel_loop3A_926 = arith.addi %parallel_loop3A_923, %parallel_loop3A_925 : vector<16xi32>
        %parallel_loop3A_927 = vector.shape_cast %parallel_loop3A_926 : vector<16xi32> to vector<16x1xi32>
        %parallel_loop3A_928 = vector.shape_cast %parallel_loop3A_927 : vector<16x1xi32> to vector<16xi32>
        %parallel_loop3A_929 = tpu.dynamic_gather %parallel_loop3A_915[%parallel_loop3A_928] in [0] : vector<16xf32>, vector<16xi32> -> vector<16xf32>
        %parallel_loop3A_930 = arith.index_cast %parallel_loop3A_919 : i32 to index
        %parallel_loop3A_931 = arith.constant 0 : index
        %parallel_loop3A_932 = tpu.vector_load %arg12[%parallel_loop3A_930, %parallel_loop3A_931] {strides = array<i32>} : memref<1024x16xf32, #tpu.memory_space<vmem>>, vector<1x16xf32>,
        %parallel_loop3A_933 = vector.shape_cast %parallel_loop3A_932 : vector<1x16xf32> to vector<16xf32>
        %parallel_loop3A_934 = arith.mulf %parallel_loop3A_933, %parallel_loop3A_929 : vector<16xf32>
        %parallel_loop3A_935 = arith.index_cast %parallel_loop3A_919 : i32 to index
        %parallel_loop3A_936 = arith.constant 0 : index
        %parallel_loop3A_937 = tpu.vector_load %arg12[%parallel_loop3A_935, %parallel_loop3A_936] {strides = array<i32>} : memref<1024x16xf32, #tpu.memory_space<vmem>>, vector<1x16xf32>,
        %parallel_loop3A_938 = vector.shape_cast %parallel_loop3A_937 : vector<1x16xf32> to vector<16xf32>
        %parallel_loop3A_939 = vector.shape_cast %parallel_loop3A_934 : vector<16xf32> to vector<1x16xf32>
        tpu.vector_store %arg12[%parallel_loop3A_935, %parallel_loop3A_936], %parallel_loop3A_939 {strides = array<i32>} : memref<1024x16xf32, #tpu.memory_space<vmem>>, vector<1x16xf32>,
        %parallel_loop3A_940 = arith.constant 1 : i32
        %parallel_loop3A_941 = arith.addi %parallel_loop3A_917, %parallel_loop3A_940 : i32
        %parallel_loop3A_942 = tpu.iota {dimensions = array<i32: 0>} : vector<16xi32>
        %parallel_loop3A_943 = arith.constant 0 : i32
        %parallel_loop3A_944 = vector.broadcast %parallel_loop3A_943 : i32 to vector<16xi32>
        %parallel_loop3A_945 = arith.muli %parallel_loop3A_942, %parallel_loop3A_944 : vector<16xi32>
        %parallel_loop3A_946 = arith.constant 1 : i32
        %parallel_loop3A_947 = vector.broadcast %parallel_loop3A_946 : i32 to vector<16xi32>
        %parallel_loop3A_948 = arith.addi %parallel_loop3A_945, %parallel_loop3A_947 : vector<16xi32>
        %parallel_loop3A_949 = vector.shape_cast %parallel_loop3A_948 : vector<16xi32> to vector<16x1xi32>
        %parallel_loop3A_950 = vector.shape_cast %parallel_loop3A_949 : vector<16x1xi32> to vector<16xi32>
        %parallel_loop3A_951 = tpu.dynamic_gather %parallel_loop3A_915[%parallel_loop3A_950] in [0] : vector<16xf32>, vector<16xi32> -> vector<16xf32>
        %parallel_loop3A_952 = arith.index_cast %parallel_loop3A_941 : i32 to index
        %parallel_loop3A_953 = arith.constant 0 : index
        %parallel_loop3A_954 = tpu.vector_load %arg12[%parallel_loop3A_952, %parallel_loop3A_953] {strides = array<i32>} : memref<1024x16xf32, #tpu.memory_space<vmem>>, vector<1x16xf32>,
        %parallel_loop3A_955 = vector.shape_cast %parallel_loop3A_954 : vector<1x16xf32> to vector<16xf32>
        %parallel_loop3A_956 = arith.mulf %parallel_loop3A_955, %parallel_loop3A_951 : vector<16xf32>
        %parallel_loop3A_957 = arith.index_cast %parallel_loop3A_941 : i32 to index
        %parallel_loop3A_958 = arith.constant 0 : index
        %parallel_loop3A_959 = tpu.vector_load %arg12[%parallel_loop3A_957, %parallel_loop3A_958] {strides = array<i32>} : memref<1024x16xf32, #tpu.memory_space<vmem>>, vector<1x16xf32>,
        %parallel_loop3A_960 = vector.shape_cast %parallel_loop3A_959 : vector<1x16xf32> to vector<16xf32>
        %parallel_loop3A_961 = vector.shape_cast %parallel_loop3A_956 : vector<16xf32> to vector<1x16xf32>
        tpu.vector_store %arg12[%parallel_loop3A_957, %parallel_loop3A_958], %parallel_loop3A_961 {strides = array<i32>} : memref<1024x16xf32, #tpu.memory_space<vmem>>, vector<1x16xf32>,
        %parallel_loop3A_962 = arith.constant 2 : i32
        %parallel_loop3A_963 = arith.addi %parallel_loop3A_917, %parallel_loop3A_962 : i32
        %parallel_loop3A_964 = tpu.iota {dimensions = array<i32: 0>} : vector<16xi32>
        %parallel_loop3A_965 = arith.constant 0 : i32
        %parallel_loop3A_966 = vector.broadcast %parallel_loop3A_965 : i32 to vector<16xi32>
        %parallel_loop3A_967 = arith.muli %parallel_loop3A_964, %parallel_loop3A_966 : vector<16xi32>
        %parallel_loop3A_968 = arith.constant 2 : i32
        %parallel_loop3A_969 = vector.broadcast %parallel_loop3A_968 : i32 to vector<16xi32>
        %parallel_loop3A_970 = arith.addi %parallel_loop3A_967, %parallel_loop3A_969 : vector<16xi32>
        %parallel_loop3A_971 = vector.shape_cast %parallel_loop3A_970 : vector<16xi32> to vector<16x1xi32>
        %parallel_loop3A_972 = vector.shape_cast %parallel_loop3A_971 : vector<16x1xi32> to vector<16xi32>
        %parallel_loop3A_973 = tpu.dynamic_gather %parallel_loop3A_915[%parallel_loop3A_972] in [0] : vector<16xf32>, vector<16xi32> -> vector<16xf32>
        %parallel_loop3A_974 = arith.index_cast %parallel_loop3A_963 : i32 to index
        %parallel_loop3A_975 = arith.constant 0 : index
        %parallel_loop3A_976 = tpu.vector_load %arg12[%parallel_loop3A_974, %parallel_loop3A_975] {strides = array<i32>} : memref<1024x16xf32, #tpu.memory_space<vmem>>, vector<1x16xf32>,
        %parallel_loop3A_977 = vector.shape_cast %parallel_loop3A_976 : vector<1x16xf32> to vector<16xf32>
        %parallel_loop3A_978 = arith.mulf %parallel_loop3A_977, %parallel_loop3A_973 : vector<16xf32>
        %parallel_loop3A_979 = arith.index_cast %parallel_loop3A_963 : i32 to index
        %parallel_loop3A_980 = arith.constant 0 : index
        %parallel_loop3A_981 = tpu.vector_load %arg12[%parallel_loop3A_979, %parallel_loop3A_980] {strides = array<i32>} : memref<1024x16xf32, #tpu.memory_space<vmem>>, vector<1x16xf32>,
        %parallel_loop3A_982 = vector.shape_cast %parallel_loop3A_981 : vector<1x16xf32> to vector<16xf32>
        %parallel_loop3A_983 = vector.shape_cast %parallel_loop3A_978 : vector<16xf32> to vector<1x16xf32>
        tpu.vector_store %arg12[%parallel_loop3A_979, %parallel_loop3A_980], %parallel_loop3A_983 {strides = array<i32>} : memref<1024x16xf32, #tpu.memory_space<vmem>>, vector<1x16xf32>,
        %parallel_loop3A_984 = arith.constant 3 : i32
        %parallel_loop3A_985 = arith.addi %parallel_loop3A_917, %parallel_loop3A_984 : i32
        %parallel_loop3A_986 = tpu.iota {dimensions = array<i32: 0>} : vector<16xi32>
        %parallel_loop3A_987 = arith.constant 0 : i32
        %parallel_loop3A_988 = vector.broadcast %parallel_loop3A_987 : i32 to vector<16xi32>
        %parallel_loop3A_989 = arith.muli %parallel_loop3A_986, %parallel_loop3A_988 : vector<16xi32>
        %parallel_loop3A_990 = arith.constant 3 : i32
        %parallel_loop3A_991 = vector.broadcast %parallel_loop3A_990 : i32 to vector<16xi32>
        %parallel_loop3A_992 = arith.addi %parallel_loop3A_989, %parallel_loop3A_991 : vector<16xi32>
        %parallel_loop3A_993 = vector.shape_cast %parallel_loop3A_992 : vector<16xi32> to vector<16x1xi32>
        %parallel_loop3A_994 = vector.shape_cast %parallel_loop3A_993 : vector<16x1xi32> to vector<16xi32>
        %parallel_loop3A_995 = tpu.dynamic_gather %parallel_loop3A_915[%parallel_loop3A_994] in [0] : vector<16xf32>, vector<16xi32> -> vector<16xf32>
        %parallel_loop3A_996 = arith.index_cast %parallel_loop3A_985 : i32 to index
        %parallel_loop3A_997 = arith.constant 0 : index
        %parallel_loop3A_998 = tpu.vector_load %arg12[%parallel_loop3A_996, %parallel_loop3A_997] {strides = array<i32>} : memref<1024x16xf32, #tpu.memory_space<vmem>>, vector<1x16xf32>,
        %parallel_loop3A_999 = vector.shape_cast %parallel_loop3A_998 : vector<1x16xf32> to vector<16xf32>
        %parallel_loop3A_1000 = arith.mulf %parallel_loop3A_999, %parallel_loop3A_995 : vector<16xf32>
        %parallel_loop3A_1001 = arith.index_cast %parallel_loop3A_985 : i32 to index
        %parallel_loop3A_1002 = arith.constant 0 : index
        %parallel_loop3A_1003 = tpu.vector_load %arg12[%parallel_loop3A_1001, %parallel_loop3A_1002] {strides = array<i32>} : memref<1024x16xf32, #tpu.memory_space<vmem>>, vector<1x16xf32>,
        %parallel_loop3A_1004 = vector.shape_cast %parallel_loop3A_1003 : vector<1x16xf32> to vector<16xf32>
        %parallel_loop3A_1005 = vector.shape_cast %parallel_loop3A_1000 : vector<16xf32> to vector<1x16xf32>
        tpu.vector_store %arg12[%parallel_loop3A_1001, %parallel_loop3A_1002], %parallel_loop3A_1005 {strides = array<i32>} : memref<1024x16xf32, #tpu.memory_space<vmem>>, vector<1x16xf32>,
        %parallel_loop3A_1006 = arith.constant 4 : i32
        %parallel_loop3A_1007 = arith.addi %parallel_loop3A_917, %parallel_loop3A_1006 : i32
        %parallel_loop3A_1008 = tpu.iota {dimensions = array<i32: 0>} : vector<16xi32>
        %parallel_loop3A_1009 = arith.constant 0 : i32
        %parallel_loop3A_1010 = vector.broadcast %parallel_loop3A_1009 : i32 to vector<16xi32>
        %parallel_loop3A_1011 = arith.muli %parallel_loop3A_1008, %parallel_loop3A_1010 : vector<16xi32>
        %parallel_loop3A_1012 = arith.constant 4 : i32
        %parallel_loop3A_1013 = vector.broadcast %parallel_loop3A_1012 : i32 to vector<16xi32>
        %parallel_loop3A_1014 = arith.addi %parallel_loop3A_1011, %parallel_loop3A_1013 : vector<16xi32>
        %parallel_loop3A_1015 = vector.shape_cast %parallel_loop3A_1014 : vector<16xi32> to vector<16x1xi32>
        %parallel_loop3A_1016 = vector.shape_cast %parallel_loop3A_1015 : vector<16x1xi32> to vector<16xi32>
        %parallel_loop3A_1017 = tpu.dynamic_gather %parallel_loop3A_915[%parallel_loop3A_1016] in [0] : vector<16xf32>, vector<16xi32> -> vector<16xf32>
        %parallel_loop3A_1018 = arith.index_cast %parallel_loop3A_1007 : i32 to index
        %parallel_loop3A_1019 = arith.constant 0 : index
        %parallel_loop3A_1020 = tpu.vector_load %arg12[%parallel_loop3A_1018, %parallel_loop3A_1019] {strides = array<i32>} : memref<1024x16xf32, #tpu.memory_space<vmem>>, vector<1x16xf32>,
        %parallel_loop3A_1021 = vector.shape_cast %parallel_loop3A_1020 : vector<1x16xf32> to vector<16xf32>
        %parallel_loop3A_1022 = arith.mulf %parallel_loop3A_1021, %parallel_loop3A_1017 : vector<16xf32>
        %parallel_loop3A_1023 = arith.index_cast %parallel_loop3A_1007 : i32 to index
        %parallel_loop3A_1024 = arith.constant 0 : index
        %parallel_loop3A_1025 = tpu.vector_load %arg12[%parallel_loop3A_1023, %parallel_loop3A_1024] {strides = array<i32>} : memref<1024x16xf32, #tpu.memory_space<vmem>>, vector<1x16xf32>,
        %parallel_loop3A_1026 = vector.shape_cast %parallel_loop3A_1025 : vector<1x16xf32> to vector<16xf32>
        %parallel_loop3A_1027 = vector.shape_cast %parallel_loop3A_1022 : vector<16xf32> to vector<1x16xf32>
        tpu.vector_store %arg12[%parallel_loop3A_1023, %parallel_loop3A_1024], %parallel_loop3A_1027 {strides = array<i32>} : memref<1024x16xf32, #tpu.memory_space<vmem>>, vector<1x16xf32>,
        %parallel_loop3A_1028 = arith.constant 5 : i32
        %parallel_loop3A_1029 = arith.addi %parallel_loop3A_917, %parallel_loop3A_1028 : i32
        %parallel_loop3A_1030 = tpu.iota {dimensions = array<i32: 0>} : vector<16xi32>
        %parallel_loop3A_1031 = arith.constant 0 : i32
        %parallel_loop3A_1032 = vector.broadcast %parallel_loop3A_1031 : i32 to vector<16xi32>
        %parallel_loop3A_1033 = arith.muli %parallel_loop3A_1030, %parallel_loop3A_1032 : vector<16xi32>
        %parallel_loop3A_1034 = arith.constant 5 : i32
        %parallel_loop3A_1035 = vector.broadcast %parallel_loop3A_1034 : i32 to vector<16xi32>
        %parallel_loop3A_1036 = arith.addi %parallel_loop3A_1033, %parallel_loop3A_1035 : vector<16xi32>
        %parallel_loop3A_1037 = vector.shape_cast %parallel_loop3A_1036 : vector<16xi32> to vector<16x1xi32>
        %parallel_loop3A_1038 = vector.shape_cast %parallel_loop3A_1037 : vector<16x1xi32> to vector<16xi32>
        %parallel_loop3A_1039 = tpu.dynamic_gather %parallel_loop3A_915[%parallel_loop3A_1038] in [0] : vector<16xf32>, vector<16xi32> -> vector<16xf32>
        %parallel_loop3A_1040 = arith.index_cast %parallel_loop3A_1029 : i32 to index
        %parallel_loop3A_1041 = arith.constant 0 : index
        %parallel_loop3A_1042 = tpu.vector_load %arg12[%parallel_loop3A_1040, %parallel_loop3A_1041] {strides = array<i32>} : memref<1024x16xf32, #tpu.memory_space<vmem>>, vector<1x16xf32>,
        %parallel_loop3A_1043 = vector.shape_cast %parallel_loop3A_1042 : vector<1x16xf32> to vector<16xf32>
        %parallel_loop3A_1044 = arith.mulf %parallel_loop3A_1043, %parallel_loop3A_1039 : vector<16xf32>
        %parallel_loop3A_1045 = arith.index_cast %parallel_loop3A_1029 : i32 to index
        %parallel_loop3A_1046 = arith.constant 0 : index
        %parallel_loop3A_1047 = tpu.vector_load %arg12[%parallel_loop3A_1045, %parallel_loop3A_1046] {strides = array<i32>} : memref<1024x16xf32, #tpu.memory_space<vmem>>, vector<1x16xf32>,
        %parallel_loop3A_1048 = vector.shape_cast %parallel_loop3A_1047 : vector<1x16xf32> to vector<16xf32>
        %parallel_loop3A_1049 = vector.shape_cast %parallel_loop3A_1044 : vector<16xf32> to vector<1x16xf32>
        tpu.vector_store %arg12[%parallel_loop3A_1045, %parallel_loop3A_1046], %parallel_loop3A_1049 {strides = array<i32>} : memref<1024x16xf32, #tpu.memory_space<vmem>>, vector<1x16xf32>,
        %parallel_loop3A_1050 = arith.constant 6 : i32
        %parallel_loop3A_1051 = arith.addi %parallel_loop3A_917, %parallel_loop3A_1050 : i32
        %parallel_loop3A_1052 = tpu.iota {dimensions = array<i32: 0>} : vector<16xi32>
        %parallel_loop3A_1053 = arith.constant 0 : i32
        %parallel_loop3A_1054 = vector.broadcast %parallel_loop3A_1053 : i32 to vector<16xi32>
        %parallel_loop3A_1055 = arith.muli %parallel_loop3A_1052, %parallel_loop3A_1054 : vector<16xi32>
        %parallel_loop3A_1056 = arith.constant 6 : i32
        %parallel_loop3A_1057 = vector.broadcast %parallel_loop3A_1056 : i32 to vector<16xi32>
        %parallel_loop3A_1058 = arith.addi %parallel_loop3A_1055, %parallel_loop3A_1057 : vector<16xi32>
        %parallel_loop3A_1059 = vector.shape_cast %parallel_loop3A_1058 : vector<16xi32> to vector<16x1xi32>
        %parallel_loop3A_1060 = vector.shape_cast %parallel_loop3A_1059 : vector<16x1xi32> to vector<16xi32>
        %parallel_loop3A_1061 = tpu.dynamic_gather %parallel_loop3A_915[%parallel_loop3A_1060] in [0] : vector<16xf32>, vector<16xi32> -> vector<16xf32>
        %parallel_loop3A_1062 = arith.index_cast %parallel_loop3A_1051 : i32 to index
        %parallel_loop3A_1063 = arith.constant 0 : index
        %parallel_loop3A_1064 = tpu.vector_load %arg12[%parallel_loop3A_1062, %parallel_loop3A_1063] {strides = array<i32>} : memref<1024x16xf32, #tpu.memory_space<vmem>>, vector<1x16xf32>,
        %parallel_loop3A_1065 = vector.shape_cast %parallel_loop3A_1064 : vector<1x16xf32> to vector<16xf32>
        %parallel_loop3A_1066 = arith.mulf %parallel_loop3A_1065, %parallel_loop3A_1061 : vector<16xf32>
        %parallel_loop3A_1067 = arith.index_cast %parallel_loop3A_1051 : i32 to index
        %parallel_loop3A_1068 = arith.constant 0 : index
        %parallel_loop3A_1069 = tpu.vector_load %arg12[%parallel_loop3A_1067, %parallel_loop3A_1068] {strides = array<i32>} : memref<1024x16xf32, #tpu.memory_space<vmem>>, vector<1x16xf32>,
        %parallel_loop3A_1070 = vector.shape_cast %parallel_loop3A_1069 : vector<1x16xf32> to vector<16xf32>
        %parallel_loop3A_1071 = vector.shape_cast %parallel_loop3A_1066 : vector<16xf32> to vector<1x16xf32>
        tpu.vector_store %arg12[%parallel_loop3A_1067, %parallel_loop3A_1068], %parallel_loop3A_1071 {strides = array<i32>} : memref<1024x16xf32, #tpu.memory_space<vmem>>, vector<1x16xf32>,
        %parallel_loop3A_1072 = arith.constant 7 : i32
        %parallel_loop3A_1073 = arith.addi %parallel_loop3A_917, %parallel_loop3A_1072 : i32
        %parallel_loop3A_1074 = tpu.iota {dimensions = array<i32: 0>} : vector<16xi32>
        %parallel_loop3A_1075 = arith.constant 0 : i32
        %parallel_loop3A_1076 = vector.broadcast %parallel_loop3A_1075 : i32 to vector<16xi32>
        %parallel_loop3A_1077 = arith.muli %parallel_loop3A_1074, %parallel_loop3A_1076 : vector<16xi32>
        %parallel_loop3A_1078 = arith.constant 7 : i32
        %parallel_loop3A_1079 = vector.broadcast %parallel_loop3A_1078 : i32 to vector<16xi32>
        %parallel_loop3A_1080 = arith.addi %parallel_loop3A_1077, %parallel_loop3A_1079 : vector<16xi32>
        %parallel_loop3A_1081 = vector.shape_cast %parallel_loop3A_1080 : vector<16xi32> to vector<16x1xi32>
        %parallel_loop3A_1082 = vector.shape_cast %parallel_loop3A_1081 : vector<16x1xi32> to vector<16xi32>
        %parallel_loop3A_1083 = tpu.dynamic_gather %parallel_loop3A_915[%parallel_loop3A_1082] in [0] : vector<16xf32>, vector<16xi32> -> vector<16xf32>
        %parallel_loop3A_1084 = arith.index_cast %parallel_loop3A_1073 : i32 to index
        %parallel_loop3A_1085 = arith.constant 0 : index
        %parallel_loop3A_1086 = tpu.vector_load %arg12[%parallel_loop3A_1084, %parallel_loop3A_1085] {strides = array<i32>} : memref<1024x16xf32, #tpu.memory_space<vmem>>, vector<1x16xf32>,
        %parallel_loop3A_1087 = vector.shape_cast %parallel_loop3A_1086 : vector<1x16xf32> to vector<16xf32>
        %parallel_loop3A_1088 = arith.mulf %parallel_loop3A_1087, %parallel_loop3A_1083 : vector<16xf32>
        %parallel_loop3A_1089 = arith.index_cast %parallel_loop3A_1073 : i32 to index
        %parallel_loop3A_1090 = arith.constant 0 : index
        %parallel_loop3A_1091 = tpu.vector_load %arg12[%parallel_loop3A_1089, %parallel_loop3A_1090] {strides = array<i32>} : memref<1024x16xf32, #tpu.memory_space<vmem>>, vector<1x16xf32>,
        %parallel_loop3A_1092 = vector.shape_cast %parallel_loop3A_1091 : vector<1x16xf32> to vector<16xf32>
        %parallel_loop3A_1093 = vector.shape_cast %parallel_loop3A_1088 : vector<16xf32> to vector<1x16xf32>
        tpu.vector_store %arg12[%parallel_loop3A_1089, %parallel_loop3A_1090], %parallel_loop3A_1093 {strides = array<i32>} : memref<1024x16xf32, #tpu.memory_space<vmem>>, vector<1x16xf32>,
        %parallel_loop3A_1094 = arith.constant 8 : i32
        %parallel_loop3A_1095 = arith.addi %parallel_loop3A_917, %parallel_loop3A_1094 : i32
        %parallel_loop3A_1096 = tpu.iota {dimensions = array<i32: 0>} : vector<16xi32>
        %parallel_loop3A_1097 = arith.constant 0 : i32
        %parallel_loop3A_1098 = vector.broadcast %parallel_loop3A_1097 : i32 to vector<16xi32>
        %parallel_loop3A_1099 = arith.muli %parallel_loop3A_1096, %parallel_loop3A_1098 : vector<16xi32>
        %parallel_loop3A_1100 = arith.constant 8 : i32
        %parallel_loop3A_1101 = vector.broadcast %parallel_loop3A_1100 : i32 to vector<16xi32>
        %parallel_loop3A_1102 = arith.addi %parallel_loop3A_1099, %parallel_loop3A_1101 : vector<16xi32>
        %parallel_loop3A_1103 = vector.shape_cast %parallel_loop3A_1102 : vector<16xi32> to vector<16x1xi32>
        %parallel_loop3A_1104 = vector.shape_cast %parallel_loop3A_1103 : vector<16x1xi32> to vector<16xi32>
        %parallel_loop3A_1105 = tpu.dynamic_gather %parallel_loop3A_915[%parallel_loop3A_1104] in [0] : vector<16xf32>, vector<16xi32> -> vector<16xf32>
        %parallel_loop3A_1106 = arith.index_cast %parallel_loop3A_1095 : i32 to index
        %parallel_loop3A_1107 = arith.constant 0 : index
        %parallel_loop3A_1108 = tpu.vector_load %arg12[%parallel_loop3A_1106, %parallel_loop3A_1107] {strides = array<i32>} : memref<1024x16xf32, #tpu.memory_space<vmem>>, vector<1x16xf32>,
        %parallel_loop3A_1109 = vector.shape_cast %parallel_loop3A_1108 : vector<1x16xf32> to vector<16xf32>
        %parallel_loop3A_1110 = arith.mulf %parallel_loop3A_1109, %parallel_loop3A_1105 : vector<16xf32>
        %parallel_loop3A_1111 = arith.index_cast %parallel_loop3A_1095 : i32 to index
        %parallel_loop3A_1112 = arith.constant 0 : index
        %parallel_loop3A_1113 = tpu.vector_load %arg12[%parallel_loop3A_1111, %parallel_loop3A_1112] {strides = array<i32>} : memref<1024x16xf32, #tpu.memory_space<vmem>>, vector<1x16xf32>,
        %parallel_loop3A_1114 = vector.shape_cast %parallel_loop3A_1113 : vector<1x16xf32> to vector<16xf32>
        %parallel_loop3A_1115 = vector.shape_cast %parallel_loop3A_1110 : vector<16xf32> to vector<1x16xf32>
        tpu.vector_store %arg12[%parallel_loop3A_1111, %parallel_loop3A_1112], %parallel_loop3A_1115 {strides = array<i32>} : memref<1024x16xf32, #tpu.memory_space<vmem>>, vector<1x16xf32>,
        %parallel_loop3A_1116 = arith.constant 9 : i32
        %parallel_loop3A_1117 = arith.addi %parallel_loop3A_917, %parallel_loop3A_1116 : i32
        %parallel_loop3A_1118 = tpu.iota {dimensions = array<i32: 0>} : vector<16xi32>
        %parallel_loop3A_1119 = arith.constant 0 : i32
        %parallel_loop3A_1120 = vector.broadcast %parallel_loop3A_1119 : i32 to vector<16xi32>
        %parallel_loop3A_1121 = arith.muli %parallel_loop3A_1118, %parallel_loop3A_1120 : vector<16xi32>
        %parallel_loop3A_1122 = arith.constant 9 : i32
        %parallel_loop3A_1123 = vector.broadcast %parallel_loop3A_1122 : i32 to vector<16xi32>
        %parallel_loop3A_1124 = arith.addi %parallel_loop3A_1121, %parallel_loop3A_1123 : vector<16xi32>
        %parallel_loop3A_1125 = vector.shape_cast %parallel_loop3A_1124 : vector<16xi32> to vector<16x1xi32>
        %parallel_loop3A_1126 = vector.shape_cast %parallel_loop3A_1125 : vector<16x1xi32> to vector<16xi32>
        %parallel_loop3A_1127 = tpu.dynamic_gather %parallel_loop3A_915[%parallel_loop3A_1126] in [0] : vector<16xf32>, vector<16xi32> -> vector<16xf32>
        %parallel_loop3A_1128 = arith.index_cast %parallel_loop3A_1117 : i32 to index
        %parallel_loop3A_1129 = arith.constant 0 : index
        %parallel_loop3A_1130 = tpu.vector_load %arg12[%parallel_loop3A_1128, %parallel_loop3A_1129] {strides = array<i32>} : memref<1024x16xf32, #tpu.memory_space<vmem>>, vector<1x16xf32>,
        %parallel_loop3A_1131 = vector.shape_cast %parallel_loop3A_1130 : vector<1x16xf32> to vector<16xf32>
        %parallel_loop3A_1132 = arith.mulf %parallel_loop3A_1131, %parallel_loop3A_1127 : vector<16xf32>
        %parallel_loop3A_1133 = arith.index_cast %parallel_loop3A_1117 : i32 to index
        %parallel_loop3A_1134 = arith.constant 0 : index
        %parallel_loop3A_1135 = tpu.vector_load %arg12[%parallel_loop3A_1133, %parallel_loop3A_1134] {strides = array<i32>} : memref<1024x16xf32, #tpu.memory_space<vmem>>, vector<1x16xf32>,
        %parallel_loop3A_1136 = vector.shape_cast %parallel_loop3A_1135 : vector<1x16xf32> to vector<16xf32>
        %parallel_loop3A_1137 = vector.shape_cast %parallel_loop3A_1132 : vector<16xf32> to vector<1x16xf32>
        tpu.vector_store %arg12[%parallel_loop3A_1133, %parallel_loop3A_1134], %parallel_loop3A_1137 {strides = array<i32>} : memref<1024x16xf32, #tpu.memory_space<vmem>>, vector<1x16xf32>,
        %parallel_loop3A_1138 = arith.constant 10 : i32
        %parallel_loop3A_1139 = arith.addi %parallel_loop3A_917, %parallel_loop3A_1138 : i32
        %parallel_loop3A_1140 = tpu.iota {dimensions = array<i32: 0>} : vector<16xi32>
        %parallel_loop3A_1141 = arith.constant 0 : i32
        %parallel_loop3A_1142 = vector.broadcast %parallel_loop3A_1141 : i32 to vector<16xi32>
        %parallel_loop3A_1143 = arith.muli %parallel_loop3A_1140, %parallel_loop3A_1142 : vector<16xi32>
        %parallel_loop3A_1144 = arith.constant 10 : i32
        %parallel_loop3A_1145 = vector.broadcast %parallel_loop3A_1144 : i32 to vector<16xi32>
        %parallel_loop3A_1146 = arith.addi %parallel_loop3A_1143, %parallel_loop3A_1145 : vector<16xi32>
        %parallel_loop3A_1147 = vector.shape_cast %parallel_loop3A_1146 : vector<16xi32> to vector<16x1xi32>
        %parallel_loop3A_1148 = vector.shape_cast %parallel_loop3A_1147 : vector<16x1xi32> to vector<16xi32>
        %parallel_loop3A_1149 = tpu.dynamic_gather %parallel_loop3A_915[%parallel_loop3A_1148] in [0] : vector<16xf32>, vector<16xi32> -> vector<16xf32>
        %parallel_loop3A_1150 = arith.index_cast %parallel_loop3A_1139 : i32 to index
        %parallel_loop3A_1151 = arith.constant 0 : index
        %parallel_loop3A_1152 = tpu.vector_load %arg12[%parallel_loop3A_1150, %parallel_loop3A_1151] {strides = array<i32>} : memref<1024x16xf32, #tpu.memory_space<vmem>>, vector<1x16xf32>,
        %parallel_loop3A_1153 = vector.shape_cast %parallel_loop3A_1152 : vector<1x16xf32> to vector<16xf32>
        %parallel_loop3A_1154 = arith.mulf %parallel_loop3A_1153, %parallel_loop3A_1149 : vector<16xf32>
        %parallel_loop3A_1155 = arith.index_cast %parallel_loop3A_1139 : i32 to index
        %parallel_loop3A_1156 = arith.constant 0 : index
        %parallel_loop3A_1157 = tpu.vector_load %arg12[%parallel_loop3A_1155, %parallel_loop3A_1156] {strides = array<i32>} : memref<1024x16xf32, #tpu.memory_space<vmem>>, vector<1x16xf32>,
        %parallel_loop3A_1158 = vector.shape_cast %parallel_loop3A_1157 : vector<1x16xf32> to vector<16xf32>
        %parallel_loop3A_1159 = vector.shape_cast %parallel_loop3A_1154 : vector<16xf32> to vector<1x16xf32>
        tpu.vector_store %arg12[%parallel_loop3A_1155, %parallel_loop3A_1156], %parallel_loop3A_1159 {strides = array<i32>} : memref<1024x16xf32, #tpu.memory_space<vmem>>, vector<1x16xf32>,
        %parallel_loop3A_1160 = arith.constant 11 : i32
        %parallel_loop3A_1161 = arith.addi %parallel_loop3A_917, %parallel_loop3A_1160 : i32
        %parallel_loop3A_1162 = tpu.iota {dimensions = array<i32: 0>} : vector<16xi32>
        %parallel_loop3A_1163 = arith.constant 0 : i32
        %parallel_loop3A_1164 = vector.broadcast %parallel_loop3A_1163 : i32 to vector<16xi32>
        %parallel_loop3A_1165 = arith.muli %parallel_loop3A_1162, %parallel_loop3A_1164 : vector<16xi32>
        %parallel_loop3A_1166 = arith.constant 11 : i32
        %parallel_loop3A_1167 = vector.broadcast %parallel_loop3A_1166 : i32 to vector<16xi32>
        %parallel_loop3A_1168 = arith.addi %parallel_loop3A_1165, %parallel_loop3A_1167 : vector<16xi32>
        %parallel_loop3A_1169 = vector.shape_cast %parallel_loop3A_1168 : vector<16xi32> to vector<16x1xi32>
        %parallel_loop3A_1170 = vector.shape_cast %parallel_loop3A_1169 : vector<16x1xi32> to vector<16xi32>
        %parallel_loop3A_1171 = tpu.dynamic_gather %parallel_loop3A_915[%parallel_loop3A_1170] in [0] : vector<16xf32>, vector<16xi32> -> vector<16xf32>
        %parallel_loop3A_1172 = arith.index_cast %parallel_loop3A_1161 : i32 to index
        %parallel_loop3A_1173 = arith.constant 0 : index
        %parallel_loop3A_1174 = tpu.vector_load %arg12[%parallel_loop3A_1172, %parallel_loop3A_1173] {strides = array<i32>} : memref<1024x16xf32, #tpu.memory_space<vmem>>, vector<1x16xf32>,
        %parallel_loop3A_1175 = vector.shape_cast %parallel_loop3A_1174 : vector<1x16xf32> to vector<16xf32>
        %parallel_loop3A_1176 = arith.mulf %parallel_loop3A_1175, %parallel_loop3A_1171 : vector<16xf32>
        %parallel_loop3A_1177 = arith.index_cast %parallel_loop3A_1161 : i32 to index
        %parallel_loop3A_1178 = arith.constant 0 : index
        %parallel_loop3A_1179 = tpu.vector_load %arg12[%parallel_loop3A_1177, %parallel_loop3A_1178] {strides = array<i32>} : memref<1024x16xf32, #tpu.memory_space<vmem>>, vector<1x16xf32>,
        %parallel_loop3A_1180 = vector.shape_cast %parallel_loop3A_1179 : vector<1x16xf32> to vector<16xf32>
        %parallel_loop3A_1181 = vector.shape_cast %parallel_loop3A_1176 : vector<16xf32> to vector<1x16xf32>
        tpu.vector_store %arg12[%parallel_loop3A_1177, %parallel_loop3A_1178], %parallel_loop3A_1181 {strides = array<i32>} : memref<1024x16xf32, #tpu.memory_space<vmem>>, vector<1x16xf32>,
        %parallel_loop3A_1182 = arith.constant 12 : i32
        %parallel_loop3A_1183 = arith.addi %parallel_loop3A_917, %parallel_loop3A_1182 : i32
        %parallel_loop3A_1184 = tpu.iota {dimensions = array<i32: 0>} : vector<16xi32>
        %parallel_loop3A_1185 = arith.constant 0 : i32
        %parallel_loop3A_1186 = vector.broadcast %parallel_loop3A_1185 : i32 to vector<16xi32>
        %parallel_loop3A_1187 = arith.muli %parallel_loop3A_1184, %parallel_loop3A_1186 : vector<16xi32>
        %parallel_loop3A_1188 = arith.constant 12 : i32
        %parallel_loop3A_1189 = vector.broadcast %parallel_loop3A_1188 : i32 to vector<16xi32>
        %parallel_loop3A_1190 = arith.addi %parallel_loop3A_1187, %parallel_loop3A_1189 : vector<16xi32>
        %parallel_loop3A_1191 = vector.shape_cast %parallel_loop3A_1190 : vector<16xi32> to vector<16x1xi32>
        %parallel_loop3A_1192 = vector.shape_cast %parallel_loop3A_1191 : vector<16x1xi32> to vector<16xi32>
        %parallel_loop3A_1193 = tpu.dynamic_gather %parallel_loop3A_915[%parallel_loop3A_1192] in [0] : vector<16xf32>, vector<16xi32> -> vector<16xf32>
        %parallel_loop3A_1194 = arith.index_cast %parallel_loop3A_1183 : i32 to index
        %parallel_loop3A_1195 = arith.constant 0 : index
        %parallel_loop3A_1196 = tpu.vector_load %arg12[%parallel_loop3A_1194, %parallel_loop3A_1195] {strides = array<i32>} : memref<1024x16xf32, #tpu.memory_space<vmem>>, vector<1x16xf32>,
        %parallel_loop3A_1197 = vector.shape_cast %parallel_loop3A_1196 : vector<1x16xf32> to vector<16xf32>
        %parallel_loop3A_1198 = arith.mulf %parallel_loop3A_1197, %parallel_loop3A_1193 : vector<16xf32>
        %parallel_loop3A_1199 = arith.index_cast %parallel_loop3A_1183 : i32 to index
        %parallel_loop3A_1200 = arith.constant 0 : index
        %parallel_loop3A_1201 = tpu.vector_load %arg12[%parallel_loop3A_1199, %parallel_loop3A_1200] {strides = array<i32>} : memref<1024x16xf32, #tpu.memory_space<vmem>>, vector<1x16xf32>,
        %parallel_loop3A_1202 = vector.shape_cast %parallel_loop3A_1201 : vector<1x16xf32> to vector<16xf32>
        %parallel_loop3A_1203 = vector.shape_cast %parallel_loop3A_1198 : vector<16xf32> to vector<1x16xf32>
        tpu.vector_store %arg12[%parallel_loop3A_1199, %parallel_loop3A_1200], %parallel_loop3A_1203 {strides = array<i32>} : memref<1024x16xf32, #tpu.memory_space<vmem>>, vector<1x16xf32>,
        %parallel_loop3A_1204 = arith.constant 13 : i32
        %parallel_loop3A_1205 = arith.addi %parallel_loop3A_917, %parallel_loop3A_1204 : i32
        %parallel_loop3A_1206 = tpu.iota {dimensions = array<i32: 0>} : vector<16xi32>
        %parallel_loop3A_1207 = arith.constant 0 : i32
        %parallel_loop3A_1208 = vector.broadcast %parallel_loop3A_1207 : i32 to vector<16xi32>
        %parallel_loop3A_1209 = arith.muli %parallel_loop3A_1206, %parallel_loop3A_1208 : vector<16xi32>
        %parallel_loop3A_1210 = arith.constant 13 : i32
        %parallel_loop3A_1211 = vector.broadcast %parallel_loop3A_1210 : i32 to vector<16xi32>
        %parallel_loop3A_1212 = arith.addi %parallel_loop3A_1209, %parallel_loop3A_1211 : vector<16xi32>
        %parallel_loop3A_1213 = vector.shape_cast %parallel_loop3A_1212 : vector<16xi32> to vector<16x1xi32>
        %parallel_loop3A_1214 = vector.shape_cast %parallel_loop3A_1213 : vector<16x1xi32> to vector<16xi32>
        %parallel_loop3A_1215 = tpu.dynamic_gather %parallel_loop3A_915[%parallel_loop3A_1214] in [0] : vector<16xf32>, vector<16xi32> -> vector<16xf32>
        %parallel_loop3A_1216 = arith.index_cast %parallel_loop3A_1205 : i32 to index
        %parallel_loop3A_1217 = arith.constant 0 : index
        %parallel_loop3A_1218 = tpu.vector_load %arg12[%parallel_loop3A_1216, %parallel_loop3A_1217] {strides = array<i32>} : memref<1024x16xf32, #tpu.memory_space<vmem>>, vector<1x16xf32>,
        %parallel_loop3A_1219 = vector.shape_cast %parallel_loop3A_1218 : vector<1x16xf32> to vector<16xf32>
        %parallel_loop3A_1220 = arith.mulf %parallel_loop3A_1219, %parallel_loop3A_1215 : vector<16xf32>
        %parallel_loop3A_1221 = arith.index_cast %parallel_loop3A_1205 : i32 to index
        %parallel_loop3A_1222 = arith.constant 0 : index
        %parallel_loop3A_1223 = tpu.vector_load %arg12[%parallel_loop3A_1221, %parallel_loop3A_1222] {strides = array<i32>} : memref<1024x16xf32, #tpu.memory_space<vmem>>, vector<1x16xf32>,
        %parallel_loop3A_1224 = vector.shape_cast %parallel_loop3A_1223 : vector<1x16xf32> to vector<16xf32>
        %parallel_loop3A_1225 = vector.shape_cast %parallel_loop3A_1220 : vector<16xf32> to vector<1x16xf32>
        tpu.vector_store %arg12[%parallel_loop3A_1221, %parallel_loop3A_1222], %parallel_loop3A_1225 {strides = array<i32>} : memref<1024x16xf32, #tpu.memory_space<vmem>>, vector<1x16xf32>,
        %parallel_loop3A_1226 = arith.constant 14 : i32
        %parallel_loop3A_1227 = arith.addi %parallel_loop3A_917, %parallel_loop3A_1226 : i32
        %parallel_loop3A_1228 = tpu.iota {dimensions = array<i32: 0>} : vector<16xi32>
        %parallel_loop3A_1229 = arith.constant 0 : i32
        %parallel_loop3A_1230 = vector.broadcast %parallel_loop3A_1229 : i32 to vector<16xi32>
        %parallel_loop3A_1231 = arith.muli %parallel_loop3A_1228, %parallel_loop3A_1230 : vector<16xi32>
        %parallel_loop3A_1232 = arith.constant 14 : i32
        %parallel_loop3A_1233 = vector.broadcast %parallel_loop3A_1232 : i32 to vector<16xi32>
        %parallel_loop3A_1234 = arith.addi %parallel_loop3A_1231, %parallel_loop3A_1233 : vector<16xi32>
        %parallel_loop3A_1235 = vector.shape_cast %parallel_loop3A_1234 : vector<16xi32> to vector<16x1xi32>
        %parallel_loop3A_1236 = vector.shape_cast %parallel_loop3A_1235 : vector<16x1xi32> to vector<16xi32>
        %parallel_loop3A_1237 = tpu.dynamic_gather %parallel_loop3A_915[%parallel_loop3A_1236] in [0] : vector<16xf32>, vector<16xi32> -> vector<16xf32>
        %parallel_loop3A_1238 = arith.index_cast %parallel_loop3A_1227 : i32 to index
        %parallel_loop3A_1239 = arith.constant 0 : index
        %parallel_loop3A_1240 = tpu.vector_load %arg12[%parallel_loop3A_1238, %parallel_loop3A_1239] {strides = array<i32>} : memref<1024x16xf32, #tpu.memory_space<vmem>>, vector<1x16xf32>,
        %parallel_loop3A_1241 = vector.shape_cast %parallel_loop3A_1240 : vector<1x16xf32> to vector<16xf32>
        %parallel_loop3A_1242 = arith.mulf %parallel_loop3A_1241, %parallel_loop3A_1237 : vector<16xf32>
        %parallel_loop3A_1243 = arith.index_cast %parallel_loop3A_1227 : i32 to index
        %parallel_loop3A_1244 = arith.constant 0 : index
        %parallel_loop3A_1245 = tpu.vector_load %arg12[%parallel_loop3A_1243, %parallel_loop3A_1244] {strides = array<i32>} : memref<1024x16xf32, #tpu.memory_space<vmem>>, vector<1x16xf32>,
        %parallel_loop3A_1246 = vector.shape_cast %parallel_loop3A_1245 : vector<1x16xf32> to vector<16xf32>
        %parallel_loop3A_1247 = vector.shape_cast %parallel_loop3A_1242 : vector<16xf32> to vector<1x16xf32>
        tpu.vector_store %arg12[%parallel_loop3A_1243, %parallel_loop3A_1244], %parallel_loop3A_1247 {strides = array<i32>} : memref<1024x16xf32, #tpu.memory_space<vmem>>, vector<1x16xf32>,
        %parallel_loop3A_1248 = arith.constant 15 : i32
        %parallel_loop3A_1249 = arith.addi %parallel_loop3A_917, %parallel_loop3A_1248 : i32
        %parallel_loop3A_1250 = tpu.iota {dimensions = array<i32: 0>} : vector<16xi32>
        %parallel_loop3A_1251 = arith.constant 0 : i32
        %parallel_loop3A_1252 = vector.broadcast %parallel_loop3A_1251 : i32 to vector<16xi32>
        %parallel_loop3A_1253 = arith.muli %parallel_loop3A_1250, %parallel_loop3A_1252 : vector<16xi32>
        %parallel_loop3A_1254 = arith.constant 15 : i32
        %parallel_loop3A_1255 = vector.broadcast %parallel_loop3A_1254 : i32 to vector<16xi32>
        %parallel_loop3A_1256 = arith.addi %parallel_loop3A_1253, %parallel_loop3A_1255 : vector<16xi32>
        %parallel_loop3A_1257 = vector.shape_cast %parallel_loop3A_1256 : vector<16xi32> to vector<16x1xi32>
        %parallel_loop3A_1258 = vector.shape_cast %parallel_loop3A_1257 : vector<16x1xi32> to vector<16xi32>
        %parallel_loop3A_1259 = tpu.dynamic_gather %parallel_loop3A_915[%parallel_loop3A_1258] in [0] : vector<16xf32>, vector<16xi32> -> vector<16xf32>
        %parallel_loop3A_1260 = arith.index_cast %parallel_loop3A_1249 : i32 to index
        %parallel_loop3A_1261 = arith.constant 0 : index
        %parallel_loop3A_1262 = tpu.vector_load %arg12[%parallel_loop3A_1260, %parallel_loop3A_1261] {strides = array<i32>} : memref<1024x16xf32, #tpu.memory_space<vmem>>, vector<1x16xf32>,
        %parallel_loop3A_1263 = vector.shape_cast %parallel_loop3A_1262 : vector<1x16xf32> to vector<16xf32>
        %parallel_loop3A_1264 = arith.mulf %parallel_loop3A_1263, %parallel_loop3A_1259 : vector<16xf32>
        %parallel_loop3A_1265 = arith.index_cast %parallel_loop3A_1249 : i32 to index
        %parallel_loop3A_1266 = arith.constant 0 : index
        %parallel_loop3A_1267 = tpu.vector_load %arg12[%parallel_loop3A_1265, %parallel_loop3A_1266] {strides = array<i32>} : memref<1024x16xf32, #tpu.memory_space<vmem>>, vector<1x16xf32>,
        %parallel_loop3A_1268 = vector.shape_cast %parallel_loop3A_1267 : vector<1x16xf32> to vector<16xf32>
        %parallel_loop3A_1269 = vector.shape_cast %parallel_loop3A_1264 : vector<16xf32> to vector<1x16xf32>
        tpu.vector_store %arg12[%parallel_loop3A_1265, %parallel_loop3A_1266], %parallel_loop3A_1269 {strides = array<i32>} : memref<1024x16xf32, #tpu.memory_space<vmem>>, vector<1x16xf32>,
      } {sc.loop_unroll_factor = 1 : i64, sc.parallel_access}
      %dma_start3A_709 = arith.constant 0 : i32
      %dma_start3A_710 = arith.constant 0 : i32
      %dma_start3A_711 = arith.constant 0 : i32
      %dma_start3A_712 = tpu.memref_slice %arg12[%dma_start3A_710, %dma_start3A_711] : memref<1024x16xf32, #tpu.memory_space<vmem>> -> memref<128x16xf32, #tpu.memory_space<vmem>>
      %dma_start3A_713 = arith.constant 0 : i32
      %dma_start3A_714 = tpu.memref_slice %arg10[%dma_start3A_709, %dma_start3A_713] : memref<8x128xi32, #tpu.memory_space<vmem>> -> memref<1x128xi32, #tpu.memory_space<vmem>>
      %dma_start3A_715 = tpu.memref_squeeze %dma_start3A_714 : memref<1x128xi32, #tpu.memory_space<vmem>> -> memref<128xi32, #tpu.memory_space<vmem>>
      %dma_start3A_716 = arith.constant 0 : i32
      %dma_start3A_717 = arith.constant 0 : i32
      %dma_start3A_718 = tpu.memref_slice %arg13[%dma_start3A_716, %dma_start3A_717] : memref<100096x16xf32, #tpu.memory_space<vmem_shared>> -> memref<100096x16xf32, #tpu.memory_space<vmem_shared>>
      tpu.enqueue_indirect_dma source(%dma_start3A_712 : memref<128x16xf32, #tpu.memory_space<vmem>>) target(%dma_start3A_718 : memref<100096x16xf32, #tpu.memory_space<vmem_shared>>) offsets(%dma_start3A_715 : memref<128xi32, #tpu.memory_space<vmem>>) semaphore(%arg16 : memref<!tpu.dma_semaphore, #tpu.memory_space<semaphore_mem>>) {add = true}
      %dma_start3A_719 = arith.constant 1 : i32
      %dma_start3A_720 = arith.constant 128 : i32
      %dma_start3A_721 = arith.constant 0 : i32
      %dma_start3A_722 = tpu.memref_slice %arg12[%dma_start3A_720, %dma_start3A_721] : memref<1024x16xf32, #tpu.memory_space<vmem>> -> memref<128x16xf32, #tpu.memory_space<vmem>>
      %dma_start3A_723 = arith.constant 0 : i32
      %dma_start3A_724 = tpu.memref_slice %arg10[%dma_start3A_719, %dma_start3A_723] : memref<8x128xi32, #tpu.memory_space<vmem>> -> memref<1x128xi32, #tpu.memory_space<vmem>>
      %dma_start3A_725 = tpu.memref_squeeze %dma_start3A_724 : memref<1x128xi32, #tpu.memory_space<vmem>> -> memref<128xi32, #tpu.memory_space<vmem>>
      %dma_start3A_726 = arith.constant 0 : i32
      %dma_start3A_727 = arith.constant 0 : i32
      %dma_start3A_728 = tpu.memref_slice %arg13[%dma_start3A_726, %dma_start3A_727] : memref<100096x16xf32, #tpu.memory_space<vmem_shared>> -> memref<100096x16xf32, #tpu.memory_space<vmem_shared>>
      tpu.enqueue_indirect_dma source(%dma_start3A_722 : memref<128x16xf32, #tpu.memory_space<vmem>>) target(%dma_start3A_728 : memref<100096x16xf32, #tpu.memory_space<vmem_shared>>) offsets(%dma_start3A_725 : memref<128xi32, #tpu.memory_space<vmem>>) semaphore(%arg16 : memref<!tpu.dma_semaphore, #tpu.memory_space<semaphore_mem>>) {add = true}
      %dma_start3A_729 = arith.constant 2 : i32
      %dma_start3A_730 = arith.constant 256 : i32
      %dma_start3A_731 = arith.constant 0 : i32
      %dma_start3A_732 = tpu.memref_slice %arg12[%dma_start3A_730, %dma_start3A_731] : memref<1024x16xf32, #tpu.memory_space<vmem>> -> memref<128x16xf32, #tpu.memory_space<vmem>>
      %dma_start3A_733 = arith.constant 0 : i32
      %dma_start3A_734 = tpu.memref_slice %arg10[%dma_start3A_729, %dma_start3A_733] : memref<8x128xi32, #tpu.memory_space<vmem>> -> memref<1x128xi32, #tpu.memory_space<vmem>>
      %dma_start3A_735 = tpu.memref_squeeze %dma_start3A_734 : memref<1x128xi32, #tpu.memory_space<vmem>> -> memref<128xi32, #tpu.memory_space<vmem>>
      %dma_start3A_736 = arith.constant 0 : i32
      %dma_start3A_737 = arith.constant 0 : i32
      %dma_start3A_738 = tpu.memref_slice %arg13[%dma_start3A_736, %dma_start3A_737] : memref<100096x16xf32, #tpu.memory_space<vmem_shared>> -> memref<100096x16xf32, #tpu.memory_space<vmem_shared>>
      tpu.enqueue_indirect_dma source(%dma_start3A_732 : memref<128x16xf32, #tpu.memory_space<vmem>>) target(%dma_start3A_738 : memref<100096x16xf32, #tpu.memory_space<vmem_shared>>) offsets(%dma_start3A_735 : memref<128xi32, #tpu.memory_space<vmem>>) semaphore(%arg16 : memref<!tpu.dma_semaphore, #tpu.memory_space<semaphore_mem>>) {add = true}
      %dma_start3A_739 = arith.constant 3 : i32
      %dma_start3A_740 = arith.constant 384 : i32
      %dma_start3A_741 = arith.constant 0 : i32
      %dma_start3A_742 = tpu.memref_slice %arg12[%dma_start3A_740, %dma_start3A_741] : memref<1024x16xf32, #tpu.memory_space<vmem>> -> memref<128x16xf32, #tpu.memory_space<vmem>>
      %dma_start3A_743 = arith.constant 0 : i32
      %dma_start3A_744 = tpu.memref_slice %arg10[%dma_start3A_739, %dma_start3A_743] : memref<8x128xi32, #tpu.memory_space<vmem>> -> memref<1x128xi32, #tpu.memory_space<vmem>>
      %dma_start3A_745 = tpu.memref_squeeze %dma_start3A_744 : memref<1x128xi32, #tpu.memory_space<vmem>> -> memref<128xi32, #tpu.memory_space<vmem>>
      %dma_start3A_746 = arith.constant 0 : i32
      %dma_start3A_747 = arith.constant 0 : i32
      %dma_start3A_748 = tpu.memref_slice %arg13[%dma_start3A_746, %dma_start3A_747] : memref<100096x16xf32, #tpu.memory_space<vmem_shared>> -> memref<100096x16xf32, #tpu.memory_space<vmem_shared>>
      tpu.enqueue_indirect_dma source(%dma_start3A_742 : memref<128x16xf32, #tpu.memory_space<vmem>>) target(%dma_start3A_748 : memref<100096x16xf32, #tpu.memory_space<vmem_shared>>) offsets(%dma_start3A_745 : memref<128xi32, #tpu.memory_space<vmem>>) semaphore(%arg16 : memref<!tpu.dma_semaphore, #tpu.memory_space<semaphore_mem>>) {add = true}
      %dma_start3A_749 = arith.constant 4 : i32
      %dma_start3A_750 = arith.constant 512 : i32
      %dma_start3A_751 = arith.constant 0 : i32
      %dma_start3A_752 = tpu.memref_slice %arg12[%dma_start3A_750, %dma_start3A_751] : memref<1024x16xf32, #tpu.memory_space<vmem>> -> memref<128x16xf32, #tpu.memory_space<vmem>>
      %dma_start3A_753 = arith.constant 0 : i32
      %dma_start3A_754 = tpu.memref_slice %arg10[%dma_start3A_749, %dma_start3A_753] : memref<8x128xi32, #tpu.memory_space<vmem>> -> memref<1x128xi32, #tpu.memory_space<vmem>>
      %dma_start3A_755 = tpu.memref_squeeze %dma_start3A_754 : memref<1x128xi32, #tpu.memory_space<vmem>> -> memref<128xi32, #tpu.memory_space<vmem>>
      %dma_start3A_756 = arith.constant 0 : i32
      %dma_start3A_757 = arith.constant 0 : i32
      %dma_start3A_758 = tpu.memref_slice %arg13[%dma_start3A_756, %dma_start3A_757] : memref<100096x16xf32, #tpu.memory_space<vmem_shared>> -> memref<100096x16xf32, #tpu.memory_space<vmem_shared>>
      tpu.enqueue_indirect_dma source(%dma_start3A_752 : memref<128x16xf32, #tpu.memory_space<vmem>>) target(%dma_start3A_758 : memref<100096x16xf32, #tpu.memory_space<vmem_shared>>) offsets(%dma_start3A_755 : memref<128xi32, #tpu.memory_space<vmem>>) semaphore(%arg16 : memref<!tpu.dma_semaphore, #tpu.memory_space<semaphore_mem>>) {add = true}
      %dma_start3A_759 = arith.constant 5 : i32
      %dma_start3A_760 = arith.constant 640 : i32
      %dma_start3A_761 = arith.constant 0 : i32
      %dma_start3A_762 = tpu.memref_slice %arg12[%dma_start3A_760, %dma_start3A_761] : memref<1024x16xf32, #tpu.memory_space<vmem>> -> memref<128x16xf32, #tpu.memory_space<vmem>>
      %dma_start3A_763 = arith.constant 0 : i32
      %dma_start3A_764 = tpu.memref_slice %arg10[%dma_start3A_759, %dma_start3A_763] : memref<8x128xi32, #tpu.memory_space<vmem>> -> memref<1x128xi32, #tpu.memory_space<vmem>>
      %dma_start3A_765 = tpu.memref_squeeze %dma_start3A_764 : memref<1x128xi32, #tpu.memory_space<vmem>> -> memref<128xi32, #tpu.memory_space<vmem>>
      %dma_start3A_766 = arith.constant 0 : i32
      %dma_start3A_767 = arith.constant 0 : i32
      %dma_start3A_768 = tpu.memref_slice %arg13[%dma_start3A_766, %dma_start3A_767] : memref<100096x16xf32, #tpu.memory_space<vmem_shared>> -> memref<100096x16xf32, #tpu.memory_space<vmem_shared>>
      tpu.enqueue_indirect_dma source(%dma_start3A_762 : memref<128x16xf32, #tpu.memory_space<vmem>>) target(%dma_start3A_768 : memref<100096x16xf32, #tpu.memory_space<vmem_shared>>) offsets(%dma_start3A_765 : memref<128xi32, #tpu.memory_space<vmem>>) semaphore(%arg16 : memref<!tpu.dma_semaphore, #tpu.memory_space<semaphore_mem>>) {add = true}
      %dma_start3A_769 = arith.constant 6 : i32
      %dma_start3A_770 = arith.constant 768 : i32
      %dma_start3A_771 = arith.constant 0 : i32
      %dma_start3A_772 = tpu.memref_slice %arg12[%dma_start3A_770, %dma_start3A_771] : memref<1024x16xf32, #tpu.memory_space<vmem>> -> memref<128x16xf32, #tpu.memory_space<vmem>>
      %dma_start3A_773 = arith.constant 0 : i32
      %dma_start3A_774 = tpu.memref_slice %arg10[%dma_start3A_769, %dma_start3A_773] : memref<8x128xi32, #tpu.memory_space<vmem>> -> memref<1x128xi32, #tpu.memory_space<vmem>>
      %dma_start3A_775 = tpu.memref_squeeze %dma_start3A_774 : memref<1x128xi32, #tpu.memory_space<vmem>> -> memref<128xi32, #tpu.memory_space<vmem>>
      %dma_start3A_776 = arith.constant 0 : i32
      %dma_start3A_777 = arith.constant 0 : i32
      %dma_start3A_778 = tpu.memref_slice %arg13[%dma_start3A_776, %dma_start3A_777] : memref<100096x16xf32, #tpu.memory_space<vmem_shared>> -> memref<100096x16xf32, #tpu.memory_space<vmem_shared>>
      tpu.enqueue_indirect_dma source(%dma_start3A_772 : memref<128x16xf32, #tpu.memory_space<vmem>>) target(%dma_start3A_778 : memref<100096x16xf32, #tpu.memory_space<vmem_shared>>) offsets(%dma_start3A_775 : memref<128xi32, #tpu.memory_space<vmem>>) semaphore(%arg16 : memref<!tpu.dma_semaphore, #tpu.memory_space<semaphore_mem>>) {add = true}
      %dma_start3A_779 = arith.constant 7 : i32
      %dma_start3A_780 = arith.constant 896 : i32
      %dma_start3A_781 = arith.constant 0 : i32
      %dma_start3A_782 = tpu.memref_slice %arg12[%dma_start3A_780, %dma_start3A_781] : memref<1024x16xf32, #tpu.memory_space<vmem>> -> memref<128x16xf32, #tpu.memory_space<vmem>>
      %dma_start3A_783 = arith.constant 0 : i32
      %dma_start3A_784 = tpu.memref_slice %arg10[%dma_start3A_779, %dma_start3A_783] : memref<8x128xi32, #tpu.memory_space<vmem>> -> memref<1x128xi32, #tpu.memory_space<vmem>>
      %dma_start3A_785 = tpu.memref_squeeze %dma_start3A_784 : memref<1x128xi32, #tpu.memory_space<vmem>> -> memref<128xi32, #tpu.memory_space<vmem>>
      %dma_start3A_786 = arith.constant 0 : i32
      %dma_start3A_787 = arith.constant 0 : i32
      %dma_start3A_788 = tpu.memref_slice %arg13[%dma_start3A_786, %dma_start3A_787] : memref<100096x16xf32, #tpu.memory_space<vmem_shared>> -> memref<100096x16xf32, #tpu.memory_space<vmem_shared>>
      tpu.enqueue_indirect_dma source(%dma_start3A_782 : memref<128x16xf32, #tpu.memory_space<vmem>>) target(%dma_start3A_788 : memref<100096x16xf32, #tpu.memory_space<vmem_shared>>) offsets(%dma_start3A_785 : memref<128xi32, #tpu.memory_space<vmem>>) semaphore(%arg16 : memref<!tpu.dma_semaphore, #tpu.memory_space<semaphore_mem>>) {add = true}
      %dma_wait3A_789 = arith.constant 0 : i32
      %dma_wait3A_790 = arith.constant 0 : i32
      %dma_wait3A_791 = arith.constant 0 : i32
      %dma_wait3A_792 = tpu.memref_slice %arg12[%dma_wait3A_790, %dma_wait3A_791] : memref<1024x16xf32, #tpu.memory_space<vmem>> -> memref<128x16xf32, #tpu.memory_space<vmem>>
      %dma_wait3A_793 = arith.constant 0 : i32
      %dma_wait3A_794 = tpu.memref_slice %arg10[%dma_wait3A_789, %dma_wait3A_793] : memref<8x128xi32, #tpu.memory_space<vmem>> -> memref<1x128xi32, #tpu.memory_space<vmem>>
      %dma_wait3A_795 = tpu.memref_squeeze %dma_wait3A_794 : memref<1x128xi32, #tpu.memory_space<vmem>> -> memref<128xi32, #tpu.memory_space<vmem>>
      %dma_wait3A_796 = arith.constant 0 : i32
      %dma_wait3A_797 = arith.constant 0 : i32
      %dma_wait3A_798 = tpu.memref_slice %arg13[%dma_wait3A_796, %dma_wait3A_797] : memref<100096x16xf32, #tpu.memory_space<vmem_shared>> -> memref<100096x16xf32, #tpu.memory_space<vmem_shared>>
      tpu.wait_indirect_dma semaphore(%arg16 : memref<!tpu.dma_semaphore, #tpu.memory_space<semaphore_mem>>) src(%dma_wait3A_792 : memref<128x16xf32, #tpu.memory_space<vmem>>) dst(%dma_wait3A_798 : memref<100096x16xf32, #tpu.memory_space<vmem_shared>>)
      %dma_wait3A_799 = arith.constant 1 : i32
      %dma_wait3A_800 = arith.constant 128 : i32
      %dma_wait3A_801 = arith.constant 0 : i32
      %dma_wait3A_802 = tpu.memref_slice %arg12[%dma_wait3A_800, %dma_wait3A_801] : memref<1024x16xf32, #tpu.memory_space<vmem>> -> memref<128x16xf32, #tpu.memory_space<vmem>>
      %dma_wait3A_803 = arith.constant 0 : i32
      %dma_wait3A_804 = tpu.memref_slice %arg10[%dma_wait3A_799, %dma_wait3A_803] : memref<8x128xi32, #tpu.memory_space<vmem>> -> memref<1x128xi32, #tpu.memory_space<vmem>>
      %dma_wait3A_805 = tpu.memref_squeeze %dma_wait3A_804 : memref<1x128xi32, #tpu.memory_space<vmem>> -> memref<128xi32, #tpu.memory_space<vmem>>
      %dma_wait3A_806 = arith.constant 0 : i32
      %dma_wait3A_807 = arith.constant 0 : i32
      %dma_wait3A_808 = tpu.memref_slice %arg13[%dma_wait3A_806, %dma_wait3A_807] : memref<100096x16xf32, #tpu.memory_space<vmem_shared>> -> memref<100096x16xf32, #tpu.memory_space<vmem_shared>>
      tpu.wait_indirect_dma semaphore(%arg16 : memref<!tpu.dma_semaphore, #tpu.memory_space<semaphore_mem>>) src(%dma_wait3A_802 : memref<128x16xf32, #tpu.memory_space<vmem>>) dst(%dma_wait3A_808 : memref<100096x16xf32, #tpu.memory_space<vmem_shared>>)
      %dma_wait3A_809 = arith.constant 2 : i32
      %dma_wait3A_810 = arith.constant 256 : i32
      %dma_wait3A_811 = arith.constant 0 : i32
      %dma_wait3A_812 = tpu.memref_slice %arg12[%dma_wait3A_810, %dma_wait3A_811] : memref<1024x16xf32, #tpu.memory_space<vmem>> -> memref<128x16xf32, #tpu.memory_space<vmem>>
      %dma_wait3A_813 = arith.constant 0 : i32
      %dma_wait3A_814 = tpu.memref_slice %arg10[%dma_wait3A_809, %dma_wait3A_813] : memref<8x128xi32, #tpu.memory_space<vmem>> -> memref<1x128xi32, #tpu.memory_space<vmem>>
      %dma_wait3A_815 = tpu.memref_squeeze %dma_wait3A_814 : memref<1x128xi32, #tpu.memory_space<vmem>> -> memref<128xi32, #tpu.memory_space<vmem>>
      %dma_wait3A_816 = arith.constant 0 : i32
      %dma_wait3A_817 = arith.constant 0 : i32
      %dma_wait3A_818 = tpu.memref_slice %arg13[%dma_wait3A_816, %dma_wait3A_817] : memref<100096x16xf32, #tpu.memory_space<vmem_shared>> -> memref<100096x16xf32, #tpu.memory_space<vmem_shared>>
      tpu.wait_indirect_dma semaphore(%arg16 : memref<!tpu.dma_semaphore, #tpu.memory_space<semaphore_mem>>) src(%dma_wait3A_812 : memref<128x16xf32, #tpu.memory_space<vmem>>) dst(%dma_wait3A_818 : memref<100096x16xf32, #tpu.memory_space<vmem_shared>>)
      %dma_wait3A_819 = arith.constant 3 : i32
      %dma_wait3A_820 = arith.constant 384 : i32
      %dma_wait3A_821 = arith.constant 0 : i32
      %dma_wait3A_822 = tpu.memref_slice %arg12[%dma_wait3A_820, %dma_wait3A_821] : memref<1024x16xf32, #tpu.memory_space<vmem>> -> memref<128x16xf32, #tpu.memory_space<vmem>>
      %dma_wait3A_823 = arith.constant 0 : i32
      %dma_wait3A_824 = tpu.memref_slice %arg10[%dma_wait3A_819, %dma_wait3A_823] : memref<8x128xi32, #tpu.memory_space<vmem>> -> memref<1x128xi32, #tpu.memory_space<vmem>>
      %dma_wait3A_825 = tpu.memref_squeeze %dma_wait3A_824 : memref<1x128xi32, #tpu.memory_space<vmem>> -> memref<128xi32, #tpu.memory_space<vmem>>
      %dma_wait3A_826 = arith.constant 0 : i32
      %dma_wait3A_827 = arith.constant 0 : i32
      %dma_wait3A_828 = tpu.memref_slice %arg13[%dma_wait3A_826, %dma_wait3A_827] : memref<100096x16xf32, #tpu.memory_space<vmem_shared>> -> memref<100096x16xf32, #tpu.memory_space<vmem_shared>>
      tpu.wait_indirect_dma semaphore(%arg16 : memref<!tpu.dma_semaphore, #tpu.memory_space<semaphore_mem>>) src(%dma_wait3A_822 : memref<128x16xf32, #tpu.memory_space<vmem>>) dst(%dma_wait3A_828 : memref<100096x16xf32, #tpu.memory_space<vmem_shared>>)
      %dma_wait3A_829 = arith.constant 4 : i32
      %dma_wait3A_830 = arith.constant 512 : i32
      %dma_wait3A_831 = arith.constant 0 : i32
      %dma_wait3A_832 = tpu.memref_slice %arg12[%dma_wait3A_830, %dma_wait3A_831] : memref<1024x16xf32, #tpu.memory_space<vmem>> -> memref<128x16xf32, #tpu.memory_space<vmem>>
      %dma_wait3A_833 = arith.constant 0 : i32
      %dma_wait3A_834 = tpu.memref_slice %arg10[%dma_wait3A_829, %dma_wait3A_833] : memref<8x128xi32, #tpu.memory_space<vmem>> -> memref<1x128xi32, #tpu.memory_space<vmem>>
      %dma_wait3A_835 = tpu.memref_squeeze %dma_wait3A_834 : memref<1x128xi32, #tpu.memory_space<vmem>> -> memref<128xi32, #tpu.memory_space<vmem>>
      %dma_wait3A_836 = arith.constant 0 : i32
      %dma_wait3A_837 = arith.constant 0 : i32
      %dma_wait3A_838 = tpu.memref_slice %arg13[%dma_wait3A_836, %dma_wait3A_837] : memref<100096x16xf32, #tpu.memory_space<vmem_shared>> -> memref<100096x16xf32, #tpu.memory_space<vmem_shared>>
      tpu.wait_indirect_dma semaphore(%arg16 : memref<!tpu.dma_semaphore, #tpu.memory_space<semaphore_mem>>) src(%dma_wait3A_832 : memref<128x16xf32, #tpu.memory_space<vmem>>) dst(%dma_wait3A_838 : memref<100096x16xf32, #tpu.memory_space<vmem_shared>>)
      %dma_wait3A_839 = arith.constant 5 : i32
      %dma_wait3A_840 = arith.constant 640 : i32
      %dma_wait3A_841 = arith.constant 0 : i32
      %dma_wait3A_842 = tpu.memref_slice %arg12[%dma_wait3A_840, %dma_wait3A_841] : memref<1024x16xf32, #tpu.memory_space<vmem>> -> memref<128x16xf32, #tpu.memory_space<vmem>>
      %dma_wait3A_843 = arith.constant 0 : i32
      %dma_wait3A_844 = tpu.memref_slice %arg10[%dma_wait3A_839, %dma_wait3A_843] : memref<8x128xi32, #tpu.memory_space<vmem>> -> memref<1x128xi32, #tpu.memory_space<vmem>>
      %dma_wait3A_845 = tpu.memref_squeeze %dma_wait3A_844 : memref<1x128xi32, #tpu.memory_space<vmem>> -> memref<128xi32, #tpu.memory_space<vmem>>
      %dma_wait3A_846 = arith.constant 0 : i32
      %dma_wait3A_847 = arith.constant 0 : i32
      %dma_wait3A_848 = tpu.memref_slice %arg13[%dma_wait3A_846, %dma_wait3A_847] : memref<100096x16xf32, #tpu.memory_space<vmem_shared>> -> memref<100096x16xf32, #tpu.memory_space<vmem_shared>>
      tpu.wait_indirect_dma semaphore(%arg16 : memref<!tpu.dma_semaphore, #tpu.memory_space<semaphore_mem>>) src(%dma_wait3A_842 : memref<128x16xf32, #tpu.memory_space<vmem>>) dst(%dma_wait3A_848 : memref<100096x16xf32, #tpu.memory_space<vmem_shared>>)
      %dma_wait3A_849 = arith.constant 6 : i32
      %dma_wait3A_850 = arith.constant 768 : i32
      %dma_wait3A_851 = arith.constant 0 : i32
      %dma_wait3A_852 = tpu.memref_slice %arg12[%dma_wait3A_850, %dma_wait3A_851] : memref<1024x16xf32, #tpu.memory_space<vmem>> -> memref<128x16xf32, #tpu.memory_space<vmem>>
      %dma_wait3A_853 = arith.constant 0 : i32
      %dma_wait3A_854 = tpu.memref_slice %arg10[%dma_wait3A_849, %dma_wait3A_853] : memref<8x128xi32, #tpu.memory_space<vmem>> -> memref<1x128xi32, #tpu.memory_space<vmem>>
      %dma_wait3A_855 = tpu.memref_squeeze %dma_wait3A_854 : memref<1x128xi32, #tpu.memory_space<vmem>> -> memref<128xi32, #tpu.memory_space<vmem>>
      %dma_wait3A_856 = arith.constant 0 : i32
      %dma_wait3A_857 = arith.constant 0 : i32
      %dma_wait3A_858 = tpu.memref_slice %arg13[%dma_wait3A_856, %dma_wait3A_857] : memref<100096x16xf32, #tpu.memory_space<vmem_shared>> -> memref<100096x16xf32, #tpu.memory_space<vmem_shared>>
      tpu.wait_indirect_dma semaphore(%arg16 : memref<!tpu.dma_semaphore, #tpu.memory_space<semaphore_mem>>) src(%dma_wait3A_852 : memref<128x16xf32, #tpu.memory_space<vmem>>) dst(%dma_wait3A_858 : memref<100096x16xf32, #tpu.memory_space<vmem_shared>>)
      %dma_wait3A_859 = arith.constant 7 : i32
      %dma_wait3A_860 = arith.constant 896 : i32
      %dma_wait3A_861 = arith.constant 0 : i32
      %dma_wait3A_862 = tpu.memref_slice %arg12[%dma_wait3A_860, %dma_wait3A_861] : memref<1024x16xf32, #tpu.memory_space<vmem>> -> memref<128x16xf32, #tpu.memory_space<vmem>>
      %dma_wait3A_863 = arith.constant 0 : i32
      %dma_wait3A_864 = tpu.memref_slice %arg10[%dma_wait3A_859, %dma_wait3A_863] : memref<8x128xi32, #tpu.memory_space<vmem>> -> memref<1x128xi32, #tpu.memory_space<vmem>>
      %dma_wait3A_865 = tpu.memref_squeeze %dma_wait3A_864 : memref<1x128xi32, #tpu.memory_space<vmem>> -> memref<128xi32, #tpu.memory_space<vmem>>
      %dma_wait3A_866 = arith.constant 0 : i32
      %dma_wait3A_867 = arith.constant 0 : i32
      %dma_wait3A_868 = tpu.memref_slice %arg13[%dma_wait3A_866, %dma_wait3A_867] : memref<100096x16xf32, #tpu.memory_space<vmem_shared>> -> memref<100096x16xf32, #tpu.memory_space<vmem_shared>>
      tpu.wait_indirect_dma semaphore(%arg16 : memref<!tpu.dma_semaphore, #tpu.memory_space<semaphore_mem>>) src(%dma_wait3A_862 : memref<128x16xf32, #tpu.memory_space<vmem>>) dst(%dma_wait3A_868 : memref<100096x16xf32, #tpu.memory_space<vmem_shared>>)
    }
    %scan3A_8 = arith.constant 50 : i32
    %barrier3A_9 = arith.constant 0 : index
    tpu.barrier barrier_id(%barrier3A_9)
    %eq3A = arith.constant 0 : i32
    %eq3A_10 = arith.cmpi eq, %arg0, %eq3A : i32
    %convert_element_type3A = arith.extui %eq3A_10 : i1 to i32
    %cond3A = arith.constant 0 : i32
    %cond3A_11 = arith.cmpi ne, %convert_element_type3A, %cond3A : i32
    scf.if %cond3A_11 {
      %mul3A_17 = arith.constant 6256 : i32
      %mul3A_18 = arith.muli %arg1, %mul3A_17 : i32
      %mul3A_19 = arith.constant 6256 : i32
      %mul3A_20 = arith.muli %arg1, %mul3A_19 : i32
      "tpu.region"() ({
        %run_scoped3A = tpu.sem_alloc : memref<!tpu.dma_semaphore, #tpu.memory_space<semaphore_mem>>
        %dma_start3A = arith.constant 0 : i32
        %dma_start3A_21 = tpu.memref_slice %arg7[%mul3A_20, %dma_start3A] : memref<100096x16xf32, #tpu.memory_space<hbm>> -> memref<6256x16xf32, #tpu.memory_space<hbm>>
        %dma_start3A_22 = arith.constant 0 : i32
        %dma_start3A_23 = tpu.memref_slice %arg13[%mul3A_18, %dma_start3A_22] : memref<100096x16xf32, #tpu.memory_space<vmem_shared>> -> memref<6256x16xf32, #tpu.memory_space<vmem_shared>>
        tpu.enqueue_dma source(%dma_start3A_23 : memref<6256x16xf32, #tpu.memory_space<vmem_shared>>) target(%dma_start3A_21 : memref<6256x16xf32, #tpu.memory_space<hbm>>) target_semaphore(%run_scoped3A : memref<!tpu.dma_semaphore, #tpu.memory_space<semaphore_mem>>)
        %dma_wait3A = arith.constant 0 : i32
        %dma_wait3A_24 = tpu.memref_slice %arg7[%mul3A_20, %dma_wait3A] : memref<100096x16xf32, #tpu.memory_space<hbm>> -> memref<6256x16xf32, #tpu.memory_space<hbm>>
        %dma_wait3A_25 = arith.constant 0 : i32
        %dma_wait3A_26 = tpu.memref_slice %arg13[%mul3A_18, %dma_wait3A_25] : memref<100096x16xf32, #tpu.memory_space<vmem_shared>> -> memref<6256x16xf32, #tpu.memory_space<vmem_shared>>
        tpu.wait_dma2 semaphore(%run_scoped3A : memref<!tpu.dma_semaphore, #tpu.memory_space<semaphore_mem>>) src(%dma_wait3A_26 : memref<6256x16xf32, #tpu.memory_space<vmem_shared>>) dst(%dma_wait3A_24 : memref<6256x16xf32, #tpu.memory_space<hbm>>)
        tpu.yield
      }) : () -> ()
    } else {
    }
    %eq3A_12 = arith.constant 1 : i32
    %eq3A_13 = arith.cmpi eq, %arg0, %eq3A_12 : i32
    %convert_element_type3A_14 = arith.extui %eq3A_13 : i1 to i32
    %cond3A_15 = arith.constant 0 : i32
    %cond3A_16 = arith.cmpi ne, %convert_element_type3A_14, %cond3A_15 : i32
    scf.if %cond3A_16 {
      %mul3A_17 = arith.constant 6256 : i32
      %mul3A_18 = arith.muli %arg1, %mul3A_17 : i32
      %mul3A_19 = arith.constant 6256 : i32
      %mul3A_20 = arith.muli %arg1, %mul3A_19 : i32
      "tpu.region"() ({
        %run_scoped3A = tpu.sem_alloc : memref<!tpu.dma_semaphore, #tpu.memory_space<semaphore_mem>>
        %dma_start3A = arith.constant 0 : i32
        %dma_start3A_21 = tpu.memref_slice %arg8[%mul3A_20, %dma_start3A] : memref<100096x16xf32, #tpu.memory_space<hbm>> -> memref<6256x16xf32, #tpu.memory_space<hbm>>
        %dma_start3A_22 = arith.constant 0 : i32
        %dma_start3A_23 = tpu.memref_slice %arg13[%mul3A_18, %dma_start3A_22] : memref<100096x16xf32, #tpu.memory_space<vmem_shared>> -> memref<6256x16xf32, #tpu.memory_space<vmem_shared>>
        tpu.enqueue_dma source(%dma_start3A_23 : memref<6256x16xf32, #tpu.memory_space<vmem_shared>>) target(%dma_start3A_21 : memref<6256x16xf32, #tpu.memory_space<hbm>>) target_semaphore(%run_scoped3A : memref<!tpu.dma_semaphore, #tpu.memory_space<semaphore_mem>>)
        %dma_wait3A = arith.constant 0 : i32
        %dma_wait3A_24 = tpu.memref_slice %arg8[%mul3A_20, %dma_wait3A] : memref<100096x16xf32, #tpu.memory_space<hbm>> -> memref<6256x16xf32, #tpu.memory_space<hbm>>
        %dma_wait3A_25 = arith.constant 0 : i32
        %dma_wait3A_26 = tpu.memref_slice %arg13[%mul3A_18, %dma_wait3A_25] : memref<100096x16xf32, #tpu.memory_space<vmem_shared>> -> memref<6256x16xf32, #tpu.memory_space<vmem_shared>>
        tpu.wait_dma2 semaphore(%run_scoped3A : memref<!tpu.dma_semaphore, #tpu.memory_space<semaphore_mem>>) src(%dma_wait3A_26 : memref<6256x16xf32, #tpu.memory_space<vmem_shared>>) dst(%dma_wait3A_24 : memref<6256x16xf32, #tpu.memory_space<hbm>>)
        tpu.yield
      }) : () -> ()
    } else {
    }
    return
  }
}

module attributes {stable_mosaic.version = 14 : i64} {
  func.func @body(%arg0: i32, %arg1: memref<2176x8xf32, #tpu.memory_space<vmem>>, %arg2: memref<1x2176xf32, #tpu.memory_space<vmem>>, %arg3: memref<1x2176xf32, #tpu.memory_space<vmem>>, %arg4: memref<2176x16xf32, #tpu.memory_space<vmem>>) attributes {dimension_semantics = [#tpu.dimension_semantics<arbitrary>], iteration_bounds = array<i64: 46>, scalar_prefetch = 0 : i64, scratch_operands = 0 : i64, tpu.core_type = #tpu.core_type<tc>, window_params = [{transform_indices = @transform_0, window_bounds = array<i64: 2176, 8>}, {transform_indices = @transform_1, window_bounds = array<i64: 1, 2176>}, {transform_indices = @transform_2, window_bounds = array<i64: 1, 2176>}, {transform_indices = @transform_3, window_bounds = array<i64: 2176, 16>}]} {
    %get3A = arith.constant 0 : index
    %get3A_0 = arith.constant 0 : index
    %get3A_1 = vector.load %arg2[%get3A, %get3A_0] : memref<1x2176xf32, #tpu.memory_space<vmem>>, vector<1x2176xf32>
    %get3A_2 = arith.constant 0 : index
    %get3A_3 = arith.constant 0 : index
    %get3A_4 = vector.load %arg3[%get3A_2, %get3A_3] : memref<1x2176xf32, #tpu.memory_space<vmem>>, vector<1x2176xf32>
    %add3A = arith.addf %get3A_1, %get3A_4 : vector<1x2176xf32>
    %add3A_5 = arith.constant 1.000000e+00 : f32
    %add3A_6 = vector.broadcast %add3A_5 : f32 to vector<1x2176xf32>
    %add3A_7 = arith.addf %add3A, %add3A_6 : vector<1x2176xf32>
    %rsqrt3A = math.rsqrt %add3A_7 : vector<1x2176xf32>
    %transpose3A = tpu.transpose %rsqrt3A, [1, 0] : vector<1x2176xf32> -> vector<2176x1xf32>
    %get3A_8 = arith.constant 0 : index
    %get3A_9 = arith.constant 0 : index
    %get3A_10 = vector.load %arg1[%get3A_8, %get3A_9] : memref<2176x8xf32, #tpu.memory_space<vmem>>, vector<2176x8xf32>
    %mul3A = vector.broadcast %transpose3A : vector<2176x1xf32> to vector<2176x8xf32>
    %mul3A_11 = arith.mulf %get3A_10, %mul3A : vector<2176x8xf32>
    %concatenate3A = tpu.concatenate %mul3A_11, %mul3A_11 in 1 : vector<2176x8xf32>, vector<2176x8xf32> -> vector<2176x16xf32>
    %swap3A = arith.constant 0 : index
    %swap3A_12 = arith.constant 0 : index
    %swap3A_13 = vector.load %arg4[%swap3A, %swap3A_12] : memref<2176x16xf32, #tpu.memory_space<vmem>>, vector<2176x16xf32>
    tpu.vector_store %arg4[%swap3A, %swap3A_12], %concatenate3A {strides = array<i32>} : memref<2176x16xf32, #tpu.memory_space<vmem>>, vector<2176x16xf32>,
    return
  }
  func.func @transform_0(%arg0: i32) -> (i32, i32) {
    %c0_i32 = arith.constant 0 : i32
    %c0_i32_0 = arith.constant 0 : i32
    return %arg0, %c0_i32 : i32, i32
  }
  func.func @transform_1(%arg0: i32) -> (i32, i32) {
    %c0_i32 = arith.constant 0 : i32
    %c0_i32_0 = arith.constant 0 : i32
    return %c0_i32, %arg0 : i32, i32
  }
  func.func @transform_2(%arg0: i32) -> (i32, i32) {
    %c0_i32 = arith.constant 0 : i32
    %c0_i32_0 = arith.constant 0 : i32
    return %c0_i32, %arg0 : i32, i32
  }
  func.func @transform_3(%arg0: i32) -> (i32, i32) {
    %c0_i32 = arith.constant 0 : i32
    %c0_i32_0 = arith.constant 0 : i32
    return %arg0, %c0_i32 : i32, i32
  }
}

module attributes {stable_mosaic.version = 14 : i64} {
  func.func @body(%arg0: i32, %arg1: memref<2176x8xf32, #tpu.memory_space<vmem>>, %arg2: memref<2176x32xf32, #tpu.memory_space<vmem>>, %arg3: memref<1x2176xf32, #tpu.memory_space<vmem>>, %arg4: memref<1x2176xf32, #tpu.memory_space<vmem>>, %arg5: memref<2176x16xf32, #tpu.memory_space<vmem>>, %arg6: memref<2176x16xf32, #tpu.memory_space<vmem>>, %arg7: memref<8x32xf32, #tpu.memory_space<vmem>>, %arg8: memref<8x32xf32, #tpu.memory_space<vmem>>, %arg9: memref<8x32xf32, #tpu.memory_space<vmem>>, %arg10: memref<32x32xf32, #tpu.memory_space<vmem>>, %arg11: memref<32x32xf32, #tpu.memory_space<vmem>>, %arg12: memref<32x32xf32, #tpu.memory_space<vmem>>, %arg13: memref<1x32xf32, #tpu.memory_space<vmem>>, %arg14: memref<1x32xf32, #tpu.memory_space<vmem>>, %arg15: memref<1x32xf32, #tpu.memory_space<vmem>>, %arg16: memref<32x1xf32, #tpu.memory_space<vmem>>, %arg17: memref<1x1xf32, #tpu.memory_space<vmem>>, %arg18: memref<2176x1xf32, #tpu.memory_space<vmem>>, %arg19: memref<2176x32xf32, #tpu.memory_space<vmem>>) attributes {dimension_semantics = [#tpu.dimension_semantics<arbitrary>], iteration_bounds = array<i64: 46>, scalar_prefetch = 0 : i64, scratch_operands = 0 : i64, tpu.core_type = #tpu.core_type<tc>, window_params = [{transform_indices = @transform_0, window_bounds = array<i64: 2176, 8>}, {transform_indices = @transform_1, window_bounds = array<i64: 2176, 32>}, {transform_indices = @transform_2, window_bounds = array<i64: 1, 2176>}, {transform_indices = @transform_3, window_bounds = array<i64: 1, 2176>}, {transform_indices = @transform_4, window_bounds = array<i64: 2176, 16>}, {transform_indices = @transform_5, window_bounds = array<i64: 2176, 16>}, {pipeline_mode = #tpu.pipeline_mode<synchronous>, transform_indices = @transform_6, window_bounds = array<i64: 8, 32>}, {pipeline_mode = #tpu.pipeline_mode<synchronous>, transform_indices = @transform_7, window_bounds = array<i64: 8, 32>}, {pipeline_mode = #tpu.pipeline_mode<synchronous>, transform_indices = @transform_8, window_bounds = array<i64: 8, 32>}, {pipeline_mode = #tpu.pipeline_mode<synchronous>, transform_indices = @transform_9, window_bounds = array<i64: 32, 32>}, {pipeline_mode = #tpu.pipeline_mode<synchronous>, transform_indices = @transform_10, window_bounds = array<i64: 32, 32>}, {pipeline_mode = #tpu.pipeline_mode<synchronous>, transform_indices = @transform_11, window_bounds = array<i64: 32, 32>}, {pipeline_mode = #tpu.pipeline_mode<synchronous>, transform_indices = @transform_12, window_bounds = array<i64: 1, 32>}, {pipeline_mode = #tpu.pipeline_mode<synchronous>, transform_indices = @transform_13, window_bounds = array<i64: 1, 32>}, {pipeline_mode = #tpu.pipeline_mode<synchronous>, transform_indices = @transform_14, window_bounds = array<i64: 1, 32>}, {pipeline_mode = #tpu.pipeline_mode<synchronous>, transform_indices = @transform_15, window_bounds = array<i64: 32, 1>}, {pipeline_mode = #tpu.pipeline_mode<synchronous>, transform_indices = @transform_16, window_bounds = array<i64: 1, 1>}, {transform_indices = @transform_17, window_bounds = array<i64: 2176, 1>}, {transform_indices = @transform_18, window_bounds = array<i64: 2176, 32>}]} {
    %get3A = arith.constant 0 : index
    %get3A_0 = arith.constant 0 : index
    %get3A_1 = vector.load %arg3[%get3A, %get3A_0] : memref<1x2176xf32, #tpu.memory_space<vmem>>, vector<1x2176xf32>
    %get3A_2 = arith.constant 0 : index
    %get3A_3 = arith.constant 0 : index
    %get3A_4 = vector.load %arg4[%get3A_2, %get3A_3] : memref<1x2176xf32, #tpu.memory_space<vmem>>, vector<1x2176xf32>
    %add3A = arith.addf %get3A_1, %get3A_4 : vector<1x2176xf32>
    %add3A_5 = arith.constant 1.000000e+00 : f32
    %add3A_6 = vector.broadcast %add3A_5 : f32 to vector<1x2176xf32>
    %add3A_7 = arith.addf %add3A, %add3A_6 : vector<1x2176xf32>
    %rsqrt3A = math.rsqrt %add3A_7 : vector<1x2176xf32>
    %transpose3A = tpu.transpose %rsqrt3A, [1, 0] : vector<1x2176xf32> -> vector<2176x1xf32>
    %get3A_8 = arith.constant 0 : index
    %get3A_9 = arith.constant 0 : index
    %get3A_10 = vector.load %arg1[%get3A_8, %get3A_9] : memref<2176x8xf32, #tpu.memory_space<vmem>>, vector<2176x8xf32>
    %get3A_11 = arith.constant 0 : index
    %get3A_12 = arith.constant 0 : index
    %get3A_13 = vector.load %arg5[%get3A_11, %get3A_12] : memref<2176x16xf32, #tpu.memory_space<vmem>>, vector<2176x16xf32>
    %slice3A = vector.extract_strided_slice %get3A_13 {offsets = [0, 0], sizes = [2176, 8], strides = [1, 1]} : vector<2176x16xf32> to vector<2176x8xf32>
    %get3A_14 = arith.constant 0 : index
    %get3A_15 = arith.constant 0 : index
    %get3A_16 = vector.load %arg6[%get3A_14, %get3A_15] : memref<2176x16xf32, #tpu.memory_space<vmem>>, vector<2176x16xf32>
    %slice3A_17 = vector.extract_strided_slice %get3A_16 {offsets = [0, 0], sizes = [2176, 8], strides = [1, 1]} : vector<2176x16xf32> to vector<2176x8xf32>
    %add3A_18 = arith.addf %slice3A, %slice3A_17 : vector<2176x8xf32>
    %mul3A = vector.broadcast %transpose3A : vector<2176x1xf32> to vector<2176x8xf32>
    %mul3A_19 = arith.mulf %mul3A, %add3A_18 : vector<2176x8xf32>
    %mul3A_20 = arith.mulf %transpose3A, %transpose3A : vector<2176x1xf32>
    %mul3A_21 = vector.broadcast %mul3A_20 : vector<2176x1xf32> to vector<2176x8xf32>
    %mul3A_22 = arith.mulf %mul3A_21, %get3A_10 : vector<2176x8xf32>
    %add3A_23 = arith.addf %mul3A_19, %mul3A_22 : vector<2176x8xf32>
    %get3A_24 = arith.constant 0 : index
    %get3A_25 = arith.constant 0 : index
    %get3A_26 = vector.load %arg2[%get3A_24, %get3A_25] : memref<2176x32xf32, #tpu.memory_space<vmem>>, vector<2176x32xf32>
    %get3A_27 = arith.constant 0 : index
    %get3A_28 = arith.constant 0 : index
    %get3A_29 = vector.load %arg7[%get3A_27, %get3A_28] : memref<8x32xf32, #tpu.memory_space<vmem>>, vector<8x32xf32>
    %dot_general3A = arith.constant dense<0.000000e+00> : vector<2176x32xf32>
    %dot_general3A_30 = tpu.matmul %add3A_23, %get3A_29, %dot_general3A {dimension_numbers = #tpu.dot_dimension_numbers<[1], [0], [0], [1], [0, 0, 1, 1], [], []>, transpose_lhs_hint = false} : vector<2176x8xf32>, vector<8x32xf32>, vector<2176x32xf32> -> vector<2176x32xf32>
    %get3A_31 = arith.constant 0 : index
    %get3A_32 = arith.constant 0 : index
    %get3A_33 = vector.load %arg10[%get3A_31, %get3A_32] : memref<32x32xf32, #tpu.memory_space<vmem>>, vector<32x32xf32>
    %dot_general3A_34 = arith.constant dense<0.000000e+00> : vector<2176x32xf32>
    %dot_general3A_35 = tpu.matmul %get3A_26, %get3A_33, %dot_general3A_34 {dimension_numbers = #tpu.dot_dimension_numbers<[1], [0], [0], [1], [0, 0, 1, 1], [], []>, transpose_lhs_hint = false} : vector<2176x32xf32>, vector<32x32xf32>, vector<2176x32xf32> -> vector<2176x32xf32>
    %add3A_36 = arith.addf %dot_general3A_30, %dot_general3A_35 : vector<2176x32xf32>
    %get3A_37 = arith.constant 0 : index
    %get3A_38 = arith.constant 0 : index
    %get3A_39 = vector.load %arg13[%get3A_37, %get3A_38] : memref<1x32xf32, #tpu.memory_space<vmem>>, vector<1x32xf32>
    %add3A_40 = vector.broadcast %get3A_39 : vector<1x32xf32> to vector<2176x32xf32>
    %add3A_41 = arith.addf %add3A_36, %add3A_40 : vector<2176x32xf32>
    %logistic3A = arith.negf %add3A_41 : vector<2176x32xf32>
    %logistic3A_42 = math.exp %logistic3A : vector<2176x32xf32>
    %logistic3A_43 = arith.constant 1.000000e+00 : f32
    %logistic3A_44 = vector.broadcast %logistic3A_43 : f32 to vector<2176x32xf32>
    %logistic3A_45 = arith.addf %logistic3A_44, %logistic3A_42 : vector<2176x32xf32>
    %logistic3A_46 = arith.divf %logistic3A_44, %logistic3A_45 : vector<2176x32xf32>
    %get3A_47 = arith.constant 0 : index
    %get3A_48 = arith.constant 0 : index
    %get3A_49 = vector.load %arg8[%get3A_47, %get3A_48] : memref<8x32xf32, #tpu.memory_space<vmem>>, vector<8x32xf32>
    %dot_general3A_50 = arith.constant dense<0.000000e+00> : vector<2176x32xf32>
    %dot_general3A_51 = tpu.matmul %add3A_23, %get3A_49, %dot_general3A_50 {dimension_numbers = #tpu.dot_dimension_numbers<[1], [0], [0], [1], [0, 0, 1, 1], [], []>, transpose_lhs_hint = false} : vector<2176x8xf32>, vector<8x32xf32>, vector<2176x32xf32> -> vector<2176x32xf32>
    %get3A_52 = arith.constant 0 : index
    %get3A_53 = arith.constant 0 : index
    %get3A_54 = vector.load %arg11[%get3A_52, %get3A_53] : memref<32x32xf32, #tpu.memory_space<vmem>>, vector<32x32xf32>
    %dot_general3A_55 = arith.constant dense<0.000000e+00> : vector<2176x32xf32>
    %dot_general3A_56 = tpu.matmul %get3A_26, %get3A_54, %dot_general3A_55 {dimension_numbers = #tpu.dot_dimension_numbers<[1], [0], [0], [1], [0, 0, 1, 1], [], []>, transpose_lhs_hint = false} : vector<2176x32xf32>, vector<32x32xf32>, vector<2176x32xf32> -> vector<2176x32xf32>
    %add3A_57 = arith.addf %dot_general3A_51, %dot_general3A_56 : vector<2176x32xf32>
    %get3A_58 = arith.constant 0 : index
    %get3A_59 = arith.constant 0 : index
    %get3A_60 = vector.load %arg14[%get3A_58, %get3A_59] : memref<1x32xf32, #tpu.memory_space<vmem>>, vector<1x32xf32>
    %add3A_61 = vector.broadcast %get3A_60 : vector<1x32xf32> to vector<2176x32xf32>
    %add3A_62 = arith.addf %add3A_57, %add3A_61 : vector<2176x32xf32>
    %logistic3A_63 = arith.negf %add3A_62 : vector<2176x32xf32>
    %logistic3A_64 = math.exp %logistic3A_63 : vector<2176x32xf32>
    %logistic3A_65 = arith.constant 1.000000e+00 : f32
    %logistic3A_66 = vector.broadcast %logistic3A_65 : f32 to vector<2176x32xf32>
    %logistic3A_67 = arith.addf %logistic3A_66, %logistic3A_64 : vector<2176x32xf32>
    %logistic3A_68 = arith.divf %logistic3A_66, %logistic3A_67 : vector<2176x32xf32>
    %get3A_69 = arith.constant 0 : index
    %get3A_70 = arith.constant 0 : index
    %get3A_71 = vector.load %arg9[%get3A_69, %get3A_70] : memref<8x32xf32, #tpu.memory_space<vmem>>, vector<8x32xf32>
    %dot_general3A_72 = arith.constant dense<0.000000e+00> : vector<2176x32xf32>
    %dot_general3A_73 = tpu.matmul %add3A_23, %get3A_71, %dot_general3A_72 {dimension_numbers = #tpu.dot_dimension_numbers<[1], [0], [0], [1], [0, 0, 1, 1], [], []>, transpose_lhs_hint = false} : vector<2176x8xf32>, vector<8x32xf32>, vector<2176x32xf32> -> vector<2176x32xf32>
    %mul3A_74 = arith.mulf %get3A_26, %logistic3A_68 : vector<2176x32xf32>
    %get3A_75 = arith.constant 0 : index
    %get3A_76 = arith.constant 0 : index
    %get3A_77 = vector.load %arg12[%get3A_75, %get3A_76] : memref<32x32xf32, #tpu.memory_space<vmem>>, vector<32x32xf32>
    %dot_general3A_78 = arith.constant dense<0.000000e+00> : vector<2176x32xf32>
    %dot_general3A_79 = tpu.matmul %mul3A_74, %get3A_77, %dot_general3A_78 {dimension_numbers = #tpu.dot_dimension_numbers<[1], [0], [0], [1], [0, 0, 1, 1], [], []>, transpose_lhs_hint = false} : vector<2176x32xf32>, vector<32x32xf32>, vector<2176x32xf32> -> vector<2176x32xf32>
    %add3A_80 = arith.addf %dot_general3A_73, %dot_general3A_79 : vector<2176x32xf32>
    %get3A_81 = arith.constant 0 : index
    %get3A_82 = arith.constant 0 : index
    %get3A_83 = vector.load %arg15[%get3A_81, %get3A_82] : memref<1x32xf32, #tpu.memory_space<vmem>>, vector<1x32xf32>
    %add3A_84 = vector.broadcast %get3A_83 : vector<1x32xf32> to vector<2176x32xf32>
    %add3A_85 = arith.addf %add3A_80, %add3A_84 : vector<2176x32xf32>
    %tanh3A = math.tanh %add3A_85 : vector<2176x32xf32>
    %mul3A_86 = arith.mulf %logistic3A_46, %get3A_26 : vector<2176x32xf32>
    %sub3A = arith.constant 1.000000e+00 : f32
    %sub3A_87 = vector.broadcast %sub3A : f32 to vector<2176x32xf32>
    %sub3A_88 = arith.subf %sub3A_87, %logistic3A_46 : vector<2176x32xf32>
    %mul3A_89 = arith.mulf %sub3A_88, %tanh3A : vector<2176x32xf32>
    %add3A_90 = arith.addf %mul3A_86, %mul3A_89 : vector<2176x32xf32>
    %swap3A = arith.constant 0 : index
    %swap3A_91 = arith.constant 0 : index
    %swap3A_92 = vector.load %arg19[%swap3A, %swap3A_91] : memref<2176x32xf32, #tpu.memory_space<vmem>>, vector<2176x32xf32>
    tpu.vector_store %arg19[%swap3A, %swap3A_91], %add3A_90 {strides = array<i32>} : memref<2176x32xf32, #tpu.memory_space<vmem>>, vector<2176x32xf32>,
    %max3A = arith.constant 0.000000e+00 : f32
    %max3A_93 = vector.broadcast %max3A : f32 to vector<2176x32xf32>
    %max3A_94 = arith.maximumf %add3A_90, %max3A_93 : vector<2176x32xf32>
    %get3A_95 = arith.constant 0 : index
    %get3A_96 = arith.constant 0 : index
    %get3A_97 = vector.load %arg16[%get3A_95, %get3A_96] : memref<32x1xf32, #tpu.memory_space<vmem>>, vector<32x1xf32>
    %dot_general3A_98 = arith.constant dense<0.000000e+00> : vector<2176x1xf32>
    %dot_general3A_99 = tpu.matmul %max3A_94, %get3A_97, %dot_general3A_98 {dimension_numbers = #tpu.dot_dimension_numbers<[1], [0], [0], [1], [0, 0, 1, 1], [], []>, transpose_lhs_hint = false} : vector<2176x32xf32>, vector<32x1xf32>, vector<2176x1xf32> -> vector<2176x1xf32>
    %get3A_100 = arith.constant 0 : index
    %get3A_101 = arith.constant 0 : index
    %get3A_102 = vector.load %arg17[%get3A_100, %get3A_101] : memref<1x1xf32, #tpu.memory_space<vmem>>, vector<1x1xf32>
    %add3A_103 = vector.broadcast %get3A_102 : vector<1x1xf32> to vector<2176x1xf32>
    %add3A_104 = arith.addf %dot_general3A_99, %add3A_103 : vector<2176x1xf32>
    %swap3A_105 = arith.constant 0 : index
    %swap3A_106 = arith.constant 0 : index
    %swap3A_107 = vector.load %arg18[%swap3A_105, %swap3A_106] : memref<2176x1xf32, #tpu.memory_space<vmem>>, vector<2176x1xf32>
    tpu.vector_store %arg18[%swap3A_105, %swap3A_106], %add3A_104 {strides = array<i32>} : memref<2176x1xf32, #tpu.memory_space<vmem>>, vector<2176x1xf32>,
    return
  }
  func.func @transform_0(%arg0: i32) -> (i32, i32) {
    %c0_i32 = arith.constant 0 : i32
    %c0_i32_0 = arith.constant 0 : i32
    return %arg0, %c0_i32 : i32, i32
  }
  func.func @transform_1(%arg0: i32) -> (i32, i32) {
    %c0_i32 = arith.constant 0 : i32
    %c0_i32_0 = arith.constant 0 : i32
    return %arg0, %c0_i32 : i32, i32
  }
  func.func @transform_2(%arg0: i32) -> (i32, i32) {
    %c0_i32 = arith.constant 0 : i32
    %c0_i32_0 = arith.constant 0 : i32
    return %c0_i32, %arg0 : i32, i32
  }
  func.func @transform_3(%arg0: i32) -> (i32, i32) {
    %c0_i32 = arith.constant 0 : i32
    %c0_i32_0 = arith.constant 0 : i32
    return %c0_i32, %arg0 : i32, i32
  }
  func.func @transform_4(%arg0: i32) -> (i32, i32) {
    %c0_i32 = arith.constant 0 : i32
    %c0_i32_0 = arith.constant 0 : i32
    return %arg0, %c0_i32 : i32, i32
  }
  func.func @transform_5(%arg0: i32) -> (i32, i32) {
    %c0_i32 = arith.constant 0 : i32
    %c0_i32_0 = arith.constant 0 : i32
    return %arg0, %c0_i32 : i32, i32
  }
  func.func @transform_6(%arg0: i32) -> (i32, i32) {
    %c0_i32 = arith.constant 0 : i32
    %c0_i32_0 = arith.constant 0 : i32
    %c0_i32_1 = arith.constant 0 : i32
    return %c0_i32, %c0_i32_0 : i32, i32
  }
  func.func @transform_7(%arg0: i32) -> (i32, i32) {
    %c0_i32 = arith.constant 0 : i32
    %c0_i32_0 = arith.constant 0 : i32
    %c0_i32_1 = arith.constant 0 : i32
    return %c0_i32, %c0_i32_0 : i32, i32
  }
  func.func @transform_8(%arg0: i32) -> (i32, i32) {
    %c0_i32 = arith.constant 0 : i32
    %c0_i32_0 = arith.constant 0 : i32
    %c0_i32_1 = arith.constant 0 : i32
    return %c0_i32, %c0_i32_0 : i32, i32
  }
  func.func @transform_9(%arg0: i32) -> (i32, i32) {
    %c0_i32 = arith.constant 0 : i32
    %c0_i32_0 = arith.constant 0 : i32
    %c0_i32_1 = arith.constant 0 : i32
    return %c0_i32, %c0_i32_0 : i32, i32
  }
  func.func @transform_10(%arg0: i32) -> (i32, i32) {
    %c0_i32 = arith.constant 0 : i32
    %c0_i32_0 = arith.constant 0 : i32
    %c0_i32_1 = arith.constant 0 : i32
    return %c0_i32, %c0_i32_0 : i32, i32
  }
  func.func @transform_11(%arg0: i32) -> (i32, i32) {
    %c0_i32 = arith.constant 0 : i32
    %c0_i32_0 = arith.constant 0 : i32
    %c0_i32_1 = arith.constant 0 : i32
    return %c0_i32, %c0_i32_0 : i32, i32
  }
  func.func @transform_12(%arg0: i32) -> (i32, i32) {
    %c0_i32 = arith.constant 0 : i32
    %c0_i32_0 = arith.constant 0 : i32
    %c0_i32_1 = arith.constant 0 : i32
    return %c0_i32, %c0_i32_0 : i32, i32
  }
  func.func @transform_13(%arg0: i32) -> (i32, i32) {
    %c0_i32 = arith.constant 0 : i32
    %c0_i32_0 = arith.constant 0 : i32
    %c0_i32_1 = arith.constant 0 : i32
    return %c0_i32, %c0_i32_0 : i32, i32
  }
  func.func @transform_14(%arg0: i32) -> (i32, i32) {
    %c0_i32 = arith.constant 0 : i32
    %c0_i32_0 = arith.constant 0 : i32
    %c0_i32_1 = arith.constant 0 : i32
    return %c0_i32, %c0_i32_0 : i32, i32
  }
  func.func @transform_15(%arg0: i32) -> (i32, i32) {
    %c0_i32 = arith.constant 0 : i32
    %c0_i32_0 = arith.constant 0 : i32
    %c0_i32_1 = arith.constant 0 : i32
    return %c0_i32, %c0_i32_0 : i32, i32
  }
  func.func @transform_16(%arg0: i32) -> (i32, i32) {
    %c0_i32 = arith.constant 0 : i32
    %c0_i32_0 = arith.constant 0 : i32
    %c0_i32_1 = arith.constant 0 : i32
    return %c0_i32, %c0_i32_0 : i32, i32
  }
  func.func @transform_17(%arg0: i32) -> (i32, i32) {
    %c0_i32 = arith.constant 0 : i32
    %c0_i32_0 = arith.constant 0 : i32
    return %arg0, %c0_i32 : i32, i32
  }
  func.func @transform_18(%arg0: i32) -> (i32, i32) {
    %c0_i32 = arith.constant 0 : i32
    %c0_i32_0 = arith.constant 0 : i32
    return %arg0, %c0_i32 : i32, i32
  }
}

</mosaic_0001>

<sc_bundles>
// kernel: kernel.6.cloned.1.call-start
scs
__scs_entry_jumppad:
0x0: {  	(pc) =	sbr.rel $0x88, $3  }
0x1: {  	(tag) =	ssettag $0x0;
	lr =	simm.s32 $0x1  }
0x2: {  	[smem:$0x3F8F] =	sst lr;
	_ =	strace $0xD0000000  }
0x3: {  	_ = 	snop  }
0x4: {  	_ = 	snop  }
0x5: {  	_ = 	snop  }
0x6: {  	_ = 	snop  }
0x7: {  	_ = 	snop  }
__scs_overlays_trampoline_lowered:
0x8: {  	[smem:$0x3F9E] =	sst s0  }
0x9: {  	[smem:$0x3F9F] =	sst s1  }
0xa: {  	[smem:$0x3FA0] =	sst s2  }
0xb: {  	[smem:$0x3FA1] =	sst s3  }
0xc: {  	[smem:$0x3FA2] =	sst s4  }
0xd: {  	[smem:$0x3FA3] =	sst s5  }
0xe: {  	[smem:$0x3FA4] =	sst s6  }
0xf: {  	[smem:$0x3FA5] =	sst s7  }
0x10: {  	[smem:$0x3FA6] =	sst s8  }
0x11: {  	[smem:$0x3FA7] =	sst s9;
	s0 =	simm.s32 @!p0 $0x0  }
0x12: {  	s1 =	sld [smem:$0x3F8D];
	s0 =	simm.s32 @p0 $0x1  }
0x13: {  	[smem:$0x3FA8] =	sst s0;
	s0 =	simm.s32 @!p1 $0x0  }
0x14: {  	s2 =	sld [smem:$0x3F8C];
	s0 =	simm.s32 @p1 $0x1  }
0x15: {  	[smem:$0x3FA9] =	sst s0;
	s0 =	simm.s32 @!p2 $0x0  }
0x16: {  	s3 =	sld [smem:$0x3FDB];
	s0 =	simm.s32 @p2 $0x1  }
0x17: {  	s4 =	simm.s32 $0x1BF5;
	[smem:$0x3FAB] =	sst s0  }
0x18: {  	s0 =	sld [smem:$0x3F8E];
	_ =	swait.ge [sflag:s4], $0x0  }
0x19: {  	s7 =	sld [smem:$0x3F8F]  }
0x1a: {  	s8 =	sadd.s32 $0xFFFFE003, lr  }
0x1b: {  	s9 =	sadd.s32 $0xFFFFFEF7, lr;
	s5 =	simm.s32 $0xFFFFFFFF;
	p2 =	slt.u32 s8, $0xFFFFF086  }
0x1c: {  	p1 =	slt.u32 s9, $0xF7A;
	s5 =	simm.s32 @!p2 $0x0  }
0x1d: {  	s5 =	simm.s32 @p1 $0x1;
	p0 =	seq.s32 s7, s2  }
0x1e: {  	s7 =	smul.u32 @!p0 $0xF7A, s2;
	p2 =	seq.s32 @!p0 s5, $0x0  }
0x1f: {  	s9 =	smul.u32 $0xF7A, s1;
	s8 =	simm.s32 @!p0 $0x1BF5;
	p2 =	por !p2, p0  }
0x20: {  	[sflag:s8] =	ssyncset.s32 @!p0 $0xFFFFF086;
	s6 =	sadd.s32 @!p0 s3, s7;
	s7 =	simm.s32 @!p0 $0x108  }
0x21: {  	s3 =	sadd.s32 s3, s9;
	s6 =	sadd.s32 @!p0 $0x88, s6;
	s7 =	simm.s32 @p2 $0x1082  }
0x22: {  	[simem:s7], [sflag:s8] =	dma.local @!p0 [hbm:s6], $0xF7A  }
0x23: {  	s9 =	sor.u32 $0xD0000000, s2;
	s6 =	simm.s32 $0x108;
	_ =	swait.ge @!p0 [sflag:s8], $0x0  }
0x24: {  	s3 =	sadd.s32 $0x88, s3;
	s6 =	simm.s32 @!p1 $0x1082;
	[sflag:s4] =	ssyncset.s32 $0xFFFFF086  }
0x25: {  	[simem:s6], [sflag:s4] =	dma.local [hbm:s3], $0xF7A  }
0x26: {  	[smem:$0x3F8F] =	sst s1;
	(tag) =	ssettag s2;
	_ =	strace s9  }
0x27: {  	s1 =	sld [smem:$0x3F9F]  }
0x28: {  	s2 =	sld [smem:$0x3FA0]  }
0x29: {  	s4 =	sld [smem:$0x3FA2]  }
0x2a: {  	p0 =	seq.s32 s5, $0x0;
	s5 =	sld [smem:$0x3FA3]  }
0x2b: {  	s6 =	sld [smem:$0x3FA4]  }
0x2c: {  	s7 =	sld [smem:$0x3FA5]  }
0x2d: {  	s3 =	simm.s32 $0x108;
	s8 =	sld [smem:$0x3FA6]  }
0x2e: {  	s3 =	simm.s32 @!p0 $0x1082;
	s9 =	sld [smem:$0x3FA7]  }
0x2f: {  	lr =	sadd.s32 s0, s3;
	s0 =	sld [smem:$0x3F9E]  }
0x30: {  	s3 =	sld [smem:$0x3FA1]  }
0x31: {  	[smem:$0x3FAA] =	sst s10  }
0x32: {  	s10 =	sld [smem:$0x3FA8];
	_ =	sdelay $0x3  }
0x33: {  	p0 =	seq.s32 s10, $0x1;
	s10 =	sld [smem:$0x3FAA];
	_ =	sdelay $0x3  }
0x34: {  	[smem:$0x3FAA] =	sst s10  }
0x35: {  	s10 =	sld [smem:$0x3FA9];
	_ =	sdelay $0x3  }
0x36: {  	p1 =	seq.s32 s10, $0x1;
	s10 =	sld [smem:$0x3FAA];
	_ =	sdelay $0x3  }
0x37: {  	[smem:$0x3FAA] =	sst s10  }
0x38: {  	s10 =	sld [smem:$0x3FAB]  }
0x39: {  	_ = 	snop;
	(pc) =	sbr.ind lr, $3  }
0x3a: {  	_ = 	snop  }
0x3b: {  	_ = 	snop  }
0x3c: {  	p2 =	seq.s32 s10, $0x1;
	s10 =	sld [smem:$0x3FAA]  }
0x3d: {  	_ =	shalt  }
0x3e: {  	_ =	shalt  }
0x3f: {  	_ =	shalt  }
0x40: {  	_ =	shalt  }
0x41: {  	_ =	shalt  }
0x42: {  	_ =	shalt  }
0x43: {  	_ =	shalt  }
0x44: {  	_ =	shalt  }
0x45: {  	_ =	shalt  }
0x46: {  	_ =	shalt  }
0x47: {  	_ =	shalt  }
0x48: {  	_ =	shalt  }
0x49: {  	_ =	shalt  }
0x4a: {  	_ =	shalt  }
0x4b: {  	_ =	shalt  }
0x4c: {  	_ =	shalt  }
0x4d: {  	_ =	shalt  }
0x4e: {  	_ =	shalt  }
0x4f: {  	_ =	shalt  }
0x50: {  	_ =	shalt  }
0x51: {  	_ =	shalt  }
0x52: {  	_ =	shalt  }
0x53: {  	_ =	shalt  }
0x54: {  	_ =	shalt  }
0x55: {  	_ =	shalt  }
0x56: {  	_ =	shalt  }
0x57: {  	_ =	shalt  }
0x58: {  	_ =	shalt  }
0x59: {  	_ =	shalt  }
0x5a: {  	_ =	shalt  }
0x5b: {  	_ =	shalt  }
0x5c: {  	_ =	shalt  }
0x5d: {  	_ =	shalt  }
0x5e: {  	_ =	shalt  }
0x5f: {  	_ =	shalt  }
0x60: {  	_ =	shalt  }
0x61: {  	_ =	shalt  }
0x62: {  	_ =	shalt  }
0x63: {  	_ =	shalt  }
0x64: {  	_ =	shalt  }
0x65: {  	_ =	shalt  }
0x66: {  	_ =	shalt  }
0x67: {  	_ =	shalt  }
0x68: {  	_ =	shalt  }
0x69: {  	_ =	shalt  }
0x6a: {  	_ =	shalt  }
0x6b: {  	_ =	shalt  }
0x6c: {  	_ =	shalt  }
0x6d: {  	_ =	shalt  }
0x6e: {  	_ =	shalt  }
0x6f: {  	_ =	shalt  }
0x70: {  	_ =	shalt  }
0x71: {  	_ =	shalt  }
0x72: {  	_ =	shalt  }
0x73: {  	_ =	shalt  }
0x74: {  	_ =	shalt  }
0x75: {  	_ =	shalt  }
0x76: {  	_ =	shalt  }
0x77: {  	_ =	shalt  }
0x78: {  	_ =	shalt  }
0x79: {  	_ =	shalt  }
0x7a: {  	_ =	shalt  }
0x7b: {  	_ =	shalt  }
0x7c: {  	_ =	shalt  }
0x7d: {  	_ =	shalt  }
0x7e: {  	_ =	shalt  }
0x7f: {  	_ =	shalt  }
0x80: {  	_ =	shalt  }
0x81: {  	_ =	shalt  }
0x82: {  	_ =	shalt  }
0x83: {  	_ =	shalt  }
0x84: {  	_ =	shalt  }
0x85: {  	_ =	shalt  }
0x86: {  	_ =	shalt  }
0x87: {  	_ =	shalt  }
.Lfunc_end0:
.L_simem_size_0:
called_computation_lowered:
.L_overlay_start_0:
0x88: {  	s2 =	sld [smem:$0x3FD9]  }
0x89: {  	s3 =	sld [smem:$0x3FFE];
	_ =	sdelay $0x1  }
0x8a: {  	s1 =	srdreg.scid  }
0x8b: {  	s0 =	sand.u32 $0x1, s1  }
0x8c: {  	s14 =	sshll.u32 s0, $0xA;
	s2 =	sadd.s32 s3, s2  }
0x8d: {  	s2 =	sadd.s32 s2, s14  }
0x8e: {  	[smem:$0x3FB6] =	sst s2  }
0x8f: {  	_ = 	snop  }
0x90: {  	s2 =	sld [smem:$0x3FD0];
	_ =	sdelay $0x2  }
0x91: {  	s15 =	simm.s32 $0xA;
	s4 =	simm.s32 $0x10  }
0x92: {  	[smem:s4], [sflag:s15] =	dma.local [hbm:s2], $0x1  }
0x93: {  	_ =	swait.eq [sflag:s15], $0x1  }
0x94: {  	[sflag:s15] =	ssyncset.done $0x0  }
0x95: {  	[sflag:s15] =	ssyncadd.s32 $0xFFFFFFFF  }
0x96: {  	s16 =	sld [smem:$0x10];
	(tm) =	ssettm $0x1  }
0x97: {  	s17 =	sld [smem:$0x3FFB];
	_ =	sdelay $0x3  }
0x98: {  	_ =	strace s17  }
0x99: {  	s3 =	sld [smem:$0x3FFC];
	_ =	sdelay $0x3  }
0x9a: {  	_ =	strace s3  }
0x9b: {  	s3 =	sld [smem:$0x3FFD];
	_ =	sdelay $0x3  }
0x9c: {  	_ =	strace s3  }
0x9d: {  	_ =	strace $0x8FFFFFFF  }
0x9e: {  	s18 =	sld [smem:$0x3FDB];
	_ =	sdelay $0x1  }
0x9f: {  	s19 =	simm.s32 $_scs_section_size  }
0xa0: {  	s5 =	simm.s32 $_size__tile_overlayer_lowered;
	s6 =	simm.s32 $_tile_overlayer_lowered  }
0xa1: {  	s22 =	simm.s32 $0x1BFF;
	s21 =	sshll.u32 s6, $0x1;
	s3 =	sadd.s32 s19, s18  }
0xa2: {  	s7 =	simm.s32 $0x0;
	s20 =	sshll.u32 s5, $0x1;
	s5 =	sadd.s32 s21, s3  }
0xa3: {  	[timem:s7], [sflag:s22] =	dma.local [hbm:s5], s20  }
0xa4: {  	_ =	swait.ge [sflag:s22], s20  }
0xa5: {  	s4 =	ssub.s32 $0x0, s20;
	[sflag:s22] =	ssyncset.done $0x0  }
0xa6: {  	[sflag:s22] =	ssyncadd.s32 s4;
	_ =	sdelay $0x1  }
0xa7: {  	s23 =	simm.s32 $0x1B8B  }
0xa8: {  	_ =	swait.ge [sflag:s23], $0x1  }
0xa9: {  	[sflag:s23] =	ssyncset.done $0x0  }
0xaa: {  	s25 =	simm.s32 $0x1B8E;
	s24 =	sld [smem:$0x3FFE];
	[sflag:s23] =	ssyncadd.s32 $0xFFFFFFFF  }
0xab: {  	s26 =	simm.s32 $execute0_lowered;
	[smem:$0x3FD2] =	sst s25  }
0xac: {  	s5 =	sshll.u32 s26, $0x1;
	_ =	strace $0x80000046;
	[dreg:$0x1] =	wrdreg $0xFFFFFFFF  }
0xad: {  	s28 =	simm.s32 $_size_execute0_lowered;
	s3 =	sadd.s32 s3, s5;
	[dreg:$0x0] =	wrdreg $0x0  }
0xae: {  	s5 =	sshll.u32 s28, $0x1;
	[dreg:$0x2] =	wrdreg s3  }
0xaf: {  	[dreg:$0x3] =	wrdreg s5  }
0xb0: {  	[dreg:$0x4] =	wrdreg $0xC0  }
0xb1: {  	_ =	task [dreg:s7], $0x5FFFF  }
0xb2: {  	[dreg:$0x1] =	wrdreg $0xFFFFFFFF  }
0xb3: {  	[dreg:$0x0] =	wrdreg $0x60  }
0xb4: {  	[dreg:$0x2] =	wrdreg s24  }
0xb5: {  	[dreg:$0x3] =	wrdreg s16  }
0xb6: {  	[dreg:$0x4] =	wrdreg $0x10000  }
0xb7: {  	[dreg:$0x5] =	wrdreg $0x9  }
0xb8: {  	_ =	task.clear_ibuf [dreg:s7], $0x6FFFF;
	_ =	strace $0x90000046  }
0xb9: {  	s29 =	simm.s32 $0x9;
	_ =	strace $0x80000048  }
0xba: {  	_ =	swait.ge [sflag:s29], $0x1  }
0xbb: {  	[sflag:s29] =	ssyncadd.s32 $0xFFFFFFFF  }
0xbc: {  	_ =	strace $0x90000048  }
0xbd: {  	_ =	sfence  }
0xbe: {  	s30 =	sld [smem:$0x0];
	_ =	sdelay $0x2  }
0xbf: {  	s31 =	sshll.u32 s1, $0xD;
	s1 =	sshrl.u32 s1, $0x2  }
0xc0: {  	s3 =	sand.u32 $0x4000, s31;
	s1 =	sadd.s32 s1, s30  }
0xc1: {  	s0 =	sor.u32 s3, s0;
	s1 =	sshll.u32 s1, $0x11  }
0xc2: {  	s0 =	sor.u32 s1, s0  }
0xc3: {  	s0 =	sadd.s32 $0x8F2B, s0  }
0xc4: {  	[sflag:s0] =	ssyncadd.remote.s32 $0x1  }
0xc5: {  	_ =	sfence.sel $0xFFFF  }
0xc6: {  	[dreg:$0x0] =	wrdreg $0xFFFFFFFF;
	(pc) =	sbr.abs _section_cstart, $3  }
0xc7: {  	[dreg:$0x1] =	wrdreg $0xFFFFFFFF  }
0xc8: {  	_ =	task.clear_ibuf [dreg:s7], $0x2FFFF;
	_ =	strace $0x9FFFFFFF  }
0xc9: {  	(tm) =	ssettm $0x7FFFFFFF  }
tec
execute0_lowered:
.L_overlay_start_1:
0x0: {  	(tag) =	ssettag $0x1  }
0x1: {  	s0 =	rddreg [dreg:$0x0]  }
0x2: {  	s2 =	rddreg [dreg:$0x2]  }
0x3: {  	s1 =	srdreg.scid;
	s9 =	stileid.u32  }
0x4: {  	s3 =	simm.s32 $0x0;
	s1 =	sand.u32 $0x1, s1;
	s6 =	smul.u32 $0x1870, s9  }
0x5: {  	[smem:$0x7FF] =	sst s3;
	s8 =	sshll.u32 s9, $0x6;
	s9 =	smul.u32 $0x1900, s9  }
0x6: {  	s18 =	simm.s32 $0x3;
	s4 =	smul.u32 $0x19000, s1;
	_ =	strace $0x80000047  }
0x7: {  	s5 =	ssub.s32 $0x2, s1;
	s16 =	sor.u32 $0x1C03, s8;
	p0 =	seq.s32 s1, $0x1  }
0x8: {  	s1 =	simm.s32 $0x6B000;
	s7 =	sshrl.u32 s5, $0x1;
	s28 =	sadd.s32 s6, s2  }
0x9: {  	s6 =	sshrl.u32 s6, $0x3;
	s1 =	simm.s32 @!p0 $0x67E00;
	[dreg:$0x6] =	wrdreg s16  }
0xa: {  	s4 =	sadd.s32 s4, s0;
	s5 =	ssub.s32 s5, s7;
	s17 =	sshrl.u32 s28, $0x3  }
0xb: {  	s0 =	sadd.s32 s1, s0;
	s31 =	smax.u32 s5, $0x1;
	[dreg:$0x9] =	wrdreg s17  }
0xc: {  	s4 =	sadd.s32 s9, s4;
	s0 =	sadd.s32 s0, s6;
	[dreg:$0x7] =	wrdreg s31  }
0xd: {  	s11 =	simm.s32 $0x80;
	s29 =	sadd.s32 $0x3E00, s4;
	[dreg:$0x8] =	wrdreg s0  }
0xe: {  	s13 =	simm.s32 $0x1;
	s30 =	sadd.s32 $0x35E00, s4;
	[dreg:$0x4] =	wrdreg s29  }
0xf: {  	s14 =	simm.s32 $0x2;
	s0 =	simm.s32 $0x0;
	[dreg:$0x5] =	wrdreg s30  }
.LBB2_1:
0x10: {  	[dreg:$0xa] =	wrdreg s0  }
0x11: {  	s15 =	rddreg [dreg:$0x1]  }
0x12: {  	[spmem:s17], [sflag:s16] =	dma.local [hbm:s15], $0x30E  }
0x13: {  	_ =	swait.ge [sflag:s18], $0x30E  }
0x14: {  	[sflag:s18] =	ssyncset.done $0x0  }
0x15: {  	[sflag:s18] =	ssyncadd.s32 $0xFFFFFCF2  }
0x16: {  	[bflag:$0x0] =	sbarrier.arrive $0xFFFF  }
0x17: {  	s8 =	rddreg [dreg:$0x5]  }
0x18: {  	s9 =	rddreg [dreg:$0x4];
	s15 =	sadd.s32 $0x0, s8  }
0x19: {  	[tilespmem:s3], [sflag:$0x1] =	stream.linear.gather [hbm4b:s15+s3], $0x80, $0x38;
	[tilespmem:$0x2870] =	vst v63  }
0x1a: {  	s10 =	simm.s32 $0x800;
	s16 =	sadd.s32 $0x0, s9  }
0x1b: {  	[tilespmem:s10], [sflag:$0x1] =	stream.linear.gather [hbm4b:s16+s3], $0x80, $0x38;
	[tilespmem:$0x2870] =	vst v63  }
0x1c: {  	s12 =	sadd.s32 $0x10, s15  }
0x1d: {  	[tilespmem:s11], [sflag:$0x1] =	stream.linear.gather [hbm4b:s12+s3], $0x80, $0x38;
	[tilespmem:$0x2870] =	vst v63  }
0x1e: {  	s19 =	simm.s32 $0x880;
	s18 =	sadd.s32 $0x10, s16  }
0x1f: {  	[tilespmem:s19], [sflag:$0x1] =	stream.linear.gather [hbm4b:s18+s3], $0x80, $0x38;
	[tilespmem:$0x2870] =	vst v63  }
0x20: {  	s21 =	simm.s32 $0x100;
	s20 =	sadd.s32 $0x20, s15  }
0x21: {  	[tilespmem:s21], [sflag:$0x1] =	stream.linear.gather [hbm4b:s20+s3], $0x80, $0x38;
	[tilespmem:$0x2870] =	vst v63  }
0x22: {  	s23 =	simm.s32 $0x900;
	s22 =	sadd.s32 $0x20, s16  }
0x23: {  	[tilespmem:s23], [sflag:$0x1] =	stream.linear.gather [hbm4b:s22+s3], $0x80, $0x38;
	[tilespmem:$0x2870] =	vst v63  }
0x24: {  	s25 =	simm.s32 $0x180;
	s24 =	sadd.s32 $0x30, s15  }
0x25: {  	[tilespmem:s25], [sflag:$0x1] =	stream.linear.gather [hbm4b:s24+s3], $0x80, $0x38;
	[tilespmem:$0x2870] =	vst v63  }
0x26: {  	s28 =	simm.s32 $0x980;
	s26 =	sadd.s32 $0x30, s16  }
0x27: {  	[tilespmem:s28], [sflag:$0x1] =	stream.linear.gather [hbm4b:s26+s3], $0x80, $0x38;
	[tilespmem:$0x2870] =	vst v63  }
0x28: {  	s29 =	sadd.s32 $0x40, s15;
	s24 =	simm.s32 $0x200  }
0x29: {  	[tilespmem:s24], [sflag:$0x1] =	stream.linear.gather [hbm4b:s29+s3], $0x80, $0x38;
	[tilespmem:$0x2870] =	vst v63  }
0x2a: {  	s30 =	sadd.s32 $0x40, s16;
	s25 =	simm.s32 $0xA00  }
0x2b: {  	[tilespmem:s25], [sflag:$0x1] =	stream.linear.gather [hbm4b:s30+s3], $0x80, $0x38;
	[tilespmem:$0x2870] =	vst v63  }
0x2c: {  	s31 =	sadd.s32 $0x50, s15;
	s26 =	simm.s32 $0x280  }
0x2d: {  	[tilespmem:s26], [sflag:$0x1] =	stream.linear.gather [hbm4b:s31+s3], $0x80, $0x38;
	[tilespmem:$0x2870] =	vst v63  }
0x2e: {  	s0 =	sadd.s32 $0x50, s16;
	s28 =	simm.s32 $0xA80  }
0x2f: {  	[tilespmem:s28], [sflag:$0x1] =	stream.linear.gather [hbm4b:s0+s3], $0x80, $0x38;
	[tilespmem:$0x2870] =	vst v63  }
0x30: {  	s1 =	sadd.s32 $0x60, s15;
	s29 =	simm.s32 $0x300  }
0x31: {  	[tilespmem:s29], [sflag:$0x1] =	stream.linear.gather [hbm4b:s1+s3], $0x80, $0x38;
	[tilespmem:$0x2870] =	vst v63  }
0x32: {  	s4 =	sadd.s32 $0x60, s16;
	s22 =	simm.s32 $0xB00  }
0x33: {  	[tilespmem:s22], [sflag:$0x1] =	stream.linear.gather [hbm4b:s4+s3], $0x80, $0x38;
	[tilespmem:$0x2870] =	vst v63  }
0x34: {  	s5 =	sadd.s32 $0x70, s15;
	s21 =	simm.s32 $0x380  }
0x35: {  	[tilespmem:s21], [sflag:$0x1] =	stream.linear.gather [hbm4b:s5+s3], $0x80, $0x38;
	[tilespmem:$0x2870] =	vst v63  }
0x36: {  	s6 =	sadd.s32 $0x70, s16;
	s20 =	simm.s32 $0xB80  }
0x37: {  	[tilespmem:s20], [sflag:$0x1] =	stream.linear.gather [hbm4b:s6+s3], $0x80, $0x38;
	[tilespmem:$0x2870] =	vst v63  }
0x38: {  	s7 =	sadd.s32 $0x80, s15;
	s19 =	simm.s32 $0x400  }
0x39: {  	[tilespmem:s19], [sflag:$0x1] =	stream.linear.gather [hbm4b:s7+s3], $0x80, $0x38;
	[tilespmem:$0x2870] =	vst v63  }
0x3a: {  	s8 =	sadd.s32 $0x80, s16;
	s18 =	simm.s32 $0xC00  }
0x3b: {  	[tilespmem:s18], [sflag:$0x1] =	stream.linear.gather [hbm4b:s8+s3], $0x80, $0x38;
	[tilespmem:$0x2870] =	vst v63  }
0x3c: {  	s9 =	sadd.s32 $0x90, s15;
	s7 =	simm.s32 $0x480  }
0x3d: {  	[tilespmem:s7], [sflag:$0x1] =	stream.linear.gather [hbm4b:s9+s3], $0x80, $0x38;
	[tilespmem:$0x2870] =	vst v63  }
0x3e: {  	s10 =	sadd.s32 $0x90, s16;
	s8 =	simm.s32 $0xC80  }
0x3f: {  	[tilespmem:s8], [sflag:$0x1] =	stream.linear.gather [hbm4b:s10+s3], $0x80, $0x38;
	[tilespmem:$0x2870] =	vst v63  }
0x40: {  	s12 =	sadd.s32 $0xA0, s15;
	s9 =	simm.s32 $0x500  }
0x41: {  	[tilespmem:s9], [sflag:$0x1] =	stream.linear.gather [hbm4b:s12+s3], $0x80, $0x38;
	[tilespmem:$0x2870] =	vst v63  }
0x42: {  	s23 =	sadd.s32 $0xA0, s16;
	s10 =	simm.s32 $0xD00  }
0x43: {  	[tilespmem:s10], [sflag:$0x1] =	stream.linear.gather [hbm4b:s23+s3], $0x80, $0x38;
	[tilespmem:$0x2870] =	vst v63  }
0x44: {  	s30 =	sadd.s32 $0xB0, s15;
	s12 =	simm.s32 $0x580  }
0x45: {  	[tilespmem:s12], [sflag:$0x1] =	stream.linear.gather [hbm4b:s30+s3], $0x80, $0x38;
	[tilespmem:$0x2870] =	vst v63  }
0x46: {  	s31 =	sadd.s32 $0xB0, s16;
	s30 =	simm.s32 $0xD80  }
0x47: {  	[tilespmem:s30], [sflag:$0x1] =	stream.linear.gather [hbm4b:s31+s3], $0x80, $0x38;
	[tilespmem:$0x2870] =	vst v63  }
0x48: {  	s0 =	sadd.s32 $0xC0, s15;
	s31 =	simm.s32 $0x600  }
0x49: {  	[tilespmem:s31], [sflag:$0x1] =	stream.linear.gather [hbm4b:s0+s3], $0x80, $0x38;
	[tilespmem:$0x2870] =	vst v63  }
0x4a: {  	s1 =	sadd.s32 $0xC0, s16;
	s6 =	simm.s32 $0xE00  }
0x4b: {  	[tilespmem:s6], [sflag:$0x1] =	stream.linear.gather [hbm4b:s1+s3], $0x80, $0x38;
	[tilespmem:$0x2870] =	vst v63  }
0x4c: {  	s4 =	sadd.s32 $0xD0, s15;
	s5 =	simm.s32 $0x680  }
0x4d: {  	[tilespmem:s5], [sflag:$0x1] =	stream.linear.gather [hbm4b:s4+s3], $0x80, $0x38;
	[tilespmem:$0x2870] =	vst v63  }
0x4e: {  	s23 =	sadd.s32 $0xD0, s16;
	s4 =	simm.s32 $0xE80  }
0x4f: {  	[tilespmem:s4], [sflag:$0x1] =	stream.linear.gather [hbm4b:s23+s3], $0x80, $0x38;
	[tilespmem:$0x2870] =	vst v63  }
0x50: {  	s0 =	sadd.s32 $0xE0, s15;
	s1 =	simm.s32 $0x700  }
0x51: {  	[tilespmem:s1], [sflag:$0x1] =	stream.linear.gather [hbm4b:s0+s3], $0x80, $0x38;
	[tilespmem:$0x2870] =	vst v63  }
0x52: {  	s23 =	sadd.s32 $0xE0, s16;
	s0 =	simm.s32 $0xF00  }
0x53: {  	[tilespmem:s0], [sflag:$0x1] =	stream.linear.gather [hbm4b:s23+s3], $0x80, $0x38;
	[tilespmem:$0x2870] =	vst v63  }
0x54: {  	s17 =	simm.s32 $0x780;
	s15 =	sadd.s32 $0xF0, s15  }
0x55: {  	[tilespmem:s17], [sflag:$0x1] =	stream.linear.gather [hbm4b:s15+s3], $0x80, $0x38;
	[tilespmem:$0x2870] =	vst v63  }
0x56: {  	s23 =	sadd.s32 $0xF0, s16;
	s16 =	simm.s32 $0xF80  }
0x57: {  	[tilespmem:s16], [sflag:$0x1] =	stream.linear.gather [hbm4b:s23+s3], $0x80, $0x38;
	[tilespmem:$0x2870] =	vst v63  }
0x58: {  	_ =	swait.ge [sflag:s13], $0x80  }
0x59: {  	[sflag:s13] =	ssyncset.done $0x0  }
0x5a: {  	[sflag:s13] =	ssyncadd.s32 $0xFFFFFF80  }
0x5b: {  	_ =	swait.ge [sflag:s13], $0x80  }
0x5c: {  	[sflag:s13] =	ssyncset.done $0x0  }
0x5d: {  	[sflag:s13] =	ssyncadd.s32 $0xFFFFFF80  }
0x5e: {  	_ =	swait.ge [sflag:s13], $0x80  }
0x5f: {  	[sflag:s13] =	ssyncset.done $0x0  }
0x60: {  	[sflag:s13] =	ssyncadd.s32 $0xFFFFFF80  }
0x61: {  	_ =	swait.ge [sflag:s13], $0x80  }
0x62: {  	[sflag:s13] =	ssyncset.done $0x0  }
0x63: {  	[sflag:s13] =	ssyncadd.s32 $0xFFFFFF80  }
0x64: {  	_ =	swait.ge [sflag:s13], $0x80  }
0x65: {  	[sflag:s13] =	ssyncset.done $0x0  }
0x66: {  	[sflag:s13] =	ssyncadd.s32 $0xFFFFFF80  }
0x67: {  	_ =	swait.ge [sflag:s13], $0x80  }
0x68: {  	[sflag:s13] =	ssyncset.done $0x0  }
0x69: {  	[sflag:s13] =	ssyncadd.s32 $0xFFFFFF80  }
0x6a: {  	_ =	swait.ge [sflag:s13], $0x80  }
0x6b: {  	[sflag:s13] =	ssyncset.done $0x0  }
0x6c: {  	[sflag:s13] =	ssyncadd.s32 $0xFFFFFF80  }
0x6d: {  	_ =	swait.ge [sflag:s13], $0x80  }
0x6e: {  	[sflag:s13] =	ssyncset.done $0x0  }
0x6f: {  	[sflag:s13] =	ssyncadd.s32 $0xFFFFFF80  }
0x70: {  	_ =	swait.ge [sflag:s13], $0x80  }
0x71: {  	[sflag:s13] =	ssyncset.done $0x0  }
0x72: {  	[sflag:s13] =	ssyncadd.s32 $0xFFFFFF80  }
0x73: {  	_ =	swait.ge [sflag:s13], $0x80  }
0x74: {  	[sflag:s13] =	ssyncset.done $0x0  }
0x75: {  	[sflag:s13] =	ssyncadd.s32 $0xFFFFFF80  }
0x76: {  	_ =	swait.ge [sflag:s13], $0x80  }
0x77: {  	[sflag:s13] =	ssyncset.done $0x0  }
0x78: {  	[sflag:s13] =	ssyncadd.s32 $0xFFFFFF80  }
0x79: {  	_ =	swait.ge [sflag:s13], $0x80  }
0x7a: {  	[sflag:s13] =	ssyncset.done $0x0  }
0x7b: {  	[sflag:s13] =	ssyncadd.s32 $0xFFFFFF80  }
0x7c: {  	_ =	swait.ge [sflag:s13], $0x80  }
0x7d: {  	[sflag:s13] =	ssyncset.done $0x0  }
0x7e: {  	[sflag:s13] =	ssyncadd.s32 $0xFFFFFF80  }
0x7f: {  	_ =	swait.ge [sflag:s13], $0x80  }
0x80: {  	[sflag:s13] =	ssyncset.done $0x0  }
0x81: {  	[sflag:s13] =	ssyncadd.s32 $0xFFFFFF80  }
0x82: {  	_ =	swait.ge [sflag:s13], $0x80  }
0x83: {  	[sflag:s13] =	ssyncset.done $0x0  }
0x84: {  	[sflag:s13] =	ssyncadd.s32 $0xFFFFFF80  }
0x85: {  	_ =	swait.ge [sflag:s13], $0x80  }
0x86: {  	[sflag:s13] =	ssyncset.done $0x0  }
0x87: {  	[sflag:s13] =	ssyncadd.s32 $0xFFFFFF80  }
0x88: {  	_ =	swait.ge [sflag:s13], $0x80  }
0x89: {  	[sflag:s13] =	ssyncset.done $0x0  }
0x8a: {  	[sflag:s13] =	ssyncadd.s32 $0xFFFFFF80  }
0x8b: {  	_ =	swait.ge [sflag:s13], $0x80  }
0x8c: {  	[sflag:s13] =	ssyncset.done $0x0  }
0x8d: {  	[sflag:s13] =	ssyncadd.s32 $0xFFFFFF80  }
0x8e: {  	_ =	swait.ge [sflag:s13], $0x80  }
0x8f: {  	[sflag:s13] =	ssyncset.done $0x0  }
0x90: {  	[sflag:s13] =	ssyncadd.s32 $0xFFFFFF80  }
0x91: {  	_ =	swait.ge [sflag:s13], $0x80  }
0x92: {  	[sflag:s13] =	ssyncset.done $0x0  }
0x93: {  	[sflag:s13] =	ssyncadd.s32 $0xFFFFFF80  }
0x94: {  	_ =	swait.ge [sflag:s13], $0x80  }
0x95: {  	[sflag:s13] =	ssyncset.done $0x0  }
0x96: {  	[sflag:s13] =	ssyncadd.s32 $0xFFFFFF80  }
0x97: {  	_ =	swait.ge [sflag:s13], $0x80  }
0x98: {  	[sflag:s13] =	ssyncset.done $0x0  }
0x99: {  	[sflag:s13] =	ssyncadd.s32 $0xFFFFFF80  }
0x9a: {  	_ =	swait.ge [sflag:s13], $0x80  }
0x9b: {  	[sflag:s13] =	ssyncset.done $0x0  }
0x9c: {  	[sflag:s13] =	ssyncadd.s32 $0xFFFFFF80  }
0x9d: {  	_ =	swait.ge [sflag:s13], $0x80  }
0x9e: {  	[sflag:s13] =	ssyncset.done $0x0  }
0x9f: {  	[sflag:s13] =	ssyncadd.s32 $0xFFFFFF80  }
0xa0: {  	_ =	swait.ge [sflag:s13], $0x80  }
0xa1: {  	[sflag:s13] =	ssyncset.done $0x0  }
0xa2: {  	[sflag:s13] =	ssyncadd.s32 $0xFFFFFF80  }
0xa3: {  	_ =	swait.ge [sflag:s13], $0x80  }
0xa4: {  	[sflag:s13] =	ssyncset.done $0x0  }
0xa5: {  	[sflag:s13] =	ssyncadd.s32 $0xFFFFFF80  }
0xa6: {  	_ =	swait.ge [sflag:s13], $0x80  }
0xa7: {  	[sflag:s13] =	ssyncset.done $0x0  }
0xa8: {  	[sflag:s13] =	ssyncadd.s32 $0xFFFFFF80  }
0xa9: {  	_ =	swait.ge [sflag:s13], $0x80  }
0xaa: {  	[sflag:s13] =	ssyncset.done $0x0  }
0xab: {  	[sflag:s13] =	ssyncadd.s32 $0xFFFFFF80  }
0xac: {  	_ =	swait.ge [sflag:s13], $0x80  }
0xad: {  	[sflag:s13] =	ssyncset.done $0x0  }
0xae: {  	[sflag:s13] =	ssyncadd.s32 $0xFFFFFF80  }
0xaf: {  	_ =	swait.ge [sflag:s13], $0x80  }
0xb0: {  	[sflag:s13] =	ssyncset.done $0x0  }
0xb1: {  	[sflag:s13] =	ssyncadd.s32 $0xFFFFFF80  }
0xb2: {  	_ =	swait.ge [sflag:s13], $0x80  }
0xb3: {  	[sflag:s13] =	ssyncset.done $0x0  }
0xb4: {  	[sflag:s13] =	ssyncadd.s32 $0xFFFFFF80  }
0xb5: {  	_ =	swait.ge [sflag:s13], $0x80  }
0xb6: {  	[sflag:s13] =	ssyncset.done $0x0  }
0xb7: {  	s23 =	simm.s32 $0x800;
	[sflag:s13] =	ssyncadd.s32 $0xFFFFFF80  }
0xb8: {  	[spmem:s2] =	stream.indirect.scatter.add.f32 [tilespmem:s23], [sflag:$0x2], $0x1, s3, s11, $0xb8;
	[tilespmem:$0x2870] =	vst v63  }
0xb9: {  	s23 =	simm.s32 $0x880  }
0xba: {  	[spmem:s2] =	stream.indirect.scatter.add.f32 [tilespmem:s23], [sflag:$0x2], $0x1, s11, s11, $0xb8;
	[tilespmem:$0x2870] =	vst v63  }
0xbb: {  	s15 =	simm.s32 $0x100;
	s23 =	simm.s32 $0x900  }
0xbc: {  	[spmem:s2] =	stream.indirect.scatter.add.f32 [tilespmem:s23], [sflag:$0x2], $0x1, s15, s11, $0xb8;
	[tilespmem:$0x2870] =	vst v63  }
0xbd: {  	s15 =	simm.s32 $0x180;
	s23 =	simm.s32 $0x980  }
0xbe: {  	[spmem:s2] =	stream.indirect.scatter.add.f32 [tilespmem:s23], [sflag:$0x2], $0x1, s15, s11, $0xb8;
	[tilespmem:$0x2870] =	vst v63  }
0xbf: {  	_ = 	snop  }
0xc0: {  	[spmem:s2] =	stream.indirect.scatter.add.f32 [tilespmem:s25], [sflag:$0x2], $0x1, s24, s11, $0xb8;
	[tilespmem:$0x2870] =	vst v63  }
0xc1: {  	_ = 	snop  }
0xc2: {  	[spmem:s2] =	stream.indirect.scatter.add.f32 [tilespmem:s28], [sflag:$0x2], $0x1, s26, s11, $0xb8;
	[tilespmem:$0x2870] =	vst v63  }
0xc3: {  	_ = 	snop  }
0xc4: {  	[spmem:s2] =	stream.indirect.scatter.add.f32 [tilespmem:s22], [sflag:$0x2], $0x1, s29, s11, $0xb8;
	[tilespmem:$0x2870] =	vst v63  }
0xc5: {  	_ = 	snop  }
0xc6: {  	[spmem:s2] =	stream.indirect.scatter.add.f32 [tilespmem:s20], [sflag:$0x2], $0x1, s21, s11, $0xb8;
	[tilespmem:$0x2870] =	vst v63  }
0xc7: {  	_ = 	snop  }
0xc8: {  	[spmem:s2] =	stream.indirect.scatter.add.f32 [tilespmem:s18], [sflag:$0x2], $0x1, s19, s11, $0xb8;
	[tilespmem:$0x2870] =	vst v63  }
0xc9: {  	_ = 	snop  }
0xca: {  	[spmem:s2] =	stream.indirect.scatter.add.f32 [tilespmem:s8], [sflag:$0x2], $0x1, s7, s11, $0xb8;
	[tilespmem:$0x2870] =	vst v63  }
0xcb: {  	_ = 	snop  }
0xcc: {  	[spmem:s2] =	stream.indirect.scatter.add.f32 [tilespmem:s10], [sflag:$0x2], $0x1, s9, s11, $0xb8;
	[tilespmem:$0x2870] =	vst v63  }
0xcd: {  	_ = 	snop  }
0xce: {  	[spmem:s2] =	stream.indirect.scatter.add.f32 [tilespmem:s30], [sflag:$0x2], $0x1, s12, s11, $0xb8;
	[tilespmem:$0x2870] =	vst v63  }
0xcf: {  	_ = 	snop  }
0xd0: {  	[spmem:s2] =	stream.indirect.scatter.add.f32 [tilespmem:s6], [sflag:$0x2], $0x1, s31, s11, $0xb8;
	[tilespmem:$0x2870] =	vst v63  }
0xd1: {  	_ = 	snop  }
0xd2: {  	[spmem:s2] =	stream.indirect.scatter.add.f32 [tilespmem:s4], [sflag:$0x2], $0x1, s5, s11, $0xb8;
	[tilespmem:$0x2870] =	vst v63  }
0xd3: {  	_ = 	snop  }
0xd4: {  	[spmem:s2] =	stream.indirect.scatter.add.f32 [tilespmem:s0], [sflag:$0x2], $0x1, s1, s11, $0xb8;
	[tilespmem:$0x2870] =	vst v63  }
0xd5: {  	_ = 	snop  }
0xd6: {  	[spmem:s2] =	stream.indirect.scatter.add.f32 [tilespmem:s16], [sflag:$0x2], $0x1, s17, s11, $0xb8;
	[tilespmem:$0x2870] =	vst v63  }
0xd7: {  	_ =	swait.ge [sflag:s14], $0x80  }
0xd8: {  	[sflag:s14] =	ssyncset.done $0x0  }
0xd9: {  	[sflag:s14] =	ssyncadd.s32 $0xFFFFFF80  }
0xda: {  	_ =	swait.ge [sflag:s14], $0x80  }
0xdb: {  	[sflag:s14] =	ssyncset.done $0x0  }
0xdc: {  	[sflag:s14] =	ssyncadd.s32 $0xFFFFFF80  }
0xdd: {  	_ =	swait.ge [sflag:s14], $0x80  }
0xde: {  	[sflag:s14] =	ssyncset.done $0x0  }
0xdf: {  	[sflag:s14] =	ssyncadd.s32 $0xFFFFFF80  }
0xe0: {  	_ =	swait.ge [sflag:s14], $0x80  }
0xe1: {  	[sflag:s14] =	ssyncset.done $0x0  }
0xe2: {  	[sflag:s14] =	ssyncadd.s32 $0xFFFFFF80  }
0xe3: {  	_ =	swait.ge [sflag:s14], $0x80  }
0xe4: {  	[sflag:s14] =	ssyncset.done $0x0  }
0xe5: {  	[sflag:s14] =	ssyncadd.s32 $0xFFFFFF80  }
0xe6: {  	_ =	swait.ge [sflag:s14], $0x80  }
0xe7: {  	[sflag:s14] =	ssyncset.done $0x0  }
0xe8: {  	[sflag:s14] =	ssyncadd.s32 $0xFFFFFF80  }
0xe9: {  	_ =	swait.ge [sflag:s14], $0x80  }
0xea: {  	[sflag:s14] =	ssyncset.done $0x0  }
0xeb: {  	[sflag:s14] =	ssyncadd.s32 $0xFFFFFF80  }
0xec: {  	_ =	swait.ge [sflag:s14], $0x80  }
0xed: {  	[sflag:s14] =	ssyncset.done $0x0  }
0xee: {  	[sflag:s14] =	ssyncadd.s32 $0xFFFFFF80  }
0xef: {  	_ =	swait.ge [sflag:s14], $0x80  }
0xf0: {  	[sflag:s14] =	ssyncset.done $0x0  }
0xf1: {  	[sflag:s14] =	ssyncadd.s32 $0xFFFFFF80  }
0xf2: {  	_ =	swait.ge [sflag:s14], $0x80  }
0xf3: {  	[sflag:s14] =	ssyncset.done $0x0  }
0xf4: {  	[sflag:s14] =	ssyncadd.s32 $0xFFFFFF80  }
0xf5: {  	_ =	swait.ge [sflag:s14], $0x80  }
0xf6: {  	[sflag:s14] =	ssyncset.done $0x0  }
0xf7: {  	[sflag:s14] =	ssyncadd.s32 $0xFFFFFF80  }
0xf8: {  	_ =	swait.ge [sflag:s14], $0x80  }
0xf9: {  	[sflag:s14] =	ssyncset.done $0x0  }
0xfa: {  	[sflag:s14] =	ssyncadd.s32 $0xFFFFFF80  }
0xfb: {  	_ =	swait.ge [sflag:s14], $0x80  }
0xfc: {  	[sflag:s14] =	ssyncset.done $0x0  }
0xfd: {  	[sflag:s14] =	ssyncadd.s32 $0xFFFFFF80  }
0xfe: {  	_ =	swait.ge [sflag:s14], $0x80  }
0xff: {  	[sflag:s14] =	ssyncset.done $0x0  }
0x100: {  	[sflag:s14] =	ssyncadd.s32 $0xFFFFFF80  }
0x101: {  	_ =	swait.ge [sflag:s14], $0x80  }
0x102: {  	[sflag:s14] =	ssyncset.done $0x0  }
0x103: {  	[sflag:s14] =	ssyncadd.s32 $0xFFFFFF80  }
0x104: {  	s15 =	simm.s32 $0x100;
	_ =	swait.ge [sflag:s14], $0x80  }
0x105: {  	s16 =	simm.s32 $0x200;
	s17 =	rddreg [dreg:$0x5];
	[sflag:s14] =	ssyncset.done $0x0  }
.LBB2_2:
0x106: {  	[sflag:s14] =	ssyncadd.s32 $0xFFFFFF80;
	s18 =	rddreg [dreg:$0x4];
	s17 =	sadd.s32 s15, s17  }
0x107: {  	[tilespmem:s3], [sflag:$0x1] =	stream.linear.gather [hbm4b:s17+s3], $0x80, $0x38;
	[tilespmem:$0x2870] =	vst v63  }
0x108: {  	s0 =	simm.s32 $0x800;
	s18 =	sadd.s32 s15, s18  }
0x109: {  	[tilespmem:s0], [sflag:$0x1] =	stream.linear.gather [hbm4b:s18+s3], $0x80, $0x38;
	[tilespmem:$0x2870] =	vst v63  }
0x10a: {  	s26 =	sadd.s32 $0x10, s17  }
0x10b: {  	[tilespmem:s11], [sflag:$0x1] =	stream.linear.gather [hbm4b:s26+s3], $0x80, $0x38;
	[tilespmem:$0x2870] =	vst v63  }
0x10c: {  	s29 =	simm.s32 $0x880;
	s28 =	sadd.s32 $0x10, s18  }
0x10d: {  	[tilespmem:s29], [sflag:$0x1] =	stream.linear.gather [hbm4b:s28+s3], $0x80, $0x38;
	[tilespmem:$0x2870] =	vst v63  }
0x10e: {  	s31 =	simm.s32 $0x100;
	s30 =	sadd.s32 $0x20, s17  }
0x10f: {  	[tilespmem:s31], [sflag:$0x1] =	stream.linear.gather [hbm4b:s30+s3], $0x80, $0x38;
	[tilespmem:$0x2870] =	vst v63  }
0x110: {  	s1 =	simm.s32 $0x900;
	s0 =	sadd.s32 $0x20, s18  }
0x111: {  	[tilespmem:s1], [sflag:$0x1] =	stream.linear.gather [hbm4b:s0+s3], $0x80, $0x38;
	[tilespmem:$0x2870] =	vst v63  }
0x112: {  	s5 =	simm.s32 $0x180;
	s4 =	sadd.s32 $0x30, s17  }
0x113: {  	[tilespmem:s5], [sflag:$0x1] =	stream.linear.gather [hbm4b:s4+s3], $0x80, $0x38;
	[tilespmem:$0x2870] =	vst v63  }
0x114: {  	s7 =	simm.s32 $0x980;
	s6 =	sadd.s32 $0x30, s18  }
0x115: {  	[tilespmem:s7], [sflag:$0x1] =	stream.linear.gather [hbm4b:s6+s3], $0x80, $0x38;
	[tilespmem:$0x2870] =	vst v63  }
0x116: {  	s9 =	simm.s32 $0x200;
	s8 =	sadd.s32 $0x40, s17  }
0x117: {  	[tilespmem:s9], [sflag:$0x1] =	stream.linear.gather [hbm4b:s8+s3], $0x80, $0x38;
	[tilespmem:$0x2870] =	vst v63  }
0x118: {  	s12 =	simm.s32 $0xA00;
	s10 =	sadd.s32 $0x40, s18  }
0x119: {  	[tilespmem:s12], [sflag:$0x1] =	stream.linear.gather [hbm4b:s10+s3], $0x80, $0x38;
	[tilespmem:$0x2870] =	vst v63  }
0x11a: {  	s20 =	sadd.s32 $0x50, s17;
	s29 =	simm.s32 $0x280  }
0x11b: {  	[tilespmem:s29], [sflag:$0x1] =	stream.linear.gather [hbm4b:s20+s3], $0x80, $0x38;
	[tilespmem:$0x2870] =	vst v63  }
0x11c: {  	s21 =	sadd.s32 $0x50, s18;
	s30 =	simm.s32 $0xA80  }
0x11d: {  	[tilespmem:s30], [sflag:$0x1] =	stream.linear.gather [hbm4b:s21+s3], $0x80, $0x38;
	[tilespmem:$0x2870] =	vst v63  }
0x11e: {  	s22 =	sadd.s32 $0x60, s17;
	s31 =	simm.s32 $0x300  }
0x11f: {  	[tilespmem:s31], [sflag:$0x1] =	stream.linear.gather [hbm4b:s22+s3], $0x80, $0x38;
	[tilespmem:$0x2870] =	vst v63  }
0x120: {  	s23 =	sadd.s32 $0x60, s18;
	s26 =	simm.s32 $0xB00  }
0x121: {  	[tilespmem:s26], [sflag:$0x1] =	stream.linear.gather [hbm4b:s23+s3], $0x80, $0x38;
	[tilespmem:$0x2870] =	vst v63  }
0x122: {  	s25 =	simm.s32 $0x380;
	s24 =	sadd.s32 $0x70, s17  }
0x123: {  	[tilespmem:s25], [sflag:$0x1] =	stream.linear.gather [hbm4b:s24+s3], $0x80, $0x38;
	[tilespmem:$0x2870] =	vst v63  }
0x124: {  	s28 =	sadd.s32 $0x70, s18;
	s24 =	simm.s32 $0xB80  }
0x125: {  	[tilespmem:s24], [sflag:$0x1] =	stream.linear.gather [hbm4b:s28+s3], $0x80, $0x38;
	[tilespmem:$0x2870] =	vst v63  }
0x126: {  	s0 =	sadd.s32 $0x80, s17;
	s23 =	simm.s32 $0x400  }
0x127: {  	[tilespmem:s23], [sflag:$0x1] =	stream.linear.gather [hbm4b:s0+s3], $0x80, $0x38;
	[tilespmem:$0x2870] =	vst v63  }
0x128: {  	s1 =	sadd.s32 $0x80, s18;
	s22 =	simm.s32 $0xC00  }
0x129: {  	[tilespmem:s22], [sflag:$0x1] =	stream.linear.gather [hbm4b:s1+s3], $0x80, $0x38;
	[tilespmem:$0x2870] =	vst v63  }
0x12a: {  	s4 =	sadd.s32 $0x90, s17;
	s21 =	simm.s32 $0x480  }
0x12b: {  	[tilespmem:s21], [sflag:$0x1] =	stream.linear.gather [hbm4b:s4+s3], $0x80, $0x38;
	[tilespmem:$0x2870] =	vst v63  }
0x12c: {  	s5 =	sadd.s32 $0x90, s18;
	s20 =	simm.s32 $0xC80  }
0x12d: {  	[tilespmem:s20], [sflag:$0x1] =	stream.linear.gather [hbm4b:s5+s3], $0x80, $0x38;
	[tilespmem:$0x2870] =	vst v63  }
0x12e: {  	s6 =	sadd.s32 $0xA0, s17;
	s9 =	simm.s32 $0x500  }
0x12f: {  	[tilespmem:s9], [sflag:$0x1] =	stream.linear.gather [hbm4b:s6+s3], $0x80, $0x38;
	[tilespmem:$0x2870] =	vst v63  }
0x130: {  	s7 =	sadd.s32 $0xA0, s18;
	s10 =	simm.s32 $0xD00  }
0x131: {  	[tilespmem:s10], [sflag:$0x1] =	stream.linear.gather [hbm4b:s7+s3], $0x80, $0x38;
	[tilespmem:$0x2870] =	vst v63  }
0x132: {  	s8 =	sadd.s32 $0xB0, s17;
	s12 =	simm.s32 $0x580  }
0x133: {  	[tilespmem:s12], [sflag:$0x1] =	stream.linear.gather [hbm4b:s8+s3], $0x80, $0x38;
	[tilespmem:$0x2870] =	vst v63  }
0x134: {  	s28 =	sadd.s32 $0xB0, s18;
	s8 =	simm.s32 $0xD80  }
0x135: {  	[tilespmem:s8], [sflag:$0x1] =	stream.linear.gather [hbm4b:s28+s3], $0x80, $0x38;
	[tilespmem:$0x2870] =	vst v63  }
0x136: {  	s0 =	sadd.s32 $0xC0, s17;
	s7 =	simm.s32 $0x600  }
0x137: {  	[tilespmem:s7], [sflag:$0x1] =	stream.linear.gather [hbm4b:s0+s3], $0x80, $0x38;
	[tilespmem:$0x2870] =	vst v63  }
0x138: {  	s1 =	sadd.s32 $0xC0, s18;
	s6 =	simm.s32 $0xE00  }
0x139: {  	[tilespmem:s6], [sflag:$0x1] =	stream.linear.gather [hbm4b:s1+s3], $0x80, $0x38;
	[tilespmem:$0x2870] =	vst v63  }
0x13a: {  	s4 =	sadd.s32 $0xD0, s17;
	s5 =	simm.s32 $0x680  }
0x13b: {  	[tilespmem:s5], [sflag:$0x1] =	stream.linear.gather [hbm4b:s4+s3], $0x80, $0x38;
	[tilespmem:$0x2870] =	vst v63  }
0x13c: {  	s28 =	sadd.s32 $0xD0, s18;
	s4 =	simm.s32 $0xE80  }
0x13d: {  	[tilespmem:s4], [sflag:$0x1] =	stream.linear.gather [hbm4b:s28+s3], $0x80, $0x38;
	[tilespmem:$0x2870] =	vst v63  }
0x13e: {  	s0 =	sadd.s32 $0xE0, s17;
	s1 =	simm.s32 $0x700  }
0x13f: {  	[tilespmem:s1], [sflag:$0x1] =	stream.linear.gather [hbm4b:s0+s3], $0x80, $0x38;
	[tilespmem:$0x2870] =	vst v63  }
0x140: {  	s19 =	smov.u32 s16;
	s28 =	sadd.s32 $0xE0, s18;
	s0 =	simm.s32 $0xF00  }
0x141: {  	[tilespmem:s0], [sflag:$0x1] =	stream.linear.gather [hbm4b:s28+s3], $0x80, $0x38;
	[tilespmem:$0x2870] =	vst v63  }
0x142: {  	s15 =	smov.u32 s19;
	s19 =	simm.s32 $0x780;
	s17 =	sadd.s32 $0xF0, s17  }
0x143: {  	[tilespmem:s19], [sflag:$0x1] =	stream.linear.gather [hbm4b:s17+s3], $0x80, $0x38;
	[tilespmem:$0x2870] =	vst v63  }
0x144: {  	s28 =	sadd.s32 $0xF0, s18;
	s18 =	simm.s32 $0xF80  }
0x145: {  	[tilespmem:s18], [sflag:$0x1] =	stream.linear.gather [hbm4b:s28+s3], $0x80, $0x38;
	[tilespmem:$0x2870] =	vst v63  }
0x146: {  	_ =	swait.ge [sflag:s13], $0x80  }
0x147: {  	[sflag:s13] =	ssyncset.done $0x0  }
0x148: {  	[sflag:s13] =	ssyncadd.s32 $0xFFFFFF80  }
0x149: {  	_ =	swait.ge [sflag:s13], $0x80  }
0x14a: {  	[sflag:s13] =	ssyncset.done $0x0  }
0x14b: {  	[sflag:s13] =	ssyncadd.s32 $0xFFFFFF80  }
0x14c: {  	_ =	swait.ge [sflag:s13], $0x80  }
0x14d: {  	[sflag:s13] =	ssyncset.done $0x0  }
0x14e: {  	[sflag:s13] =	ssyncadd.s32 $0xFFFFFF80  }
0x14f: {  	_ =	swait.ge [sflag:s13], $0x80  }
0x150: {  	[sflag:s13] =	ssyncset.done $0x0  }
0x151: {  	[sflag:s13] =	ssyncadd.s32 $0xFFFFFF80  }
0x152: {  	_ =	swait.ge [sflag:s13], $0x80  }
0x153: {  	[sflag:s13] =	ssyncset.done $0x0  }
0x154: {  	[sflag:s13] =	ssyncadd.s32 $0xFFFFFF80  }
0x155: {  	_ =	swait.ge [sflag:s13], $0x80  }
0x156: {  	[sflag:s13] =	ssyncset.done $0x0  }
0x157: {  	[sflag:s13] =	ssyncadd.s32 $0xFFFFFF80  }
0x158: {  	_ =	swait.ge [sflag:s13], $0x80  }
0x159: {  	[sflag:s13] =	ssyncset.done $0x0  }
0x15a: {  	[sflag:s13] =	ssyncadd.s32 $0xFFFFFF80  }
0x15b: {  	_ =	swait.ge [sflag:s13], $0x80  }
0x15c: {  	[sflag:s13] =	ssyncset.done $0x0  }
0x15d: {  	[sflag:s13] =	ssyncadd.s32 $0xFFFFFF80  }
0x15e: {  	_ =	swait.ge [sflag:s13], $0x80  }
0x15f: {  	[sflag:s13] =	ssyncset.done $0x0  }
0x160: {  	[sflag:s13] =	ssyncadd.s32 $0xFFFFFF80  }
0x161: {  	_ =	swait.ge [sflag:s13], $0x80  }
0x162: {  	[sflag:s13] =	ssyncset.done $0x0  }
0x163: {  	[sflag:s13] =	ssyncadd.s32 $0xFFFFFF80  }
0x164: {  	_ =	swait.ge [sflag:s13], $0x80  }
0x165: {  	[sflag:s13] =	ssyncset.done $0x0  }
0x166: {  	[sflag:s13] =	ssyncadd.s32 $0xFFFFFF80  }
0x167: {  	_ =	swait.ge [sflag:s13], $0x80  }
0x168: {  	[sflag:s13] =	ssyncset.done $0x0  }
0x169: {  	[sflag:s13] =	ssyncadd.s32 $0xFFFFFF80  }
0x16a: {  	_ =	swait.ge [sflag:s13], $0x80  }
0x16b: {  	[sflag:s13] =	ssyncset.done $0x0  }
0x16c: {  	[sflag:s13] =	ssyncadd.s32 $0xFFFFFF80  }
0x16d: {  	_ =	swait.ge [sflag:s13], $0x80  }
0x16e: {  	[sflag:s13] =	ssyncset.done $0x0  }
0x16f: {  	[sflag:s13] =	ssyncadd.s32 $0xFFFFFF80  }
0x170: {  	_ =	swait.ge [sflag:s13], $0x80  }
0x171: {  	[sflag:s13] =	ssyncset.done $0x0  }
0x172: {  	[sflag:s13] =	ssyncadd.s32 $0xFFFFFF80  }
0x173: {  	_ =	swait.ge [sflag:s13], $0x80  }
0x174: {  	[sflag:s13] =	ssyncset.done $0x0  }
0x175: {  	[sflag:s13] =	ssyncadd.s32 $0xFFFFFF80  }
0x176: {  	_ =	swait.ge [sflag:s13], $0x80  }
0x177: {  	[sflag:s13] =	ssyncset.done $0x0  }
0x178: {  	[sflag:s13] =	ssyncadd.s32 $0xFFFFFF80  }
0x179: {  	_ =	swait.ge [sflag:s13], $0x80  }
0x17a: {  	[sflag:s13] =	ssyncset.done $0x0  }
0x17b: {  	[sflag:s13] =	ssyncadd.s32 $0xFFFFFF80  }
0x17c: {  	_ =	swait.ge [sflag:s13], $0x80  }
0x17d: {  	[sflag:s13] =	ssyncset.done $0x0  }
0x17e: {  	[sflag:s13] =	ssyncadd.s32 $0xFFFFFF80  }
0x17f: {  	_ =	swait.ge [sflag:s13], $0x80  }
0x180: {  	[sflag:s13] =	ssyncset.done $0x0  }
0x181: {  	[sflag:s13] =	ssyncadd.s32 $0xFFFFFF80  }
0x182: {  	_ =	swait.ge [sflag:s13], $0x80  }
0x183: {  	[sflag:s13] =	ssyncset.done $0x0  }
0x184: {  	[sflag:s13] =	ssyncadd.s32 $0xFFFFFF80  }
0x185: {  	_ =	swait.ge [sflag:s13], $0x80  }
0x186: {  	[sflag:s13] =	ssyncset.done $0x0  }
0x187: {  	[sflag:s13] =	ssyncadd.s32 $0xFFFFFF80  }
0x188: {  	_ =	swait.ge [sflag:s13], $0x80  }
0x189: {  	[sflag:s13] =	ssyncset.done $0x0  }
0x18a: {  	[sflag:s13] =	ssyncadd.s32 $0xFFFFFF80  }
0x18b: {  	_ =	swait.ge [sflag:s13], $0x80  }
0x18c: {  	[sflag:s13] =	ssyncset.done $0x0  }
0x18d: {  	[sflag:s13] =	ssyncadd.s32 $0xFFFFFF80  }
0x18e: {  	_ =	swait.ge [sflag:s13], $0x80  }
0x18f: {  	[sflag:s13] =	ssyncset.done $0x0  }
0x190: {  	[sflag:s13] =	ssyncadd.s32 $0xFFFFFF80  }
0x191: {  	_ =	swait.ge [sflag:s13], $0x80  }
0x192: {  	[sflag:s13] =	ssyncset.done $0x0  }
0x193: {  	[sflag:s13] =	ssyncadd.s32 $0xFFFFFF80  }
0x194: {  	_ =	swait.ge [sflag:s13], $0x80  }
0x195: {  	[sflag:s13] =	ssyncset.done $0x0  }
0x196: {  	[sflag:s13] =	ssyncadd.s32 $0xFFFFFF80  }
0x197: {  	_ =	swait.ge [sflag:s13], $0x80  }
0x198: {  	[sflag:s13] =	ssyncset.done $0x0  }
0x199: {  	[sflag:s13] =	ssyncadd.s32 $0xFFFFFF80  }
0x19a: {  	_ =	swait.ge [sflag:s13], $0x80  }
0x19b: {  	[sflag:s13] =	ssyncset.done $0x0  }
0x19c: {  	[sflag:s13] =	ssyncadd.s32 $0xFFFFFF80  }
0x19d: {  	_ =	swait.ge [sflag:s13], $0x80  }
0x19e: {  	[sflag:s13] =	ssyncset.done $0x0  }
0x19f: {  	[sflag:s13] =	ssyncadd.s32 $0xFFFFFF80  }
0x1a0: {  	_ =	swait.ge [sflag:s13], $0x80  }
0x1a1: {  	[sflag:s13] =	ssyncset.done $0x0  }
0x1a2: {  	[sflag:s13] =	ssyncadd.s32 $0xFFFFFF80  }
0x1a3: {  	_ =	swait.ge [sflag:s13], $0x80  }
0x1a4: {  	[sflag:s13] =	ssyncset.done $0x0  }
0x1a5: {  	s28 =	simm.s32 $0x800;
	[sflag:s13] =	ssyncadd.s32 $0xFFFFFF80  }
0x1a6: {  	[spmem:s2] =	stream.indirect.scatter.add.f32 [tilespmem:s28], [sflag:$0x2], $0x1, s3, s11, $0xb8;
	[tilespmem:$0x2870] =	vst v63  }
0x1a7: {  	s28 =	simm.s32 $0x880  }
0x1a8: {  	[spmem:s2] =	stream.indirect.scatter.add.f32 [tilespmem:s28], [sflag:$0x2], $0x1, s11, s11, $0xb8;
	[tilespmem:$0x2870] =	vst v63  }
0x1a9: {  	s17 =	simm.s32 $0x100;
	s28 =	simm.s32 $0x900  }
0x1aa: {  	[spmem:s2] =	stream.indirect.scatter.add.f32 [tilespmem:s28], [sflag:$0x2], $0x1, s17, s11, $0xb8;
	[tilespmem:$0x2870] =	vst v63  }
0x1ab: {  	s17 =	simm.s32 $0x180;
	s28 =	simm.s32 $0x980  }
0x1ac: {  	[spmem:s2] =	stream.indirect.scatter.add.f32 [tilespmem:s28], [sflag:$0x2], $0x1, s17, s11, $0xb8;
	[tilespmem:$0x2870] =	vst v63  }
0x1ad: {  	s17 =	simm.s32 $0x200;
	s28 =	simm.s32 $0xA00  }
0x1ae: {  	[spmem:s2] =	stream.indirect.scatter.add.f32 [tilespmem:s28], [sflag:$0x2], $0x1, s17, s11, $0xb8;
	[tilespmem:$0x2870] =	vst v63  }
0x1af: {  	_ = 	snop  }
0x1b0: {  	[spmem:s2] =	stream.indirect.scatter.add.f32 [tilespmem:s30], [sflag:$0x2], $0x1, s29, s11, $0xb8;
	[tilespmem:$0x2870] =	vst v63  }
0x1b1: {  	_ = 	snop  }
0x1b2: {  	[spmem:s2] =	stream.indirect.scatter.add.f32 [tilespmem:s26], [sflag:$0x2], $0x1, s31, s11, $0xb8;
	[tilespmem:$0x2870] =	vst v63  }
0x1b3: {  	_ = 	snop  }
0x1b4: {  	[spmem:s2] =	stream.indirect.scatter.add.f32 [tilespmem:s24], [sflag:$0x2], $0x1, s25, s11, $0xb8;
	[tilespmem:$0x2870] =	vst v63  }
0x1b5: {  	_ = 	snop  }
0x1b6: {  	[spmem:s2] =	stream.indirect.scatter.add.f32 [tilespmem:s22], [sflag:$0x2], $0x1, s23, s11, $0xb8;
	[tilespmem:$0x2870] =	vst v63  }
0x1b7: {  	_ = 	snop  }
0x1b8: {  	[spmem:s2] =	stream.indirect.scatter.add.f32 [tilespmem:s20], [sflag:$0x2], $0x1, s21, s11, $0xb8;
	[tilespmem:$0x2870] =	vst v63  }
0x1b9: {  	_ = 	snop  }
0x1ba: {  	[spmem:s2] =	stream.indirect.scatter.add.f32 [tilespmem:s10], [sflag:$0x2], $0x1, s9, s11, $0xb8;
	[tilespmem:$0x2870] =	vst v63  }
0x1bb: {  	_ = 	snop  }
0x1bc: {  	[spmem:s2] =	stream.indirect.scatter.add.f32 [tilespmem:s8], [sflag:$0x2], $0x1, s12, s11, $0xb8;
	[tilespmem:$0x2870] =	vst v63  }
0x1bd: {  	_ = 	snop  }
0x1be: {  	[spmem:s2] =	stream.indirect.scatter.add.f32 [tilespmem:s6], [sflag:$0x2], $0x1, s7, s11, $0xb8;
	[tilespmem:$0x2870] =	vst v63  }
0x1bf: {  	_ = 	snop  }
0x1c0: {  	[spmem:s2] =	stream.indirect.scatter.add.f32 [tilespmem:s4], [sflag:$0x2], $0x1, s5, s11, $0xb8;
	[tilespmem:$0x2870] =	vst v63  }
0x1c1: {  	_ = 	snop  }
0x1c2: {  	[spmem:s2] =	stream.indirect.scatter.add.f32 [tilespmem:s0], [sflag:$0x2], $0x1, s1, s11, $0xb8;
	[tilespmem:$0x2870] =	vst v63  }
0x1c3: {  	_ = 	snop  }
0x1c4: {  	[spmem:s2] =	stream.indirect.scatter.add.f32 [tilespmem:s18], [sflag:$0x2], $0x1, s19, s11, $0xb8;
	[tilespmem:$0x2870] =	vst v63  }
0x1c5: {  	_ =	swait.ge [sflag:s14], $0x80  }
0x1c6: {  	[sflag:s14] =	ssyncset.done $0x0  }
0x1c7: {  	[sflag:s14] =	ssyncadd.s32 $0xFFFFFF80  }
0x1c8: {  	_ =	swait.ge [sflag:s14], $0x80  }
0x1c9: {  	[sflag:s14] =	ssyncset.done $0x0  }
0x1ca: {  	[sflag:s14] =	ssyncadd.s32 $0xFFFFFF80  }
0x1cb: {  	_ =	swait.ge [sflag:s14], $0x80  }
0x1cc: {  	[sflag:s14] =	ssyncset.done $0x0  }
0x1cd: {  	[sflag:s14] =	ssyncadd.s32 $0xFFFFFF80  }
0x1ce: {  	_ =	swait.ge [sflag:s14], $0x80  }
0x1cf: {  	[sflag:s14] =	ssyncset.done $0x0  }
0x1d0: {  	[sflag:s14] =	ssyncadd.s32 $0xFFFFFF80  }
0x1d1: {  	_ =	swait.ge [sflag:s14], $0x80  }
0x1d2: {  	[sflag:s14] =	ssyncset.done $0x0  }
0x1d3: {  	[sflag:s14] =	ssyncadd.s32 $0xFFFFFF80  }
0x1d4: {  	_ =	swait.ge [sflag:s14], $0x80  }
0x1d5: {  	[sflag:s14] =	ssyncset.done $0x0  }
0x1d6: {  	[sflag:s14] =	ssyncadd.s32 $0xFFFFFF80  }
0x1d7: {  	_ =	swait.ge [sflag:s14], $0x80  }
0x1d8: {  	[sflag:s14] =	ssyncset.done $0x0  }
0x1d9: {  	[sflag:s14] =	ssyncadd.s32 $0xFFFFFF80  }
0x1da: {  	_ =	swait.ge [sflag:s14], $0x80  }
0x1db: {  	[sflag:s14] =	ssyncset.done $0x0  }
0x1dc: {  	[sflag:s14] =	ssyncadd.s32 $0xFFFFFF80  }
0x1dd: {  	_ =	swait.ge [sflag:s14], $0x80  }
0x1de: {  	[sflag:s14] =	ssyncset.done $0x0  }
0x1df: {  	[sflag:s14] =	ssyncadd.s32 $0xFFFFFF80  }
0x1e0: {  	_ =	swait.ge [sflag:s14], $0x80  }
0x1e1: {  	[sflag:s14] =	ssyncset.done $0x0  }
0x1e2: {  	[sflag:s14] =	ssyncadd.s32 $0xFFFFFF80  }
0x1e3: {  	_ =	swait.ge [sflag:s14], $0x80  }
0x1e4: {  	[sflag:s14] =	ssyncset.done $0x0  }
0x1e5: {  	[sflag:s14] =	ssyncadd.s32 $0xFFFFFF80  }
0x1e6: {  	_ =	swait.ge [sflag:s14], $0x80  }
0x1e7: {  	[sflag:s14] =	ssyncset.done $0x0  }
0x1e8: {  	[sflag:s14] =	ssyncadd.s32 $0xFFFFFF80  }
0x1e9: {  	_ =	swait.ge [sflag:s14], $0x80  }
0x1ea: {  	[sflag:s14] =	ssyncset.done $0x0  }
0x1eb: {  	[sflag:s14] =	ssyncadd.s32 $0xFFFFFF80  }
0x1ec: {  	_ =	swait.ge [sflag:s14], $0x80  }
0x1ed: {  	[sflag:s14] =	ssyncset.done $0x0  }
0x1ee: {  	p0 =	sne.s32 s16, $0x1800;
	[sflag:s14] =	ssyncadd.s32 $0xFFFFFF80  }
.Ltmp0:
0x1ef: {  	_ =	swait.ge [sflag:s14], $0x80;
	(pc) =	sbr.rel @p0 .LBB2_2-.Ltmp0, $4  }
0x1f0: {  	[sflag:s14] =	ssyncset.done $0x0  }
0x1f1: {  	[sflag:s14] =	ssyncadd.s32 $0xFFFFFF80  }
0x1f2: {  	_ =	swait.ge [sflag:s14], $0x80  }
0x1f3: {  	s16 =	sadd.s32 $0x100, s16;
	s17 =	rddreg [dreg:$0x5];
	[sflag:s14] =	ssyncset.done $0x0  }
0x1f4: {  	s16 =	rddreg [dreg:$0x4];
	[sflag:s14] =	ssyncadd.s32 $0xFFFFFF80;
	s17 =	sadd.s32 s15, s17  }
0x1f5: {  	[tilespmem:s3], [sflag:$0x1] =	stream.linear.gather [hbm4b:s17+s3], $0x80, $0x38;
	[tilespmem:$0x2870] =	vst v63  }
0x1f6: {  	s0 =	simm.s32 $0x800;
	s15 =	sadd.s32 s15, s16  }
0x1f7: {  	[tilespmem:s0], [sflag:$0x1] =	stream.linear.gather [hbm4b:s15+s3], $0x80, $0x38;
	[tilespmem:$0x2870] =	vst v63  }
0x1f8: {  	s12 =	sadd.s32 $0x10, s17  }
0x1f9: {  	[tilespmem:s11], [sflag:$0x1] =	stream.linear.gather [hbm4b:s12+s3], $0x80, $0x38;
	[tilespmem:$0x2870] =	vst v63  }
0x1fa: {  	s19 =	simm.s32 $0x880;
	s18 =	sadd.s32 $0x10, s15  }
0x1fb: {  	[tilespmem:s19], [sflag:$0x1] =	stream.linear.gather [hbm4b:s18+s3], $0x80, $0x38;
	[tilespmem:$0x2870] =	vst v63  }
0x1fc: {  	s21 =	simm.s32 $0x100;
	s20 =	sadd.s32 $0x20, s17  }
0x1fd: {  	[tilespmem:s21], [sflag:$0x1] =	stream.linear.gather [hbm4b:s20+s3], $0x80, $0x38;
	[tilespmem:$0x2870] =	vst v63  }
0x1fe: {  	s23 =	simm.s32 $0x900;
	s22 =	sadd.s32 $0x20, s15  }
0x1ff: {  	[tilespmem:s23], [sflag:$0x1] =	stream.linear.gather [hbm4b:s22+s3], $0x80, $0x38;
	[tilespmem:$0x2870] =	vst v63  }
0x200: {  	s25 =	simm.s32 $0x180;
	s24 =	sadd.s32 $0x30, s17  }
0x201: {  	[tilespmem:s25], [sflag:$0x1] =	stream.linear.gather [hbm4b:s24+s3], $0x80, $0x38;
	[tilespmem:$0x2870] =	vst v63  }
0x202: {  	s28 =	simm.s32 $0x980;
	s26 =	sadd.s32 $0x30, s15  }
0x203: {  	[tilespmem:s28], [sflag:$0x1] =	stream.linear.gather [hbm4b:s26+s3], $0x80, $0x38;
	[tilespmem:$0x2870] =	vst v63  }
0x204: {  	s29 =	sadd.s32 $0x40, s17;
	s24 =	simm.s32 $0x200  }
0x205: {  	[tilespmem:s24], [sflag:$0x1] =	stream.linear.gather [hbm4b:s29+s3], $0x80, $0x38;
	[tilespmem:$0x2870] =	vst v63  }
0x206: {  	s30 =	sadd.s32 $0x40, s15;
	s25 =	simm.s32 $0xA00  }
0x207: {  	[tilespmem:s25], [sflag:$0x1] =	stream.linear.gather [hbm4b:s30+s3], $0x80, $0x38;
	[tilespmem:$0x2870] =	vst v63  }
0x208: {  	s31 =	sadd.s32 $0x50, s17;
	s26 =	simm.s32 $0x280  }
0x209: {  	[tilespmem:s26], [sflag:$0x1] =	stream.linear.gather [hbm4b:s31+s3], $0x80, $0x38;
	[tilespmem:$0x2870] =	vst v63  }
0x20a: {  	s0 =	sadd.s32 $0x50, s15;
	s28 =	simm.s32 $0xA80  }
0x20b: {  	[tilespmem:s28], [sflag:$0x1] =	stream.linear.gather [hbm4b:s0+s3], $0x80, $0x38;
	[tilespmem:$0x2870] =	vst v63  }
0x20c: {  	s1 =	sadd.s32 $0x60, s17;
	s29 =	simm.s32 $0x300  }
0x20d: {  	[tilespmem:s29], [sflag:$0x1] =	stream.linear.gather [hbm4b:s1+s3], $0x80, $0x38;
	[tilespmem:$0x2870] =	vst v63  }
0x20e: {  	s4 =	sadd.s32 $0x60, s15;
	s22 =	simm.s32 $0xB00  }
0x20f: {  	[tilespmem:s22], [sflag:$0x1] =	stream.linear.gather [hbm4b:s4+s3], $0x80, $0x38;
	[tilespmem:$0x2870] =	vst v63  }
0x210: {  	s5 =	sadd.s32 $0x70, s17;
	s21 =	simm.s32 $0x380  }
0x211: {  	[tilespmem:s21], [sflag:$0x1] =	stream.linear.gather [hbm4b:s5+s3], $0x80, $0x38;
	[tilespmem:$0x2870] =	vst v63  }
0x212: {  	s6 =	sadd.s32 $0x70, s15;
	s20 =	simm.s32 $0xB80  }
0x213: {  	[tilespmem:s20], [sflag:$0x1] =	stream.linear.gather [hbm4b:s6+s3], $0x80, $0x38;
	[tilespmem:$0x2870] =	vst v63  }
0x214: {  	s7 =	sadd.s32 $0x80, s17;
	s19 =	simm.s32 $0x400  }
0x215: {  	[tilespmem:s19], [sflag:$0x1] =	stream.linear.gather [hbm4b:s7+s3], $0x80, $0x38;
	[tilespmem:$0x2870] =	vst v63  }
0x216: {  	s8 =	sadd.s32 $0x80, s15;
	s18 =	simm.s32 $0xC00  }
0x217: {  	[tilespmem:s18], [sflag:$0x1] =	stream.linear.gather [hbm4b:s8+s3], $0x80, $0x38;
	[tilespmem:$0x2870] =	vst v63  }
0x218: {  	s9 =	sadd.s32 $0x90, s17;
	s7 =	simm.s32 $0x480  }
0x219: {  	[tilespmem:s7], [sflag:$0x1] =	stream.linear.gather [hbm4b:s9+s3], $0x80, $0x38;
	[tilespmem:$0x2870] =	vst v63  }
0x21a: {  	s10 =	sadd.s32 $0x90, s15;
	s8 =	simm.s32 $0xC80  }
0x21b: {  	[tilespmem:s8], [sflag:$0x1] =	stream.linear.gather [hbm4b:s10+s3], $0x80, $0x38;
	[tilespmem:$0x2870] =	vst v63  }
0x21c: {  	s12 =	sadd.s32 $0xA0, s17;
	s9 =	simm.s32 $0x500  }
0x21d: {  	[tilespmem:s9], [sflag:$0x1] =	stream.linear.gather [hbm4b:s12+s3], $0x80, $0x38;
	[tilespmem:$0x2870] =	vst v63  }
0x21e: {  	s23 =	sadd.s32 $0xA0, s15;
	s10 =	simm.s32 $0xD00  }
0x21f: {  	[tilespmem:s10], [sflag:$0x1] =	stream.linear.gather [hbm4b:s23+s3], $0x80, $0x38;
	[tilespmem:$0x2870] =	vst v63  }
0x220: {  	s30 =	sadd.s32 $0xB0, s17;
	s12 =	simm.s32 $0x580  }
0x221: {  	[tilespmem:s12], [sflag:$0x1] =	stream.linear.gather [hbm4b:s30+s3], $0x80, $0x38;
	[tilespmem:$0x2870] =	vst v63  }
0x222: {  	s31 =	sadd.s32 $0xB0, s15;
	s30 =	simm.s32 $0xD80  }
0x223: {  	[tilespmem:s30], [sflag:$0x1] =	stream.linear.gather [hbm4b:s31+s3], $0x80, $0x38;
	[tilespmem:$0x2870] =	vst v63  }
0x224: {  	s0 =	sadd.s32 $0xC0, s17;
	s31 =	simm.s32 $0x600  }
0x225: {  	[tilespmem:s31], [sflag:$0x1] =	stream.linear.gather [hbm4b:s0+s3], $0x80, $0x38;
	[tilespmem:$0x2870] =	vst v63  }
0x226: {  	s1 =	sadd.s32 $0xC0, s15;
	s6 =	simm.s32 $0xE00  }
0x227: {  	[tilespmem:s6], [sflag:$0x1] =	stream.linear.gather [hbm4b:s1+s3], $0x80, $0x38;
	[tilespmem:$0x2870] =	vst v63  }
0x228: {  	s4 =	sadd.s32 $0xD0, s17;
	s5 =	simm.s32 $0x680  }
0x229: {  	[tilespmem:s5], [sflag:$0x1] =	stream.linear.gather [hbm4b:s4+s3], $0x80, $0x38;
	[tilespmem:$0x2870] =	vst v63  }
0x22a: {  	s23 =	sadd.s32 $0xD0, s15;
	s4 =	simm.s32 $0xE80  }
0x22b: {  	[tilespmem:s4], [sflag:$0x1] =	stream.linear.gather [hbm4b:s23+s3], $0x80, $0x38;
	[tilespmem:$0x2870] =	vst v63  }
0x22c: {  	s0 =	sadd.s32 $0xE0, s17;
	s1 =	simm.s32 $0x700  }
0x22d: {  	[tilespmem:s1], [sflag:$0x1] =	stream.linear.gather [hbm4b:s0+s3], $0x80, $0x38;
	[tilespmem:$0x2870] =	vst v63  }
0x22e: {  	s23 =	sadd.s32 $0xE0, s15;
	s0 =	simm.s32 $0xF00  }
0x22f: {  	[tilespmem:s0], [sflag:$0x1] =	stream.linear.gather [hbm4b:s23+s3], $0x80, $0x38;
	[tilespmem:$0x2870] =	vst v63  }
0x230: {  	s23 =	sadd.s32 $0xF0, s17;
	s17 =	simm.s32 $0x780  }
0x231: {  	[tilespmem:s17], [sflag:$0x1] =	stream.linear.gather [hbm4b:s23+s3], $0x80, $0x38;
	[tilespmem:$0x2870] =	vst v63  }
0x232: {  	s16 =	simm.s32 $0xF80;
	s15 =	sadd.s32 $0xF0, s15  }
0x233: {  	[tilespmem:s16], [sflag:$0x1] =	stream.linear.gather [hbm4b:s15+s3], $0x80, $0x38;
	[tilespmem:$0x2870] =	vst v63  }
0x234: {  	_ =	swait.ge [sflag:s13], $0x80  }
0x235: {  	[sflag:s13] =	ssyncset.done $0x0  }
0x236: {  	[sflag:s13] =	ssyncadd.s32 $0xFFFFFF80  }
0x237: {  	_ =	swait.ge [sflag:s13], $0x80  }
0x238: {  	[sflag:s13] =	ssyncset.done $0x0  }
0x239: {  	[sflag:s13] =	ssyncadd.s32 $0xFFFFFF80  }
0x23a: {  	_ =	swait.ge [sflag:s13], $0x80  }
0x23b: {  	[sflag:s13] =	ssyncset.done $0x0  }
0x23c: {  	[sflag:s13] =	ssyncadd.s32 $0xFFFFFF80  }
0x23d: {  	_ =	swait.ge [sflag:s13], $0x80  }
0x23e: {  	[sflag:s13] =	ssyncset.done $0x0  }
0x23f: {  	[sflag:s13] =	ssyncadd.s32 $0xFFFFFF80  }
0x240: {  	_ =	swait.ge [sflag:s13], $0x80  }
0x241: {  	[sflag:s13] =	ssyncset.done $0x0  }
0x242: {  	[sflag:s13] =	ssyncadd.s32 $0xFFFFFF80  }
0x243: {  	_ =	swait.ge [sflag:s13], $0x80  }
0x244: {  	[sflag:s13] =	ssyncset.done $0x0  }
0x245: {  	[sflag:s13] =	ssyncadd.s32 $0xFFFFFF80  }
0x246: {  	_ =	swait.ge [sflag:s13], $0x80  }
0x247: {  	[sflag:s13] =	ssyncset.done $0x0  }
0x248: {  	[sflag:s13] =	ssyncadd.s32 $0xFFFFFF80  }
0x249: {  	_ =	swait.ge [sflag:s13], $0x80  }
0x24a: {  	[sflag:s13] =	ssyncset.done $0x0  }
0x24b: {  	[sflag:s13] =	ssyncadd.s32 $0xFFFFFF80  }
0x24c: {  	_ =	swait.ge [sflag:s13], $0x80  }
0x24d: {  	[sflag:s13] =	ssyncset.done $0x0  }
0x24e: {  	[sflag:s13] =	ssyncadd.s32 $0xFFFFFF80  }
0x24f: {  	_ =	swait.ge [sflag:s13], $0x80  }
0x250: {  	[sflag:s13] =	ssyncset.done $0x0  }
0x251: {  	[sflag:s13] =	ssyncadd.s32 $0xFFFFFF80  }
0x252: {  	_ =	swait.ge [sflag:s13], $0x80  }
0x253: {  	[sflag:s13] =	ssyncset.done $0x0  }
0x254: {  	[sflag:s13] =	ssyncadd.s32 $0xFFFFFF80  }
0x255: {  	_ =	swait.ge [sflag:s13], $0x80  }
0x256: {  	[sflag:s13] =	ssyncset.done $0x0  }
0x257: {  	[sflag:s13] =	ssyncadd.s32 $0xFFFFFF80  }
0x258: {  	_ =	swait.ge [sflag:s13], $0x80  }
0x259: {  	[sflag:s13] =	ssyncset.done $0x0  }
0x25a: {  	[sflag:s13] =	ssyncadd.s32 $0xFFFFFF80  }
0x25b: {  	_ =	swait.ge [sflag:s13], $0x80  }
0x25c: {  	[sflag:s13] =	ssyncset.done $0x0  }
0x25d: {  	[sflag:s13] =	ssyncadd.s32 $0xFFFFFF80  }
0x25e: {  	_ =	swait.ge [sflag:s13], $0x80  }
0x25f: {  	[sflag:s13] =	ssyncset.done $0x0  }
0x260: {  	[sflag:s13] =	ssyncadd.s32 $0xFFFFFF80  }
0x261: {  	_ =	swait.ge [sflag:s13], $0x80  }
0x262: {  	[sflag:s13] =	ssyncset.done $0x0  }
0x263: {  	[sflag:s13] =	ssyncadd.s32 $0xFFFFFF80  }
0x264: {  	_ =	swait.ge [sflag:s13], $0x80  }
0x265: {  	[sflag:s13] =	ssyncset.done $0x0  }
0x266: {  	[sflag:s13] =	ssyncadd.s32 $0xFFFFFF80  }
0x267: {  	_ =	swait.ge [sflag:s13], $0x80  }
0x268: {  	[sflag:s13] =	ssyncset.done $0x0  }
0x269: {  	[sflag:s13] =	ssyncadd.s32 $0xFFFFFF80  }
0x26a: {  	_ =	swait.ge [sflag:s13], $0x80  }
0x26b: {  	[sflag:s13] =	ssyncset.done $0x0  }
0x26c: {  	[sflag:s13] =	ssyncadd.s32 $0xFFFFFF80  }
0x26d: {  	_ =	swait.ge [sflag:s13], $0x80  }
0x26e: {  	[sflag:s13] =	ssyncset.done $0x0  }
0x26f: {  	[sflag:s13] =	ssyncadd.s32 $0xFFFFFF80  }
0x270: {  	_ =	swait.ge [sflag:s13], $0x80  }
0x271: {  	[sflag:s13] =	ssyncset.done $0x0  }
0x272: {  	[sflag:s13] =	ssyncadd.s32 $0xFFFFFF80  }
0x273: {  	_ =	swait.ge [sflag:s13], $0x80  }
0x274: {  	[sflag:s13] =	ssyncset.done $0x0  }
0x275: {  	[sflag:s13] =	ssyncadd.s32 $0xFFFFFF80  }
0x276: {  	_ =	swait.ge [sflag:s13], $0x80  }
0x277: {  	[sflag:s13] =	ssyncset.done $0x0  }
0x278: {  	[sflag:s13] =	ssyncadd.s32 $0xFFFFFF80  }
0x279: {  	_ =	swait.ge [sflag:s13], $0x80  }
0x27a: {  	[sflag:s13] =	ssyncset.done $0x0  }
0x27b: {  	[sflag:s13] =	ssyncadd.s32 $0xFFFFFF80  }
0x27c: {  	_ =	swait.ge [sflag:s13], $0x80  }
0x27d: {  	[sflag:s13] =	ssyncset.done $0x0  }
0x27e: {  	[sflag:s13] =	ssyncadd.s32 $0xFFFFFF80  }
0x27f: {  	_ =	swait.ge [sflag:s13], $0x80  }
0x280: {  	[sflag:s13] =	ssyncset.done $0x0  }
0x281: {  	[sflag:s13] =	ssyncadd.s32 $0xFFFFFF80  }
0x282: {  	_ =	swait.ge [sflag:s13], $0x80  }
0x283: {  	[sflag:s13] =	ssyncset.done $0x0  }
0x284: {  	[sflag:s13] =	ssyncadd.s32 $0xFFFFFF80  }
0x285: {  	_ =	swait.ge [sflag:s13], $0x80  }
0x286: {  	[sflag:s13] =	ssyncset.done $0x0  }
0x287: {  	[sflag:s13] =	ssyncadd.s32 $0xFFFFFF80  }
0x288: {  	_ =	swait.ge [sflag:s13], $0x80  }
0x289: {  	[sflag:s13] =	ssyncset.done $0x0  }
0x28a: {  	[sflag:s13] =	ssyncadd.s32 $0xFFFFFF80  }
0x28b: {  	_ =	swait.ge [sflag:s13], $0x80  }
0x28c: {  	[sflag:s13] =	ssyncset.done $0x0  }
0x28d: {  	[sflag:s13] =	ssyncadd.s32 $0xFFFFFF80  }
0x28e: {  	_ =	swait.ge [sflag:s13], $0x80  }
0x28f: {  	[sflag:s13] =	ssyncset.done $0x0  }
0x290: {  	[sflag:s13] =	ssyncadd.s32 $0xFFFFFF80  }
0x291: {  	_ =	swait.ge [sflag:s13], $0x80  }
0x292: {  	[sflag:s13] =	ssyncset.done $0x0  }
0x293: {  	s23 =	simm.s32 $0x800;
	[sflag:s13] =	ssyncadd.s32 $0xFFFFFF80  }
0x294: {  	[spmem:s2] =	stream.indirect.scatter.add.f32 [tilespmem:s23], [sflag:$0x2], $0x1, s3, s11, $0xb8;
	[tilespmem:$0x2870] =	vst v63  }
0x295: {  	s23 =	simm.s32 $0x880  }
0x296: {  	[spmem:s2] =	stream.indirect.scatter.add.f32 [tilespmem:s23], [sflag:$0x2], $0x1, s11, s11, $0xb8;
	[tilespmem:$0x2870] =	vst v63  }
0x297: {  	s15 =	simm.s32 $0x100;
	s23 =	simm.s32 $0x900  }
0x298: {  	[spmem:s2] =	stream.indirect.scatter.add.f32 [tilespmem:s23], [sflag:$0x2], $0x1, s15, s11, $0xb8;
	[tilespmem:$0x2870] =	vst v63  }
0x299: {  	s15 =	simm.s32 $0x180;
	s23 =	simm.s32 $0x980  }
0x29a: {  	[spmem:s2] =	stream.indirect.scatter.add.f32 [tilespmem:s23], [sflag:$0x2], $0x1, s15, s11, $0xb8;
	[tilespmem:$0x2870] =	vst v63  }
0x29b: {  	_ = 	snop  }
0x29c: {  	[spmem:s2] =	stream.indirect.scatter.add.f32 [tilespmem:s25], [sflag:$0x2], $0x1, s24, s11, $0xb8;
	[tilespmem:$0x2870] =	vst v63  }
0x29d: {  	_ = 	snop  }
0x29e: {  	[spmem:s2] =	stream.indirect.scatter.add.f32 [tilespmem:s28], [sflag:$0x2], $0x1, s26, s11, $0xb8;
	[tilespmem:$0x2870] =	vst v63  }
0x29f: {  	_ = 	snop  }
0x2a0: {  	[spmem:s2] =	stream.indirect.scatter.add.f32 [tilespmem:s22], [sflag:$0x2], $0x1, s29, s11, $0xb8;
	[tilespmem:$0x2870] =	vst v63  }
0x2a1: {  	_ = 	snop  }
0x2a2: {  	[spmem:s2] =	stream.indirect.scatter.add.f32 [tilespmem:s20], [sflag:$0x2], $0x1, s21, s11, $0xb8;
	[tilespmem:$0x2870] =	vst v63  }
0x2a3: {  	_ = 	snop  }
0x2a4: {  	[spmem:s2] =	stream.indirect.scatter.add.f32 [tilespmem:s18], [sflag:$0x2], $0x1, s19, s11, $0xb8;
	[tilespmem:$0x2870] =	vst v63  }
0x2a5: {  	_ = 	snop  }
0x2a6: {  	[spmem:s2] =	stream.indirect.scatter.add.f32 [tilespmem:s8], [sflag:$0x2], $0x1, s7, s11, $0xb8;
	[tilespmem:$0x2870] =	vst v63  }
0x2a7: {  	_ = 	snop  }
0x2a8: {  	[spmem:s2] =	stream.indirect.scatter.add.f32 [tilespmem:s10], [sflag:$0x2], $0x1, s9, s11, $0xb8;
	[tilespmem:$0x2870] =	vst v63  }
0x2a9: {  	_ = 	snop  }
0x2aa: {  	[spmem:s2] =	stream.indirect.scatter.add.f32 [tilespmem:s30], [sflag:$0x2], $0x1, s12, s11, $0xb8;
	[tilespmem:$0x2870] =	vst v63  }
0x2ab: {  	_ = 	snop  }
0x2ac: {  	[spmem:s2] =	stream.indirect.scatter.add.f32 [tilespmem:s6], [sflag:$0x2], $0x1, s31, s11, $0xb8;
	[tilespmem:$0x2870] =	vst v63  }
0x2ad: {  	_ = 	snop  }
0x2ae: {  	[spmem:s2] =	stream.indirect.scatter.add.f32 [tilespmem:s4], [sflag:$0x2], $0x1, s5, s11, $0xb8;
	[tilespmem:$0x2870] =	vst v63  }
0x2af: {  	_ = 	snop  }
0x2b0: {  	[spmem:s2] =	stream.indirect.scatter.add.f32 [tilespmem:s0], [sflag:$0x2], $0x1, s1, s11, $0xb8;
	[tilespmem:$0x2870] =	vst v63  }
0x2b1: {  	_ = 	snop  }
0x2b2: {  	[spmem:s2] =	stream.indirect.scatter.add.f32 [tilespmem:s16], [sflag:$0x2], $0x1, s17, s11, $0xb8;
	[tilespmem:$0x2870] =	vst v63  }
0x2b3: {  	_ =	swait.ge [sflag:s14], $0x80  }
0x2b4: {  	[sflag:s14] =	ssyncset.done $0x0  }
0x2b5: {  	[sflag:s14] =	ssyncadd.s32 $0xFFFFFF80  }
0x2b6: {  	_ =	swait.ge [sflag:s14], $0x80  }
0x2b7: {  	[sflag:s14] =	ssyncset.done $0x0  }
0x2b8: {  	[sflag:s14] =	ssyncadd.s32 $0xFFFFFF80  }
0x2b9: {  	_ =	swait.ge [sflag:s14], $0x80  }
0x2ba: {  	[sflag:s14] =	ssyncset.done $0x0  }
0x2bb: {  	[sflag:s14] =	ssyncadd.s32 $0xFFFFFF80  }
0x2bc: {  	_ =	swait.ge [sflag:s14], $0x80  }
0x2bd: {  	[sflag:s14] =	ssyncset.done $0x0  }
0x2be: {  	[sflag:s14] =	ssyncadd.s32 $0xFFFFFF80  }
0x2bf: {  	_ =	swait.ge [sflag:s14], $0x80  }
0x2c0: {  	[sflag:s14] =	ssyncset.done $0x0  }
0x2c1: {  	[sflag:s14] =	ssyncadd.s32 $0xFFFFFF80  }
0x2c2: {  	_ =	swait.ge [sflag:s14], $0x80  }
0x2c3: {  	[sflag:s14] =	ssyncset.done $0x0  }
0x2c4: {  	[sflag:s14] =	ssyncadd.s32 $0xFFFFFF80  }
0x2c5: {  	_ =	swait.ge [sflag:s14], $0x80  }
0x2c6: {  	[sflag:s14] =	ssyncset.done $0x0  }
0x2c7: {  	[sflag:s14] =	ssyncadd.s32 $0xFFFFFF80  }
0x2c8: {  	_ =	swait.ge [sflag:s14], $0x80  }
0x2c9: {  	[sflag:s14] =	ssyncset.done $0x0  }
0x2ca: {  	[sflag:s14] =	ssyncadd.s32 $0xFFFFFF80  }
0x2cb: {  	_ =	swait.ge [sflag:s14], $0x80  }
0x2cc: {  	[sflag:s14] =	ssyncset.done $0x0  }
0x2cd: {  	[sflag:s14] =	ssyncadd.s32 $0xFFFFFF80  }
0x2ce: {  	_ =	swait.ge [sflag:s14], $0x80  }
0x2cf: {  	[sflag:s14] =	ssyncset.done $0x0  }
0x2d0: {  	[sflag:s14] =	ssyncadd.s32 $0xFFFFFF80  }
0x2d1: {  	_ =	swait.ge [sflag:s14], $0x80  }
0x2d2: {  	[sflag:s14] =	ssyncset.done $0x0  }
0x2d3: {  	[sflag:s14] =	ssyncadd.s32 $0xFFFFFF80  }
0x2d4: {  	_ =	swait.ge [sflag:s14], $0x80  }
0x2d5: {  	[sflag:s14] =	ssyncset.done $0x0  }
0x2d6: {  	[sflag:s14] =	ssyncadd.s32 $0xFFFFFF80  }
0x2d7: {  	_ =	swait.ge [sflag:s14], $0x80  }
0x2d8: {  	[sflag:s14] =	ssyncset.done $0x0  }
0x2d9: {  	[sflag:s14] =	ssyncadd.s32 $0xFFFFFF80  }
0x2da: {  	_ =	swait.ge [sflag:s14], $0x80  }
0x2db: {  	[sflag:s14] =	ssyncset.done $0x0  }
0x2dc: {  	[sflag:s14] =	ssyncadd.s32 $0xFFFFFF80  }
0x2dd: {  	_ =	swait.ge [sflag:s14], $0x80  }
0x2de: {  	[sflag:s14] =	ssyncset.done $0x0  }
0x2df: {  	[sflag:s14] =	ssyncadd.s32 $0xFFFFFF80  }
0x2e0: {  	_ =	swait.ge [sflag:s14], $0x80  }
0x2e1: {  	[sflag:s14] =	ssyncset.done $0x0  }
0x2e2: {  	[sflag:s14] =	ssyncadd.s32 $0xFFFFFF80  }
0x2e3: {  	[bflag:$0x0] =	sbarrier.arrive $0xFFFF  }
0x2e4: {  	s16 =	rddreg [dreg:$0x6]  }
0x2e5: {  	s29 =	rddreg [dreg:$0x8]  }
0x2e6: {  	s18 =	simm.s32 $0x3;
	s17 =	rddreg [dreg:$0x9]  }
0x2e7: {  	[hbm:s29], [sflag:s16] =	dma.local [spmem:s17], $0x30E  }
0x2e8: {  	_ =	swait.ge [sflag:s18], $0x30E  }
0x2e9: {  	s30 =	rddreg [dreg:$0xa]  }
0x2ea: {  	s31 =	rddreg [dreg:$0x7];
	s0 =	sadd.s32 $0x1, s30  }
0x2eb: {  	p0 =	sne.s32 s0, s31  }
.Ltmp1:
0x2ec: {  	_ = 	snop;
	(pc) =	sbr.rel @p0 .LBB2_1-.Ltmp1, $3  }
0x2ed: {  	_ =	sdelay $0x1  }
0x2ee: {  	[sflag:s18] =	ssyncset.done $0x0  }
0x2ef: {  	[sflag:s18] =	ssyncadd.s32 $0xFFFFFCF2  }
0x2f0: {  	_ =	sfence.sel $0x180000  }
0x2f1: {  	[bflag:$0x0] =	sbarrier.arrive $0xFFFF  }
0x2f2: {  	_ =	strace $0x90000047  }
0x2f3: {  	s0 =	stileid.u32;
	[bflag:$0x2] =	sbarrier.arrive $0xFFFF  }
0x2f4: {  	p0 =	sne.s32 s0, $0x0;
	s0 =	rddreg [dreg:$0x3]  }
0x2f5: {  	s0 =	sadd.s32 @!p0 $0x100000, s0  }
0x2f6: {  	[sflag:s0] =	ssyncadd.tile.s32 @!p0 $0x1;
	_ =	shalt  }
.Lfunc_end2:
_tile_overlayer_lowered:
.L_overlay_start_2:
0x2f7: {  	(tag) =	ssettag $0x2  }
0x2f8: {  	s0 =	rddreg [dreg:$0x0];
	s2 =	stileid.u32  }
0x2f9: {  	s1 =	rddreg [dreg:$0x1];
	p0 =	sne.s32 s2, $0x0  }
0x2fa: {  	s3 =	rddreg [dreg:$0x2];
	[bflag:$0x3] =	sbarrier.arrive $0xFFFF;
	s2 =	simm.s32 @!p0 $0x1C03  }
0x2fb: {  	[timem:s3], [sflag:s2] =	dma.local @!p0 [hbm:s0], s1  }
0x2fc: {  	s0 =	simm.s32 @!p0 $0x3  }
0x2fd: {  	_ =	swait.ge @!p0 [sflag:s0], s1  }
0x2fe: {  	s1 =	ssub.s32 @!p0 $0x0, s1;
	[sflag:s0] =	ssyncset.done @!p0 $0x0  }
0x2ff: {  	[sflag:s0] =	ssyncadd.s32 @!p0 s1  }
0x300: {  	[bflag:$0x3] =	sbarrier.arrive $0xFFFF  }
0x301: {  	_ =	shalt  }

// kernel: kernel.9.cloned.1.call-start
scs
__scs_entry_jumppad:
0x0: {  	(pc) =	sbr.rel $0x88, $3  }
0x1: {  	(tag) =	ssettag $0x0;
	lr =	simm.s32 $0x1  }
0x2: {  	[smem:$0x3F8F] =	sst lr;
	_ =	strace $0xD0000000  }
0x3: {  	_ = 	snop  }
0x4: {  	_ = 	snop  }
0x5: {  	_ = 	snop  }
0x6: {  	_ = 	snop  }
0x7: {  	_ = 	snop  }
__scs_overlays_trampoline_lowered:
0x8: {  	[smem:$0x3F9E] =	sst s0  }
0x9: {  	[smem:$0x3F9F] =	sst s1  }
0xa: {  	[smem:$0x3FA0] =	sst s2  }
0xb: {  	[smem:$0x3FA1] =	sst s3  }
0xc: {  	[smem:$0x3FA2] =	sst s4  }
0xd: {  	[smem:$0x3FA3] =	sst s5  }
0xe: {  	[smem:$0x3FA4] =	sst s6  }
0xf: {  	[smem:$0x3FA5] =	sst s7  }
0x10: {  	[smem:$0x3FA6] =	sst s8  }
0x11: {  	[smem:$0x3FA7] =	sst s9;
	s0 =	simm.s32 @!p0 $0x0  }
0x12: {  	s1 =	sld [smem:$0x3F8D];
	s0 =	simm.s32 @p0 $0x1  }
0x13: {  	[smem:$0x3FA8] =	sst s0;
	s0 =	simm.s32 @!p1 $0x0  }
0x14: {  	s2 =	sld [smem:$0x3F8C];
	s0 =	simm.s32 @p1 $0x1  }
0x15: {  	[smem:$0x3FA9] =	sst s0;
	s0 =	simm.s32 @!p2 $0x0  }
0x16: {  	s3 =	sld [smem:$0x3FDB];
	s0 =	simm.s32 @p2 $0x1  }
0x17: {  	s4 =	simm.s32 $0x1BF5;
	[smem:$0x3FAB] =	sst s0  }
0x18: {  	s0 =	sld [smem:$0x3F8E];
	_ =	swait.ge [sflag:s4], $0x0  }
0x19: {  	s7 =	sld [smem:$0x3F8F]  }
0x1a: {  	s8 =	sadd.s32 $0xFFFFE003, lr  }
0x1b: {  	s9 =	sadd.s32 $0xFFFFFEF7, lr;
	s5 =	simm.s32 $0xFFFFFFFF;
	p2 =	slt.u32 s8, $0xFFFFF086  }
0x1c: {  	p1 =	slt.u32 s9, $0xF7A;
	s5 =	simm.s32 @!p2 $0x0  }
0x1d: {  	s5 =	simm.s32 @p1 $0x1;
	p0 =	seq.s32 s7, s2  }
0x1e: {  	s7 =	smul.u32 @!p0 $0xF7A, s2;
	p2 =	seq.s32 @!p0 s5, $0x0  }
0x1f: {  	s9 =	smul.u32 $0xF7A, s1;
	s8 =	simm.s32 @!p0 $0x1BF5;
	p2 =	por !p2, p0  }
0x20: {  	[sflag:s8] =	ssyncset.s32 @!p0 $0xFFFFF086;
	s6 =	sadd.s32 @!p0 s3, s7;
	s7 =	simm.s32 @!p0 $0x108  }
0x21: {  	s3 =	sadd.s32 s3, s9;
	s6 =	sadd.s32 @!p0 $0x88, s6;
	s7 =	simm.s32 @p2 $0x1082  }
0x22: {  	[simem:s7], [sflag:s8] =	dma.local @!p0 [hbm:s6], $0xF7A  }
0x23: {  	s9 =	sor.u32 $0xD0000000, s2;
	s6 =	simm.s32 $0x108;
	_ =	swait.ge @!p0 [sflag:s8], $0x0  }
0x24: {  	s3 =	sadd.s32 $0x88, s3;
	s6 =	simm.s32 @!p1 $0x1082;
	[sflag:s4] =	ssyncset.s32 $0xFFFFF086  }
0x25: {  	[simem:s6], [sflag:s4] =	dma.local [hbm:s3], $0xF7A  }
0x26: {  	[smem:$0x3F8F] =	sst s1;
	(tag) =	ssettag s2;
	_ =	strace s9  }
0x27: {  	s1 =	sld [smem:$0x3F9F]  }
0x28: {  	s2 =	sld [smem:$0x3FA0]  }
0x29: {  	s4 =	sld [smem:$0x3FA2]  }
0x2a: {  	p0 =	seq.s32 s5, $0x0;
	s5 =	sld [smem:$0x3FA3]  }
0x2b: {  	s6 =	sld [smem:$0x3FA4]  }
0x2c: {  	s7 =	sld [smem:$0x3FA5]  }
0x2d: {  	s3 =	simm.s32 $0x108;
	s8 =	sld [smem:$0x3FA6]  }
0x2e: {  	s3 =	simm.s32 @!p0 $0x1082;
	s9 =	sld [smem:$0x3FA7]  }
0x2f: {  	lr =	sadd.s32 s0, s3;
	s0 =	sld [smem:$0x3F9E]  }
0x30: {  	s3 =	sld [smem:$0x3FA1]  }
0x31: {  	[smem:$0x3FAA] =	sst s10  }
0x32: {  	s10 =	sld [smem:$0x3FA8];
	_ =	sdelay $0x3  }
0x33: {  	p0 =	seq.s32 s10, $0x1;
	s10 =	sld [smem:$0x3FAA];
	_ =	sdelay $0x3  }
0x34: {  	[smem:$0x3FAA] =	sst s10  }
0x35: {  	s10 =	sld [smem:$0x3FA9];
	_ =	sdelay $0x3  }
0x36: {  	p1 =	seq.s32 s10, $0x1;
	s10 =	sld [smem:$0x3FAA];
	_ =	sdelay $0x3  }
0x37: {  	[smem:$0x3FAA] =	sst s10  }
0x38: {  	s10 =	sld [smem:$0x3FAB]  }
0x39: {  	_ = 	snop;
	(pc) =	sbr.ind lr, $3  }
0x3a: {  	_ = 	snop  }
0x3b: {  	_ = 	snop  }
0x3c: {  	p2 =	seq.s32 s10, $0x1;
	s10 =	sld [smem:$0x3FAA]  }
0x3d: {  	_ =	shalt  }
0x3e: {  	_ =	shalt  }
0x3f: {  	_ =	shalt  }
0x40: {  	_ =	shalt  }
0x41: {  	_ =	shalt  }
0x42: {  	_ =	shalt  }
0x43: {  	_ =	shalt  }
0x44: {  	_ =	shalt  }
0x45: {  	_ =	shalt  }
0x46: {  	_ =	shalt  }
0x47: {  	_ =	shalt  }
0x48: {  	_ =	shalt  }
0x49: {  	_ =	shalt  }
0x4a: {  	_ =	shalt  }
0x4b: {  	_ =	shalt  }
0x4c: {  	_ =	shalt  }
0x4d: {  	_ =	shalt  }
0x4e: {  	_ =	shalt  }
0x4f: {  	_ =	shalt  }
0x50: {  	_ =	shalt  }
0x51: {  	_ =	shalt  }
0x52: {  	_ =	shalt  }
0x53: {  	_ =	shalt  }
0x54: {  	_ =	shalt  }
0x55: {  	_ =	shalt  }
0x56: {  	_ =	shalt  }
0x57: {  	_ =	shalt  }
0x58: {  	_ =	shalt  }
0x59: {  	_ =	shalt  }
0x5a: {  	_ =	shalt  }
0x5b: {  	_ =	shalt  }
0x5c: {  	_ =	shalt  }
0x5d: {  	_ =	shalt  }
0x5e: {  	_ =	shalt  }
0x5f: {  	_ =	shalt  }
0x60: {  	_ =	shalt  }
0x61: {  	_ =	shalt  }
0x62: {  	_ =	shalt  }
0x63: {  	_ =	shalt  }
0x64: {  	_ =	shalt  }
0x65: {  	_ =	shalt  }
0x66: {  	_ =	shalt  }
0x67: {  	_ =	shalt  }
0x68: {  	_ =	shalt  }
0x69: {  	_ =	shalt  }
0x6a: {  	_ =	shalt  }
0x6b: {  	_ =	shalt  }
0x6c: {  	_ =	shalt  }
0x6d: {  	_ =	shalt  }
0x6e: {  	_ =	shalt  }
0x6f: {  	_ =	shalt  }
0x70: {  	_ =	shalt  }
0x71: {  	_ =	shalt  }
0x72: {  	_ =	shalt  }
0x73: {  	_ =	shalt  }
0x74: {  	_ =	shalt  }
0x75: {  	_ =	shalt  }
0x76: {  	_ =	shalt  }
0x77: {  	_ =	shalt  }
0x78: {  	_ =	shalt  }
0x79: {  	_ =	shalt  }
0x7a: {  	_ =	shalt  }
0x7b: {  	_ =	shalt  }
0x7c: {  	_ =	shalt  }
0x7d: {  	_ =	shalt  }
0x7e: {  	_ =	shalt  }
0x7f: {  	_ =	shalt  }
0x80: {  	_ =	shalt  }
0x81: {  	_ =	shalt  }
0x82: {  	_ =	shalt  }
0x83: {  	_ =	shalt  }
0x84: {  	_ =	shalt  }
0x85: {  	_ =	shalt  }
0x86: {  	_ =	shalt  }
0x87: {  	_ =	shalt  }
.Lfunc_end0:
.L_simem_size_0:
called_computation.1_lowered:
.L_overlay_start_0:
0x88: {  	s2 =	sld [smem:$0x3FD9]  }
0x89: {  	s3 =	sld [smem:$0x3FFE];
	_ =	sdelay $0x1  }
0x8a: {  	s1 =	srdreg.scid  }
0x8b: {  	s0 =	sand.u32 $0x1, s1  }
0x8c: {  	s14 =	sshll.u32 s0, $0xA;
	s2 =	sadd.s32 s3, s2  }
0x8d: {  	s2 =	sadd.s32 s2, s14  }
0x8e: {  	[smem:$0x3FB6] =	sst s2  }
0x8f: {  	_ = 	snop  }
0x90: {  	s2 =	sld [smem:$0x3FD0];
	_ =	sdelay $0x2  }
0x91: {  	s15 =	simm.s32 $0xA;
	s4 =	simm.s32 $0x10  }
0x92: {  	[smem:s4], [sflag:s15] =	dma.local [hbm:s2], $0x1  }
0x93: {  	_ =	swait.eq [sflag:s15], $0x1  }
0x94: {  	[sflag:s15] =	ssyncset.done $0x0  }
0x95: {  	[sflag:s15] =	ssyncadd.s32 $0xFFFFFFFF  }
0x96: {  	s16 =	sld [smem:$0x11];
	(tm) =	ssettm $0x1  }
0x97: {  	s17 =	sld [smem:$0x3FFB];
	_ =	sdelay $0x3  }
0x98: {  	_ =	strace s17  }
0x99: {  	s3 =	sld [smem:$0x3FFC];
	_ =	sdelay $0x3  }
0x9a: {  	_ =	strace s3  }
0x9b: {  	s3 =	sld [smem:$0x3FFD];
	_ =	sdelay $0x3  }
0x9c: {  	_ =	strace s3  }
0x9d: {  	_ =	strace $0x8FFFFFFF  }
0x9e: {  	s18 =	sld [smem:$0x3FDB];
	_ =	sdelay $0x1  }
0x9f: {  	s19 =	simm.s32 $_scs_section_size  }
0xa0: {  	s5 =	simm.s32 $_size__tile_overlayer_lowered;
	s6 =	simm.s32 $_tile_overlayer_lowered  }
0xa1: {  	s22 =	simm.s32 $0x1BFF;
	s21 =	sshll.u32 s6, $0x1;
	s3 =	sadd.s32 s19, s18  }
0xa2: {  	s7 =	simm.s32 $0x0;
	s20 =	sshll.u32 s5, $0x1;
	s5 =	sadd.s32 s21, s3  }
0xa3: {  	[timem:s7], [sflag:s22] =	dma.local [hbm:s5], s20  }
0xa4: {  	_ =	swait.ge [sflag:s22], s20  }
0xa5: {  	s4 =	ssub.s32 $0x0, s20;
	[sflag:s22] =	ssyncset.done $0x0  }
0xa6: {  	[sflag:s22] =	ssyncadd.s32 s4;
	_ =	sdelay $0x1  }
0xa7: {  	s23 =	simm.s32 $0x1B8B  }
0xa8: {  	_ =	swait.ge [sflag:s23], $0x1  }
0xa9: {  	[sflag:s23] =	ssyncset.done $0x0  }
0xaa: {  	s25 =	simm.s32 $0x1B8E;
	s24 =	sld [smem:$0x3FFE];
	[sflag:s23] =	ssyncadd.s32 $0xFFFFFFFF  }
0xab: {  	s26 =	simm.s32 $execute0_lowered;
	[smem:$0x3FD2] =	sst s25  }
0xac: {  	s5 =	sshll.u32 s26, $0x1;
	_ =	strace $0x80000049;
	[dreg:$0x1] =	wrdreg $0xFFFFFFFF  }
0xad: {  	s28 =	simm.s32 $_size_execute0_lowered;
	s3 =	sadd.s32 s3, s5;
	[dreg:$0x0] =	wrdreg $0x0  }
0xae: {  	s5 =	sshll.u32 s28, $0x1;
	[dreg:$0x2] =	wrdreg s3  }
0xaf: {  	[dreg:$0x3] =	wrdreg s5  }
0xb0: {  	[dreg:$0x4] =	wrdreg $0xC0  }
0xb1: {  	_ =	task [dreg:s7], $0x5FFFF  }
0xb2: {  	[dreg:$0x1] =	wrdreg $0xFFFFFFFF  }
0xb3: {  	[dreg:$0x0] =	wrdreg $0x60  }
0xb4: {  	[dreg:$0x2] =	wrdreg s16  }
0xb5: {  	[dreg:$0x3] =	wrdreg s24  }
0xb6: {  	[dreg:$0x4] =	wrdreg $0x4C000  }
0xb7: {  	[dreg:$0x5] =	wrdreg $0x9  }
0xb8: {  	_ =	task.clear_ibuf [dreg:s7], $0x6FFFF;
	_ =	strace $0x90000049  }
0xb9: {  	s29 =	simm.s32 $0x9;
	_ =	strace $0x8000004B  }
0xba: {  	_ =	swait.ge [sflag:s29], $0x1  }
0xbb: {  	[sflag:s29] =	ssyncadd.s32 $0xFFFFFFFF  }
0xbc: {  	_ =	strace $0x9000004B  }
0xbd: {  	_ =	sfence  }
0xbe: {  	s30 =	sld [smem:$0x0];
	_ =	sdelay $0x2  }
0xbf: {  	s31 =	sshll.u32 s1, $0xD;
	s1 =	sshrl.u32 s1, $0x2  }
0xc0: {  	s3 =	sand.u32 $0x4000, s31;
	s1 =	sadd.s32 s1, s30  }
0xc1: {  	s0 =	sor.u32 s3, s0;
	s1 =	sshll.u32 s1, $0x11  }
0xc2: {  	s0 =	sor.u32 s1, s0  }
0xc3: {  	s0 =	sadd.s32 $0x8F2B, s0  }
0xc4: {  	[sflag:s0] =	ssyncadd.remote.s32 $0x1  }
0xc5: {  	_ =	sfence.sel $0xFFFF  }
0xc6: {  	[dreg:$0x0] =	wrdreg $0xFFFFFFFF;
	(pc) =	sbr.abs _section_cstart, $3  }
0xc7: {  	[dreg:$0x1] =	wrdreg $0xFFFFFFFF  }
0xc8: {  	_ =	task.clear_ibuf [dreg:s7], $0x2FFFF;
	_ =	strace $0x9FFFFFFF  }
0xc9: {  	(tm) =	ssettm $0x7FFFFFFF  }
tec
execute0_lowered:
.L_overlay_start_1:
0x0: {  	(tag) =	ssettag $0x1  }
0x1: {  	s1 =	rddreg [dreg:$0x0]  }
0x2: {  	s0 =	rddreg [dreg:$0x1]  }
0x3: {  	s2 =	rddreg [dreg:$0x2];
	s15 =	simm.s32 $0x0;
	s3 =	srdreg.scid  }
0x4: {  	s11 =	stileid.u32;
	s23 =	simm.s32 $0x4;
	s24 =	simm.s32 $0x400  }
0x5: {  	s17 =	simm.s32 $0x80;
	s28 =	simm.s32 $0x500;
	s12 =	simm.s32 $0x380  }
0x6: {  	s14 =	simm.s32 $0x1;
	s16 =	simm.s32 $0x1400;
	s19 =	simm.s32 $0x1C00  }
0x7: {  	s22 =	simm.s32 $0x2400;
	s29 =	simm.s32 $0x3400;
	s13 =	simm.s32 $0x2  }
0x8: {  	[smem:$0x7FF] =	sst s15;
	s4 =	sadd.s32 $0x35E00, s0;
	s3 =	sand.u32 $0x1, s3  }
0x9: {  	s6 =	sadd.s32 $0x3E00, s0;
	s7 =	sadd.s32 $0x37BC00, s0;
	s8 =	sadd.s32 $0x67E00, s0  }
0xa: {  	s9 =	smul.u32 $0x18700, s11;
	_ =	strace $0x8000004A;
	s5 =	ssub.s32 $0x2, s3  }
0xb: {  	[dreg:$0x5] =	wrdreg s8;
	s26 =	sshll.u32 s3, $0x4;
	p0 =	seq.s32 s3, $0x1  }
0xc: {  	s3 =	simm.s32 $0x6B000;
	s25 =	sshrl.u32 s5, $0x1;
	s8 =	sor.u32 s11, s26  }
0xd: {  	s10 =	sadd.s32 s9, s2;
	s11 =	sshll.u32 s11, $0x6;
	s3 =	simm.s32 @!p0 $0x9BE00  }
0xe: {  	s9 =	sshrl.u32 s9, $0x3;
	s26 =	simm.s32 $0x480;
	s5 =	ssub.s32 s5, s25  }
0xf: {  	v0 =	vimm.s32 $0x0;
	s18 =	sor.u32 $0x1C04, s11;
	s0 =	sadd.s32 s3, s0;
	s30 =	smul.u32 $0x1900, s8  }
0x10: {  	v1 =	vimm.s32 $0x1;
	v2 =	vimm.s32 $0x2;
	v3 =	vimm.s32 $0x3;
	s21 =	sshrl.u32 s10, $0x3;
	s8 =	simm.s32 $0x700;
	[dreg:$0x6] =	wrdreg s18  }
0x11: {  	v4 =	vimm.s32 $0x4;
	v5 =	vimm.s32 $0x5;
	v6 =	vimm.s32 $0x6;
	s3 =	simm.s32 $0xC00;
	s25 =	simm.s32 $0x2C00;
	[dreg:$0xa] =	wrdreg s21  }
0x12: {  	v7 =	vimm.s32 $0x7;
	v8 =	vimm.s32 $0x8;
	v9 =	vimm.s32 $0x9;
	s11 =	simm.s32 $0x4400;
	s31 =	smax.u32 s5, $0x1;
	[dreg:$0x7] =	wrdreg s30  }
0x13: {  	v10 =	vimm.s32 $0xA;
	v11 =	vimm.s32 $0xB;
	v12 =	vimm.s32 $0xC;
	s10 =	simm.s32 $0x3;
	s0 =	sadd.s32 s0, s9;
	[dreg:$0x8] =	wrdreg s31  }
0x14: {  	v13 =	vimm.s32 $0xD;
	v14 =	vimm.s32 $0xE;
	v15 =	vimm.s32 $0xF;
	s9 =	simm.s32 $0x780;
	[dreg:$0x9] =	wrdreg s0;
	s0 =	simm.s32 $0x3C00  }
.LBB2_1:
0x15: {  	[dreg:$0x4] =	wrdreg s15  }
0x16: {  	s20 =	rddreg [dreg:$0x5]  }
0x17: {  	[spmem:s21], [sflag:s18] =	dma.local [hbm:s20], $0x30E0  }
0x18: {  	_ =	swait.ge [sflag:s23], $0x30E0  }
0x19: {  	[sflag:s23] =	ssyncset.done $0x0  }
0x1a: {  	s15 =	simm.s32 $0x0;
	s30 =	simm.s32 $0x580;
	[sflag:s23] =	ssyncadd.s32 $0xFFFFCF20  }
0x1b: {  	s31 =	simm.s32 $0x600;
	s5 =	simm.s32 $0x680;
	[bflag:$0x0] =	sbarrier.arrive $0xFFFF  }
.LBB2_2:
0x1c: {  	s18 =	sshll.u32 s15, $0x7;
	s20 =	rddreg [dreg:$0x7]  }
0x1d: {  	s20 =	sadd.s32 s20, s18  }
0x1e: {  	s18 =	simm.s32 $0x0;
	s21 =	sadd.s32 s1, s20  }
0x1f: {  	[tilespmem:s18], [sflag:$0x1] =	stream.linear.gather [hbm4b:s21+s18], $0x80, $0x38;
	[tilespmem:$0x1D300] =	vst v63  }
0x20: {  	s23 =	sadd.s32 s4, s20  }
0x21: {  	[tilespmem:s24], [sflag:$0x1] =	stream.linear.gather [hbm4b:s23+s18], $0x80, $0x38;
	[tilespmem:$0x1D300] =	vst v63  }
0x22: {  	s21 =	sor.u32 $0x10, s20;
	s24 =	sadd.s32 s6, s20;
	s23 =	simm.s32 $0x800  }
0x23: {  	[tilespmem:s23], [sflag:$0x1] =	stream.linear.gather [hbm4b:s24+s18], $0x80, $0x38;
	[tilespmem:$0x1D300] =	vst v63  }
0x24: {  	s24 =	sadd.s32 s1, s21  }
0x25: {  	[tilespmem:s17], [sflag:$0x1] =	stream.linear.gather [hbm4b:s24+s18], $0x80, $0x38;
	[tilespmem:$0x1D300] =	vst v63  }
0x26: {  	s24 =	sadd.s32 s4, s21  }
0x27: {  	[tilespmem:s26], [sflag:$0x1] =	stream.linear.gather [hbm4b:s24+s18], $0x80, $0x38;
	[tilespmem:$0x1D300] =	vst v63  }
0x28: {  	s21 =	sadd.s32 s6, s21;
	s24 =	simm.s32 $0x880  }
0x29: {  	[tilespmem:s24], [sflag:$0x1] =	stream.linear.gather [hbm4b:s21+s18], $0x80, $0x38;
	[tilespmem:$0x1D300] =	vst v63  }
0x2a: {  	s21 =	sor.u32 $0x20, s20  }
0x2b: {  	s24 =	simm.s32 $0x100;
	s26 =	sadd.s32 s1, s21  }
0x2c: {  	[tilespmem:s24], [sflag:$0x1] =	stream.linear.gather [hbm4b:s26+s18], $0x80, $0x38;
	[tilespmem:$0x1D300] =	vst v63  }
0x2d: {  	s26 =	sadd.s32 s4, s21  }
0x2e: {  	[tilespmem:s28], [sflag:$0x1] =	stream.linear.gather [hbm4b:s26+s18], $0x80, $0x38;
	[tilespmem:$0x1D300] =	vst v63  }
0x2f: {  	s21 =	sadd.s32 s6, s21;
	s26 =	simm.s32 $0x900  }
0x30: {  	[tilespmem:s26], [sflag:$0x1] =	stream.linear.gather [hbm4b:s21+s18], $0x80, $0x38;
	[tilespmem:$0x1D300] =	vst v63  }
0x31: {  	s21 =	sor.u32 $0x30, s20  }
0x32: {  	s26 =	simm.s32 $0x180;
	s28 =	sadd.s32 s1, s21  }
0x33: {  	[tilespmem:s26], [sflag:$0x1] =	stream.linear.gather [hbm4b:s28+s18], $0x80, $0x38;
	[tilespmem:$0x1D300] =	vst v63  }
0x34: {  	s28 =	sadd.s32 s4, s21  }
0x35: {  	[tilespmem:s30], [sflag:$0x1] =	stream.linear.gather [hbm4b:s28+s18], $0x80, $0x38;
	[tilespmem:$0x1D300] =	vst v63  }
0x36: {  	s21 =	sadd.s32 s6, s21;
	s28 =	simm.s32 $0x980  }
0x37: {  	[tilespmem:s28], [sflag:$0x1] =	stream.linear.gather [hbm4b:s21+s18], $0x80, $0x38;
	[tilespmem:$0x1D300] =	vst v63  }
0x38: {  	s21 =	sor.u32 $0x40, s20  }
0x39: {  	s28 =	simm.s32 $0x200;
	s30 =	sadd.s32 s1, s21  }
0x3a: {  	[tilespmem:s28], [sflag:$0x1] =	stream.linear.gather [hbm4b:s30+s18], $0x80, $0x38;
	[tilespmem:$0x1D300] =	vst v63  }
0x3b: {  	s30 =	sadd.s32 s4, s21  }
0x3c: {  	[tilespmem:s31], [sflag:$0x1] =	stream.linear.gather [hbm4b:s30+s18], $0x80, $0x38;
	[tilespmem:$0x1D300] =	vst v63  }
0x3d: {  	s21 =	sadd.s32 s6, s21;
	s30 =	simm.s32 $0xA00  }
0x3e: {  	[tilespmem:s30], [sflag:$0x1] =	stream.linear.gather [hbm4b:s21+s18], $0x80, $0x38;
	[tilespmem:$0x1D300] =	vst v63  }
0x3f: {  	s21 =	sor.u32 $0x50, s20  }
0x40: {  	s30 =	simm.s32 $0x280;
	s31 =	sadd.s32 s1, s21  }
0x41: {  	[tilespmem:s30], [sflag:$0x1] =	stream.linear.gather [hbm4b:s31+s18], $0x80, $0x38;
	[tilespmem:$0x1D300] =	vst v63  }
0x42: {  	s31 =	sadd.s32 s4, s21  }
0x43: {  	[tilespmem:s5], [sflag:$0x1] =	stream.linear.gather [hbm4b:s31+s18], $0x80, $0x38;
	[tilespmem:$0x1D300] =	vst v63  }
0x44: {  	s23 =	simm.s32 $0xA80;
	s21 =	sadd.s32 s6, s21  }
0x45: {  	[tilespmem:s23], [sflag:$0x1] =	stream.linear.gather [hbm4b:s21+s18], $0x80, $0x38;
	[tilespmem:$0x1D300] =	vst v63  }
0x46: {  	s21 =	sor.u32 $0x60, s20  }
0x47: {  	s5 =	simm.s32 $0x300;
	s31 =	sadd.s32 s1, s21  }
0x48: {  	[tilespmem:s5], [sflag:$0x1] =	stream.linear.gather [hbm4b:s31+s18], $0x80, $0x38;
	[tilespmem:$0x1D300] =	vst v63  }
0x49: {  	s31 =	sadd.s32 s4, s21  }
0x4a: {  	[tilespmem:s8], [sflag:$0x1] =	stream.linear.gather [hbm4b:s31+s18], $0x80, $0x38;
	[tilespmem:$0x1D300] =	vst v63  }
0x4b: {  	s20 =	sor.u32 $0x70, s20;
	s21 =	sadd.s32 s6, s21;
	s31 =	simm.s32 $0xB00  }
0x4c: {  	[tilespmem:s31], [sflag:$0x1] =	stream.linear.gather [hbm4b:s21+s18], $0x80, $0x38;
	[tilespmem:$0x1D300] =	vst v63  }
0x4d: {  	s23 =	sadd.s32 s1, s20  }
0x4e: {  	[tilespmem:s12], [sflag:$0x1] =	stream.linear.gather [hbm4b:s23+s18], $0x80, $0x38;
	[tilespmem:$0x1D300] =	vst v63  }
0x4f: {  	s31 =	sadd.s32 s4, s20  }
0x50: {  	[tilespmem:s9], [sflag:$0x1] =	stream.linear.gather [hbm4b:s31+s18], $0x80, $0x38;
	[tilespmem:$0x1D300] =	vst v63  }
0x51: {  	s20 =	sadd.s32 s6, s20;
	s23 =	simm.s32 $0xB80  }
0x52: {  	[tilespmem:s23], [sflag:$0x1] =	stream.linear.gather [hbm4b:s20+s18], $0x80, $0x38;
	[tilespmem:$0x1D300] =	vst v63  }
0x53: {  	_ =	swait.ge [sflag:s14], $0x80  }
0x54: {  	[sflag:s14] =	ssyncset.done $0x0  }
0x55: {  	[sflag:s14] =	ssyncadd.s32 $0xFFFFFF80  }
0x56: {  	_ =	swait.ge [sflag:s14], $0x80  }
0x57: {  	[sflag:s14] =	ssyncset.done $0x0  }
0x58: {  	[sflag:s14] =	ssyncadd.s32 $0xFFFFFF80  }
0x59: {  	_ =	swait.ge [sflag:s14], $0x80  }
0x5a: {  	[sflag:s14] =	ssyncset.done $0x0  }
0x5b: {  	[sflag:s14] =	ssyncadd.s32 $0xFFFFFF80  }
0x5c: {  	_ =	swait.ge [sflag:s14], $0x80  }
0x5d: {  	[sflag:s14] =	ssyncset.done $0x0  }
0x5e: {  	[sflag:s14] =	ssyncadd.s32 $0xFFFFFF80  }
0x5f: {  	_ =	swait.ge [sflag:s14], $0x80  }
0x60: {  	[sflag:s14] =	ssyncset.done $0x0  }
0x61: {  	[sflag:s14] =	ssyncadd.s32 $0xFFFFFF80  }
0x62: {  	_ =	swait.ge [sflag:s14], $0x80  }
0x63: {  	[sflag:s14] =	ssyncset.done $0x0  }
0x64: {  	[sflag:s14] =	ssyncadd.s32 $0xFFFFFF80  }
0x65: {  	_ =	swait.ge [sflag:s14], $0x80  }
0x66: {  	[sflag:s14] =	ssyncset.done $0x0  }
0x67: {  	[sflag:s14] =	ssyncadd.s32 $0xFFFFFF80  }
0x68: {  	_ =	swait.ge [sflag:s14], $0x80  }
0x69: {  	[sflag:s14] =	ssyncset.done $0x0  }
0x6a: {  	[sflag:s14] =	ssyncadd.s32 $0xFFFFFF80  }
0x6b: {  	_ =	swait.ge [sflag:s14], $0x80  }
0x6c: {  	[sflag:s14] =	ssyncset.done $0x0  }
0x6d: {  	[sflag:s14] =	ssyncadd.s32 $0xFFFFFF80  }
0x6e: {  	_ =	swait.ge [sflag:s14], $0x80  }
0x6f: {  	[sflag:s14] =	ssyncset.done $0x0  }
0x70: {  	[sflag:s14] =	ssyncadd.s32 $0xFFFFFF80  }
0x71: {  	_ =	swait.ge [sflag:s14], $0x80  }
0x72: {  	[sflag:s14] =	ssyncset.done $0x0  }
0x73: {  	[sflag:s14] =	ssyncadd.s32 $0xFFFFFF80  }
0x74: {  	_ =	swait.ge [sflag:s14], $0x80  }
0x75: {  	[sflag:s14] =	ssyncset.done $0x0  }
0x76: {  	[sflag:s14] =	ssyncadd.s32 $0xFFFFFF80  }
0x77: {  	_ =	swait.ge [sflag:s14], $0x80  }
0x78: {  	[sflag:s14] =	ssyncset.done $0x0  }
0x79: {  	[sflag:s14] =	ssyncadd.s32 $0xFFFFFF80  }
0x7a: {  	_ =	swait.ge [sflag:s14], $0x80  }
0x7b: {  	[sflag:s14] =	ssyncset.done $0x0  }
0x7c: {  	[sflag:s14] =	ssyncadd.s32 $0xFFFFFF80  }
0x7d: {  	_ =	swait.ge [sflag:s14], $0x80  }
0x7e: {  	[sflag:s14] =	ssyncset.done $0x0  }
0x7f: {  	[sflag:s14] =	ssyncadd.s32 $0xFFFFFF80  }
0x80: {  	_ =	swait.ge [sflag:s14], $0x80  }
0x81: {  	[sflag:s14] =	ssyncset.done $0x0  }
0x82: {  	[sflag:s14] =	ssyncadd.s32 $0xFFFFFF80  }
0x83: {  	_ =	swait.ge [sflag:s14], $0x80  }
0x84: {  	[sflag:s14] =	ssyncset.done $0x0  }
0x85: {  	[sflag:s14] =	ssyncadd.s32 $0xFFFFFF80  }
0x86: {  	_ =	swait.ge [sflag:s14], $0x80  }
0x87: {  	[sflag:s14] =	ssyncset.done $0x0  }
0x88: {  	[sflag:s14] =	ssyncadd.s32 $0xFFFFFF80  }
0x89: {  	_ =	swait.ge [sflag:s14], $0x80  }
0x8a: {  	[sflag:s14] =	ssyncset.done $0x0  }
0x8b: {  	[sflag:s14] =	ssyncadd.s32 $0xFFFFFF80  }
0x8c: {  	_ =	swait.ge [sflag:s14], $0x80  }
0x8d: {  	[sflag:s14] =	ssyncset.done $0x0  }
0x8e: {  	[sflag:s14] =	ssyncadd.s32 $0xFFFFFF80  }
0x8f: {  	_ =	swait.ge [sflag:s14], $0x80  }
0x90: {  	[sflag:s14] =	ssyncset.done $0x0  }
0x91: {  	[sflag:s14] =	ssyncadd.s32 $0xFFFFFF80  }
0x92: {  	_ =	swait.ge [sflag:s14], $0x80  }
0x93: {  	[sflag:s14] =	ssyncset.done $0x0  }
0x94: {  	[sflag:s14] =	ssyncadd.s32 $0xFFFFFF80  }
0x95: {  	_ =	swait.ge [sflag:s14], $0x80  }
0x96: {  	[sflag:s14] =	ssyncset.done $0x0  }
0x97: {  	[sflag:s14] =	ssyncadd.s32 $0xFFFFFF80  }
0x98: {  	_ =	swait.ge [sflag:s14], $0x80  }
0x99: {  	[sflag:s14] =	ssyncset.done $0x0  }
0x9a: {  	[sflag:s14] =	ssyncadd.s32 $0xFFFFFF80  }
0x9b: {  	[tilespmem:s3], [sflag:$0x2] =	stream.indirect.gather [hbm4b:s7+s17], $0x10, s18, s17, $0xb8;
	[tilespmem:$0x1D300] =	vst v63  }
0x9c: {  	_ = 	snop  }
0x9d: {  	[tilespmem:s16], [sflag:$0x2] =	stream.indirect.gather [hbm4b:s7+s17], $0x10, s17, s17, $0xb8;
	[tilespmem:$0x1D300] =	vst v63  }
0x9e: {  	_ = 	snop  }
0x9f: {  	[tilespmem:s19], [sflag:$0x2] =	stream.indirect.gather [hbm4b:s7+s17], $0x10, s24, s17, $0xb8;
	[tilespmem:$0x1D300] =	vst v63  }
0xa0: {  	_ = 	snop  }
0xa1: {  	[tilespmem:s22], [sflag:$0x2] =	stream.indirect.gather [hbm4b:s7+s17], $0x10, s26, s17, $0xb8;
	[tilespmem:$0x1D300] =	vst v63  }
0xa2: {  	_ = 	snop  }
0xa3: {  	[tilespmem:s25], [sflag:$0x2] =	stream.indirect.gather [hbm4b:s7+s17], $0x10, s28, s17, $0xb8;
	[tilespmem:$0x1D300] =	vst v63  }
0xa4: {  	_ = 	snop  }
0xa5: {  	[tilespmem:s29], [sflag:$0x2] =	stream.indirect.gather [hbm4b:s7+s17], $0x10, s30, s17, $0xb8;
	[tilespmem:$0x1D300] =	vst v63  }
0xa6: {  	_ = 	snop  }
0xa7: {  	[tilespmem:s0], [sflag:$0x2] =	stream.indirect.gather [hbm4b:s7+s17], $0x10, s5, s17, $0xb8;
	[tilespmem:$0x1D300] =	vst v63  }
0xa8: {  	_ = 	snop  }
0xa9: {  	[tilespmem:s11], [sflag:$0x2] =	stream.indirect.gather [hbm4b:s7+s17], $0x10, s12, s17, $0xb8;
	[tilespmem:$0x1D300] =	vst v63  }
0xaa: {  	_ =	swait.ge [sflag:s13], $0x800  }
0xab: {  	[sflag:s13] =	ssyncset.done $0x0  }
0xac: {  	[sflag:s13] =	ssyncadd.s32 $0xFFFFF800  }
0xad: {  	_ =	swait.ge [sflag:s13], $0x800  }
0xae: {  	[sflag:s13] =	ssyncset.done $0x0  }
0xaf: {  	[sflag:s13] =	ssyncadd.s32 $0xFFFFF800  }
0xb0: {  	_ =	swait.ge [sflag:s13], $0x800  }
0xb1: {  	[sflag:s13] =	ssyncset.done $0x0  }
0xb2: {  	[sflag:s13] =	ssyncadd.s32 $0xFFFFF800  }
0xb3: {  	_ =	swait.ge [sflag:s13], $0x800  }
0xb4: {  	[sflag:s13] =	ssyncset.done $0x0  }
0xb5: {  	[sflag:s13] =	ssyncadd.s32 $0xFFFFF800  }
0xb6: {  	_ =	swait.ge [sflag:s13], $0x800  }
0xb7: {  	[sflag:s13] =	ssyncset.done $0x0  }
0xb8: {  	[sflag:s13] =	ssyncadd.s32 $0xFFFFF800  }
0xb9: {  	_ =	swait.ge [sflag:s13], $0x800  }
0xba: {  	[sflag:s13] =	ssyncset.done $0x0  }
0xbb: {  	[sflag:s13] =	ssyncadd.s32 $0xFFFFF800  }
0xbc: {  	_ =	swait.ge [sflag:s13], $0x800  }
0xbd: {  	[sflag:s13] =	ssyncset.done $0x0  }
0xbe: {  	[sflag:s13] =	ssyncadd.s32 $0xFFFFF800  }
0xbf: {  	s26 =	sand.u32 $0xE00, s18;
	_ =	swait.ge [sflag:s13], $0x800  }
0xc0: {  	s18 =	sand.u32 $0x70, s18;
	s20 =	sshrl.u32 s26, $0x2;
	[sflag:s13] =	ssyncset.done $0x0  }
0xc1: {  	s20 =	sor.u32 s18, s20;
	[sflag:s13] =	ssyncadd.s32 $0xFFFFF800  }
0xc2: {  	s18 =	simm.s32 $0xC80;
	v16 =	vld [tilespmem:s20+$0x800]  }
0xc3: {  	v17 =	vld [tilespmem:s18+$0x70]  }
0xc4: {  	v18 =	vld [tilespmem:s18+$0xFFFFFF80]  }
0xc5: {  	s28 =	simm.s32 $0x40;
	v19 =	vld [tilespmem:s18+$0xFFFFFF90]  }
0xc6: {  	s30 =	simm.s32 $0x10;
	v20 =	vld [tilespmem:s18+$0xFFFFFFA0];
	s20 =	sand.u32 $0xE00, s28  }
0xc7: {  	s21 =	sand.u32 $0x70, s30;
	v22 =	vld [tilespmem:s18+$0xFFFFFFB0];
	s20 =	sshrl.u32 s20, $0x2;
	v21 =	vperm.xlane v16, v15  }
0xc8: {  	v26 =	vld [tilespmem:s18+$0x0];
	s20 =	sor.u32 s21, s20;
	v27 =	vperm.xlane v16, v1;
	v28 =	vperm.xlane v16, v2  }
0xc9: {  	v39 =	vld [tilespmem:s20+$0x800];
	v30 =	vperm.xlane v16, v3;
	v31 =	vperm.xlane v16, v4  }
0xca: {  	v23 =	vld [tilespmem:s18+$0xFFFFFFC0];
	v32 =	vperm.xlane v16, v5;
	v34 =	vperm.xlane v16, v6  }
0xcb: {  	v24 =	vld [tilespmem:s18+$0xFFFFFFE0];
	s21 =	simm.s32 $0xD80;
	v35 =	vperm.xlane v16, v8;
	v37 =	vperm.xlane v16, v9  }
0xcc: {  	v41 =	vld [tilespmem:s21+$0xFFFFFF90];
	v38 =	vperm.xlane v16, v13;
	v17 =	vmul.f32 v17, v21  }
0xcd: {  	v21 =	vld [tilespmem:s18+$0xFFFFFFD0];
	v19 =	vmul.f32 v19, v27;
	v27 =	vperm.xlane v16, v7  }
0xce: {  	v25 =	vld [tilespmem:s18+$0xFFFFFFF0];
	v26 =	vmul.f32 v26, v35;
	v43 =	vperm.xlane v39, v0  }
0xcf: {  	v29 =	vld [tilespmem:s18+$0x10];
	v44 =	vperm.xlane v39, v1;
	[tilespmem:s18+$0x70] =	vst v17;
	v17 =	vperm.xlane v16, v0  }
0xd0: {  	v33 =	vld [tilespmem:s18+$0x30];
	v45 =	vperm.xlane v39, v2;
	[tilespmem:s18+$0xFFFFFF90] =	vst v19;
	v19 =	vperm.xlane v16, v10  }
0xd1: {  	v36 =	vld [tilespmem:s18+$0x40];
	[tilespmem:s18+$0x0] =	vst v26;
	v26 =	vperm.xlane v39, v9;
	v17 =	vmul.f32 v18, v17  }
0xd2: {  	v63 =	vld [tilespmem:s21+$0xFFFFFF80];
	v41 =	vmul.f32 v41, v44;
	v21 =	vmul.f32 v21, v32  }
0xd3: {  	v42 =	vld [tilespmem:s21+$0xFFFFFFA0];
	v32 =	vperm.xlane v39, v10;
	[tilespmem:s18+$0xFFFFFF80] =	vst v17;
	v17 =	vmul.f32 v20, v28  }
0xd4: {  	v35 =	vld [tilespmem:s21+$0x0];
	v20 =	vmul.f32 v22, v30;
	v28 =	vperm.xlane v16, v11  }
0xd5: {  	v18 =	vld [tilespmem:s18+$0x20];
	v30 =	vperm.xlane v16, v12;
	v16 =	vperm.xlane v16, v14;
	[tilespmem:s18+$0xFFFFFFD0] =	vst v21  }
0xd6: {  	v22 =	vld [tilespmem:s18+$0x50];
	v21 =	vperm.xlane v39, v15;
	[tilespmem:s18+$0xFFFFFFB0] =	vst v20;
	v20 =	vmul.f32 v23, v31  }
0xd7: {  	[tilespmem:s18+$0xFFFFFFA0] =	vst v17;
	v17 =	vld [tilespmem:s18+$0x60];
	v23 =	vmul.f32 v24, v34;
	v24 =	vmul.f32 v25, v27  }
0xd8: {  	v25 =	vld [tilespmem:s21+$0x70];
	v31 =	vmul.f32 v29, v37;
	v40 =	vmul.f32 v36, v30;
	[tilespmem:s18+$0xFFFFFFC0] =	vst v20  }
0xd9: {  	v34 =	vperm.xlane v39, v4;
	v27 =	vperm.xlane v39, v5;
	v30 =	vld [tilespmem:s21+$0xFFFFFFE0];
	[tilespmem:s18+$0xFFFFFFE0] =	vst v23  }
0xda: {  	v29 =	vperm.xlane v39, v6;
	v36 =	vld [tilespmem:s21+$0x10];
	v18 =	vmul.f32 v18, v19;
	[tilespmem:s18+$0xFFFFFFF0] =	vst v24  }
0xdb: {  	v19 =	vmul.f32 v33, v28;
	v28 =	vperm.xlane v39, v3;
	v20 =	vld [tilespmem:s21+$0xFFFFFFB0];
	[tilespmem:s18+$0x10] =	vst v31  }
0xdc: {  	v23 =	vld [tilespmem:s21+$0xFFFFFFC0];
	v24 =	vperm.xlane v39, v7;
	v31 =	vperm.xlane v39, v8;
	[tilespmem:s18+$0x40] =	vst v40  }
0xdd: {  	v38 =	vmul.f32 v22, v38;
	[tilespmem:s18+$0x20] =	vst v18;
	v21 =	vmul.f32 v25, v21;
	v25 =	vld [tilespmem:s21+$0xFFFFFFD0]  }
0xde: {  	v33 =	vld [tilespmem:s21+$0xFFFFFFF0];
	v40 =	vmul.f32 v63, v43;
	v22 =	vperm.xlane v39, v11;
	[tilespmem:s18+$0x30] =	vst v19  }
0xdf: {  	s31 =	simm.s32 $0x80;
	s23 =	simm.s32 $0x20;
	v37 =	vld [tilespmem:s21+$0x20];
	v19 =	vperm.xlane v39, v13;
	v18 =	vperm.xlane v39, v14;
	[tilespmem:s18+$0x50] =	vst v38  }
0xe0: {  	s24 =	simm.s32 $0xC0;
	s26 =	sand.u32 $0xE00, s31;
	s20 =	simm.s32 $0xD80;
	v38 =	vld [tilespmem:s21+$0x30];
	[tilespmem:s21+$0x70] =	vst v21;
	v21 =	vperm.xlane v39, v12;
	v39 =	vmul.f32 v42, v45  }
.LBB2_3:
0xe1: {  	p0 =	sne.s32 s24, $0xFC0;
	s28 =	sand.u32 $0x70, s23;
	s26 =	sshrl.u32 s26, $0x2;
	[tilespmem:s21+$0xFFFFFF80] =	vst v40;
	v20 =	vmul.f32 v20, v28;
	v23 =	vmul.f32 v23, v34;
	v28 =	vld [tilespmem:s21+$0x40]  }
0xe2: {  	v25 =	vmul.f32 v25, v27;
	v27 =	vmul.f32 v30, v29;
	s26 =	sor.u32 s28, s26;
	[tilespmem:s21+$0xFFFFFF90] =	vst v41;
	v29 =	vld [tilespmem:s21+$0x50]  }
0xe3: {  	v24 =	vmul.f32 v33, v24;
	v30 =	vmul.f32 v35, v31;
	v41 =	vld [tilespmem:s26+$0x800];
	[tilespmem:s21+$0xFFFFFFA0] =	vst v39  }
0xe4: {  	v26 =	vmul.f32 v36, v26;
	s21 =	sadd.s32 $0x100, s21;
	[tilespmem:s20+$0xFFFFFFB0] =	vst v20;
	v31 =	vmul.f32 v37, v32;
	v32 =	vld [tilespmem:s20+$0x60]  }
0xe5: {  	v33 =	vld [tilespmem:s21+$0x70];
	[tilespmem:s20+$0xFFFFFFC0] =	vst v23;
	v22 =	vmul.f32 v38, v22;
	v38 =	vmul.f32 v17, v16;
	v16 =	vmov v18  }
0xe6: {  	v18 =	vld [tilespmem:s21+$0xFFFFFF80];
	[tilespmem:s20+$0xFFFFFFD0] =	vst v25;
	v21 =	vmul.f32 v28, v21  }
0xe7: {  	v39 =	vld [tilespmem:s21+$0xFFFFFF90];
	[tilespmem:s20+$0xFFFFFFE0] =	vst v27;
	v37 =	vmul.f32 v29, v19  }
0xe8: {  	v40 =	vperm.xlane v41, v0;
	v42 =	vld [tilespmem:s21+$0xFFFFFFA0];
	v19 =	vperm.xlane v41, v15;
	[tilespmem:s20+$0xFFFFFFF0] =	vst v24  }
0xe9: {  	v43 =	vperm.xlane v41, v1;
	v44 =	vperm.xlane v41, v2;
	v20 =	vld [tilespmem:s21+$0xFFFFFFB0];
	[tilespmem:s20+$0x0] =	vst v30;
	v17 =	vmov v32  }
0xea: {  	v28 =	vperm.xlane v41, v3;
	v23 =	vld [tilespmem:s21+$0xFFFFFFC0];
	v19 =	vmul.f32 v33, v19;
	[tilespmem:s20+$0x10] =	vst v26  }
0xeb: {  	v34 =	vperm.xlane v41, v4;
	v27 =	vperm.xlane v41, v5;
	v25 =	vld [tilespmem:s21+$0xFFFFFFD0];
	[tilespmem:s20+$0x20] =	vst v31  }
0xec: {  	v29 =	vperm.xlane v41, v6;
	v24 =	vperm.xlane v41, v7;
	v30 =	vld [tilespmem:s21+$0xFFFFFFE0];
	[tilespmem:s21+$0x70] =	vst v19  }
.Ltmp0:
0xed: {  	v26 =	vperm.xlane v41, v9;
	v31 =	vperm.xlane v41, v8;
	v33 =	vld [tilespmem:s21+$0xFFFFFFF0];
	[tilespmem:s20+$0x30] =	vst v22;
	(pc) =	sbr.rel @p0 .LBB2_3-.Ltmp0, $4  }
0xee: {  	v32 =	vperm.xlane v41, v10;
	v22 =	vperm.xlane v41, v11;
	v35 =	vld [tilespmem:s21+$0x0];
	[tilespmem:s20+$0x40] =	vst v21  }
0xef: {  	v19 =	vperm.xlane v41, v13;
	v21 =	vperm.xlane v41, v12;
	v36 =	vld [tilespmem:s21+$0x10];
	[tilespmem:s20+$0x50] =	vst v37  }
0xf0: {  	v40 =	vmul.f32 v18, v40;
	v18 =	vperm.xlane v41, v14;
	v37 =	vld [tilespmem:s21+$0x20];
	[tilespmem:s18+$0x60] =	vst v38;
	s18 =	smov.u32 s20;
	s20 =	smov.u32 s21  }
0xf1: {  	s23 =	sadd.s32 $0x10, s23;
	s26 =	sand.u32 $0xE00, s24;
	s24 =	sadd.s32 $0x40, s24;
	v41 =	vmul.f32 v39, v43;
	v39 =	vmul.f32 v42, v44;
	v38 =	vld [tilespmem:s21+$0x30]  }
0xf2: {  	[tilespmem:s21+$0xFFFFFF80] =	vst v40  }
0xf3: {  	v20 =	vmul.f32 v20, v28;
	[tilespmem:s21+$0xFFFFFF90] =	vst v41  }
0xf4: {  	v59 =	vld [tilespmem:s21+$0x40];
	v23 =	vmul.f32 v23, v34;
	[tilespmem:s21+$0xFFFFFFA0] =	vst v39  }
0xf5: {  	v60 =	vld [tilespmem:s21+$0x50];
	v61 =	vmul.f32 v25, v27;
	[tilespmem:s20+$0xFFFFFFB0] =	vst v20  }
0xf6: {  	s23 =	sand.u32 $0x70, s23;
	s24 =	sshrl.u32 s26, $0x2;
	v62 =	vmul.f32 v30, v29;
	[tilespmem:s20+$0xFFFFFFC0] =	vst v23  }
0xf7: {  	v30 =	vmul.f32 v33, v24;
	s23 =	sor.u32 s23, s24;
	[tilespmem:s20+$0xFFFFFFD0] =	vst v61  }
0xf8: {  	v16 =	vmul.f32 v17, v16;
	v34 =	vld [tilespmem:s23+$0x800];
	[tilespmem:s20+$0xFFFFFFE0] =	vst v62  }
0xf9: {  	s26 =	sadd.s32 $0x100, s21;
	v31 =	vmul.f32 v35, v31;
	[tilespmem:s20+$0xFFFFFFF0] =	vst v30  }
0xfa: {  	v63 =	vld [tilespmem:s26+$0x70];
	v33 =	vmul.f32 v36, v26;
	[tilespmem:s18+$0x60] =	vst v16  }
0xfb: {  	v36 =	vmul.f32 v37, v32;
	[tilespmem:s20+$0x0] =	vst v31;
	v37 =	vld [tilespmem:s26+$0xFFFFFF80]  }
0xfc: {  	v39 =	vld [tilespmem:s26+$0xFFFFFF90];
	[tilespmem:s20+$0x10] =	vst v33;
	v22 =	vmul.f32 v38, v22  }
0xfd: {  	v40 =	vld [tilespmem:s26+$0xFFFFFFA0];
	[tilespmem:s20+$0x20] =	vst v36;
	v21 =	vmul.f32 v59, v21;
	v35 =	vperm.xlane v34, v15  }
0xfe: {  	v42 =	vld [tilespmem:s26+$0xFFFFFFB0];
	v19 =	vmul.f32 v60, v19;
	[tilespmem:s20+$0x30] =	vst v22;
	v41 =	vperm.xlane v34, v0  }
0xff: {  	v45 =	vld [tilespmem:s26+$0xFFFFFFD0];
	v17 =	vperm.xlane v34, v1;
	[tilespmem:s20+$0x40] =	vst v21;
	v26 =	vmul.f32 v63, v35  }
0x100: {  	v43 =	vld [tilespmem:s26+$0xFFFFFFC0];
	v44 =	vperm.xlane v34, v2;
	[tilespmem:s20+$0x50] =	vst v19;
	v46 =	vmul.f32 v37, v41  }
0x101: {  	v49 =	vld [tilespmem:s26+$0xFFFFFFF0];
	v47 =	vperm.xlane v34, v3;
	v16 =	vmul.f32 v39, v17;
	[tilespmem:s26+$0x70] =	vst v26  }
0x102: {  	v51 =	vld [tilespmem:s26+$0x0];
	v50 =	vperm.xlane v34, v5;
	v21 =	vmul.f32 v40, v44;
	[tilespmem:s26+$0xFFFFFF80] =	vst v46  }
0x103: {  	v48 =	vld [tilespmem:s26+$0xFFFFFFE0];
	v17 =	vperm.xlane v34, v4;
	v20 =	vmul.f32 v42, v47;
	[tilespmem:s26+$0xFFFFFF90] =	vst v16  }
0x104: {  	v54 =	vld [tilespmem:s26+$0x20];
	v53 =	vperm.xlane v34, v7;
	v19 =	vmul.f32 v45, v50;
	[tilespmem:s26+$0xFFFFFFA0] =	vst v21  }
0x105: {  	v59 =	vld [tilespmem:s26+$0x50];
	v55 =	vperm.xlane v34, v8;
	v17 =	vmul.f32 v43, v17;
	[tilespmem:s26+$0xFFFFFFB0] =	vst v20  }
0x106: {  	v52 =	vld [tilespmem:s26+$0x10];
	v16 =	vperm.xlane v34, v6;
	v21 =	vmul.f32 v49, v53;
	[tilespmem:s26+$0xFFFFFFD0] =	vst v19  }
0x107: {  	v56 =	vld [tilespmem:s26+$0x30];
	v58 =	vperm.xlane v34, v10;
	v20 =	vmul.f32 v51, v55;
	[tilespmem:s26+$0xFFFFFFC0] =	vst v17  }
0x108: {  	v57 =	vld [tilespmem:s26+$0x40];
	v62 =	vperm.xlane v34, v13;
	v16 =	vmul.f32 v48, v16;
	[tilespmem:s26+$0xFFFFFFF0] =	vst v21  }
0x109: {  	v25 =	vld [tilespmem:s20+$0x60];
	v19 =	vmul.f32 v54, v58;
	v17 =	vperm.xlane v34, v9;
	[tilespmem:s26+$0x0] =	vst v20  }
0x10a: {  	v61 =	vld [tilespmem:s26+$0x60];
	v20 =	vmul.f32 v59, v62;
	[tilespmem:s26+$0xFFFFFFE0] =	vst v16;
	v16 =	vperm.xlane v34, v11  }
0x10b: {  	v60 =	vperm.xlane v34, v12;
	[tilespmem:s26+$0x20] =	vst v19;
	v17 =	vmul.f32 v52, v17  }
0x10c: {  	[tilespmem:s26+$0x50] =	vst v20;
	v16 =	vmul.f32 v56, v16  }
0x10d: {  	v63 =	vperm.xlane v34, v14;
	[tilespmem:s26+$0x10] =	vst v17;
	v17 =	vmul.f32 v57, v60  }
0x10e: {  	[tilespmem:s26+$0x30] =	vst v16;
	v16 =	vmul.f32 v25, v18  }
0x10f: {  	[tilespmem:s26+$0x40] =	vst v17;
	v17 =	vmul.f32 v61, v63  }
0x110: {  	[tilespmem:s20+$0x60] =	vst v16  }
0x111: {  	s24 =	simm.s32 $0x400;
	[tilespmem:s26+$0x60] =	vst v17  }
0x112: {  	[spmem:s2] =	stream.indirect.scatter.add.f32 [tilespmem:s3], [sflag:$0x3], $0x10, s24, s17, $0xb8;
	[tilespmem:$0x1D300] =	vst v63  }
0x113: {  	s26 =	simm.s32 $0x480  }
0x114: {  	[spmem:s2] =	stream.indirect.scatter.add.f32 [tilespmem:s16], [sflag:$0x3], $0x10, s26, s17, $0xb8;
	[tilespmem:$0x1D300] =	vst v63  }
0x115: {  	s28 =	simm.s32 $0x500  }
0x116: {  	[spmem:s2] =	stream.indirect.scatter.add.f32 [tilespmem:s19], [sflag:$0x3], $0x10, s28, s17, $0xb8;
	[tilespmem:$0x1D300] =	vst v63  }
0x117: {  	s30 =	simm.s32 $0x580  }
0x118: {  	[spmem:s2] =	stream.indirect.scatter.add.f32 [tilespmem:s22], [sflag:$0x3], $0x10, s30, s17, $0xb8;
	[tilespmem:$0x1D300] =	vst v63  }
0x119: {  	s31 =	simm.s32 $0x600  }
0x11a: {  	[spmem:s2] =	stream.indirect.scatter.add.f32 [tilespmem:s25], [sflag:$0x3], $0x10, s31, s17, $0xb8;
	[tilespmem:$0x1D300] =	vst v63  }
0x11b: {  	s5 =	simm.s32 $0x680  }
0x11c: {  	[spmem:s2] =	stream.indirect.scatter.add.f32 [tilespmem:s29], [sflag:$0x3], $0x10, s5, s17, $0xb8;
	[tilespmem:$0x1D300] =	vst v63  }
0x11d: {  	_ = 	snop  }
0x11e: {  	[spmem:s2] =	stream.indirect.scatter.add.f32 [tilespmem:s0], [sflag:$0x3], $0x10, s8, s17, $0xb8;
	[tilespmem:$0x1D300] =	vst v63  }
0x11f: {  	_ = 	snop  }
0x120: {  	[spmem:s2] =	stream.indirect.scatter.add.f32 [tilespmem:s11], [sflag:$0x3], $0x10, s9, s17, $0xb8;
	[tilespmem:$0x1D300] =	vst v63  }
0x121: {  	_ =	swait.ge [sflag:s10], $0x800  }
0x122: {  	[sflag:s10] =	ssyncset.done $0x0  }
0x123: {  	[sflag:s10] =	ssyncadd.s32 $0xFFFFF800  }
0x124: {  	_ =	swait.ge [sflag:s10], $0x800  }
0x125: {  	[sflag:s10] =	ssyncset.done $0x0  }
0x126: {  	[sflag:s10] =	ssyncadd.s32 $0xFFFFF800  }
0x127: {  	_ =	swait.ge [sflag:s10], $0x800  }
0x128: {  	[sflag:s10] =	ssyncset.done $0x0  }
0x129: {  	[sflag:s10] =	ssyncadd.s32 $0xFFFFF800  }
0x12a: {  	_ =	swait.ge [sflag:s10], $0x800  }
0x12b: {  	[sflag:s10] =	ssyncset.done $0x0  }
0x12c: {  	[sflag:s10] =	ssyncadd.s32 $0xFFFFF800  }
0x12d: {  	_ =	swait.ge [sflag:s10], $0x800  }
0x12e: {  	[sflag:s10] =	ssyncset.done $0x0  }
0x12f: {  	[sflag:s10] =	ssyncadd.s32 $0xFFFFF800  }
0x130: {  	_ =	swait.ge [sflag:s10], $0x800  }
0x131: {  	[sflag:s10] =	ssyncset.done $0x0  }
0x132: {  	s15 =	sadd.s32 $0x1, s15;
	[sflag:s10] =	ssyncadd.s32 $0xFFFFF800  }
0x133: {  	p0 =	sne.s32 s15, $0x32;
	_ =	swait.ge [sflag:s10], $0x800  }
.Ltmp1:
0x134: {  	[sflag:s10] =	ssyncset.done $0x0;
	(pc) =	sbr.rel @p0 .LBB2_2-.Ltmp1, $4  }
0x135: {  	[sflag:s10] =	ssyncadd.s32 $0xFFFFF800  }
0x136: {  	_ =	swait.ge [sflag:s10], $0x800  }
0x137: {  	[sflag:s10] =	ssyncset.done $0x0  }
0x138: {  	[sflag:s10] =	ssyncadd.s32 $0xFFFFF800  }
0x139: {  	[bflag:$0x0] =	sbarrier.arrive $0xFFFF  }
0x13a: {  	s18 =	rddreg [dreg:$0x6]  }
0x13b: {  	s15 =	rddreg [dreg:$0x9]  }
0x13c: {  	s23 =	simm.s32 $0x4;
	s21 =	rddreg [dreg:$0xa]  }
0x13d: {  	[hbm:s15], [sflag:s18] =	dma.local [spmem:s21], $0x30E0  }
0x13e: {  	_ =	swait.ge [sflag:s23], $0x30E0  }
0x13f: {  	s31 =	rddreg [dreg:$0x4]  }
0x140: {  	s20 =	rddreg [dreg:$0x8];
	s15 =	sadd.s32 $0x1, s31  }
0x141: {  	p0 =	sne.s32 s15, s20  }
.Ltmp2:
0x142: {  	_ = 	snop;
	(pc) =	sbr.rel @p0 .LBB2_1-.Ltmp2, $3  }
0x143: {  	_ =	sdelay $0x1  }
0x144: {  	[sflag:s23] =	ssyncset.done $0x0  }
0x145: {  	[sflag:s23] =	ssyncadd.s32 $0xFFFFCF20  }
0x146: {  	_ =	sfence.sel $0x180000  }
0x147: {  	[bflag:$0x0] =	sbarrier.arrive $0xFFFF  }
0x148: {  	_ =	strace $0x9000004A  }
0x149: {  	s0 =	stileid.u32;
	[bflag:$0x2] =	sbarrier.arrive $0xFFFF  }
0x14a: {  	p0 =	sne.s32 s0, $0x0;
	s0 =	rddreg [dreg:$0x3]  }
0x14b: {  	s0 =	sadd.s32 @!p0 $0x100000, s0  }
0x14c: {  	[sflag:s0] =	ssyncadd.tile.s32 @!p0 $0x1;
	_ =	shalt  }
.Lfunc_end2:
_tile_overlayer_lowered:
.L_overlay_start_2:
0x14d: {  	(tag) =	ssettag $0x2  }
0x14e: {  	s0 =	rddreg [dreg:$0x0];
	s2 =	stileid.u32  }
0x14f: {  	s1 =	rddreg [dreg:$0x1];
	p0 =	sne.s32 s2, $0x0  }
0x150: {  	s3 =	rddreg [dreg:$0x2];
	[bflag:$0x3] =	sbarrier.arrive $0xFFFF;
	s2 =	simm.s32 @!p0 $0x1C04  }
0x151: {  	[timem:s3], [sflag:s2] =	dma.local @!p0 [hbm:s0], s1  }
0x152: {  	s0 =	simm.s32 @!p0 $0x4  }
0x153: {  	_ =	swait.ge @!p0 [sflag:s0], s1  }
0x154: {  	s1 =	ssub.s32 @!p0 $0x0, s1;
	[sflag:s0] =	ssyncset.done @!p0 $0x0  }
0x155: {  	[sflag:s0] =	ssyncadd.s32 @!p0 s1  }
0x156: {  	[bflag:$0x3] =	sbarrier.arrive $0xFFFF  }
0x157: {  	_ =	shalt  }

</sc_bundles>
